<compile_context>
chip_gen: v7x
topology: tpu7x:2x2x1
jax: 0.10.2.dev20260603
libtpu: 0.0.44.dev20260713+nightly
codegen_flags: <defaults>
</compile_context>

<pallas_src>
import functools

import jax
import jax.numpy as jnp
from jax import lax
from jax.experimental import pallas as pl
from jax.experimental.pallas import tpu as pltpu
from jax.experimental.pallas import tpu_sc as plsc

NC = 2
NS = 16
NW = NC * NS
EC = 128
NBUF = 4
BR = 1024


def _sc_mesh():
    return plsc.VectorSubcoreMesh(core_axis_name="c", subcore_axis_name="s")


def _sc_deg(edges, n_pad):
    nch = edges.shape[1] // NW

    @functools.partial(
        pl.kernel,
        mesh=_sc_mesh(),
        out_type=jax.ShapeDtypeStruct((NC, n_pad), jnp.float32),
        scratch_types=[
            pltpu.VMEM((nch, EC), jnp.int32),
            pltpu.VMEM((n_pad // NS,), jnp.float32),
            pltpu.VMEM_SHARED((n_pad,), jnp.float32),
        ],
    )
    def k(e_hbm, deg_out, dst_v, zb, acc):
        c = lax.axis_index("c")
        s = lax.axis_index("s")
        w = c * NS + s
        pltpu.sync_copy(e_hbm.at[1, pl.ds(w * nch, nch)], dst_v)
        z16 = jnp.zeros((16,), jnp.float32)
        rpt = n_pad // NS

        def zero_row(i, _):
            zb[pl.ds(i * 16, 16)] = z16
            return 0

        lax.fori_loop(0, rpt // 16, zero_row, 0)
        pltpu.sync_copy(zb, acc.at[pl.ds(s * rpt, rpt)])

        ones = jnp.ones((16,), jnp.float32)

        def one_row(i, _):
            zb[pl.ds(i * 16, 16)] = ones
            return 0

        lax.fori_loop(0, EC // 16, one_row, 0)
        plsc.subcore_barrier()

        def body(j, _):
            pltpu.sync_copy(zb.at[pl.ds(0, EC)], acc.at[dst_v.at[j]],
                            add=True)
            return 0

        lax.fori_loop(0, nch, body, 0)
        plsc.subcore_barrier()
        pltpu.sync_copy(acc.at[pl.ds(s * rpt, rpt)],
                        deg_out.at[c, pl.ds(s * rpt, rpt)])

    return k(edges)


def _sc_conv(hp, edges, n0, n1):
    n_pad, d = hp.shape
    ec = edges.shape[2]
    assert edges.shape[1] == NS * (n0 + n1)
    nmax = max(n0, n1)
    ib, gb = 4, 2

    @functools.partial(
        pl.kernel,
        mesh=_sc_mesh(),
        out_type=jax.ShapeDtypeStruct((NC, n_pad, d), jnp.float32),
        scratch_types=[
            pltpu.VMEM((ib, 2, ec), jnp.int32),
            pltpu.VMEM((ec, d), jnp.float32),
            pltpu.VMEM((ec, d), jnp.float32),
            pltpu.SemaphoreType.DMA,
            pltpu.SemaphoreType.DMA,
            pltpu.SemaphoreType.DMA,
            pltpu.SemaphoreType.DMA,
            pltpu.SemaphoreType.DMA,
            pltpu.SemaphoreType.DMA,
            pltpu.VMEM_SHARED((n_pad, d), jnp.float32),
        ],
    )
    def k(hp_hbm, e_hbm, p_out,
          islot, g0, g1, i0, i1, i2, i3, gs0, gs1, acc):
        c = lax.axis_index("c")
        s = lax.axis_index("s")
        gbufs = (g0, g1)
        gsems = (gs0, gs1)
        isems = (i0, i1, i2, i3)
        nch = jnp.where(c == 0, n0, n1)
        base = jnp.where(c == 0, s * n0, NS * n0 + s * n1)

        z16 = jnp.zeros((16,), jnp.float32)
        for r in range(16):
            for cb in range(d // 16):
                g0[r, pl.ds(cb * 16, 16)] = z16
        rpt = n_pad // NS

        def zc(kb, _):
            pltpu.sync_copy(g0.at[pl.ds(0, 16)],
                            acc.at[pl.ds(s * rpt + kb * 16, 16)])
            return 0

        lax.fori_loop(0, rpt // 16, zc, 0)

        for j in range(ib - 1):
            @pl.when(j < nch)
            def _():
                pltpu.async_copy(e_hbm.at[0, base + j], islot.at[j, 0], isems[j])
                pltpu.async_copy(e_hbm.at[1, base + j], islot.at[j, 1], isems[j])

        plsc.subcore_barrier()

        def main(j, _):
            @pl.when(j < nch)
            def _():
                sl = lax.rem(j, ib)
                for q in range(ib):
                    @pl.when(sl == q)
                    def _():
                        pltpu.make_async_copy(e_hbm.at[0, base + j],
                                              islot.at[q, 0], isems[q]).wait()
                        pltpu.make_async_copy(e_hbm.at[1, base + j],
                                              islot.at[q, 1], isems[q]).wait()
                for g in range(gb):
                    @pl.when(lax.rem(j, gb) == g)
                    def _():
                        pltpu.async_copy(hp_hbm.at[islot.at[sl].at[0]],
                                         gbufs[g], gsems[g])
            @pl.when((j >= 1) & (j - 1 < nch))
            def _():
                sl1 = lax.rem(j - 1, ib)
                for g in range(gb):
                    @pl.when(lax.rem(j - 1, gb) == g)
                    def _():
                        pltpu.make_async_copy(hp_hbm.at[islot.at[sl1].at[0]],
                                              gbufs[g], gsems[g]).wait()
                        pltpu.sync_copy(gbufs[g], acc.at[islot.at[sl1].at[1]],
                                        add=True)
            @pl.when(j + ib - 1 < nch)
            def _():
                sl3 = lax.rem(j + ib - 1, ib)
                for q in range(ib):
                    @pl.when(sl3 == q)
                    def _():
                        pltpu.async_copy(e_hbm.at[0, base + j + ib - 1],
                                         islot.at[q, 0], isems[q])
                        pltpu.async_copy(e_hbm.at[1, base + j + ib - 1],
                                         islot.at[q, 1], isems[q])
            return 0

        lax.fori_loop(0, nmax + 1, main, 0)

        plsc.subcore_barrier()
        pltpu.sync_copy(acc.at[pl.ds(s * rpt, rpt)],
                        p_out.at[c, pl.ds(s * rpt, rpt)])

    return k(hp, edges)


def _tc_scale_mm(xp, w, degr, n_pad):
    _, d = xp.shape

    def body(x_ref, w_ref, d_ref, o_ref):
        rsd = lax.rsqrt(jnp.sum(d_ref[...], axis=0) + 1.0)[:, None]
        o_ref[...] = rsd * jnp.dot(x_ref[...], w_ref[...],
                                   preferred_element_type=jnp.float32)

    return pl.pallas_call(
        body,
        grid=(n_pad // BR,),
        in_specs=[
            pl.BlockSpec((BR, d), lambda i: (i, 0)),
            pl.BlockSpec((d, d), lambda i: (0, 0)),
            pl.BlockSpec((NC, BR), lambda i: (0, i)),
        ],
        out_specs=pl.BlockSpec((BR, d), lambda i: (i, 0)),
        out_shape=jax.ShapeDtypeStruct((n_pad, d), jnp.float32),
    )(xp, w, degr)


def _tc_mid(p, hp1, degr, b1r, w2):
    _, n_pad, d = p.shape

    def body(p_ref, h_ref, d_ref, b_ref, w_ref, o_ref):
        rsd = lax.rsqrt(jnp.sum(d_ref[...], axis=0) + 1.0)[:, None]
        agg = (p_ref[0] + p_ref[1] + h_ref[...]).astype(jnp.float32)
        out1 = jnp.maximum(rsd * agg + b_ref[...], 0.0)
        o_ref[...] = rsd * jnp.dot(out1, w_ref[...],
                                   preferred_element_type=jnp.float32)

    return pl.pallas_call(
        body,
        grid=(n_pad // BR,),
        in_specs=[
            pl.BlockSpec((NC, BR, d), lambda i: (0, i, 0)),
            pl.BlockSpec((BR, d), lambda i: (i, 0)),
            pl.BlockSpec((NC, BR), lambda i: (0, i)),
            pl.BlockSpec((1, d), lambda i: (0, 0)),
            pl.BlockSpec((d, d), lambda i: (0, 0)),
        ],
        out_specs=pl.BlockSpec((BR, d), lambda i: (i, 0)),
        out_shape=jax.ShapeDtypeStruct((n_pad, d), jnp.float32),
    )(p, hp1, degr, b1r, w2)


def _tc_final(q, hp2, degr, b2r, xp, n_out):
    _, n_pad, d = q.shape

    def body(q_ref, h_ref, d_ref, b_ref, x_ref, o_ref):
        rsd = lax.rsqrt(jnp.sum(d_ref[...], axis=0) + 1.0)[:, None]
        agg = (q_ref[0] + q_ref[1] + h_ref[...]).astype(jnp.float32)
        o_ref[...] = jnp.maximum(rsd * agg + b_ref[...] + x_ref[...], 0.0)

    return pl.pallas_call(
        body,
        grid=(n_pad // BR,),
        in_specs=[
            pl.BlockSpec((NC, BR, d), lambda i: (0, i, 0)),
            pl.BlockSpec((BR, d), lambda i: (i, 0)),
            pl.BlockSpec((NC, BR), lambda i: (0, i)),
            pl.BlockSpec((1, d), lambda i: (0, 0)),
            pl.BlockSpec((BR, d), lambda i: (i, 0)),
        ],
        out_specs=pl.BlockSpec((BR, d), lambda i: (i, 0)),
        out_shape=jax.ShapeDtypeStruct((n_out, d), jnp.float32),
    )(q, hp2, degr, b2r, xp)


def kernel(x, edge_index, W1, b1, W2, b2):
    n, d = x.shape
    e = edge_index.shape[1]
    n_pad = -(-(n + 1) // 2048) * 2048
    nch = -(-(-(-e // NW) // EC) // NBUF) * NBUF
    e_pad = NW * nch * EC

    pad = jnp.full((2, e_pad - e), n, jnp.int32)
    edges = jnp.concatenate([edge_index, pad], axis=1).reshape(2, NW * nch, EC)

    n0 = 2 * nch - NBUF
    n1 = 2 * nch - n0

    degr = _sc_deg(edges, n_pad)
    hp1 = _tc_scale_mm(x, W1, degr, n_pad)
    p = _sc_conv(hp1, edges, n0, n1)
    hp2 = _tc_mid(p, hp1, degr, b1.reshape(1, d), W2)
    q = _sc_conv(hp2, edges, n0, n1)
    return _tc_final(q, hp2, degr, b2.reshape(1, d), x, n)

# --- scband reference (transcript-rebuilt; emitter-appended) ---
"""Pipeline reference for scband-gres-block-25975962206483 (READ-ONLY COPY).

The authoritative reference and input builder live on the scoring server;
editing this copy changes nothing except your own understanding.
"""

import jax, jax.numpy as jnp
import numpy as np

N = 10000
E = 320000
D = 128


def setup_inputs(seed: int = 0) -> dict:
    key = jax.random.key(seed)
    k1, k2, k3, k4, k5, k6 = jax.random.split(key, 6)
    x = jax.random.normal(k1, (N, D), dtype=jnp.float32)
    edge_index = jax.random.randint(k2, (2, E), 0, N, dtype=jnp.int32)
    scale = 1.0 / np.sqrt(D)
    W1 = jax.random.uniform(k3, (D, D), dtype=jnp.float32, minval=-scale, maxval=scale)
    b1 = jnp.zeros((D,), dtype=jnp.float32)
    W2 = jax.random.uniform(k4, (D, D), dtype=jnp.float32, minval=-scale, maxval=scale)
    b2 = jnp.zeros((D,), dtype=jnp.float32)
    return {"x": x, "edge_index": edge_index, "W1": W1, "b1": b1, "W2": W2, "b2": b2}


def gcn_conv(x, edge_index, W, b):
    # PyG GCNConv semantics: h = W x; add self loops; symmetric normalization
    n = x.shape[0]
    loop = jnp.arange(n, dtype=edge_index.dtype)
    src = jnp.concatenate([edge_index[0], loop])
    dst = jnp.concatenate([edge_index[1], loop])
    h = x @ W
    ones = jnp.ones(src.shape[0], dtype=x.dtype)
    deg = jax.ops.segment_sum(ones, dst, num_segments=n)
    deg_inv_sqrt = jnp.where(deg > 0, jax.lax.rsqrt(jnp.maximum(deg, 1e-12)), 0.0)
    norm = deg_inv_sqrt[src] * deg_inv_sqrt[dst]
    msg = h[src] * norm[:, None]
    out = jax.ops.segment_sum(msg, dst, num_segments=n)
    return out + b


def reference(x, edge_index, W1, b1, W2, b2):
    identity = x
    out = jax.nn.relu(gcn_conv(x, edge_index, W1, b1))
    out = gcn_conv(out, edge_index, W2, b2)
    return jax.nn.relu(out + identity)

if __name__ == "__main__":
    import jax
    _d = setup_inputs()
    print(jax.jit(kernel)(*tuple(_d.values())))

</pallas_src>

<mosaic_0001>
#map = affine_map<(d0, d1) -> (0, 0, 0)>
#map1 = affine_map<(d0, d1) -> (0, 0)>
module attributes {stable_mosaic.version = 14 : i64} {
  func.func @k(%arg0: i32, %arg1: i32, %arg2: memref<2x2560x128xi32, #tpu.memory_space<hbm>>, %arg3: memref<2x10240xf32, #tpu.memory_space<hbm>>, %arg4: memref<80x128xi32, #tpu.memory_space<vmem>>, %arg5: memref<640xf32, #tpu.memory_space<vmem>>, %arg6: memref<10240xf32, #tpu.memory_space<vmem_shared>>) attributes {dimension_semantics = [#tpu.dimension_semantics<core_parallel>, #tpu.dimension_semantics<subcore_parallel>], iteration_bounds = array<i64: 2, 16>, scalar_prefetch = 0 : i64, scratch_operands = 3 : i64, tpu.core_type = #tpu.core_type<sc_vector_subcore>, window_params = [{transform_indices = #map}, {transform_indices = #map1}]} {
    %mul3A = arith.constant 16 : i32
    %mul3A_0 = arith.muli %arg0, %mul3A : i32
    %add3A = arith.addi %mul3A_0, %arg1 : i32
    %mul3A_1 = arith.constant 80 : i32
    %mul3A_2 = arith.muli %add3A, %mul3A_1 : i32
    %run_scoped3A = arith.constant 1 : i32
    "tpu.region"() ({
      %run_scoped3A_33 = tpu.sem_alloc : memref<!tpu.dma_semaphore, #tpu.memory_space<semaphore_mem>>
      %dma_start3A = arith.constant 0 : i32
      %dma_start3A_34 = tpu.memref_slice %arg2[%run_scoped3A, %mul3A_2, %dma_start3A] : memref<2x2560x128xi32, #tpu.memory_space<hbm>> -> memref<1x80x128xi32, #tpu.memory_space<hbm>>
      %dma_start3A_35 = tpu.memref_squeeze %dma_start3A_34 : memref<1x80x128xi32, #tpu.memory_space<hbm>> -> memref<80x128xi32, #tpu.memory_space<hbm>>
      %dma_start3A_36 = arith.constant 0 : i32
      %dma_start3A_37 = tpu.memref_slice %arg2[%run_scoped3A, %mul3A_2, %dma_start3A_36] : memref<2x2560x128xi32, #tpu.memory_space<hbm>> -> memref<1x80x128xi32, #tpu.memory_space<hbm>>
      %dma_start3A_38 = tpu.memref_squeeze %dma_start3A_37 : memref<1x80x128xi32, #tpu.memory_space<hbm>> -> memref<80x128xi32, #tpu.memory_space<hbm>>
      tpu.enqueue_dma source(%dma_start3A_38 : memref<80x128xi32, #tpu.memory_space<hbm>>) target(%arg4 : memref<80x128xi32, #tpu.memory_space<vmem>>) target_semaphore(%run_scoped3A_33 : memref<!tpu.dma_semaphore, #tpu.memory_space<semaphore_mem>>)
      %dma_wait3A = arith.constant 0 : i32
      %dma_wait3A_39 = tpu.memref_slice %arg2[%run_scoped3A, %mul3A_2, %dma_wait3A] : memref<2x2560x128xi32, #tpu.memory_space<hbm>> -> memref<1x80x128xi32, #tpu.memory_space<hbm>>
      %dma_wait3A_40 = tpu.memref_squeeze %dma_wait3A_39 : memref<1x80x128xi32, #tpu.memory_space<hbm>> -> memref<80x128xi32, #tpu.memory_space<hbm>>
      %dma_wait3A_41 = arith.constant 0 : i32
      %dma_wait3A_42 = tpu.memref_slice %arg2[%run_scoped3A, %mul3A_2, %dma_wait3A_41] : memref<2x2560x128xi32, #tpu.memory_space<hbm>> -> memref<1x80x128xi32, #tpu.memory_space<hbm>>
      %dma_wait3A_43 = tpu.memref_squeeze %dma_wait3A_42 : memref<1x80x128xi32, #tpu.memory_space<hbm>> -> memref<80x128xi32, #tpu.memory_space<hbm>>
      tpu.wait_dma2 semaphore(%run_scoped3A_33 : memref<!tpu.dma_semaphore, #tpu.memory_space<semaphore_mem>>) src(%dma_wait3A_43 : memref<80x128xi32, #tpu.memory_space<hbm>>) dst(%arg4 : memref<80x128xi32, #tpu.memory_space<vmem>>)
      tpu.yield
    }) : () -> ()
    %broadcast_in_dim3A = arith.constant 0.000000e+00 : f32
    %broadcast_in_dim3A_3 = vector.broadcast %broadcast_in_dim3A : f32 to vector<16xf32>
    %scan3A = arith.constant 0 : i32
    %scan3A_4 = arith.constant 0 : i32
    %scan3A_5 = arith.constant 40 : i32
    %scan3A_6 = arith.addi %scan3A_4, %scan3A_5 : i32
    %scan3A_7 = arith.constant 1 : i32
    %scan3A_8 = scf.for %scan3A_33 = %scan3A_4 to %scan3A_6 step %scan3A_7 iter_args(%scan3A_34 = %scan3A) -> (i32)  : i32 {
      %mul3A_35 = arith.constant 16 : i32
      %mul3A_36 = arith.muli %scan3A_33, %mul3A_35 : i32
      %swap3A = arith.index_cast %mul3A_36 : i32 to index
      %swap3A_37 = tpu.vector_load %arg5[%swap3A] {strides = array<i32>} : memref<640xf32, #tpu.memory_space<vmem>>, vector<16xf32>,
      %swap3A_38 = vector.shape_cast %swap3A_37 : vector<16xf32> to vector<16xf32>
      %swap3A_39 = vector.shape_cast %broadcast_in_dim3A_3 : vector<16xf32> to vector<16xf32>
      tpu.vector_store %arg5[%swap3A], %swap3A_39 {strides = array<i32>} : memref<640xf32, #tpu.memory_space<vmem>>, vector<16xf32>,
      %scan3A_40 = arith.constant 0 : i32
      scf.yield %scan3A_40 : i32
    }
    %scan3A_9 = arith.constant 40 : i32
    %mul3A_10 = arith.constant 640 : i32
    %mul3A_11 = arith.muli %arg1, %mul3A_10 : i32
    "tpu.region"() ({
      %run_scoped3A_33 = tpu.sem_alloc : memref<!tpu.dma_semaphore, #tpu.memory_space<semaphore_mem>>
      %dma_start3A = tpu.memref_slice %arg6[%mul3A_11] : memref<10240xf32, #tpu.memory_space<vmem_shared>> -> memref<640xf32, #tpu.memory_space<vmem_shared>>
      %dma_start3A_34 = tpu.memref_slice %arg6[%mul3A_11] : memref<10240xf32, #tpu.memory_space<vmem_shared>> -> memref<640xf32, #tpu.memory_space<vmem_shared>>
      tpu.enqueue_dma source(%arg5 : memref<640xf32, #tpu.memory_space<vmem>>) target(%dma_start3A_34 : memref<640xf32, #tpu.memory_space<vmem_shared>>) target_semaphore(%run_scoped3A_33 : memref<!tpu.dma_semaphore, #tpu.memory_space<semaphore_mem>>)
      %dma_wait3A = tpu.memref_slice %arg6[%mul3A_11] : memref<10240xf32, #tpu.memory_space<vmem_shared>> -> memref<640xf32, #tpu.memory_space<vmem_shared>>
      %dma_wait3A_35 = tpu.memref_slice %arg6[%mul3A_11] : memref<10240xf32, #tpu.memory_space<vmem_shared>> -> memref<640xf32, #tpu.memory_space<vmem_shared>>
      tpu.wait_dma2 semaphore(%run_scoped3A_33 : memref<!tpu.dma_semaphore, #tpu.memory_space<semaphore_mem>>) src(%arg5 : memref<640xf32, #tpu.memory_space<vmem>>) dst(%dma_wait3A_35 : memref<640xf32, #tpu.memory_space<vmem_shared>>)
      tpu.yield
    }) : () -> ()
    %broadcast_in_dim3A_12 = arith.constant 1.000000e+00 : f32
    %broadcast_in_dim3A_13 = vector.broadcast %broadcast_in_dim3A_12 : f32 to vector<16xf32>
    %scan3A_14 = arith.constant 0 : i32
    %scan3A_15 = arith.constant 0 : i32
    %scan3A_16 = arith.constant 8 : i32
    %scan3A_17 = arith.addi %scan3A_15, %scan3A_16 : i32
    %scan3A_18 = arith.constant 1 : i32
    %scan3A_19 = scf.for %scan3A_33 = %scan3A_15 to %scan3A_17 step %scan3A_18 iter_args(%scan3A_34 = %scan3A_14) -> (i32)  : i32 {
      %mul3A_35 = arith.constant 16 : i32
      %mul3A_36 = arith.muli %scan3A_33, %mul3A_35 : i32
      %swap3A = arith.index_cast %mul3A_36 : i32 to index
      %swap3A_37 = tpu.vector_load %arg5[%swap3A] {strides = array<i32>} : memref<640xf32, #tpu.memory_space<vmem>>, vector<16xf32>,
      %swap3A_38 = vector.shape_cast %swap3A_37 : vector<16xf32> to vector<16xf32>
      %swap3A_39 = vector.shape_cast %broadcast_in_dim3A_13 : vector<16xf32> to vector<16xf32>
      tpu.vector_store %arg5[%swap3A], %swap3A_39 {strides = array<i32>} : memref<640xf32, #tpu.memory_space<vmem>>, vector<16xf32>,
      %scan3A_40 = arith.constant 0 : i32
      scf.yield %scan3A_40 : i32
    }
    %scan3A_20 = arith.constant 8 : i32
    %barrier3A = arith.constant 0 : index
    tpu.barrier barrier_id(%barrier3A)
    %scan3A_21 = arith.constant 0 : i32
    %scan3A_22 = arith.constant 0 : i32
    %scan3A_23 = arith.constant 80 : i32
    %scan3A_24 = arith.addi %scan3A_22, %scan3A_23 : i32
    %scan3A_25 = arith.constant 1 : i32
    %scan3A_26 = scf.for %scan3A_33 = %scan3A_22 to %scan3A_24 step %scan3A_25 iter_args(%scan3A_34 = %scan3A_21) -> (i32)  : i32 {
      "tpu.region"() ({
        %run_scoped3A_36 = tpu.sem_alloc : memref<!tpu.dma_semaphore, #tpu.memory_space<semaphore_mem>>
        %dma_start3A = arith.constant 0 : i32
        %dma_start3A_37 = tpu.memref_slice %arg5[%dma_start3A] : memref<640xf32, #tpu.memory_space<vmem>> -> memref<128xf32, #tpu.memory_space<vmem>>
        %dma_start3A_38 = arith.constant 0 : i32
        %dma_start3A_39 = tpu.memref_slice %arg4[%scan3A_33, %dma_start3A_38] : memref<80x128xi32, #tpu.memory_space<vmem>> -> memref<1x128xi32, #tpu.memory_space<vmem>>
        %dma_start3A_40 = tpu.memref_squeeze %dma_start3A_39 : memref<1x128xi32, #tpu.memory_space<vmem>> -> memref<128xi32, #tpu.memory_space<vmem>>
        %dma_start3A_41 = arith.constant 0 : i32
        %dma_start3A_42 = tpu.memref_slice %arg6[%dma_start3A_41] : memref<10240xf32, #tpu.memory_space<vmem_shared>> -> memref<10240xf32, #tpu.memory_space<vmem_shared>>
        tpu.enqueue_indirect_dma source(%dma_start3A_37 : memref<128xf32, #tpu.memory_space<vmem>>) target(%dma_start3A_42 : memref<10240xf32, #tpu.memory_space<vmem_shared>>) offsets(%dma_start3A_40 : memref<128xi32, #tpu.memory_space<vmem>>) semaphore(%run_scoped3A_36 : memref<!tpu.dma_semaphore, #tpu.memory_space<semaphore_mem>>) {add = true}
        %dma_wait3A = arith.constant 0 : i32
        %dma_wait3A_43 = tpu.memref_slice %arg5[%dma_wait3A] : memref<640xf32, #tpu.memory_space<vmem>> -> memref<128xf32, #tpu.memory_space<vmem>>
        %dma_wait3A_44 = arith.constant 0 : i32
        %dma_wait3A_45 = tpu.memref_slice %arg4[%scan3A_33, %dma_wait3A_44] : memref<80x128xi32, #tpu.memory_space<vmem>> -> memref<1x128xi32, #tpu.memory_space<vmem>>
        %dma_wait3A_46 = tpu.memref_squeeze %dma_wait3A_45 : memref<1x128xi32, #tpu.memory_space<vmem>> -> memref<128xi32, #tpu.memory_space<vmem>>
        %dma_wait3A_47 = arith.constant 0 : i32
        %dma_wait3A_48 = tpu.memref_slice %arg6[%dma_wait3A_47] : memref<10240xf32, #tpu.memory_space<vmem_shared>> -> memref<10240xf32, #tpu.memory_space<vmem_shared>>
        tpu.wait_indirect_dma semaphore(%run_scoped3A_36 : memref<!tpu.dma_semaphore, #tpu.memory_space<semaphore_mem>>) src(%dma_wait3A_43 : memref<128xf32, #tpu.memory_space<vmem>>) dst(%dma_wait3A_48 : memref<10240xf32, #tpu.memory_space<vmem_shared>>)
        tpu.yield
      }) : () -> ()
      %scan3A_35 = arith.constant 0 : i32
      scf.yield %scan3A_35 : i32
    }
    %scan3A_27 = arith.constant 80 : i32
    %barrier3A_28 = arith.constant 0 : index
    tpu.barrier barrier_id(%barrier3A_28)
    %mul3A_29 = arith.constant 640 : i32
    %mul3A_30 = arith.muli %arg1, %mul3A_29 : i32
    %mul3A_31 = arith.constant 640 : i32
    %mul3A_32 = arith.muli %arg1, %mul3A_31 : i32
    "tpu.region"() ({
      %run_scoped3A_33 = tpu.sem_alloc : memref<!tpu.dma_semaphore, #tpu.memory_space<semaphore_mem>>
      %dma_start3A = tpu.memref_slice %arg3[%arg0, %mul3A_32] : memref<2x10240xf32, #tpu.memory_space<hbm>> -> memref<1x640xf32, #tpu.memory_space<hbm>>
      %dma_start3A_34 = tpu.memref_squeeze %dma_start3A : memref<1x640xf32, #tpu.memory_space<hbm>> -> memref<640xf32, #tpu.memory_space<hbm>>
      %dma_start3A_35 = tpu.memref_slice %arg6[%mul3A_30] : memref<10240xf32, #tpu.memory_space<vmem_shared>> -> memref<640xf32, #tpu.memory_space<vmem_shared>>
      tpu.enqueue_dma source(%dma_start3A_35 : memref<640xf32, #tpu.memory_space<vmem_shared>>) target(%dma_start3A_34 : memref<640xf32, #tpu.memory_space<hbm>>) target_semaphore(%run_scoped3A_33 : memref<!tpu.dma_semaphore, #tpu.memory_space<semaphore_mem>>)
      %dma_wait3A = tpu.memref_slice %arg3[%arg0, %mul3A_32] : memref<2x10240xf32, #tpu.memory_space<hbm>> -> memref<1x640xf32, #tpu.memory_space<hbm>>
      %dma_wait3A_36 = tpu.memref_squeeze %dma_wait3A : memref<1x640xf32, #tpu.memory_space<hbm>> -> memref<640xf32, #tpu.memory_space<hbm>>
      %dma_wait3A_37 = tpu.memref_slice %arg6[%mul3A_30] : memref<10240xf32, #tpu.memory_space<vmem_shared>> -> memref<640xf32, #tpu.memory_space<vmem_shared>>
      tpu.wait_dma2 semaphore(%run_scoped3A_33 : memref<!tpu.dma_semaphore, #tpu.memory_space<semaphore_mem>>) src(%dma_wait3A_37 : memref<640xf32, #tpu.memory_space<vmem_shared>>) dst(%dma_wait3A_36 : memref<640xf32, #tpu.memory_space<hbm>>)
      tpu.yield
    }) : () -> ()
    return
  }
}

#map = affine_map<(d0, d1) -> (0, 0)>
#map1 = affine_map<(d0, d1) -> (0, 0, 0)>
module attributes {stable_mosaic.version = 14 : i64} {
  func.func @k(%arg0: i32, %arg1: i32, %arg2: memref<10240x128xf32, #tpu.memory_space<hbm>>, %arg3: memref<2x2560x128xi32, #tpu.memory_space<hbm>>, %arg4: memref<2x10240x128xf32, #tpu.memory_space<hbm>>, %arg5: memref<4x2x128xi32, #tpu.memory_space<vmem>>, %arg6: memref<128x128xf32, #tpu.memory_space<vmem>>, %arg7: memref<128x128xf32, #tpu.memory_space<vmem>>, %arg8: memref<!tpu.dma_semaphore, #tpu.memory_space<semaphore_mem>>, %arg9: memref<!tpu.dma_semaphore, #tpu.memory_space<semaphore_mem>>, %arg10: memref<!tpu.dma_semaphore, #tpu.memory_space<semaphore_mem>>, %arg11: memref<!tpu.dma_semaphore, #tpu.memory_space<semaphore_mem>>, %arg12: memref<!tpu.dma_semaphore, #tpu.memory_space<semaphore_mem>>, %arg13: memref<!tpu.dma_semaphore, #tpu.memory_space<semaphore_mem>>, %arg14: memref<10240x128xf32, #tpu.memory_space<vmem_shared>>) attributes {dimension_semantics = [#tpu.dimension_semantics<core_parallel>, #tpu.dimension_semantics<subcore_parallel>], iteration_bounds = array<i64: 2, 16>, scalar_prefetch = 0 : i64, scratch_operands = 10 : i64, tpu.core_type = #tpu.core_type<sc_vector_subcore>, window_params = [{transform_indices = #map}, {transform_indices = #map1}, {transform_indices = #map1}]} {
    %eq3A = arith.constant 0 : i32
    %eq3A_0 = arith.cmpi eq, %arg0, %eq3A : i32
    %jit3A = arith.constant 156 : i32
    %jit3A_1 = arith.constant 4 : i32
    %select_n3A = arith.select %eq3A_0, %jit3A, %jit3A_1 : i32
    %eq3A_2 = arith.constant 0 : i32
    %eq3A_3 = arith.cmpi eq, %arg0, %eq3A_2 : i32
    %mul3A = arith.constant 156 : i32
    %mul3A_4 = arith.muli %arg1, %mul3A : i32
    %mul3A_5 = arith.constant 4 : i32
    %mul3A_6 = arith.muli %arg1, %mul3A_5 : i32
    %add3A = arith.constant 2496 : i32
    %add3A_7 = arith.addi %add3A, %mul3A_6 : i32
    %select_n3A_8 = arith.select %eq3A_3, %mul3A_4, %add3A_7 : i32
    %broadcast_in_dim3A = arith.constant 0.000000e+00 : f32
    %broadcast_in_dim3A_9 = vector.broadcast %broadcast_in_dim3A : f32 to vector<16xf32>
    %swap3A = arith.constant 0 : i32
    %swap3A_10 = arith.index_cast %swap3A : i32 to index
    %swap3A_11 = arith.constant 0 : index
    %swap3A_12 = tpu.vector_load %arg6[%swap3A_10, %swap3A_11] {strides = array<i32>} : memref<128x128xf32, #tpu.memory_space<vmem>>, vector<1x16xf32>,
    %swap3A_13 = vector.shape_cast %swap3A_12 : vector<1x16xf32> to vector<16xf32>
    %swap3A_14 = vector.shape_cast %broadcast_in_dim3A_9 : vector<16xf32> to vector<1x16xf32>
    tpu.vector_store %arg6[%swap3A_10, %swap3A_11], %swap3A_14 {strides = array<i32>} : memref<128x128xf32, #tpu.memory_space<vmem>>, vector<1x16xf32>,
    %swap3A_15 = arith.constant 0 : i32
    %swap3A_16 = arith.index_cast %swap3A_15 : i32 to index
    %swap3A_17 = arith.constant 16 : index
    %swap3A_18 = tpu.vector_load %arg6[%swap3A_16, %swap3A_17] {strides = array<i32>} : memref<128x128xf32, #tpu.memory_space<vmem>>, vector<1x16xf32>,
    %swap3A_19 = vector.shape_cast %swap3A_18 : vector<1x16xf32> to vector<16xf32>
    %swap3A_20 = vector.shape_cast %broadcast_in_dim3A_9 : vector<16xf32> to vector<1x16xf32>
    tpu.vector_store %arg6[%swap3A_16, %swap3A_17], %swap3A_20 {strides = array<i32>} : memref<128x128xf32, #tpu.memory_space<vmem>>, vector<1x16xf32>,
    %swap3A_21 = arith.constant 0 : i32
    %swap3A_22 = arith.index_cast %swap3A_21 : i32 to index
    %swap3A_23 = arith.constant 32 : index
    %swap3A_24 = tpu.vector_load %arg6[%swap3A_22, %swap3A_23] {strides = array<i32>} : memref<128x128xf32, #tpu.memory_space<vmem>>, vector<1x16xf32>,
    %swap3A_25 = vector.shape_cast %swap3A_24 : vector<1x16xf32> to vector<16xf32>
    %swap3A_26 = vector.shape_cast %broadcast_in_dim3A_9 : vector<16xf32> to vector<1x16xf32>
    tpu.vector_store %arg6[%swap3A_22, %swap3A_23], %swap3A_26 {strides = array<i32>} : memref<128x128xf32, #tpu.memory_space<vmem>>, vector<1x16xf32>,
    %swap3A_27 = arith.constant 0 : i32
    %swap3A_28 = arith.index_cast %swap3A_27 : i32 to index
    %swap3A_29 = arith.constant 48 : index
    %swap3A_30 = tpu.vector_load %arg6[%swap3A_28, %swap3A_29] {strides = array<i32>} : memref<128x128xf32, #tpu.memory_space<vmem>>, vector<1x16xf32>,
    %swap3A_31 = vector.shape_cast %swap3A_30 : vector<1x16xf32> to vector<16xf32>
    %swap3A_32 = vector.shape_cast %broadcast_in_dim3A_9 : vector<16xf32> to vector<1x16xf32>
    tpu.vector_store %arg6[%swap3A_28, %swap3A_29], %swap3A_32 {strides = array<i32>} : memref<128x128xf32, #tpu.memory_space<vmem>>, vector<1x16xf32>,
    %swap3A_33 = arith.constant 0 : i32
    %swap3A_34 = arith.index_cast %swap3A_33 : i32 to index
    %swap3A_35 = arith.constant 64 : index
    %swap3A_36 = tpu.vector_load %arg6[%swap3A_34, %swap3A_35] {strides = array<i32>} : memref<128x128xf32, #tpu.memory_space<vmem>>, vector<1x16xf32>,
    %swap3A_37 = vector.shape_cast %swap3A_36 : vector<1x16xf32> to vector<16xf32>
    %swap3A_38 = vector.shape_cast %broadcast_in_dim3A_9 : vector<16xf32> to vector<1x16xf32>
    tpu.vector_store %arg6[%swap3A_34, %swap3A_35], %swap3A_38 {strides = array<i32>} : memref<128x128xf32, #tpu.memory_space<vmem>>, vector<1x16xf32>,
    %swap3A_39 = arith.constant 0 : i32
    %swap3A_40 = arith.index_cast %swap3A_39 : i32 to index
    %swap3A_41 = arith.constant 80 : index
    %swap3A_42 = tpu.vector_load %arg6[%swap3A_40, %swap3A_41] {strides = array<i32>} : memref<128x128xf32, #tpu.memory_space<vmem>>, vector<1x16xf32>,
    %swap3A_43 = vector.shape_cast %swap3A_42 : vector<1x16xf32> to vector<16xf32>
    %swap3A_44 = vector.shape_cast %broadcast_in_dim3A_9 : vector<16xf32> to vector<1x16xf32>
    tpu.vector_store %arg6[%swap3A_40, %swap3A_41], %swap3A_44 {strides = array<i32>} : memref<128x128xf32, #tpu.memory_space<vmem>>, vector<1x16xf32>,
    %swap3A_45 = arith.constant 0 : i32
    %swap3A_46 = arith.index_cast %swap3A_45 : i32 to index
    %swap3A_47 = arith.constant 96 : index
    %swap3A_48 = tpu.vector_load %arg6[%swap3A_46, %swap3A_47] {strides = array<i32>} : memref<128x128xf32, #tpu.memory_space<vmem>>, vector<1x16xf32>,
    %swap3A_49 = vector.shape_cast %swap3A_48 : vector<1x16xf32> to vector<16xf32>
    %swap3A_50 = vector.shape_cast %broadcast_in_dim3A_9 : vector<16xf32> to vector<1x16xf32>
    tpu.vector_store %arg6[%swap3A_46, %swap3A_47], %swap3A_50 {strides = array<i32>} : memref<128x128xf32, #tpu.memory_space<vmem>>, vector<1x16xf32>,
    %swap3A_51 = arith.constant 0 : i32
    %swap3A_52 = arith.index_cast %swap3A_51 : i32 to index
    %swap3A_53 = arith.constant 112 : index
    %swap3A_54 = tpu.vector_load %arg6[%swap3A_52, %swap3A_53] {strides = array<i32>} : memref<128x128xf32, #tpu.memory_space<vmem>>, vector<1x16xf32>,
    %swap3A_55 = vector.shape_cast %swap3A_54 : vector<1x16xf32> to vector<16xf32>
    %swap3A_56 = vector.shape_cast %broadcast_in_dim3A_9 : vector<16xf32> to vector<1x16xf32>
    tpu.vector_store %arg6[%swap3A_52, %swap3A_53], %swap3A_56 {strides = array<i32>} : memref<128x128xf32, #tpu.memory_space<vmem>>, vector<1x16xf32>,
    %swap3A_57 = arith.constant 1 : i32
    %swap3A_58 = arith.index_cast %swap3A_57 : i32 to index
    %swap3A_59 = arith.constant 0 : index
    %swap3A_60 = tpu.vector_load %arg6[%swap3A_58, %swap3A_59] {strides = array<i32>} : memref<128x128xf32, #tpu.memory_space<vmem>>, vector<1x16xf32>,
    %swap3A_61 = vector.shape_cast %swap3A_60 : vector<1x16xf32> to vector<16xf32>
    %swap3A_62 = vector.shape_cast %broadcast_in_dim3A_9 : vector<16xf32> to vector<1x16xf32>
    tpu.vector_store %arg6[%swap3A_58, %swap3A_59], %swap3A_62 {strides = array<i32>} : memref<128x128xf32, #tpu.memory_space<vmem>>, vector<1x16xf32>,
    %swap3A_63 = arith.constant 1 : i32
    %swap3A_64 = arith.index_cast %swap3A_63 : i32 to index
    %swap3A_65 = arith.constant 16 : index
    %swap3A_66 = tpu.vector_load %arg6[%swap3A_64, %swap3A_65] {strides = array<i32>} : memref<128x128xf32, #tpu.memory_space<vmem>>, vector<1x16xf32>,
    %swap3A_67 = vector.shape_cast %swap3A_66 : vector<1x16xf32> to vector<16xf32>
    %swap3A_68 = vector.shape_cast %broadcast_in_dim3A_9 : vector<16xf32> to vector<1x16xf32>
    tpu.vector_store %arg6[%swap3A_64, %swap3A_65], %swap3A_68 {strides = array<i32>} : memref<128x128xf32, #tpu.memory_space<vmem>>, vector<1x16xf32>,
    %swap3A_69 = arith.constant 1 : i32
    %swap3A_70 = arith.index_cast %swap3A_69 : i32 to index
    %swap3A_71 = arith.constant 32 : index
    %swap3A_72 = tpu.vector_load %arg6[%swap3A_70, %swap3A_71] {strides = array<i32>} : memref<128x128xf32, #tpu.memory_space<vmem>>, vector<1x16xf32>,
    %swap3A_73 = vector.shape_cast %swap3A_72 : vector<1x16xf32> to vector<16xf32>
    %swap3A_74 = vector.shape_cast %broadcast_in_dim3A_9 : vector<16xf32> to vector<1x16xf32>
    tpu.vector_store %arg6[%swap3A_70, %swap3A_71], %swap3A_74 {strides = array<i32>} : memref<128x128xf32, #tpu.memory_space<vmem>>, vector<1x16xf32>,
    %swap3A_75 = arith.constant 1 : i32
    %swap3A_76 = arith.index_cast %swap3A_75 : i32 to index
    %swap3A_77 = arith.constant 48 : index
    %swap3A_78 = tpu.vector_load %arg6[%swap3A_76, %swap3A_77] {strides = array<i32>} : memref<128x128xf32, #tpu.memory_space<vmem>>, vector<1x16xf32>,
    %swap3A_79 = vector.shape_cast %swap3A_78 : vector<1x16xf32> to vector<16xf32>
    %swap3A_80 = vector.shape_cast %broadcast_in_dim3A_9 : vector<16xf32> to vector<1x16xf32>
    tpu.vector_store %arg6[%swap3A_76, %swap3A_77], %swap3A_80 {strides = array<i32>} : memref<128x128xf32, #tpu.memory_space<vmem>>, vector<1x16xf32>,
    %swap3A_81 = arith.constant 1 : i32
    %swap3A_82 = arith.index_cast %swap3A_81 : i32 to index
    %swap3A_83 = arith.constant 64 : index
    %swap3A_84 = tpu.vector_load %arg6[%swap3A_82, %swap3A_83] {strides = array<i32>} : memref<128x128xf32, #tpu.memory_space<vmem>>, vector<1x16xf32>,
    %swap3A_85 = vector.shape_cast %swap3A_84 : vector<1x16xf32> to vector<16xf32>
    %swap3A_86 = vector.shape_cast %broadcast_in_dim3A_9 : vector<16xf32> to vector<1x16xf32>
    tpu.vector_store %arg6[%swap3A_82, %swap3A_83], %swap3A_86 {strides = array<i32>} : memref<128x128xf32, #tpu.memory_space<vmem>>, vector<1x16xf32>,
    %swap3A_87 = arith.constant 1 : i32
    %swap3A_88 = arith.index_cast %swap3A_87 : i32 to index
    %swap3A_89 = arith.constant 80 : index
    %swap3A_90 = tpu.vector_load %arg6[%swap3A_88, %swap3A_89] {strides = array<i32>} : memref<128x128xf32, #tpu.memory_space<vmem>>, vector<1x16xf32>,
    %swap3A_91 = vector.shape_cast %swap3A_90 : vector<1x16xf32> to vector<16xf32>
    %swap3A_92 = vector.shape_cast %broadcast_in_dim3A_9 : vector<16xf32> to vector<1x16xf32>
    tpu.vector_store %arg6[%swap3A_88, %swap3A_89], %swap3A_92 {strides = array<i32>} : memref<128x128xf32, #tpu.memory_space<vmem>>, vector<1x16xf32>,
    %swap3A_93 = arith.constant 1 : i32
    %swap3A_94 = arith.index_cast %swap3A_93 : i32 to index
    %swap3A_95 = arith.constant 96 : index
    %swap3A_96 = tpu.vector_load %arg6[%swap3A_94, %swap3A_95] {strides = array<i32>} : memref<128x128xf32, #tpu.memory_space<vmem>>, vector<1x16xf32>,
    %swap3A_97 = vector.shape_cast %swap3A_96 : vector<1x16xf32> to vector<16xf32>
    %swap3A_98 = vector.shape_cast %broadcast_in_dim3A_9 : vector<16xf32> to vector<1x16xf32>
    tpu.vector_store %arg6[%swap3A_94, %swap3A_95], %swap3A_98 {strides = array<i32>} : memref<128x128xf32, #tpu.memory_space<vmem>>, vector<1x16xf32>,
    %swap3A_99 = arith.constant 1 : i32
    %swap3A_100 = arith.index_cast %swap3A_99 : i32 to index
    %swap3A_101 = arith.constant 112 : index
    %swap3A_102 = tpu.vector_load %arg6[%swap3A_100, %swap3A_101] {strides = array<i32>} : memref<128x128xf32, #tpu.memory_space<vmem>>, vector<1x16xf32>,
    %swap3A_103 = vector.shape_cast %swap3A_102 : vector<1x16xf32> to vector<16xf32>
    %swap3A_104 = vector.shape_cast %broadcast_in_dim3A_9 : vector<16xf32> to vector<1x16xf32>
    tpu.vector_store %arg6[%swap3A_100, %swap3A_101], %swap3A_104 {strides = array<i32>} : memref<128x128xf32, #tpu.memory_space<vmem>>, vector<1x16xf32>,
    %swap3A_105 = arith.constant 2 : i32
    %swap3A_106 = arith.index_cast %swap3A_105 : i32 to index
    %swap3A_107 = arith.constant 0 : index
    %swap3A_108 = tpu.vector_load %arg6[%swap3A_106, %swap3A_107] {strides = array<i32>} : memref<128x128xf32, #tpu.memory_space<vmem>>, vector<1x16xf32>,
    %swap3A_109 = vector.shape_cast %swap3A_108 : vector<1x16xf32> to vector<16xf32>
    %swap3A_110 = vector.shape_cast %broadcast_in_dim3A_9 : vector<16xf32> to vector<1x16xf32>
    tpu.vector_store %arg6[%swap3A_106, %swap3A_107], %swap3A_110 {strides = array<i32>} : memref<128x128xf32, #tpu.memory_space<vmem>>, vector<1x16xf32>,
    %swap3A_111 = arith.constant 2 : i32
    %swap3A_112 = arith.index_cast %swap3A_111 : i32 to index
    %swap3A_113 = arith.constant 16 : index
    %swap3A_114 = tpu.vector_load %arg6[%swap3A_112, %swap3A_113] {strides = array<i32>} : memref<128x128xf32, #tpu.memory_space<vmem>>, vector<1x16xf32>,
    %swap3A_115 = vector.shape_cast %swap3A_114 : vector<1x16xf32> to vector<16xf32>
    %swap3A_116 = vector.shape_cast %broadcast_in_dim3A_9 : vector<16xf32> to vector<1x16xf32>
    tpu.vector_store %arg6[%swap3A_112, %swap3A_113], %swap3A_116 {strides = array<i32>} : memref<128x128xf32, #tpu.memory_space<vmem>>, vector<1x16xf32>,
    %swap3A_117 = arith.constant 2 : i32
    %swap3A_118 = arith.index_cast %swap3A_117 : i32 to index
    %swap3A_119 = arith.constant 32 : index
    %swap3A_120 = tpu.vector_load %arg6[%swap3A_118, %swap3A_119] {strides = array<i32>} : memref<128x128xf32, #tpu.memory_space<vmem>>, vector<1x16xf32>,
    %swap3A_121 = vector.shape_cast %swap3A_120 : vector<1x16xf32> to vector<16xf32>
    %swap3A_122 = vector.shape_cast %broadcast_in_dim3A_9 : vector<16xf32> to vector<1x16xf32>
    tpu.vector_store %arg6[%swap3A_118, %swap3A_119], %swap3A_122 {strides = array<i32>} : memref<128x128xf32, #tpu.memory_space<vmem>>, vector<1x16xf32>,
    %swap3A_123 = arith.constant 2 : i32
    %swap3A_124 = arith.index_cast %swap3A_123 : i32 to index
    %swap3A_125 = arith.constant 48 : index
    %swap3A_126 = tpu.vector_load %arg6[%swap3A_124, %swap3A_125] {strides = array<i32>} : memref<128x128xf32, #tpu.memory_space<vmem>>, vector<1x16xf32>,
    %swap3A_127 = vector.shape_cast %swap3A_126 : vector<1x16xf32> to vector<16xf32>
    %swap3A_128 = vector.shape_cast %broadcast_in_dim3A_9 : vector<16xf32> to vector<1x16xf32>
    tpu.vector_store %arg6[%swap3A_124, %swap3A_125], %swap3A_128 {strides = array<i32>} : memref<128x128xf32, #tpu.memory_space<vmem>>, vector<1x16xf32>,
    %swap3A_129 = arith.constant 2 : i32
    %swap3A_130 = arith.index_cast %swap3A_129 : i32 to index
    %swap3A_131 = arith.constant 64 : index
    %swap3A_132 = tpu.vector_load %arg6[%swap3A_130, %swap3A_131] {strides = array<i32>} : memref<128x128xf32, #tpu.memory_space<vmem>>, vector<1x16xf32>,
    %swap3A_133 = vector.shape_cast %swap3A_132 : vector<1x16xf32> to vector<16xf32>
    %swap3A_134 = vector.shape_cast %broadcast_in_dim3A_9 : vector<16xf32> to vector<1x16xf32>
    tpu.vector_store %arg6[%swap3A_130, %swap3A_131], %swap3A_134 {strides = array<i32>} : memref<128x128xf32, #tpu.memory_space<vmem>>, vector<1x16xf32>,
    %swap3A_135 = arith.constant 2 : i32
    %swap3A_136 = arith.index_cast %swap3A_135 : i32 to index
    %swap3A_137 = arith.constant 80 : index
    %swap3A_138 = tpu.vector_load %arg6[%swap3A_136, %swap3A_137] {strides = array<i32>} : memref<128x128xf32, #tpu.memory_space<vmem>>, vector<1x16xf32>,
    %swap3A_139 = vector.shape_cast %swap3A_138 : vector<1x16xf32> to vector<16xf32>
    %swap3A_140 = vector.shape_cast %broadcast_in_dim3A_9 : vector<16xf32> to vector<1x16xf32>
    tpu.vector_store %arg6[%swap3A_136, %swap3A_137], %swap3A_140 {strides = array<i32>} : memref<128x128xf32, #tpu.memory_space<vmem>>, vector<1x16xf32>,
    %swap3A_141 = arith.constant 2 : i32
    %swap3A_142 = arith.index_cast %swap3A_141 : i32 to index
    %swap3A_143 = arith.constant 96 : index
    %swap3A_144 = tpu.vector_load %arg6[%swap3A_142, %swap3A_143] {strides = array<i32>} : memref<128x128xf32, #tpu.memory_space<vmem>>, vector<1x16xf32>,
    %swap3A_145 = vector.shape_cast %swap3A_144 : vector<1x16xf32> to vector<16xf32>
    %swap3A_146 = vector.shape_cast %broadcast_in_dim3A_9 : vector<16xf32> to vector<1x16xf32>
    tpu.vector_store %arg6[%swap3A_142, %swap3A_143], %swap3A_146 {strides = array<i32>} : memref<128x128xf32, #tpu.memory_space<vmem>>, vector<1x16xf32>,
    %swap3A_147 = arith.constant 2 : i32
    %swap3A_148 = arith.index_cast %swap3A_147 : i32 to index
    %swap3A_149 = arith.constant 112 : index
    %swap3A_150 = tpu.vector_load %arg6[%swap3A_148, %swap3A_149] {strides = array<i32>} : memref<128x128xf32, #tpu.memory_space<vmem>>, vector<1x16xf32>,
    %swap3A_151 = vector.shape_cast %swap3A_150 : vector<1x16xf32> to vector<16xf32>
    %swap3A_152 = vector.shape_cast %broadcast_in_dim3A_9 : vector<16xf32> to vector<1x16xf32>
    tpu.vector_store %arg6[%swap3A_148, %swap3A_149], %swap3A_152 {strides = array<i32>} : memref<128x128xf32, #tpu.memory_space<vmem>>, vector<1x16xf32>,
    %swap3A_153 = arith.constant 3 : i32
    %swap3A_154 = arith.index_cast %swap3A_153 : i32 to index
    %swap3A_155 = arith.constant 0 : index
    %swap3A_156 = tpu.vector_load %arg6[%swap3A_154, %swap3A_155] {strides = array<i32>} : memref<128x128xf32, #tpu.memory_space<vmem>>, vector<1x16xf32>,
    %swap3A_157 = vector.shape_cast %swap3A_156 : vector<1x16xf32> to vector<16xf32>
    %swap3A_158 = vector.shape_cast %broadcast_in_dim3A_9 : vector<16xf32> to vector<1x16xf32>
    tpu.vector_store %arg6[%swap3A_154, %swap3A_155], %swap3A_158 {strides = array<i32>} : memref<128x128xf32, #tpu.memory_space<vmem>>, vector<1x16xf32>,
    %swap3A_159 = arith.constant 3 : i32
    %swap3A_160 = arith.index_cast %swap3A_159 : i32 to index
    %swap3A_161 = arith.constant 16 : index
    %swap3A_162 = tpu.vector_load %arg6[%swap3A_160, %swap3A_161] {strides = array<i32>} : memref<128x128xf32, #tpu.memory_space<vmem>>, vector<1x16xf32>,
    %swap3A_163 = vector.shape_cast %swap3A_162 : vector<1x16xf32> to vector<16xf32>
    %swap3A_164 = vector.shape_cast %broadcast_in_dim3A_9 : vector<16xf32> to vector<1x16xf32>
    tpu.vector_store %arg6[%swap3A_160, %swap3A_161], %swap3A_164 {strides = array<i32>} : memref<128x128xf32, #tpu.memory_space<vmem>>, vector<1x16xf32>,
    %swap3A_165 = arith.constant 3 : i32
    %swap3A_166 = arith.index_cast %swap3A_165 : i32 to index
    %swap3A_167 = arith.constant 32 : index
    %swap3A_168 = tpu.vector_load %arg6[%swap3A_166, %swap3A_167] {strides = array<i32>} : memref<128x128xf32, #tpu.memory_space<vmem>>, vector<1x16xf32>,
    %swap3A_169 = vector.shape_cast %swap3A_168 : vector<1x16xf32> to vector<16xf32>
    %swap3A_170 = vector.shape_cast %broadcast_in_dim3A_9 : vector<16xf32> to vector<1x16xf32>
    tpu.vector_store %arg6[%swap3A_166, %swap3A_167], %swap3A_170 {strides = array<i32>} : memref<128x128xf32, #tpu.memory_space<vmem>>, vector<1x16xf32>,
    %swap3A_171 = arith.constant 3 : i32
    %swap3A_172 = arith.index_cast %swap3A_171 : i32 to index
    %swap3A_173 = arith.constant 48 : index
    %swap3A_174 = tpu.vector_load %arg6[%swap3A_172, %swap3A_173] {strides = array<i32>} : memref<128x128xf32, #tpu.memory_space<vmem>>, vector<1x16xf32>,
    %swap3A_175 = vector.shape_cast %swap3A_174 : vector<1x16xf32> to vector<16xf32>
    %swap3A_176 = vector.shape_cast %broadcast_in_dim3A_9 : vector<16xf32> to vector<1x16xf32>
    tpu.vector_store %arg6[%swap3A_172, %swap3A_173], %swap3A_176 {strides = array<i32>} : memref<128x128xf32, #tpu.memory_space<vmem>>, vector<1x16xf32>,
    %swap3A_177 = arith.constant 3 : i32
    %swap3A_178 = arith.index_cast %swap3A_177 : i32 to index
    %swap3A_179 = arith.constant 64 : index
    %swap3A_180 = tpu.vector_load %arg6[%swap3A_178, %swap3A_179] {strides = array<i32>} : memref<128x128xf32, #tpu.memory_space<vmem>>, vector<1x16xf32>,
    %swap3A_181 = vector.shape_cast %swap3A_180 : vector<1x16xf32> to vector<16xf32>
    %swap3A_182 = vector.shape_cast %broadcast_in_dim3A_9 : vector<16xf32> to vector<1x16xf32>
    tpu.vector_store %arg6[%swap3A_178, %swap3A_179], %swap3A_182 {strides = array<i32>} : memref<128x128xf32, #tpu.memory_space<vmem>>, vector<1x16xf32>,
    %swap3A_183 = arith.constant 3 : i32
    %swap3A_184 = arith.index_cast %swap3A_183 : i32 to index
    %swap3A_185 = arith.constant 80 : index
    %swap3A_186 = tpu.vector_load %arg6[%swap3A_184, %swap3A_185] {strides = array<i32>} : memref<128x128xf32, #tpu.memory_space<vmem>>, vector<1x16xf32>,
    %swap3A_187 = vector.shape_cast %swap3A_186 : vector<1x16xf32> to vector<16xf32>
    %swap3A_188 = vector.shape_cast %broadcast_in_dim3A_9 : vector<16xf32> to vector<1x16xf32>
    tpu.vector_store %arg6[%swap3A_184, %swap3A_185], %swap3A_188 {strides = array<i32>} : memref<128x128xf32, #tpu.memory_space<vmem>>, vector<1x16xf32>,
    %swap3A_189 = arith.constant 3 : i32
    %swap3A_190 = arith.index_cast %swap3A_189 : i32 to index
    %swap3A_191 = arith.constant 96 : index
    %swap3A_192 = tpu.vector_load %arg6[%swap3A_190, %swap3A_191] {strides = array<i32>} : memref<128x128xf32, #tpu.memory_space<vmem>>, vector<1x16xf32>,
    %swap3A_193 = vector.shape_cast %swap3A_192 : vector<1x16xf32> to vector<16xf32>
    %swap3A_194 = vector.shape_cast %broadcast_in_dim3A_9 : vector<16xf32> to vector<1x16xf32>
    tpu.vector_store %arg6[%swap3A_190, %swap3A_191], %swap3A_194 {strides = array<i32>} : memref<128x128xf32, #tpu.memory_space<vmem>>, vector<1x16xf32>,
    %swap3A_195 = arith.constant 3 : i32
    %swap3A_196 = arith.index_cast %swap3A_195 : i32 to index
    %swap3A_197 = arith.constant 112 : index
    %swap3A_198 = tpu.vector_load %arg6[%swap3A_196, %swap3A_197] {strides = array<i32>} : memref<128x128xf32, #tpu.memory_space<vmem>>, vector<1x16xf32>,
    %swap3A_199 = vector.shape_cast %swap3A_198 : vector<1x16xf32> to vector<16xf32>
    %swap3A_200 = vector.shape_cast %broadcast_in_dim3A_9 : vector<16xf32> to vector<1x16xf32>
    tpu.vector_store %arg6[%swap3A_196, %swap3A_197], %swap3A_200 {strides = array<i32>} : memref<128x128xf32, #tpu.memory_space<vmem>>, vector<1x16xf32>,
    %swap3A_201 = arith.constant 4 : i32
    %swap3A_202 = arith.index_cast %swap3A_201 : i32 to index
    %swap3A_203 = arith.constant 0 : index
    %swap3A_204 = tpu.vector_load %arg6[%swap3A_202, %swap3A_203] {strides = array<i32>} : memref<128x128xf32, #tpu.memory_space<vmem>>, vector<1x16xf32>,
    %swap3A_205 = vector.shape_cast %swap3A_204 : vector<1x16xf32> to vector<16xf32>
    %swap3A_206 = vector.shape_cast %broadcast_in_dim3A_9 : vector<16xf32> to vector<1x16xf32>
    tpu.vector_store %arg6[%swap3A_202, %swap3A_203], %swap3A_206 {strides = array<i32>} : memref<128x128xf32, #tpu.memory_space<vmem>>, vector<1x16xf32>,
    %swap3A_207 = arith.constant 4 : i32
    %swap3A_208 = arith.index_cast %swap3A_207 : i32 to index
    %swap3A_209 = arith.constant 16 : index
    %swap3A_210 = tpu.vector_load %arg6[%swap3A_208, %swap3A_209] {strides = array<i32>} : memref<128x128xf32, #tpu.memory_space<vmem>>, vector<1x16xf32>,
    %swap3A_211 = vector.shape_cast %swap3A_210 : vector<1x16xf32> to vector<16xf32>
    %swap3A_212 = vector.shape_cast %broadcast_in_dim3A_9 : vector<16xf32> to vector<1x16xf32>
    tpu.vector_store %arg6[%swap3A_208, %swap3A_209], %swap3A_212 {strides = array<i32>} : memref<128x128xf32, #tpu.memory_space<vmem>>, vector<1x16xf32>,
    %swap3A_213 = arith.constant 4 : i32
    %swap3A_214 = arith.index_cast %swap3A_213 : i32 to index
    %swap3A_215 = arith.constant 32 : index
    %swap3A_216 = tpu.vector_load %arg6[%swap3A_214, %swap3A_215] {strides = array<i32>} : memref<128x128xf32, #tpu.memory_space<vmem>>, vector<1x16xf32>,
    %swap3A_217 = vector.shape_cast %swap3A_216 : vector<1x16xf32> to vector<16xf32>
    %swap3A_218 = vector.shape_cast %broadcast_in_dim3A_9 : vector<16xf32> to vector<1x16xf32>
    tpu.vector_store %arg6[%swap3A_214, %swap3A_215], %swap3A_218 {strides = array<i32>} : memref<128x128xf32, #tpu.memory_space<vmem>>, vector<1x16xf32>,
    %swap3A_219 = arith.constant 4 : i32
    %swap3A_220 = arith.index_cast %swap3A_219 : i32 to index
    %swap3A_221 = arith.constant 48 : index
    %swap3A_222 = tpu.vector_load %arg6[%swap3A_220, %swap3A_221] {strides = array<i32>} : memref<128x128xf32, #tpu.memory_space<vmem>>, vector<1x16xf32>,
    %swap3A_223 = vector.shape_cast %swap3A_222 : vector<1x16xf32> to vector<16xf32>
    %swap3A_224 = vector.shape_cast %broadcast_in_dim3A_9 : vector<16xf32> to vector<1x16xf32>
    tpu.vector_store %arg6[%swap3A_220, %swap3A_221], %swap3A_224 {strides = array<i32>} : memref<128x128xf32, #tpu.memory_space<vmem>>, vector<1x16xf32>,
    %swap3A_225 = arith.constant 4 : i32
    %swap3A_226 = arith.index_cast %swap3A_225 : i32 to index
    %swap3A_227 = arith.constant 64 : index
    %swap3A_228 = tpu.vector_load %arg6[%swap3A_226, %swap3A_227] {strides = array<i32>} : memref<128x128xf32, #tpu.memory_space<vmem>>, vector<1x16xf32>,
    %swap3A_229 = vector.shape_cast %swap3A_228 : vector<1x16xf32> to vector<16xf32>
    %swap3A_230 = vector.shape_cast %broadcast_in_dim3A_9 : vector<16xf32> to vector<1x16xf32>
    tpu.vector_store %arg6[%swap3A_226, %swap3A_227], %swap3A_230 {strides = array<i32>} : memref<128x128xf32, #tpu.memory_space<vmem>>, vector<1x16xf32>,
    %swap3A_231 = arith.constant 4 : i32
    %swap3A_232 = arith.index_cast %swap3A_231 : i32 to index
    %swap3A_233 = arith.constant 80 : index
    %swap3A_234 = tpu.vector_load %arg6[%swap3A_232, %swap3A_233] {strides = array<i32>} : memref<128x128xf32, #tpu.memory_space<vmem>>, vector<1x16xf32>,
    %swap3A_235 = vector.shape_cast %swap3A_234 : vector<1x16xf32> to vector<16xf32>
    %swap3A_236 = vector.shape_cast %broadcast_in_dim3A_9 : vector<16xf32> to vector<1x16xf32>
    tpu.vector_store %arg6[%swap3A_232, %swap3A_233], %swap3A_236 {strides = array<i32>} : memref<128x128xf32, #tpu.memory_space<vmem>>, vector<1x16xf32>,
    %swap3A_237 = arith.constant 4 : i32
    %swap3A_238 = arith.index_cast %swap3A_237 : i32 to index
    %swap3A_239 = arith.constant 96 : index
    %swap3A_240 = tpu.vector_load %arg6[%swap3A_238, %swap3A_239] {strides = array<i32>} : memref<128x128xf32, #tpu.memory_space<vmem>>, vector<1x16xf32>,
    %swap3A_241 = vector.shape_cast %swap3A_240 : vector<1x16xf32> to vector<16xf32>
    %swap3A_242 = vector.shape_cast %broadcast_in_dim3A_9 : vector<16xf32> to vector<1x16xf32>
    tpu.vector_store %arg6[%swap3A_238, %swap3A_239], %swap3A_242 {strides = array<i32>} : memref<128x128xf32, #tpu.memory_space<vmem>>, vector<1x16xf32>,
    %swap3A_243 = arith.constant 4 : i32
    %swap3A_244 = arith.index_cast %swap3A_243 : i32 to index
    %swap3A_245 = arith.constant 112 : index
    %swap3A_246 = tpu.vector_load %arg6[%swap3A_244, %swap3A_245] {strides = array<i32>} : memref<128x128xf32, #tpu.memory_space<vmem>>, vector<1x16xf32>,
    %swap3A_247 = vector.shape_cast %swap3A_246 : vector<1x16xf32> to vector<16xf32>
    %swap3A_248 = vector.shape_cast %broadcast_in_dim3A_9 : vector<16xf32> to vector<1x16xf32>
    tpu.vector_store %arg6[%swap3A_244, %swap3A_245], %swap3A_248 {strides = array<i32>} : memref<128x128xf32, #tpu.memory_space<vmem>>, vector<1x16xf32>,
    %swap3A_249 = arith.constant 5 : i32
    %swap3A_250 = arith.index_cast %swap3A_249 : i32 to index
    %swap3A_251 = arith.constant 0 : index
    %swap3A_252 = tpu.vector_load %arg6[%swap3A_250, %swap3A_251] {strides = array<i32>} : memref<128x128xf32, #tpu.memory_space<vmem>>, vector<1x16xf32>,
    %swap3A_253 = vector.shape_cast %swap3A_252 : vector<1x16xf32> to vector<16xf32>
    %swap3A_254 = vector.shape_cast %broadcast_in_dim3A_9 : vector<16xf32> to vector<1x16xf32>
    tpu.vector_store %arg6[%swap3A_250, %swap3A_251], %swap3A_254 {strides = array<i32>} : memref<128x128xf32, #tpu.memory_space<vmem>>, vector<1x16xf32>,
    %swap3A_255 = arith.constant 5 : i32
    %swap3A_256 = arith.index_cast %swap3A_255 : i32 to index
    %swap3A_257 = arith.constant 16 : index
    %swap3A_258 = tpu.vector_load %arg6[%swap3A_256, %swap3A_257] {strides = array<i32>} : memref<128x128xf32, #tpu.memory_space<vmem>>, vector<1x16xf32>,
    %swap3A_259 = vector.shape_cast %swap3A_258 : vector<1x16xf32> to vector<16xf32>
    %swap3A_260 = vector.shape_cast %broadcast_in_dim3A_9 : vector<16xf32> to vector<1x16xf32>
    tpu.vector_store %arg6[%swap3A_256, %swap3A_257], %swap3A_260 {strides = array<i32>} : memref<128x128xf32, #tpu.memory_space<vmem>>, vector<1x16xf32>,
    %swap3A_261 = arith.constant 5 : i32
    %swap3A_262 = arith.index_cast %swap3A_261 : i32 to index
    %swap3A_263 = arith.constant 32 : index
    %swap3A_264 = tpu.vector_load %arg6[%swap3A_262, %swap3A_263] {strides = array<i32>} : memref<128x128xf32, #tpu.memory_space<vmem>>, vector<1x16xf32>,
    %swap3A_265 = vector.shape_cast %swap3A_264 : vector<1x16xf32> to vector<16xf32>
    %swap3A_266 = vector.shape_cast %broadcast_in_dim3A_9 : vector<16xf32> to vector<1x16xf32>
    tpu.vector_store %arg6[%swap3A_262, %swap3A_263], %swap3A_266 {strides = array<i32>} : memref<128x128xf32, #tpu.memory_space<vmem>>, vector<1x16xf32>,
    %swap3A_267 = arith.constant 5 : i32
    %swap3A_268 = arith.index_cast %swap3A_267 : i32 to index
    %swap3A_269 = arith.constant 48 : index
    %swap3A_270 = tpu.vector_load %arg6[%swap3A_268, %swap3A_269] {strides = array<i32>} : memref<128x128xf32, #tpu.memory_space<vmem>>, vector<1x16xf32>,
    %swap3A_271 = vector.shape_cast %swap3A_270 : vector<1x16xf32> to vector<16xf32>
    %swap3A_272 = vector.shape_cast %broadcast_in_dim3A_9 : vector<16xf32> to vector<1x16xf32>
    tpu.vector_store %arg6[%swap3A_268, %swap3A_269], %swap3A_272 {strides = array<i32>} : memref<128x128xf32, #tpu.memory_space<vmem>>, vector<1x16xf32>,
    %swap3A_273 = arith.constant 5 : i32
    %swap3A_274 = arith.index_cast %swap3A_273 : i32 to index
    %swap3A_275 = arith.constant 64 : index
    %swap3A_276 = tpu.vector_load %arg6[%swap3A_274, %swap3A_275] {strides = array<i32>} : memref<128x128xf32, #tpu.memory_space<vmem>>, vector<1x16xf32>,
    %swap3A_277 = vector.shape_cast %swap3A_276 : vector<1x16xf32> to vector<16xf32>
    %swap3A_278 = vector.shape_cast %broadcast_in_dim3A_9 : vector<16xf32> to vector<1x16xf32>
    tpu.vector_store %arg6[%swap3A_274, %swap3A_275], %swap3A_278 {strides = array<i32>} : memref<128x128xf32, #tpu.memory_space<vmem>>, vector<1x16xf32>,
    %swap3A_279 = arith.constant 5 : i32
    %swap3A_280 = arith.index_cast %swap3A_279 : i32 to index
    %swap3A_281 = arith.constant 80 : index
    %swap3A_282 = tpu.vector_load %arg6[%swap3A_280, %swap3A_281] {strides = array<i32>} : memref<128x128xf32, #tpu.memory_space<vmem>>, vector<1x16xf32>,
    %swap3A_283 = vector.shape_cast %swap3A_282 : vector<1x16xf32> to vector<16xf32>
    %swap3A_284 = vector.shape_cast %broadcast_in_dim3A_9 : vector<16xf32> to vector<1x16xf32>
    tpu.vector_store %arg6[%swap3A_280, %swap3A_281], %swap3A_284 {strides = array<i32>} : memref<128x128xf32, #tpu.memory_space<vmem>>, vector<1x16xf32>,
    %swap3A_285 = arith.constant 5 : i32
    %swap3A_286 = arith.index_cast %swap3A_285 : i32 to index
    %swap3A_287 = arith.constant 96 : index
    %swap3A_288 = tpu.vector_load %arg6[%swap3A_286, %swap3A_287] {strides = array<i32>} : memref<128x128xf32, #tpu.memory_space<vmem>>, vector<1x16xf32>,
    %swap3A_289 = vector.shape_cast %swap3A_288 : vector<1x16xf32> to vector<16xf32>
    %swap3A_290 = vector.shape_cast %broadcast_in_dim3A_9 : vector<16xf32> to vector<1x16xf32>
    tpu.vector_store %arg6[%swap3A_286, %swap3A_287], %swap3A_290 {strides = array<i32>} : memref<128x128xf32, #tpu.memory_space<vmem>>, vector<1x16xf32>,
    %swap3A_291 = arith.constant 5 : i32
    %swap3A_292 = arith.index_cast %swap3A_291 : i32 to index
    %swap3A_293 = arith.constant 112 : index
    %swap3A_294 = tpu.vector_load %arg6[%swap3A_292, %swap3A_293] {strides = array<i32>} : memref<128x128xf32, #tpu.memory_space<vmem>>, vector<1x16xf32>,
    %swap3A_295 = vector.shape_cast %swap3A_294 : vector<1x16xf32> to vector<16xf32>
    %swap3A_296 = vector.shape_cast %broadcast_in_dim3A_9 : vector<16xf32> to vector<1x16xf32>
    tpu.vector_store %arg6[%swap3A_292, %swap3A_293], %swap3A_296 {strides = array<i32>} : memref<128x128xf32, #tpu.memory_space<vmem>>, vector<1x16xf32>,
    %swap3A_297 = arith.constant 6 : i32
    %swap3A_298 = arith.index_cast %swap3A_297 : i32 to index
    %swap3A_299 = arith.constant 0 : index
    %swap3A_300 = tpu.vector_load %arg6[%swap3A_298, %swap3A_299] {strides = array<i32>} : memref<128x128xf32, #tpu.memory_space<vmem>>, vector<1x16xf32>,
    %swap3A_301 = vector.shape_cast %swap3A_300 : vector<1x16xf32> to vector<16xf32>
    %swap3A_302 = vector.shape_cast %broadcast_in_dim3A_9 : vector<16xf32> to vector<1x16xf32>
    tpu.vector_store %arg6[%swap3A_298, %swap3A_299], %swap3A_302 {strides = array<i32>} : memref<128x128xf32, #tpu.memory_space<vmem>>, vector<1x16xf32>,
    %swap3A_303 = arith.constant 6 : i32
    %swap3A_304 = arith.index_cast %swap3A_303 : i32 to index
    %swap3A_305 = arith.constant 16 : index
    %swap3A_306 = tpu.vector_load %arg6[%swap3A_304, %swap3A_305] {strides = array<i32>} : memref<128x128xf32, #tpu.memory_space<vmem>>, vector<1x16xf32>,
    %swap3A_307 = vector.shape_cast %swap3A_306 : vector<1x16xf32> to vector<16xf32>
    %swap3A_308 = vector.shape_cast %broadcast_in_dim3A_9 : vector<16xf32> to vector<1x16xf32>
    tpu.vector_store %arg6[%swap3A_304, %swap3A_305], %swap3A_308 {strides = array<i32>} : memref<128x128xf32, #tpu.memory_space<vmem>>, vector<1x16xf32>,
    %swap3A_309 = arith.constant 6 : i32
    %swap3A_310 = arith.index_cast %swap3A_309 : i32 to index
    %swap3A_311 = arith.constant 32 : index
    %swap3A_312 = tpu.vector_load %arg6[%swap3A_310, %swap3A_311] {strides = array<i32>} : memref<128x128xf32, #tpu.memory_space<vmem>>, vector<1x16xf32>,
    %swap3A_313 = vector.shape_cast %swap3A_312 : vector<1x16xf32> to vector<16xf32>
    %swap3A_314 = vector.shape_cast %broadcast_in_dim3A_9 : vector<16xf32> to vector<1x16xf32>
    tpu.vector_store %arg6[%swap3A_310, %swap3A_311], %swap3A_314 {strides = array<i32>} : memref<128x128xf32, #tpu.memory_space<vmem>>, vector<1x16xf32>,
    %swap3A_315 = arith.constant 6 : i32
    %swap3A_316 = arith.index_cast %swap3A_315 : i32 to index
    %swap3A_317 = arith.constant 48 : index
    %swap3A_318 = tpu.vector_load %arg6[%swap3A_316, %swap3A_317] {strides = array<i32>} : memref<128x128xf32, #tpu.memory_space<vmem>>, vector<1x16xf32>,
    %swap3A_319 = vector.shape_cast %swap3A_318 : vector<1x16xf32> to vector<16xf32>
    %swap3A_320 = vector.shape_cast %broadcast_in_dim3A_9 : vector<16xf32> to vector<1x16xf32>
    tpu.vector_store %arg6[%swap3A_316, %swap3A_317], %swap3A_320 {strides = array<i32>} : memref<128x128xf32, #tpu.memory_space<vmem>>, vector<1x16xf32>,
    %swap3A_321 = arith.constant 6 : i32
    %swap3A_322 = arith.index_cast %swap3A_321 : i32 to index
    %swap3A_323 = arith.constant 64 : index
    %swap3A_324 = tpu.vector_load %arg6[%swap3A_322, %swap3A_323] {strides = array<i32>} : memref<128x128xf32, #tpu.memory_space<vmem>>, vector<1x16xf32>,
    %swap3A_325 = vector.shape_cast %swap3A_324 : vector<1x16xf32> to vector<16xf32>
    %swap3A_326 = vector.shape_cast %broadcast_in_dim3A_9 : vector<16xf32> to vector<1x16xf32>
    tpu.vector_store %arg6[%swap3A_322, %swap3A_323], %swap3A_326 {strides = array<i32>} : memref<128x128xf32, #tpu.memory_space<vmem>>, vector<1x16xf32>,
    %swap3A_327 = arith.constant 6 : i32
    %swap3A_328 = arith.index_cast %swap3A_327 : i32 to index
    %swap3A_329 = arith.constant 80 : index
    %swap3A_330 = tpu.vector_load %arg6[%swap3A_328, %swap3A_329] {strides = array<i32>} : memref<128x128xf32, #tpu.memory_space<vmem>>, vector<1x16xf32>,
    %swap3A_331 = vector.shape_cast %swap3A_330 : vector<1x16xf32> to vector<16xf32>
    %swap3A_332 = vector.shape_cast %broadcast_in_dim3A_9 : vector<16xf32> to vector<1x16xf32>
    tpu.vector_store %arg6[%swap3A_328, %swap3A_329], %swap3A_332 {strides = array<i32>} : memref<128x128xf32, #tpu.memory_space<vmem>>, vector<1x16xf32>,
    %swap3A_333 = arith.constant 6 : i32
    %swap3A_334 = arith.index_cast %swap3A_333 : i32 to index
    %swap3A_335 = arith.constant 96 : index
    %swap3A_336 = tpu.vector_load %arg6[%swap3A_334, %swap3A_335] {strides = array<i32>} : memref<128x128xf32, #tpu.memory_space<vmem>>, vector<1x16xf32>,
    %swap3A_337 = vector.shape_cast %swap3A_336 : vector<1x16xf32> to vector<16xf32>
    %swap3A_338 = vector.shape_cast %broadcast_in_dim3A_9 : vector<16xf32> to vector<1x16xf32>
    tpu.vector_store %arg6[%swap3A_334, %swap3A_335], %swap3A_338 {strides = array<i32>} : memref<128x128xf32, #tpu.memory_space<vmem>>, vector<1x16xf32>,
    %swap3A_339 = arith.constant 6 : i32
    %swap3A_340 = arith.index_cast %swap3A_339 : i32 to index
    %swap3A_341 = arith.constant 112 : index
    %swap3A_342 = tpu.vector_load %arg6[%swap3A_340, %swap3A_341] {strides = array<i32>} : memref<128x128xf32, #tpu.memory_space<vmem>>, vector<1x16xf32>,
    %swap3A_343 = vector.shape_cast %swap3A_342 : vector<1x16xf32> to vector<16xf32>
    %swap3A_344 = vector.shape_cast %broadcast_in_dim3A_9 : vector<16xf32> to vector<1x16xf32>
    tpu.vector_store %arg6[%swap3A_340, %swap3A_341], %swap3A_344 {strides = array<i32>} : memref<128x128xf32, #tpu.memory_space<vmem>>, vector<1x16xf32>,
    %swap3A_345 = arith.constant 7 : i32
    %swap3A_346 = arith.index_cast %swap3A_345 : i32 to index
    %swap3A_347 = arith.constant 0 : index
    %swap3A_348 = tpu.vector_load %arg6[%swap3A_346, %swap3A_347] {strides = array<i32>} : memref<128x128xf32, #tpu.memory_space<vmem>>, vector<1x16xf32>,
    %swap3A_349 = vector.shape_cast %swap3A_348 : vector<1x16xf32> to vector<16xf32>
    %swap3A_350 = vector.shape_cast %broadcast_in_dim3A_9 : vector<16xf32> to vector<1x16xf32>
    tpu.vector_store %arg6[%swap3A_346, %swap3A_347], %swap3A_350 {strides = array<i32>} : memref<128x128xf32, #tpu.memory_space<vmem>>, vector<1x16xf32>,
    %swap3A_351 = arith.constant 7 : i32
    %swap3A_352 = arith.index_cast %swap3A_351 : i32 to index
    %swap3A_353 = arith.constant 16 : index
    %swap3A_354 = tpu.vector_load %arg6[%swap3A_352, %swap3A_353] {strides = array<i32>} : memref<128x128xf32, #tpu.memory_space<vmem>>, vector<1x16xf32>,
    %swap3A_355 = vector.shape_cast %swap3A_354 : vector<1x16xf32> to vector<16xf32>
    %swap3A_356 = vector.shape_cast %broadcast_in_dim3A_9 : vector<16xf32> to vector<1x16xf32>
    tpu.vector_store %arg6[%swap3A_352, %swap3A_353], %swap3A_356 {strides = array<i32>} : memref<128x128xf32, #tpu.memory_space<vmem>>, vector<1x16xf32>,
    %swap3A_357 = arith.constant 7 : i32
    %swap3A_358 = arith.index_cast %swap3A_357 : i32 to index
    %swap3A_359 = arith.constant 32 : index
    %swap3A_360 = tpu.vector_load %arg6[%swap3A_358, %swap3A_359] {strides = array<i32>} : memref<128x128xf32, #tpu.memory_space<vmem>>, vector<1x16xf32>,
    %swap3A_361 = vector.shape_cast %swap3A_360 : vector<1x16xf32> to vector<16xf32>
    %swap3A_362 = vector.shape_cast %broadcast_in_dim3A_9 : vector<16xf32> to vector<1x16xf32>
    tpu.vector_store %arg6[%swap3A_358, %swap3A_359], %swap3A_362 {strides = array<i32>} : memref<128x128xf32, #tpu.memory_space<vmem>>, vector<1x16xf32>,
    %swap3A_363 = arith.constant 7 : i32
    %swap3A_364 = arith.index_cast %swap3A_363 : i32 to index
    %swap3A_365 = arith.constant 48 : index
    %swap3A_366 = tpu.vector_load %arg6[%swap3A_364, %swap3A_365] {strides = array<i32>} : memref<128x128xf32, #tpu.memory_space<vmem>>, vector<1x16xf32>,
    %swap3A_367 = vector.shape_cast %swap3A_366 : vector<1x16xf32> to vector<16xf32>
    %swap3A_368 = vector.shape_cast %broadcast_in_dim3A_9 : vector<16xf32> to vector<1x16xf32>
    tpu.vector_store %arg6[%swap3A_364, %swap3A_365], %swap3A_368 {strides = array<i32>} : memref<128x128xf32, #tpu.memory_space<vmem>>, vector<1x16xf32>,
    %swap3A_369 = arith.constant 7 : i32
    %swap3A_370 = arith.index_cast %swap3A_369 : i32 to index
    %swap3A_371 = arith.constant 64 : index
    %swap3A_372 = tpu.vector_load %arg6[%swap3A_370, %swap3A_371] {strides = array<i32>} : memref<128x128xf32, #tpu.memory_space<vmem>>, vector<1x16xf32>,
    %swap3A_373 = vector.shape_cast %swap3A_372 : vector<1x16xf32> to vector<16xf32>
    %swap3A_374 = vector.shape_cast %broadcast_in_dim3A_9 : vector<16xf32> to vector<1x16xf32>
    tpu.vector_store %arg6[%swap3A_370, %swap3A_371], %swap3A_374 {strides = array<i32>} : memref<128x128xf32, #tpu.memory_space<vmem>>, vector<1x16xf32>,
    %swap3A_375 = arith.constant 7 : i32
    %swap3A_376 = arith.index_cast %swap3A_375 : i32 to index
    %swap3A_377 = arith.constant 80 : index
    %swap3A_378 = tpu.vector_load %arg6[%swap3A_376, %swap3A_377] {strides = array<i32>} : memref<128x128xf32, #tpu.memory_space<vmem>>, vector<1x16xf32>,
    %swap3A_379 = vector.shape_cast %swap3A_378 : vector<1x16xf32> to vector<16xf32>
    %swap3A_380 = vector.shape_cast %broadcast_in_dim3A_9 : vector<16xf32> to vector<1x16xf32>
    tpu.vector_store %arg6[%swap3A_376, %swap3A_377], %swap3A_380 {strides = array<i32>} : memref<128x128xf32, #tpu.memory_space<vmem>>, vector<1x16xf32>,
    %swap3A_381 = arith.constant 7 : i32
    %swap3A_382 = arith.index_cast %swap3A_381 : i32 to index
    %swap3A_383 = arith.constant 96 : index
    %swap3A_384 = tpu.vector_load %arg6[%swap3A_382, %swap3A_383] {strides = array<i32>} : memref<128x128xf32, #tpu.memory_space<vmem>>, vector<1x16xf32>,
    %swap3A_385 = vector.shape_cast %swap3A_384 : vector<1x16xf32> to vector<16xf32>
    %swap3A_386 = vector.shape_cast %broadcast_in_dim3A_9 : vector<16xf32> to vector<1x16xf32>
    tpu.vector_store %arg6[%swap3A_382, %swap3A_383], %swap3A_386 {strides = array<i32>} : memref<128x128xf32, #tpu.memory_space<vmem>>, vector<1x16xf32>,
    %swap3A_387 = arith.constant 7 : i32
    %swap3A_388 = arith.index_cast %swap3A_387 : i32 to index
    %swap3A_389 = arith.constant 112 : index
    %swap3A_390 = tpu.vector_load %arg6[%swap3A_388, %swap3A_389] {strides = array<i32>} : memref<128x128xf32, #tpu.memory_space<vmem>>, vector<1x16xf32>,
    %swap3A_391 = vector.shape_cast %swap3A_390 : vector<1x16xf32> to vector<16xf32>
    %swap3A_392 = vector.shape_cast %broadcast_in_dim3A_9 : vector<16xf32> to vector<1x16xf32>
    tpu.vector_store %arg6[%swap3A_388, %swap3A_389], %swap3A_392 {strides = array<i32>} : memref<128x128xf32, #tpu.memory_space<vmem>>, vector<1x16xf32>,
    %swap3A_393 = arith.constant 8 : i32
    %swap3A_394 = arith.index_cast %swap3A_393 : i32 to index
    %swap3A_395 = arith.constant 0 : index
    %swap3A_396 = tpu.vector_load %arg6[%swap3A_394, %swap3A_395] {strides = array<i32>} : memref<128x128xf32, #tpu.memory_space<vmem>>, vector<1x16xf32>,
    %swap3A_397 = vector.shape_cast %swap3A_396 : vector<1x16xf32> to vector<16xf32>
    %swap3A_398 = vector.shape_cast %broadcast_in_dim3A_9 : vector<16xf32> to vector<1x16xf32>
    tpu.vector_store %arg6[%swap3A_394, %swap3A_395], %swap3A_398 {strides = array<i32>} : memref<128x128xf32, #tpu.memory_space<vmem>>, vector<1x16xf32>,
    %swap3A_399 = arith.constant 8 : i32
    %swap3A_400 = arith.index_cast %swap3A_399 : i32 to index
    %swap3A_401 = arith.constant 16 : index
    %swap3A_402 = tpu.vector_load %arg6[%swap3A_400, %swap3A_401] {strides = array<i32>} : memref<128x128xf32, #tpu.memory_space<vmem>>, vector<1x16xf32>,
    %swap3A_403 = vector.shape_cast %swap3A_402 : vector<1x16xf32> to vector<16xf32>
    %swap3A_404 = vector.shape_cast %broadcast_in_dim3A_9 : vector<16xf32> to vector<1x16xf32>
    tpu.vector_store %arg6[%swap3A_400, %swap3A_401], %swap3A_404 {strides = array<i32>} : memref<128x128xf32, #tpu.memory_space<vmem>>, vector<1x16xf32>,
    %swap3A_405 = arith.constant 8 : i32
    %swap3A_406 = arith.index_cast %swap3A_405 : i32 to index
    %swap3A_407 = arith.constant 32 : index
    %swap3A_408 = tpu.vector_load %arg6[%swap3A_406, %swap3A_407] {strides = array<i32>} : memref<128x128xf32, #tpu.memory_space<vmem>>, vector<1x16xf32>,
    %swap3A_409 = vector.shape_cast %swap3A_408 : vector<1x16xf32> to vector<16xf32>
    %swap3A_410 = vector.shape_cast %broadcast_in_dim3A_9 : vector<16xf32> to vector<1x16xf32>
    tpu.vector_store %arg6[%swap3A_406, %swap3A_407], %swap3A_410 {strides = array<i32>} : memref<128x128xf32, #tpu.memory_space<vmem>>, vector<1x16xf32>,
    %swap3A_411 = arith.constant 8 : i32
    %swap3A_412 = arith.index_cast %swap3A_411 : i32 to index
    %swap3A_413 = arith.constant 48 : index
    %swap3A_414 = tpu.vector_load %arg6[%swap3A_412, %swap3A_413] {strides = array<i32>} : memref<128x128xf32, #tpu.memory_space<vmem>>, vector<1x16xf32>,
    %swap3A_415 = vector.shape_cast %swap3A_414 : vector<1x16xf32> to vector<16xf32>
    %swap3A_416 = vector.shape_cast %broadcast_in_dim3A_9 : vector<16xf32> to vector<1x16xf32>
    tpu.vector_store %arg6[%swap3A_412, %swap3A_413], %swap3A_416 {strides = array<i32>} : memref<128x128xf32, #tpu.memory_space<vmem>>, vector<1x16xf32>,
    %swap3A_417 = arith.constant 8 : i32
    %swap3A_418 = arith.index_cast %swap3A_417 : i32 to index
    %swap3A_419 = arith.constant 64 : index
    %swap3A_420 = tpu.vector_load %arg6[%swap3A_418, %swap3A_419] {strides = array<i32>} : memref<128x128xf32, #tpu.memory_space<vmem>>, vector<1x16xf32>,
    %swap3A_421 = vector.shape_cast %swap3A_420 : vector<1x16xf32> to vector<16xf32>
    %swap3A_422 = vector.shape_cast %broadcast_in_dim3A_9 : vector<16xf32> to vector<1x16xf32>
    tpu.vector_store %arg6[%swap3A_418, %swap3A_419], %swap3A_422 {strides = array<i32>} : memref<128x128xf32, #tpu.memory_space<vmem>>, vector<1x16xf32>,
    %swap3A_423 = arith.constant 8 : i32
    %swap3A_424 = arith.index_cast %swap3A_423 : i32 to index
    %swap3A_425 = arith.constant 80 : index
    %swap3A_426 = tpu.vector_load %arg6[%swap3A_424, %swap3A_425] {strides = array<i32>} : memref<128x128xf32, #tpu.memory_space<vmem>>, vector<1x16xf32>,
    %swap3A_427 = vector.shape_cast %swap3A_426 : vector<1x16xf32> to vector<16xf32>
    %swap3A_428 = vector.shape_cast %broadcast_in_dim3A_9 : vector<16xf32> to vector<1x16xf32>
    tpu.vector_store %arg6[%swap3A_424, %swap3A_425], %swap3A_428 {strides = array<i32>} : memref<128x128xf32, #tpu.memory_space<vmem>>, vector<1x16xf32>,
    %swap3A_429 = arith.constant 8 : i32
    %swap3A_430 = arith.index_cast %swap3A_429 : i32 to index
    %swap3A_431 = arith.constant 96 : index
    %swap3A_432 = tpu.vector_load %arg6[%swap3A_430, %swap3A_431] {strides = array<i32>} : memref<128x128xf32, #tpu.memory_space<vmem>>, vector<1x16xf32>,
    %swap3A_433 = vector.shape_cast %swap3A_432 : vector<1x16xf32> to vector<16xf32>
    %swap3A_434 = vector.shape_cast %broadcast_in_dim3A_9 : vector<16xf32> to vector<1x16xf32>
    tpu.vector_store %arg6[%swap3A_430, %swap3A_431], %swap3A_434 {strides = array<i32>} : memref<128x128xf32, #tpu.memory_space<vmem>>, vector<1x16xf32>,
    %swap3A_435 = arith.constant 8 : i32
    %swap3A_436 = arith.index_cast %swap3A_435 : i32 to index
    %swap3A_437 = arith.constant 112 : index
    %swap3A_438 = tpu.vector_load %arg6[%swap3A_436, %swap3A_437] {strides = array<i32>} : memref<128x128xf32, #tpu.memory_space<vmem>>, vector<1x16xf32>,
    %swap3A_439 = vector.shape_cast %swap3A_438 : vector<1x16xf32> to vector<16xf32>
    %swap3A_440 = vector.shape_cast %broadcast_in_dim3A_9 : vector<16xf32> to vector<1x16xf32>
    tpu.vector_store %arg6[%swap3A_436, %swap3A_437], %swap3A_440 {strides = array<i32>} : memref<128x128xf32, #tpu.memory_space<vmem>>, vector<1x16xf32>,
    %swap3A_441 = arith.constant 9 : i32
    %swap3A_442 = arith.index_cast %swap3A_441 : i32 to index
    %swap3A_443 = arith.constant 0 : index
    %swap3A_444 = tpu.vector_load %arg6[%swap3A_442, %swap3A_443] {strides = array<i32>} : memref<128x128xf32, #tpu.memory_space<vmem>>, vector<1x16xf32>,
    %swap3A_445 = vector.shape_cast %swap3A_444 : vector<1x16xf32> to vector<16xf32>
    %swap3A_446 = vector.shape_cast %broadcast_in_dim3A_9 : vector<16xf32> to vector<1x16xf32>
    tpu.vector_store %arg6[%swap3A_442, %swap3A_443], %swap3A_446 {strides = array<i32>} : memref<128x128xf32, #tpu.memory_space<vmem>>, vector<1x16xf32>,
    %swap3A_447 = arith.constant 9 : i32
    %swap3A_448 = arith.index_cast %swap3A_447 : i32 to index
    %swap3A_449 = arith.constant 16 : index
    %swap3A_450 = tpu.vector_load %arg6[%swap3A_448, %swap3A_449] {strides = array<i32>} : memref<128x128xf32, #tpu.memory_space<vmem>>, vector<1x16xf32>,
    %swap3A_451 = vector.shape_cast %swap3A_450 : vector<1x16xf32> to vector<16xf32>
    %swap3A_452 = vector.shape_cast %broadcast_in_dim3A_9 : vector<16xf32> to vector<1x16xf32>
    tpu.vector_store %arg6[%swap3A_448, %swap3A_449], %swap3A_452 {strides = array<i32>} : memref<128x128xf32, #tpu.memory_space<vmem>>, vector<1x16xf32>,
    %swap3A_453 = arith.constant 9 : i32
    %swap3A_454 = arith.index_cast %swap3A_453 : i32 to index
    %swap3A_455 = arith.constant 32 : index
    %swap3A_456 = tpu.vector_load %arg6[%swap3A_454, %swap3A_455] {strides = array<i32>} : memref<128x128xf32, #tpu.memory_space<vmem>>, vector<1x16xf32>,
    %swap3A_457 = vector.shape_cast %swap3A_456 : vector<1x16xf32> to vector<16xf32>
    %swap3A_458 = vector.shape_cast %broadcast_in_dim3A_9 : vector<16xf32> to vector<1x16xf32>
    tpu.vector_store %arg6[%swap3A_454, %swap3A_455], %swap3A_458 {strides = array<i32>} : memref<128x128xf32, #tpu.memory_space<vmem>>, vector<1x16xf32>,
    %swap3A_459 = arith.constant 9 : i32
    %swap3A_460 = arith.index_cast %swap3A_459 : i32 to index
    %swap3A_461 = arith.constant 48 : index
    %swap3A_462 = tpu.vector_load %arg6[%swap3A_460, %swap3A_461] {strides = array<i32>} : memref<128x128xf32, #tpu.memory_space<vmem>>, vector<1x16xf32>,
    %swap3A_463 = vector.shape_cast %swap3A_462 : vector<1x16xf32> to vector<16xf32>
    %swap3A_464 = vector.shape_cast %broadcast_in_dim3A_9 : vector<16xf32> to vector<1x16xf32>
    tpu.vector_store %arg6[%swap3A_460, %swap3A_461], %swap3A_464 {strides = array<i32>} : memref<128x128xf32, #tpu.memory_space<vmem>>, vector<1x16xf32>,
    %swap3A_465 = arith.constant 9 : i32
    %swap3A_466 = arith.index_cast %swap3A_465 : i32 to index
    %swap3A_467 = arith.constant 64 : index
    %swap3A_468 = tpu.vector_load %arg6[%swap3A_466, %swap3A_467] {strides = array<i32>} : memref<128x128xf32, #tpu.memory_space<vmem>>, vector<1x16xf32>,
    %swap3A_469 = vector.shape_cast %swap3A_468 : vector<1x16xf32> to vector<16xf32>
    %swap3A_470 = vector.shape_cast %broadcast_in_dim3A_9 : vector<16xf32> to vector<1x16xf32>
    tpu.vector_store %arg6[%swap3A_466, %swap3A_467], %swap3A_470 {strides = array<i32>} : memref<128x128xf32, #tpu.memory_space<vmem>>, vector<1x16xf32>,
    %swap3A_471 = arith.constant 9 : i32
    %swap3A_472 = arith.index_cast %swap3A_471 : i32 to index
    %swap3A_473 = arith.constant 80 : index
    %swap3A_474 = tpu.vector_load %arg6[%swap3A_472, %swap3A_473] {strides = array<i32>} : memref<128x128xf32, #tpu.memory_space<vmem>>, vector<1x16xf32>,
    %swap3A_475 = vector.shape_cast %swap3A_474 : vector<1x16xf32> to vector<16xf32>
    %swap3A_476 = vector.shape_cast %broadcast_in_dim3A_9 : vector<16xf32> to vector<1x16xf32>
    tpu.vector_store %arg6[%swap3A_472, %swap3A_473], %swap3A_476 {strides = array<i32>} : memref<128x128xf32, #tpu.memory_space<vmem>>, vector<1x16xf32>,
    %swap3A_477 = arith.constant 9 : i32
    %swap3A_478 = arith.index_cast %swap3A_477 : i32 to index
    %swap3A_479 = arith.constant 96 : index
    %swap3A_480 = tpu.vector_load %arg6[%swap3A_478, %swap3A_479] {strides = array<i32>} : memref<128x128xf32, #tpu.memory_space<vmem>>, vector<1x16xf32>,
    %swap3A_481 = vector.shape_cast %swap3A_480 : vector<1x16xf32> to vector<16xf32>
    %swap3A_482 = vector.shape_cast %broadcast_in_dim3A_9 : vector<16xf32> to vector<1x16xf32>
    tpu.vector_store %arg6[%swap3A_478, %swap3A_479], %swap3A_482 {strides = array<i32>} : memref<128x128xf32, #tpu.memory_space<vmem>>, vector<1x16xf32>,
    %swap3A_483 = arith.constant 9 : i32
    %swap3A_484 = arith.index_cast %swap3A_483 : i32 to index
    %swap3A_485 = arith.constant 112 : index
    %swap3A_486 = tpu.vector_load %arg6[%swap3A_484, %swap3A_485] {strides = array<i32>} : memref<128x128xf32, #tpu.memory_space<vmem>>, vector<1x16xf32>,
    %swap3A_487 = vector.shape_cast %swap3A_486 : vector<1x16xf32> to vector<16xf32>
    %swap3A_488 = vector.shape_cast %broadcast_in_dim3A_9 : vector<16xf32> to vector<1x16xf32>
    tpu.vector_store %arg6[%swap3A_484, %swap3A_485], %swap3A_488 {strides = array<i32>} : memref<128x128xf32, #tpu.memory_space<vmem>>, vector<1x16xf32>,
    %swap3A_489 = arith.constant 10 : i32
    %swap3A_490 = arith.index_cast %swap3A_489 : i32 to index
    %swap3A_491 = arith.constant 0 : index
    %swap3A_492 = tpu.vector_load %arg6[%swap3A_490, %swap3A_491] {strides = array<i32>} : memref<128x128xf32, #tpu.memory_space<vmem>>, vector<1x16xf32>,
    %swap3A_493 = vector.shape_cast %swap3A_492 : vector<1x16xf32> to vector<16xf32>
    %swap3A_494 = vector.shape_cast %broadcast_in_dim3A_9 : vector<16xf32> to vector<1x16xf32>
    tpu.vector_store %arg6[%swap3A_490, %swap3A_491], %swap3A_494 {strides = array<i32>} : memref<128x128xf32, #tpu.memory_space<vmem>>, vector<1x16xf32>,
    %swap3A_495 = arith.constant 10 : i32
    %swap3A_496 = arith.index_cast %swap3A_495 : i32 to index
    %swap3A_497 = arith.constant 16 : index
    %swap3A_498 = tpu.vector_load %arg6[%swap3A_496, %swap3A_497] {strides = array<i32>} : memref<128x128xf32, #tpu.memory_space<vmem>>, vector<1x16xf32>,
    %swap3A_499 = vector.shape_cast %swap3A_498 : vector<1x16xf32> to vector<16xf32>
    %swap3A_500 = vector.shape_cast %broadcast_in_dim3A_9 : vector<16xf32> to vector<1x16xf32>
    tpu.vector_store %arg6[%swap3A_496, %swap3A_497], %swap3A_500 {strides = array<i32>} : memref<128x128xf32, #tpu.memory_space<vmem>>, vector<1x16xf32>,
    %swap3A_501 = arith.constant 10 : i32
    %swap3A_502 = arith.index_cast %swap3A_501 : i32 to index
    %swap3A_503 = arith.constant 32 : index
    %swap3A_504 = tpu.vector_load %arg6[%swap3A_502, %swap3A_503] {strides = array<i32>} : memref<128x128xf32, #tpu.memory_space<vmem>>, vector<1x16xf32>,
    %swap3A_505 = vector.shape_cast %swap3A_504 : vector<1x16xf32> to vector<16xf32>
    %swap3A_506 = vector.shape_cast %broadcast_in_dim3A_9 : vector<16xf32> to vector<1x16xf32>
    tpu.vector_store %arg6[%swap3A_502, %swap3A_503], %swap3A_506 {strides = array<i32>} : memref<128x128xf32, #tpu.memory_space<vmem>>, vector<1x16xf32>,
    %swap3A_507 = arith.constant 10 : i32
    %swap3A_508 = arith.index_cast %swap3A_507 : i32 to index
    %swap3A_509 = arith.constant 48 : index
    %swap3A_510 = tpu.vector_load %arg6[%swap3A_508, %swap3A_509] {strides = array<i32>} : memref<128x128xf32, #tpu.memory_space<vmem>>, vector<1x16xf32>,
    %swap3A_511 = vector.shape_cast %swap3A_510 : vector<1x16xf32> to vector<16xf32>
    %swap3A_512 = vector.shape_cast %broadcast_in_dim3A_9 : vector<16xf32> to vector<1x16xf32>
    tpu.vector_store %arg6[%swap3A_508, %swap3A_509], %swap3A_512 {strides = array<i32>} : memref<128x128xf32, #tpu.memory_space<vmem>>, vector<1x16xf32>,
    %swap3A_513 = arith.constant 10 : i32
    %swap3A_514 = arith.index_cast %swap3A_513 : i32 to index
    %swap3A_515 = arith.constant 64 : index
    %swap3A_516 = tpu.vector_load %arg6[%swap3A_514, %swap3A_515] {strides = array<i32>} : memref<128x128xf32, #tpu.memory_space<vmem>>, vector<1x16xf32>,
    %swap3A_517 = vector.shape_cast %swap3A_516 : vector<1x16xf32> to vector<16xf32>
    %swap3A_518 = vector.shape_cast %broadcast_in_dim3A_9 : vector<16xf32> to vector<1x16xf32>
    tpu.vector_store %arg6[%swap3A_514, %swap3A_515], %swap3A_518 {strides = array<i32>} : memref<128x128xf32, #tpu.memory_space<vmem>>, vector<1x16xf32>,
    %swap3A_519 = arith.constant 10 : i32
    %swap3A_520 = arith.index_cast %swap3A_519 : i32 to index
    %swap3A_521 = arith.constant 80 : index
    %swap3A_522 = tpu.vector_load %arg6[%swap3A_520, %swap3A_521] {strides = array<i32>} : memref<128x128xf32, #tpu.memory_space<vmem>>, vector<1x16xf32>,
    %swap3A_523 = vector.shape_cast %swap3A_522 : vector<1x16xf32> to vector<16xf32>
    %swap3A_524 = vector.shape_cast %broadcast_in_dim3A_9 : vector<16xf32> to vector<1x16xf32>
    tpu.vector_store %arg6[%swap3A_520, %swap3A_521], %swap3A_524 {strides = array<i32>} : memref<128x128xf32, #tpu.memory_space<vmem>>, vector<1x16xf32>,
    %swap3A_525 = arith.constant 10 : i32
    %swap3A_526 = arith.index_cast %swap3A_525 : i32 to index
    %swap3A_527 = arith.constant 96 : index
    %swap3A_528 = tpu.vector_load %arg6[%swap3A_526, %swap3A_527] {strides = array<i32>} : memref<128x128xf32, #tpu.memory_space<vmem>>, vector<1x16xf32>,
    %swap3A_529 = vector.shape_cast %swap3A_528 : vector<1x16xf32> to vector<16xf32>
    %swap3A_530 = vector.shape_cast %broadcast_in_dim3A_9 : vector<16xf32> to vector<1x16xf32>
    tpu.vector_store %arg6[%swap3A_526, %swap3A_527], %swap3A_530 {strides = array<i32>} : memref<128x128xf32, #tpu.memory_space<vmem>>, vector<1x16xf32>,
    %swap3A_531 = arith.constant 10 : i32
    %swap3A_532 = arith.index_cast %swap3A_531 : i32 to index
    %swap3A_533 = arith.constant 112 : index
    %swap3A_534 = tpu.vector_load %arg6[%swap3A_532, %swap3A_533] {strides = array<i32>} : memref<128x128xf32, #tpu.memory_space<vmem>>, vector<1x16xf32>,
    %swap3A_535 = vector.shape_cast %swap3A_534 : vector<1x16xf32> to vector<16xf32>
    %swap3A_536 = vector.shape_cast %broadcast_in_dim3A_9 : vector<16xf32> to vector<1x16xf32>
    tpu.vector_store %arg6[%swap3A_532, %swap3A_533], %swap3A_536 {strides = array<i32>} : memref<128x128xf32, #tpu.memory_space<vmem>>, vector<1x16xf32>,
    %swap3A_537 = arith.constant 11 : i32
    %swap3A_538 = arith.index_cast %swap3A_537 : i32 to index
    %swap3A_539 = arith.constant 0 : index
    %swap3A_540 = tpu.vector_load %arg6[%swap3A_538, %swap3A_539] {strides = array<i32>} : memref<128x128xf32, #tpu.memory_space<vmem>>, vector<1x16xf32>,
    %swap3A_541 = vector.shape_cast %swap3A_540 : vector<1x16xf32> to vector<16xf32>
    %swap3A_542 = vector.shape_cast %broadcast_in_dim3A_9 : vector<16xf32> to vector<1x16xf32>
    tpu.vector_store %arg6[%swap3A_538, %swap3A_539], %swap3A_542 {strides = array<i32>} : memref<128x128xf32, #tpu.memory_space<vmem>>, vector<1x16xf32>,
    %swap3A_543 = arith.constant 11 : i32
    %swap3A_544 = arith.index_cast %swap3A_543 : i32 to index
    %swap3A_545 = arith.constant 16 : index
    %swap3A_546 = tpu.vector_load %arg6[%swap3A_544, %swap3A_545] {strides = array<i32>} : memref<128x128xf32, #tpu.memory_space<vmem>>, vector<1x16xf32>,
    %swap3A_547 = vector.shape_cast %swap3A_546 : vector<1x16xf32> to vector<16xf32>
    %swap3A_548 = vector.shape_cast %broadcast_in_dim3A_9 : vector<16xf32> to vector<1x16xf32>
    tpu.vector_store %arg6[%swap3A_544, %swap3A_545], %swap3A_548 {strides = array<i32>} : memref<128x128xf32, #tpu.memory_space<vmem>>, vector<1x16xf32>,
    %swap3A_549 = arith.constant 11 : i32
    %swap3A_550 = arith.index_cast %swap3A_549 : i32 to index
    %swap3A_551 = arith.constant 32 : index
    %swap3A_552 = tpu.vector_load %arg6[%swap3A_550, %swap3A_551] {strides = array<i32>} : memref<128x128xf32, #tpu.memory_space<vmem>>, vector<1x16xf32>,
    %swap3A_553 = vector.shape_cast %swap3A_552 : vector<1x16xf32> to vector<16xf32>
    %swap3A_554 = vector.shape_cast %broadcast_in_dim3A_9 : vector<16xf32> to vector<1x16xf32>
    tpu.vector_store %arg6[%swap3A_550, %swap3A_551], %swap3A_554 {strides = array<i32>} : memref<128x128xf32, #tpu.memory_space<vmem>>, vector<1x16xf32>,
    %swap3A_555 = arith.constant 11 : i32
    %swap3A_556 = arith.index_cast %swap3A_555 : i32 to index
    %swap3A_557 = arith.constant 48 : index
    %swap3A_558 = tpu.vector_load %arg6[%swap3A_556, %swap3A_557] {strides = array<i32>} : memref<128x128xf32, #tpu.memory_space<vmem>>, vector<1x16xf32>,
    %swap3A_559 = vector.shape_cast %swap3A_558 : vector<1x16xf32> to vector<16xf32>
    %swap3A_560 = vector.shape_cast %broadcast_in_dim3A_9 : vector<16xf32> to vector<1x16xf32>
    tpu.vector_store %arg6[%swap3A_556, %swap3A_557], %swap3A_560 {strides = array<i32>} : memref<128x128xf32, #tpu.memory_space<vmem>>, vector<1x16xf32>,
    %swap3A_561 = arith.constant 11 : i32
    %swap3A_562 = arith.index_cast %swap3A_561 : i32 to index
    %swap3A_563 = arith.constant 64 : index
    %swap3A_564 = tpu.vector_load %arg6[%swap3A_562, %swap3A_563] {strides = array<i32>} : memref<128x128xf32, #tpu.memory_space<vmem>>, vector<1x16xf32>,
    %swap3A_565 = vector.shape_cast %swap3A_564 : vector<1x16xf32> to vector<16xf32>
    %swap3A_566 = vector.shape_cast %broadcast_in_dim3A_9 : vector<16xf32> to vector<1x16xf32>
    tpu.vector_store %arg6[%swap3A_562, %swap3A_563], %swap3A_566 {strides = array<i32>} : memref<128x128xf32, #tpu.memory_space<vmem>>, vector<1x16xf32>,
    %swap3A_567 = arith.constant 11 : i32
    %swap3A_568 = arith.index_cast %swap3A_567 : i32 to index
    %swap3A_569 = arith.constant 80 : index
    %swap3A_570 = tpu.vector_load %arg6[%swap3A_568, %swap3A_569] {strides = array<i32>} : memref<128x128xf32, #tpu.memory_space<vmem>>, vector<1x16xf32>,
    %swap3A_571 = vector.shape_cast %swap3A_570 : vector<1x16xf32> to vector<16xf32>
    %swap3A_572 = vector.shape_cast %broadcast_in_dim3A_9 : vector<16xf32> to vector<1x16xf32>
    tpu.vector_store %arg6[%swap3A_568, %swap3A_569], %swap3A_572 {strides = array<i32>} : memref<128x128xf32, #tpu.memory_space<vmem>>, vector<1x16xf32>,
    %swap3A_573 = arith.constant 11 : i32
    %swap3A_574 = arith.index_cast %swap3A_573 : i32 to index
    %swap3A_575 = arith.constant 96 : index
    %swap3A_576 = tpu.vector_load %arg6[%swap3A_574, %swap3A_575] {strides = array<i32>} : memref<128x128xf32, #tpu.memory_space<vmem>>, vector<1x16xf32>,
    %swap3A_577 = vector.shape_cast %swap3A_576 : vector<1x16xf32> to vector<16xf32>
    %swap3A_578 = vector.shape_cast %broadcast_in_dim3A_9 : vector<16xf32> to vector<1x16xf32>
    tpu.vector_store %arg6[%swap3A_574, %swap3A_575], %swap3A_578 {strides = array<i32>} : memref<128x128xf32, #tpu.memory_space<vmem>>, vector<1x16xf32>,
    %swap3A_579 = arith.constant 11 : i32
    %swap3A_580 = arith.index_cast %swap3A_579 : i32 to index
    %swap3A_581 = arith.constant 112 : index
    %swap3A_582 = tpu.vector_load %arg6[%swap3A_580, %swap3A_581] {strides = array<i32>} : memref<128x128xf32, #tpu.memory_space<vmem>>, vector<1x16xf32>,
    %swap3A_583 = vector.shape_cast %swap3A_582 : vector<1x16xf32> to vector<16xf32>
    %swap3A_584 = vector.shape_cast %broadcast_in_dim3A_9 : vector<16xf32> to vector<1x16xf32>
    tpu.vector_store %arg6[%swap3A_580, %swap3A_581], %swap3A_584 {strides = array<i32>} : memref<128x128xf32, #tpu.memory_space<vmem>>, vector<1x16xf32>,
    %swap3A_585 = arith.constant 12 : i32
    %swap3A_586 = arith.index_cast %swap3A_585 : i32 to index
    %swap3A_587 = arith.constant 0 : index
    %swap3A_588 = tpu.vector_load %arg6[%swap3A_586, %swap3A_587] {strides = array<i32>} : memref<128x128xf32, #tpu.memory_space<vmem>>, vector<1x16xf32>,
    %swap3A_589 = vector.shape_cast %swap3A_588 : vector<1x16xf32> to vector<16xf32>
    %swap3A_590 = vector.shape_cast %broadcast_in_dim3A_9 : vector<16xf32> to vector<1x16xf32>
    tpu.vector_store %arg6[%swap3A_586, %swap3A_587], %swap3A_590 {strides = array<i32>} : memref<128x128xf32, #tpu.memory_space<vmem>>, vector<1x16xf32>,
    %swap3A_591 = arith.constant 12 : i32
    %swap3A_592 = arith.index_cast %swap3A_591 : i32 to index
    %swap3A_593 = arith.constant 16 : index
    %swap3A_594 = tpu.vector_load %arg6[%swap3A_592, %swap3A_593] {strides = array<i32>} : memref<128x128xf32, #tpu.memory_space<vmem>>, vector<1x16xf32>,
    %swap3A_595 = vector.shape_cast %swap3A_594 : vector<1x16xf32> to vector<16xf32>
    %swap3A_596 = vector.shape_cast %broadcast_in_dim3A_9 : vector<16xf32> to vector<1x16xf32>
    tpu.vector_store %arg6[%swap3A_592, %swap3A_593], %swap3A_596 {strides = array<i32>} : memref<128x128xf32, #tpu.memory_space<vmem>>, vector<1x16xf32>,
    %swap3A_597 = arith.constant 12 : i32
    %swap3A_598 = arith.index_cast %swap3A_597 : i32 to index
    %swap3A_599 = arith.constant 32 : index
    %swap3A_600 = tpu.vector_load %arg6[%swap3A_598, %swap3A_599] {strides = array<i32>} : memref<128x128xf32, #tpu.memory_space<vmem>>, vector<1x16xf32>,
    %swap3A_601 = vector.shape_cast %swap3A_600 : vector<1x16xf32> to vector<16xf32>
    %swap3A_602 = vector.shape_cast %broadcast_in_dim3A_9 : vector<16xf32> to vector<1x16xf32>
    tpu.vector_store %arg6[%swap3A_598, %swap3A_599], %swap3A_602 {strides = array<i32>} : memref<128x128xf32, #tpu.memory_space<vmem>>, vector<1x16xf32>,
    %swap3A_603 = arith.constant 12 : i32
    %swap3A_604 = arith.index_cast %swap3A_603 : i32 to index
    %swap3A_605 = arith.constant 48 : index
    %swap3A_606 = tpu.vector_load %arg6[%swap3A_604, %swap3A_605] {strides = array<i32>} : memref<128x128xf32, #tpu.memory_space<vmem>>, vector<1x16xf32>,
    %swap3A_607 = vector.shape_cast %swap3A_606 : vector<1x16xf32> to vector<16xf32>
    %swap3A_608 = vector.shape_cast %broadcast_in_dim3A_9 : vector<16xf32> to vector<1x16xf32>
    tpu.vector_store %arg6[%swap3A_604, %swap3A_605], %swap3A_608 {strides = array<i32>} : memref<128x128xf32, #tpu.memory_space<vmem>>, vector<1x16xf32>,
    %swap3A_609 = arith.constant 12 : i32
    %swap3A_610 = arith.index_cast %swap3A_609 : i32 to index
    %swap3A_611 = arith.constant 64 : index
    %swap3A_612 = tpu.vector_load %arg6[%swap3A_610, %swap3A_611] {strides = array<i32>} : memref<128x128xf32, #tpu.memory_space<vmem>>, vector<1x16xf32>,
    %swap3A_613 = vector.shape_cast %swap3A_612 : vector<1x16xf32> to vector<16xf32>
    %swap3A_614 = vector.shape_cast %broadcast_in_dim3A_9 : vector<16xf32> to vector<1x16xf32>
    tpu.vector_store %arg6[%swap3A_610, %swap3A_611], %swap3A_614 {strides = array<i32>} : memref<128x128xf32, #tpu.memory_space<vmem>>, vector<1x16xf32>,
    %swap3A_615 = arith.constant 12 : i32
    %swap3A_616 = arith.index_cast %swap3A_615 : i32 to index
    %swap3A_617 = arith.constant 80 : index
    %swap3A_618 = tpu.vector_load %arg6[%swap3A_616, %swap3A_617] {strides = array<i32>} : memref<128x128xf32, #tpu.memory_space<vmem>>, vector<1x16xf32>,
    %swap3A_619 = vector.shape_cast %swap3A_618 : vector<1x16xf32> to vector<16xf32>
    %swap3A_620 = vector.shape_cast %broadcast_in_dim3A_9 : vector<16xf32> to vector<1x16xf32>
    tpu.vector_store %arg6[%swap3A_616, %swap3A_617], %swap3A_620 {strides = array<i32>} : memref<128x128xf32, #tpu.memory_space<vmem>>, vector<1x16xf32>,
    %swap3A_621 = arith.constant 12 : i32
    %swap3A_622 = arith.index_cast %swap3A_621 : i32 to index
    %swap3A_623 = arith.constant 96 : index
    %swap3A_624 = tpu.vector_load %arg6[%swap3A_622, %swap3A_623] {strides = array<i32>} : memref<128x128xf32, #tpu.memory_space<vmem>>, vector<1x16xf32>,
    %swap3A_625 = vector.shape_cast %swap3A_624 : vector<1x16xf32> to vector<16xf32>
    %swap3A_626 = vector.shape_cast %broadcast_in_dim3A_9 : vector<16xf32> to vector<1x16xf32>
    tpu.vector_store %arg6[%swap3A_622, %swap3A_623], %swap3A_626 {strides = array<i32>} : memref<128x128xf32, #tpu.memory_space<vmem>>, vector<1x16xf32>,
    %swap3A_627 = arith.constant 12 : i32
    %swap3A_628 = arith.index_cast %swap3A_627 : i32 to index
    %swap3A_629 = arith.constant 112 : index
    %swap3A_630 = tpu.vector_load %arg6[%swap3A_628, %swap3A_629] {strides = array<i32>} : memref<128x128xf32, #tpu.memory_space<vmem>>, vector<1x16xf32>,
    %swap3A_631 = vector.shape_cast %swap3A_630 : vector<1x16xf32> to vector<16xf32>
    %swap3A_632 = vector.shape_cast %broadcast_in_dim3A_9 : vector<16xf32> to vector<1x16xf32>
    tpu.vector_store %arg6[%swap3A_628, %swap3A_629], %swap3A_632 {strides = array<i32>} : memref<128x128xf32, #tpu.memory_space<vmem>>, vector<1x16xf32>,
    %swap3A_633 = arith.constant 13 : i32
    %swap3A_634 = arith.index_cast %swap3A_633 : i32 to index
    %swap3A_635 = arith.constant 0 : index
    %swap3A_636 = tpu.vector_load %arg6[%swap3A_634, %swap3A_635] {strides = array<i32>} : memref<128x128xf32, #tpu.memory_space<vmem>>, vector<1x16xf32>,
    %swap3A_637 = vector.shape_cast %swap3A_636 : vector<1x16xf32> to vector<16xf32>
    %swap3A_638 = vector.shape_cast %broadcast_in_dim3A_9 : vector<16xf32> to vector<1x16xf32>
    tpu.vector_store %arg6[%swap3A_634, %swap3A_635], %swap3A_638 {strides = array<i32>} : memref<128x128xf32, #tpu.memory_space<vmem>>, vector<1x16xf32>,
    %swap3A_639 = arith.constant 13 : i32
    %swap3A_640 = arith.index_cast %swap3A_639 : i32 to index
    %swap3A_641 = arith.constant 16 : index
    %swap3A_642 = tpu.vector_load %arg6[%swap3A_640, %swap3A_641] {strides = array<i32>} : memref<128x128xf32, #tpu.memory_space<vmem>>, vector<1x16xf32>,
    %swap3A_643 = vector.shape_cast %swap3A_642 : vector<1x16xf32> to vector<16xf32>
    %swap3A_644 = vector.shape_cast %broadcast_in_dim3A_9 : vector<16xf32> to vector<1x16xf32>
    tpu.vector_store %arg6[%swap3A_640, %swap3A_641], %swap3A_644 {strides = array<i32>} : memref<128x128xf32, #tpu.memory_space<vmem>>, vector<1x16xf32>,
    %swap3A_645 = arith.constant 13 : i32
    %swap3A_646 = arith.index_cast %swap3A_645 : i32 to index
    %swap3A_647 = arith.constant 32 : index
    %swap3A_648 = tpu.vector_load %arg6[%swap3A_646, %swap3A_647] {strides = array<i32>} : memref<128x128xf32, #tpu.memory_space<vmem>>, vector<1x16xf32>,
    %swap3A_649 = vector.shape_cast %swap3A_648 : vector<1x16xf32> to vector<16xf32>
    %swap3A_650 = vector.shape_cast %broadcast_in_dim3A_9 : vector<16xf32> to vector<1x16xf32>
    tpu.vector_store %arg6[%swap3A_646, %swap3A_647], %swap3A_650 {strides = array<i32>} : memref<128x128xf32, #tpu.memory_space<vmem>>, vector<1x16xf32>,
    %swap3A_651 = arith.constant 13 : i32
    %swap3A_652 = arith.index_cast %swap3A_651 : i32 to index
    %swap3A_653 = arith.constant 48 : index
    %swap3A_654 = tpu.vector_load %arg6[%swap3A_652, %swap3A_653] {strides = array<i32>} : memref<128x128xf32, #tpu.memory_space<vmem>>, vector<1x16xf32>,
    %swap3A_655 = vector.shape_cast %swap3A_654 : vector<1x16xf32> to vector<16xf32>
    %swap3A_656 = vector.shape_cast %broadcast_in_dim3A_9 : vector<16xf32> to vector<1x16xf32>
    tpu.vector_store %arg6[%swap3A_652, %swap3A_653], %swap3A_656 {strides = array<i32>} : memref<128x128xf32, #tpu.memory_space<vmem>>, vector<1x16xf32>,
    %swap3A_657 = arith.constant 13 : i32
    %swap3A_658 = arith.index_cast %swap3A_657 : i32 to index
    %swap3A_659 = arith.constant 64 : index
    %swap3A_660 = tpu.vector_load %arg6[%swap3A_658, %swap3A_659] {strides = array<i32>} : memref<128x128xf32, #tpu.memory_space<vmem>>, vector<1x16xf32>,
    %swap3A_661 = vector.shape_cast %swap3A_660 : vector<1x16xf32> to vector<16xf32>
    %swap3A_662 = vector.shape_cast %broadcast_in_dim3A_9 : vector<16xf32> to vector<1x16xf32>
    tpu.vector_store %arg6[%swap3A_658, %swap3A_659], %swap3A_662 {strides = array<i32>} : memref<128x128xf32, #tpu.memory_space<vmem>>, vector<1x16xf32>,
    %swap3A_663 = arith.constant 13 : i32
    %swap3A_664 = arith.index_cast %swap3A_663 : i32 to index
    %swap3A_665 = arith.constant 80 : index
    %swap3A_666 = tpu.vector_load %arg6[%swap3A_664, %swap3A_665] {strides = array<i32>} : memref<128x128xf32, #tpu.memory_space<vmem>>, vector<1x16xf32>,
    %swap3A_667 = vector.shape_cast %swap3A_666 : vector<1x16xf32> to vector<16xf32>
    %swap3A_668 = vector.shape_cast %broadcast_in_dim3A_9 : vector<16xf32> to vector<1x16xf32>
    tpu.vector_store %arg6[%swap3A_664, %swap3A_665], %swap3A_668 {strides = array<i32>} : memref<128x128xf32, #tpu.memory_space<vmem>>, vector<1x16xf32>,
    %swap3A_669 = arith.constant 13 : i32
    %swap3A_670 = arith.index_cast %swap3A_669 : i32 to index
    %swap3A_671 = arith.constant 96 : index
    %swap3A_672 = tpu.vector_load %arg6[%swap3A_670, %swap3A_671] {strides = array<i32>} : memref<128x128xf32, #tpu.memory_space<vmem>>, vector<1x16xf32>,
    %swap3A_673 = vector.shape_cast %swap3A_672 : vector<1x16xf32> to vector<16xf32>
    %swap3A_674 = vector.shape_cast %broadcast_in_dim3A_9 : vector<16xf32> to vector<1x16xf32>
    tpu.vector_store %arg6[%swap3A_670, %swap3A_671], %swap3A_674 {strides = array<i32>} : memref<128x128xf32, #tpu.memory_space<vmem>>, vector<1x16xf32>,
    %swap3A_675 = arith.constant 13 : i32
    %swap3A_676 = arith.index_cast %swap3A_675 : i32 to index
    %swap3A_677 = arith.constant 112 : index
    %swap3A_678 = tpu.vector_load %arg6[%swap3A_676, %swap3A_677] {strides = array<i32>} : memref<128x128xf32, #tpu.memory_space<vmem>>, vector<1x16xf32>,
    %swap3A_679 = vector.shape_cast %swap3A_678 : vector<1x16xf32> to vector<16xf32>
    %swap3A_680 = vector.shape_cast %broadcast_in_dim3A_9 : vector<16xf32> to vector<1x16xf32>
    tpu.vector_store %arg6[%swap3A_676, %swap3A_677], %swap3A_680 {strides = array<i32>} : memref<128x128xf32, #tpu.memory_space<vmem>>, vector<1x16xf32>,
    %swap3A_681 = arith.constant 14 : i32
    %swap3A_682 = arith.index_cast %swap3A_681 : i32 to index
    %swap3A_683 = arith.constant 0 : index
    %swap3A_684 = tpu.vector_load %arg6[%swap3A_682, %swap3A_683] {strides = array<i32>} : memref<128x128xf32, #tpu.memory_space<vmem>>, vector<1x16xf32>,
    %swap3A_685 = vector.shape_cast %swap3A_684 : vector<1x16xf32> to vector<16xf32>
    %swap3A_686 = vector.shape_cast %broadcast_in_dim3A_9 : vector<16xf32> to vector<1x16xf32>
    tpu.vector_store %arg6[%swap3A_682, %swap3A_683], %swap3A_686 {strides = array<i32>} : memref<128x128xf32, #tpu.memory_space<vmem>>, vector<1x16xf32>,
    %swap3A_687 = arith.constant 14 : i32
    %swap3A_688 = arith.index_cast %swap3A_687 : i32 to index
    %swap3A_689 = arith.constant 16 : index
    %swap3A_690 = tpu.vector_load %arg6[%swap3A_688, %swap3A_689] {strides = array<i32>} : memref<128x128xf32, #tpu.memory_space<vmem>>, vector<1x16xf32>,
    %swap3A_691 = vector.shape_cast %swap3A_690 : vector<1x16xf32> to vector<16xf32>
    %swap3A_692 = vector.shape_cast %broadcast_in_dim3A_9 : vector<16xf32> to vector<1x16xf32>
    tpu.vector_store %arg6[%swap3A_688, %swap3A_689], %swap3A_692 {strides = array<i32>} : memref<128x128xf32, #tpu.memory_space<vmem>>, vector<1x16xf32>,
    %swap3A_693 = arith.constant 14 : i32
    %swap3A_694 = arith.index_cast %swap3A_693 : i32 to index
    %swap3A_695 = arith.constant 32 : index
    %swap3A_696 = tpu.vector_load %arg6[%swap3A_694, %swap3A_695] {strides = array<i32>} : memref<128x128xf32, #tpu.memory_space<vmem>>, vector<1x16xf32>,
    %swap3A_697 = vector.shape_cast %swap3A_696 : vector<1x16xf32> to vector<16xf32>
    %swap3A_698 = vector.shape_cast %broadcast_in_dim3A_9 : vector<16xf32> to vector<1x16xf32>
    tpu.vector_store %arg6[%swap3A_694, %swap3A_695], %swap3A_698 {strides = array<i32>} : memref<128x128xf32, #tpu.memory_space<vmem>>, vector<1x16xf32>,
    %swap3A_699 = arith.constant 14 : i32
    %swap3A_700 = arith.index_cast %swap3A_699 : i32 to index
    %swap3A_701 = arith.constant 48 : index
    %swap3A_702 = tpu.vector_load %arg6[%swap3A_700, %swap3A_701] {strides = array<i32>} : memref<128x128xf32, #tpu.memory_space<vmem>>, vector<1x16xf32>,
    %swap3A_703 = vector.shape_cast %swap3A_702 : vector<1x16xf32> to vector<16xf32>
    %swap3A_704 = vector.shape_cast %broadcast_in_dim3A_9 : vector<16xf32> to vector<1x16xf32>
    tpu.vector_store %arg6[%swap3A_700, %swap3A_701], %swap3A_704 {strides = array<i32>} : memref<128x128xf32, #tpu.memory_space<vmem>>, vector<1x16xf32>,
    %swap3A_705 = arith.constant 14 : i32
    %swap3A_706 = arith.index_cast %swap3A_705 : i32 to index
    %swap3A_707 = arith.constant 64 : index
    %swap3A_708 = tpu.vector_load %arg6[%swap3A_706, %swap3A_707] {strides = array<i32>} : memref<128x128xf32, #tpu.memory_space<vmem>>, vector<1x16xf32>,
    %swap3A_709 = vector.shape_cast %swap3A_708 : vector<1x16xf32> to vector<16xf32>
    %swap3A_710 = vector.shape_cast %broadcast_in_dim3A_9 : vector<16xf32> to vector<1x16xf32>
    tpu.vector_store %arg6[%swap3A_706, %swap3A_707], %swap3A_710 {strides = array<i32>} : memref<128x128xf32, #tpu.memory_space<vmem>>, vector<1x16xf32>,
    %swap3A_711 = arith.constant 14 : i32
    %swap3A_712 = arith.index_cast %swap3A_711 : i32 to index
    %swap3A_713 = arith.constant 80 : index
    %swap3A_714 = tpu.vector_load %arg6[%swap3A_712, %swap3A_713] {strides = array<i32>} : memref<128x128xf32, #tpu.memory_space<vmem>>, vector<1x16xf32>,
    %swap3A_715 = vector.shape_cast %swap3A_714 : vector<1x16xf32> to vector<16xf32>
    %swap3A_716 = vector.shape_cast %broadcast_in_dim3A_9 : vector<16xf32> to vector<1x16xf32>
    tpu.vector_store %arg6[%swap3A_712, %swap3A_713], %swap3A_716 {strides = array<i32>} : memref<128x128xf32, #tpu.memory_space<vmem>>, vector<1x16xf32>,
    %swap3A_717 = arith.constant 14 : i32
    %swap3A_718 = arith.index_cast %swap3A_717 : i32 to index
    %swap3A_719 = arith.constant 96 : index
    %swap3A_720 = tpu.vector_load %arg6[%swap3A_718, %swap3A_719] {strides = array<i32>} : memref<128x128xf32, #tpu.memory_space<vmem>>, vector<1x16xf32>,
    %swap3A_721 = vector.shape_cast %swap3A_720 : vector<1x16xf32> to vector<16xf32>
    %swap3A_722 = vector.shape_cast %broadcast_in_dim3A_9 : vector<16xf32> to vector<1x16xf32>
    tpu.vector_store %arg6[%swap3A_718, %swap3A_719], %swap3A_722 {strides = array<i32>} : memref<128x128xf32, #tpu.memory_space<vmem>>, vector<1x16xf32>,
    %swap3A_723 = arith.constant 14 : i32
    %swap3A_724 = arith.index_cast %swap3A_723 : i32 to index
    %swap3A_725 = arith.constant 112 : index
    %swap3A_726 = tpu.vector_load %arg6[%swap3A_724, %swap3A_725] {strides = array<i32>} : memref<128x128xf32, #tpu.memory_space<vmem>>, vector<1x16xf32>,
    %swap3A_727 = vector.shape_cast %swap3A_726 : vector<1x16xf32> to vector<16xf32>
    %swap3A_728 = vector.shape_cast %broadcast_in_dim3A_9 : vector<16xf32> to vector<1x16xf32>
    tpu.vector_store %arg6[%swap3A_724, %swap3A_725], %swap3A_728 {strides = array<i32>} : memref<128x128xf32, #tpu.memory_space<vmem>>, vector<1x16xf32>,
    %swap3A_729 = arith.constant 15 : i32
    %swap3A_730 = arith.index_cast %swap3A_729 : i32 to index
    %swap3A_731 = arith.constant 0 : index
    %swap3A_732 = tpu.vector_load %arg6[%swap3A_730, %swap3A_731] {strides = array<i32>} : memref<128x128xf32, #tpu.memory_space<vmem>>, vector<1x16xf32>,
    %swap3A_733 = vector.shape_cast %swap3A_732 : vector<1x16xf32> to vector<16xf32>
    %swap3A_734 = vector.shape_cast %broadcast_in_dim3A_9 : vector<16xf32> to vector<1x16xf32>
    tpu.vector_store %arg6[%swap3A_730, %swap3A_731], %swap3A_734 {strides = array<i32>} : memref<128x128xf32, #tpu.memory_space<vmem>>, vector<1x16xf32>,
    %swap3A_735 = arith.constant 15 : i32
    %swap3A_736 = arith.index_cast %swap3A_735 : i32 to index
    %swap3A_737 = arith.constant 16 : index
    %swap3A_738 = tpu.vector_load %arg6[%swap3A_736, %swap3A_737] {strides = array<i32>} : memref<128x128xf32, #tpu.memory_space<vmem>>, vector<1x16xf32>,
    %swap3A_739 = vector.shape_cast %swap3A_738 : vector<1x16xf32> to vector<16xf32>
    %swap3A_740 = vector.shape_cast %broadcast_in_dim3A_9 : vector<16xf32> to vector<1x16xf32>
    tpu.vector_store %arg6[%swap3A_736, %swap3A_737], %swap3A_740 {strides = array<i32>} : memref<128x128xf32, #tpu.memory_space<vmem>>, vector<1x16xf32>,
    %swap3A_741 = arith.constant 15 : i32
    %swap3A_742 = arith.index_cast %swap3A_741 : i32 to index
    %swap3A_743 = arith.constant 32 : index
    %swap3A_744 = tpu.vector_load %arg6[%swap3A_742, %swap3A_743] {strides = array<i32>} : memref<128x128xf32, #tpu.memory_space<vmem>>, vector<1x16xf32>,
    %swap3A_745 = vector.shape_cast %swap3A_744 : vector<1x16xf32> to vector<16xf32>
    %swap3A_746 = vector.shape_cast %broadcast_in_dim3A_9 : vector<16xf32> to vector<1x16xf32>
    tpu.vector_store %arg6[%swap3A_742, %swap3A_743], %swap3A_746 {strides = array<i32>} : memref<128x128xf32, #tpu.memory_space<vmem>>, vector<1x16xf32>,
    %swap3A_747 = arith.constant 15 : i32
    %swap3A_748 = arith.index_cast %swap3A_747 : i32 to index
    %swap3A_749 = arith.constant 48 : index
    %swap3A_750 = tpu.vector_load %arg6[%swap3A_748, %swap3A_749] {strides = array<i32>} : memref<128x128xf32, #tpu.memory_space<vmem>>, vector<1x16xf32>,
    %swap3A_751 = vector.shape_cast %swap3A_750 : vector<1x16xf32> to vector<16xf32>
    %swap3A_752 = vector.shape_cast %broadcast_in_dim3A_9 : vector<16xf32> to vector<1x16xf32>
    tpu.vector_store %arg6[%swap3A_748, %swap3A_749], %swap3A_752 {strides = array<i32>} : memref<128x128xf32, #tpu.memory_space<vmem>>, vector<1x16xf32>,
    %swap3A_753 = arith.constant 15 : i32
    %swap3A_754 = arith.index_cast %swap3A_753 : i32 to index
    %swap3A_755 = arith.constant 64 : index
    %swap3A_756 = tpu.vector_load %arg6[%swap3A_754, %swap3A_755] {strides = array<i32>} : memref<128x128xf32, #tpu.memory_space<vmem>>, vector<1x16xf32>,
    %swap3A_757 = vector.shape_cast %swap3A_756 : vector<1x16xf32> to vector<16xf32>
    %swap3A_758 = vector.shape_cast %broadcast_in_dim3A_9 : vector<16xf32> to vector<1x16xf32>
    tpu.vector_store %arg6[%swap3A_754, %swap3A_755], %swap3A_758 {strides = array<i32>} : memref<128x128xf32, #tpu.memory_space<vmem>>, vector<1x16xf32>,
    %swap3A_759 = arith.constant 15 : i32
    %swap3A_760 = arith.index_cast %swap3A_759 : i32 to index
    %swap3A_761 = arith.constant 80 : index
    %swap3A_762 = tpu.vector_load %arg6[%swap3A_760, %swap3A_761] {strides = array<i32>} : memref<128x128xf32, #tpu.memory_space<vmem>>, vector<1x16xf32>,
    %swap3A_763 = vector.shape_cast %swap3A_762 : vector<1x16xf32> to vector<16xf32>
    %swap3A_764 = vector.shape_cast %broadcast_in_dim3A_9 : vector<16xf32> to vector<1x16xf32>
    tpu.vector_store %arg6[%swap3A_760, %swap3A_761], %swap3A_764 {strides = array<i32>} : memref<128x128xf32, #tpu.memory_space<vmem>>, vector<1x16xf32>,
    %swap3A_765 = arith.constant 15 : i32
    %swap3A_766 = arith.index_cast %swap3A_765 : i32 to index
    %swap3A_767 = arith.constant 96 : index
    %swap3A_768 = tpu.vector_load %arg6[%swap3A_766, %swap3A_767] {strides = array<i32>} : memref<128x128xf32, #tpu.memory_space<vmem>>, vector<1x16xf32>,
    %swap3A_769 = vector.shape_cast %swap3A_768 : vector<1x16xf32> to vector<16xf32>
    %swap3A_770 = vector.shape_cast %broadcast_in_dim3A_9 : vector<16xf32> to vector<1x16xf32>
    tpu.vector_store %arg6[%swap3A_766, %swap3A_767], %swap3A_770 {strides = array<i32>} : memref<128x128xf32, #tpu.memory_space<vmem>>, vector<1x16xf32>,
    %swap3A_771 = arith.constant 15 : i32
    %swap3A_772 = arith.index_cast %swap3A_771 : i32 to index
    %swap3A_773 = arith.constant 112 : index
    %swap3A_774 = tpu.vector_load %arg6[%swap3A_772, %swap3A_773] {strides = array<i32>} : memref<128x128xf32, #tpu.memory_space<vmem>>, vector<1x16xf32>,
    %swap3A_775 = vector.shape_cast %swap3A_774 : vector<1x16xf32> to vector<16xf32>
    %swap3A_776 = vector.shape_cast %broadcast_in_dim3A_9 : vector<16xf32> to vector<1x16xf32>
    tpu.vector_store %arg6[%swap3A_772, %swap3A_773], %swap3A_776 {strides = array<i32>} : memref<128x128xf32, #tpu.memory_space<vmem>>, vector<1x16xf32>,
    %scan3A = arith.constant 0 : i32
    %scan3A_777 = arith.constant 0 : i32
    %scan3A_778 = arith.constant 40 : i32
    %scan3A_779 = arith.addi %scan3A_777, %scan3A_778 : i32
    %scan3A_780 = arith.constant 1 : i32
    %scan3A_781 = scf.for %scan3A_807 = %scan3A_777 to %scan3A_779 step %scan3A_780 iter_args(%scan3A_808 = %scan3A) -> (i32)  : i32 {
      %mul3A_809 = arith.constant 640 : i32
      %mul3A_810 = arith.muli %arg1, %mul3A_809 : i32
      %mul3A_811 = arith.constant 16 : i32
      %mul3A_812 = arith.muli %scan3A_807, %mul3A_811 : i32
      %add3A_813 = arith.addi %mul3A_810, %mul3A_812 : i32
      "tpu.region"() ({
        %run_scoped3A = tpu.sem_alloc : memref<!tpu.dma_semaphore, #tpu.memory_space<semaphore_mem>>
        %dma_start3A = arith.constant 0 : i32
        %dma_start3A_815 = arith.constant 0 : i32
        %dma_start3A_816 = tpu.memref_slice %arg6[%dma_start3A, %dma_start3A_815] : memref<128x128xf32, #tpu.memory_space<vmem>> -> memref<16x128xf32, #tpu.memory_space<vmem>>
        %dma_start3A_817 = arith.constant 0 : i32
        %dma_start3A_818 = tpu.memref_slice %arg14[%add3A_813, %dma_start3A_817] : memref<10240x128xf32, #tpu.memory_space<vmem_shared>> -> memref<16x128xf32, #tpu.memory_space<vmem_shared>>
        %dma_start3A_819 = arith.constant 0 : i32
        %dma_start3A_820 = tpu.memref_slice %arg14[%add3A_813, %dma_start3A_819] : memref<10240x128xf32, #tpu.memory_space<vmem_shared>> -> memref<16x128xf32, #tpu.memory_space<vmem_shared>>
        %dma_start3A_821 = arith.constant 0 : i32
        %dma_start3A_822 = arith.constant 0 : i32
        %dma_start3A_823 = tpu.memref_slice %arg6[%dma_start3A_821, %dma_start3A_822] : memref<128x128xf32, #tpu.memory_space<vmem>> -> memref<16x128xf32, #tpu.memory_space<vmem>>
        tpu.enqueue_dma source(%dma_start3A_823 : memref<16x128xf32, #tpu.memory_space<vmem>>) target(%dma_start3A_820 : memref<16x128xf32, #tpu.memory_space<vmem_shared>>) target_semaphore(%run_scoped3A : memref<!tpu.dma_semaphore, #tpu.memory_space<semaphore_mem>>)
        %dma_wait3A = arith.constant 0 : i32
        %dma_wait3A_824 = arith.constant 0 : i32
        %dma_wait3A_825 = tpu.memref_slice %arg6[%dma_wait3A, %dma_wait3A_824] : memref<128x128xf32, #tpu.memory_space<vmem>> -> memref<16x128xf32, #tpu.memory_space<vmem>>
        %dma_wait3A_826 = arith.constant 0 : i32
        %dma_wait3A_827 = tpu.memref_slice %arg14[%add3A_813, %dma_wait3A_826] : memref<10240x128xf32, #tpu.memory_space<vmem_shared>> -> memref<16x128xf32, #tpu.memory_space<vmem_shared>>
        %dma_wait3A_828 = arith.constant 0 : i32
        %dma_wait3A_829 = tpu.memref_slice %arg14[%add3A_813, %dma_wait3A_828] : memref<10240x128xf32, #tpu.memory_space<vmem_shared>> -> memref<16x128xf32, #tpu.memory_space<vmem_shared>>
        %dma_wait3A_830 = arith.constant 0 : i32
        %dma_wait3A_831 = arith.constant 0 : i32
        %dma_wait3A_832 = tpu.memref_slice %arg6[%dma_wait3A_830, %dma_wait3A_831] : memref<128x128xf32, #tpu.memory_space<vmem>> -> memref<16x128xf32, #tpu.memory_space<vmem>>
        tpu.wait_dma2 semaphore(%run_scoped3A : memref<!tpu.dma_semaphore, #tpu.memory_space<semaphore_mem>>) src(%dma_wait3A_832 : memref<16x128xf32, #tpu.memory_space<vmem>>) dst(%dma_wait3A_829 : memref<16x128xf32, #tpu.memory_space<vmem_shared>>)
        tpu.yield
      }) : () -> ()
      %scan3A_814 = arith.constant 0 : i32
      scf.yield %scan3A_814 : i32
    }
    %scan3A_782 = arith.constant 40 : i32
    %gt3A = arith.constant 0 : i32
    %gt3A_783 = arith.cmpi sgt, %select_n3A, %gt3A : i32
    %convert_element_type3A = arith.extui %gt3A_783 : i1 to i32
    %cond3A = arith.constant 0 : i32
    %cond3A_784 = arith.cmpi ne, %convert_element_type3A, %cond3A : i32
    scf.if %cond3A_784 {
      %add3A_807 = arith.constant 0 : i32
      %add3A_808 = arith.addi %select_n3A_8, %add3A_807 : i32
      %dma_start3A = arith.constant 0 : i32
      %dma_start3A_809 = arith.constant 0 : i32
      %dma_start3A_810 = arith.constant 0 : i32
      %dma_start3A_811 = arith.constant 0 : i32
      %dma_start3A_812 = tpu.memref_slice %arg5[%dma_start3A_809, %dma_start3A_810, %dma_start3A_811] : memref<4x2x128xi32, #tpu.memory_space<vmem>> -> memref<1x1x128xi32, #tpu.memory_space<vmem>>
      %dma_start3A_813 = tpu.memref_squeeze %dma_start3A_812 : memref<1x1x128xi32, #tpu.memory_space<vmem>> -> memref<128xi32, #tpu.memory_space<vmem>>
      %dma_start3A_814 = arith.constant 0 : i32
      %dma_start3A_815 = tpu.memref_slice %arg3[%dma_start3A, %add3A_808, %dma_start3A_814] : memref<2x2560x128xi32, #tpu.memory_space<hbm>> -> memref<1x1x128xi32, #tpu.memory_space<hbm>>
      %dma_start3A_816 = tpu.memref_squeeze %dma_start3A_815 : memref<1x1x128xi32, #tpu.memory_space<hbm>> -> memref<128xi32, #tpu.memory_space<hbm>>
      %dma_start3A_817 = arith.constant 0 : i32
      %dma_start3A_818 = tpu.memref_slice %arg5[%dma_start3A_809, %dma_start3A_810, %dma_start3A_817] : memref<4x2x128xi32, #tpu.memory_space<vmem>> -> memref<1x1x128xi32, #tpu.memory_space<vmem>>
      %dma_start3A_819 = tpu.memref_squeeze %dma_start3A_818 : memref<1x1x128xi32, #tpu.memory_space<vmem>> -> memref<128xi32, #tpu.memory_space<vmem>>
      %dma_start3A_820 = arith.constant 0 : i32
      %dma_start3A_821 = tpu.memref_slice %arg3[%dma_start3A, %add3A_808, %dma_start3A_820] : memref<2x2560x128xi32, #tpu.memory_space<hbm>> -> memref<1x1x128xi32, #tpu.memory_space<hbm>>
      %dma_start3A_822 = tpu.memref_squeeze %dma_start3A_821 : memref<1x1x128xi32, #tpu.memory_space<hbm>> -> memref<128xi32, #tpu.memory_space<hbm>>
      tpu.enqueue_dma source(%dma_start3A_822 : memref<128xi32, #tpu.memory_space<hbm>>) target(%dma_start3A_819 : memref<128xi32, #tpu.memory_space<vmem>>) target_semaphore(%arg8 : memref<!tpu.dma_semaphore, #tpu.memory_space<semaphore_mem>>)
      %add3A_823 = arith.constant 0 : i32
      %add3A_824 = arith.addi %select_n3A_8, %add3A_823 : i32
      %dma_start3A_825 = arith.constant 1 : i32
      %dma_start3A_826 = arith.constant 0 : i32
      %dma_start3A_827 = arith.constant 1 : i32
      %dma_start3A_828 = arith.constant 0 : i32
      %dma_start3A_829 = tpu.memref_slice %arg5[%dma_start3A_826, %dma_start3A_827, %dma_start3A_828] : memref<4x2x128xi32, #tpu.memory_space<vmem>> -> memref<1x1x128xi32, #tpu.memory_space<vmem>>
      %dma_start3A_830 = tpu.memref_squeeze %dma_start3A_829 : memref<1x1x128xi32, #tpu.memory_space<vmem>> -> memref<128xi32, #tpu.memory_space<vmem>>
      %dma_start3A_831 = arith.constant 0 : i32
      %dma_start3A_832 = tpu.memref_slice %arg3[%dma_start3A_825, %add3A_824, %dma_start3A_831] : memref<2x2560x128xi32, #tpu.memory_space<hbm>> -> memref<1x1x128xi32, #tpu.memory_space<hbm>>
      %dma_start3A_833 = tpu.memref_squeeze %dma_start3A_832 : memref<1x1x128xi32, #tpu.memory_space<hbm>> -> memref<128xi32, #tpu.memory_space<hbm>>
      %dma_start3A_834 = arith.constant 0 : i32
      %dma_start3A_835 = tpu.memref_slice %arg5[%dma_start3A_826, %dma_start3A_827, %dma_start3A_834] : memref<4x2x128xi32, #tpu.memory_space<vmem>> -> memref<1x1x128xi32, #tpu.memory_space<vmem>>
      %dma_start3A_836 = tpu.memref_squeeze %dma_start3A_835 : memref<1x1x128xi32, #tpu.memory_space<vmem>> -> memref<128xi32, #tpu.memory_space<vmem>>
      %dma_start3A_837 = arith.constant 0 : i32
      %dma_start3A_838 = tpu.memref_slice %arg3[%dma_start3A_825, %add3A_824, %dma_start3A_837] : memref<2x2560x128xi32, #tpu.memory_space<hbm>> -> memref<1x1x128xi32, #tpu.memory_space<hbm>>
      %dma_start3A_839 = tpu.memref_squeeze %dma_start3A_838 : memref<1x1x128xi32, #tpu.memory_space<hbm>> -> memref<128xi32, #tpu.memory_space<hbm>>
      tpu.enqueue_dma source(%dma_start3A_839 : memref<128xi32, #tpu.memory_space<hbm>>) target(%dma_start3A_836 : memref<128xi32, #tpu.memory_space<vmem>>) target_semaphore(%arg8 : memref<!tpu.dma_semaphore, #tpu.memory_space<semaphore_mem>>)
    } else {
    }
    %gt3A_785 = arith.constant 1 : i32
    %gt3A_786 = arith.cmpi sgt, %select_n3A, %gt3A_785 : i32
    %convert_element_type3A_787 = arith.extui %gt3A_786 : i1 to i32
    %cond3A_788 = arith.constant 0 : i32
    %cond3A_789 = arith.cmpi ne, %convert_element_type3A_787, %cond3A_788 : i32
    scf.if %cond3A_789 {
      %add3A_807 = arith.constant 1 : i32
      %add3A_808 = arith.addi %select_n3A_8, %add3A_807 : i32
      %dma_start3A = arith.constant 0 : i32
      %dma_start3A_809 = arith.constant 1 : i32
      %dma_start3A_810 = arith.constant 0 : i32
      %dma_start3A_811 = arith.constant 0 : i32
      %dma_start3A_812 = tpu.memref_slice %arg5[%dma_start3A_809, %dma_start3A_810, %dma_start3A_811] : memref<4x2x128xi32, #tpu.memory_space<vmem>> -> memref<1x1x128xi32, #tpu.memory_space<vmem>>
      %dma_start3A_813 = tpu.memref_squeeze %dma_start3A_812 : memref<1x1x128xi32, #tpu.memory_space<vmem>> -> memref<128xi32, #tpu.memory_space<vmem>>
      %dma_start3A_814 = arith.constant 0 : i32
      %dma_start3A_815 = tpu.memref_slice %arg3[%dma_start3A, %add3A_808, %dma_start3A_814] : memref<2x2560x128xi32, #tpu.memory_space<hbm>> -> memref<1x1x128xi32, #tpu.memory_space<hbm>>
      %dma_start3A_816 = tpu.memref_squeeze %dma_start3A_815 : memref<1x1x128xi32, #tpu.memory_space<hbm>> -> memref<128xi32, #tpu.memory_space<hbm>>
      %dma_start3A_817 = arith.constant 0 : i32
      %dma_start3A_818 = tpu.memref_slice %arg5[%dma_start3A_809, %dma_start3A_810, %dma_start3A_817] : memref<4x2x128xi32, #tpu.memory_space<vmem>> -> memref<1x1x128xi32, #tpu.memory_space<vmem>>
      %dma_start3A_819 = tpu.memref_squeeze %dma_start3A_818 : memref<1x1x128xi32, #tpu.memory_space<vmem>> -> memref<128xi32, #tpu.memory_space<vmem>>
      %dma_start3A_820 = arith.constant 0 : i32
      %dma_start3A_821 = tpu.memref_slice %arg3[%dma_start3A, %add3A_808, %dma_start3A_820] : memref<2x2560x128xi32, #tpu.memory_space<hbm>> -> memref<1x1x128xi32, #tpu.memory_space<hbm>>
      %dma_start3A_822 = tpu.memref_squeeze %dma_start3A_821 : memref<1x1x128xi32, #tpu.memory_space<hbm>> -> memref<128xi32, #tpu.memory_space<hbm>>
      tpu.enqueue_dma source(%dma_start3A_822 : memref<128xi32, #tpu.memory_space<hbm>>) target(%dma_start3A_819 : memref<128xi32, #tpu.memory_space<vmem>>) target_semaphore(%arg9 : memref<!tpu.dma_semaphore, #tpu.memory_space<semaphore_mem>>)
      %add3A_823 = arith.constant 1 : i32
      %add3A_824 = arith.addi %select_n3A_8, %add3A_823 : i32
      %dma_start3A_825 = arith.constant 1 : i32
      %dma_start3A_826 = arith.constant 1 : i32
      %dma_start3A_827 = arith.constant 1 : i32
      %dma_start3A_828 = arith.constant 0 : i32
      %dma_start3A_829 = tpu.memref_slice %arg5[%dma_start3A_826, %dma_start3A_827, %dma_start3A_828] : memref<4x2x128xi32, #tpu.memory_space<vmem>> -> memref<1x1x128xi32, #tpu.memory_space<vmem>>
      %dma_start3A_830 = tpu.memref_squeeze %dma_start3A_829 : memref<1x1x128xi32, #tpu.memory_space<vmem>> -> memref<128xi32, #tpu.memory_space<vmem>>
      %dma_start3A_831 = arith.constant 0 : i32
      %dma_start3A_832 = tpu.memref_slice %arg3[%dma_start3A_825, %add3A_824, %dma_start3A_831] : memref<2x2560x128xi32, #tpu.memory_space<hbm>> -> memref<1x1x128xi32, #tpu.memory_space<hbm>>
      %dma_start3A_833 = tpu.memref_squeeze %dma_start3A_832 : memref<1x1x128xi32, #tpu.memory_space<hbm>> -> memref<128xi32, #tpu.memory_space<hbm>>
      %dma_start3A_834 = arith.constant 0 : i32
      %dma_start3A_835 = tpu.memref_slice %arg5[%dma_start3A_826, %dma_start3A_827, %dma_start3A_834] : memref<4x2x128xi32, #tpu.memory_space<vmem>> -> memref<1x1x128xi32, #tpu.memory_space<vmem>>
      %dma_start3A_836 = tpu.memref_squeeze %dma_start3A_835 : memref<1x1x128xi32, #tpu.memory_space<vmem>> -> memref<128xi32, #tpu.memory_space<vmem>>
      %dma_start3A_837 = arith.constant 0 : i32
      %dma_start3A_838 = tpu.memref_slice %arg3[%dma_start3A_825, %add3A_824, %dma_start3A_837] : memref<2x2560x128xi32, #tpu.memory_space<hbm>> -> memref<1x1x128xi32, #tpu.memory_space<hbm>>
      %dma_start3A_839 = tpu.memref_squeeze %dma_start3A_838 : memref<1x1x128xi32, #tpu.memory_space<hbm>> -> memref<128xi32, #tpu.memory_space<hbm>>
      tpu.enqueue_dma source(%dma_start3A_839 : memref<128xi32, #tpu.memory_space<hbm>>) target(%dma_start3A_836 : memref<128xi32, #tpu.memory_space<vmem>>) target_semaphore(%arg9 : memref<!tpu.dma_semaphore, #tpu.memory_space<semaphore_mem>>)
    } else {
    }
    %gt3A_790 = arith.constant 2 : i32
    %gt3A_791 = arith.cmpi sgt, %select_n3A, %gt3A_790 : i32
    %convert_element_type3A_792 = arith.extui %gt3A_791 : i1 to i32
    %cond3A_793 = arith.constant 0 : i32
    %cond3A_794 = arith.cmpi ne, %convert_element_type3A_792, %cond3A_793 : i32
    scf.if %cond3A_794 {
      %add3A_807 = arith.constant 2 : i32
      %add3A_808 = arith.addi %select_n3A_8, %add3A_807 : i32
      %dma_start3A = arith.constant 0 : i32
      %dma_start3A_809 = arith.constant 2 : i32
      %dma_start3A_810 = arith.constant 0 : i32
      %dma_start3A_811 = arith.constant 0 : i32
      %dma_start3A_812 = tpu.memref_slice %arg5[%dma_start3A_809, %dma_start3A_810, %dma_start3A_811] : memref<4x2x128xi32, #tpu.memory_space<vmem>> -> memref<1x1x128xi32, #tpu.memory_space<vmem>>
      %dma_start3A_813 = tpu.memref_squeeze %dma_start3A_812 : memref<1x1x128xi32, #tpu.memory_space<vmem>> -> memref<128xi32, #tpu.memory_space<vmem>>
      %dma_start3A_814 = arith.constant 0 : i32
      %dma_start3A_815 = tpu.memref_slice %arg3[%dma_start3A, %add3A_808, %dma_start3A_814] : memref<2x2560x128xi32, #tpu.memory_space<hbm>> -> memref<1x1x128xi32, #tpu.memory_space<hbm>>
      %dma_start3A_816 = tpu.memref_squeeze %dma_start3A_815 : memref<1x1x128xi32, #tpu.memory_space<hbm>> -> memref<128xi32, #tpu.memory_space<hbm>>
      %dma_start3A_817 = arith.constant 0 : i32
      %dma_start3A_818 = tpu.memref_slice %arg5[%dma_start3A_809, %dma_start3A_810, %dma_start3A_817] : memref<4x2x128xi32, #tpu.memory_space<vmem>> -> memref<1x1x128xi32, #tpu.memory_space<vmem>>
      %dma_start3A_819 = tpu.memref_squeeze %dma_start3A_818 : memref<1x1x128xi32, #tpu.memory_space<vmem>> -> memref<128xi32, #tpu.memory_space<vmem>>
      %dma_start3A_820 = arith.constant 0 : i32
      %dma_start3A_821 = tpu.memref_slice %arg3[%dma_start3A, %add3A_808, %dma_start3A_820] : memref<2x2560x128xi32, #tpu.memory_space<hbm>> -> memref<1x1x128xi32, #tpu.memory_space<hbm>>
      %dma_start3A_822 = tpu.memref_squeeze %dma_start3A_821 : memref<1x1x128xi32, #tpu.memory_space<hbm>> -> memref<128xi32, #tpu.memory_space<hbm>>
      tpu.enqueue_dma source(%dma_start3A_822 : memref<128xi32, #tpu.memory_space<hbm>>) target(%dma_start3A_819 : memref<128xi32, #tpu.memory_space<vmem>>) target_semaphore(%arg10 : memref<!tpu.dma_semaphore, #tpu.memory_space<semaphore_mem>>)
      %add3A_823 = arith.constant 2 : i32
      %add3A_824 = arith.addi %select_n3A_8, %add3A_823 : i32
      %dma_start3A_825 = arith.constant 1 : i32
      %dma_start3A_826 = arith.constant 2 : i32
      %dma_start3A_827 = arith.constant 1 : i32
      %dma_start3A_828 = arith.constant 0 : i32
      %dma_start3A_829 = tpu.memref_slice %arg5[%dma_start3A_826, %dma_start3A_827, %dma_start3A_828] : memref<4x2x128xi32, #tpu.memory_space<vmem>> -> memref<1x1x128xi32, #tpu.memory_space<vmem>>
      %dma_start3A_830 = tpu.memref_squeeze %dma_start3A_829 : memref<1x1x128xi32, #tpu.memory_space<vmem>> -> memref<128xi32, #tpu.memory_space<vmem>>
      %dma_start3A_831 = arith.constant 0 : i32
      %dma_start3A_832 = tpu.memref_slice %arg3[%dma_start3A_825, %add3A_824, %dma_start3A_831] : memref<2x2560x128xi32, #tpu.memory_space<hbm>> -> memref<1x1x128xi32, #tpu.memory_space<hbm>>
      %dma_start3A_833 = tpu.memref_squeeze %dma_start3A_832 : memref<1x1x128xi32, #tpu.memory_space<hbm>> -> memref<128xi32, #tpu.memory_space<hbm>>
      %dma_start3A_834 = arith.constant 0 : i32
      %dma_start3A_835 = tpu.memref_slice %arg5[%dma_start3A_826, %dma_start3A_827, %dma_start3A_834] : memref<4x2x128xi32, #tpu.memory_space<vmem>> -> memref<1x1x128xi32, #tpu.memory_space<vmem>>
      %dma_start3A_836 = tpu.memref_squeeze %dma_start3A_835 : memref<1x1x128xi32, #tpu.memory_space<vmem>> -> memref<128xi32, #tpu.memory_space<vmem>>
      %dma_start3A_837 = arith.constant 0 : i32
      %dma_start3A_838 = tpu.memref_slice %arg3[%dma_start3A_825, %add3A_824, %dma_start3A_837] : memref<2x2560x128xi32, #tpu.memory_space<hbm>> -> memref<1x1x128xi32, #tpu.memory_space<hbm>>
      %dma_start3A_839 = tpu.memref_squeeze %dma_start3A_838 : memref<1x1x128xi32, #tpu.memory_space<hbm>> -> memref<128xi32, #tpu.memory_space<hbm>>
      tpu.enqueue_dma source(%dma_start3A_839 : memref<128xi32, #tpu.memory_space<hbm>>) target(%dma_start3A_836 : memref<128xi32, #tpu.memory_space<vmem>>) target_semaphore(%arg10 : memref<!tpu.dma_semaphore, #tpu.memory_space<semaphore_mem>>)
    } else {
    }
    %barrier3A = arith.constant 0 : index
    tpu.barrier barrier_id(%barrier3A)
    %scan3A_795 = arith.constant 0 : i32
    %scan3A_796 = arith.constant 0 : i32
    %scan3A_797 = arith.constant 157 : i32
    %scan3A_798 = arith.addi %scan3A_796, %scan3A_797 : i32
    %scan3A_799 = arith.constant 1 : i32
    %scan3A_800 = scf.for %scan3A_807 = %scan3A_796 to %scan3A_798 step %scan3A_799 iter_args(%scan3A_808 = %scan3A_795) -> (i32)  : i32 {
      %lt3A = arith.cmpi slt, %scan3A_807, %select_n3A : i32
      %convert_element_type3A_809 = arith.extui %lt3A : i1 to i32
      %cond3A_810 = arith.constant 0 : i32
      %cond3A_811 = arith.cmpi ne, %convert_element_type3A_809, %cond3A_810 : i32
      scf.if %cond3A_811 {
        %rem3A = arith.constant 4 : i32
        %rem3A_827 = arith.remsi %scan3A_807, %rem3A : i32
        %eq3A_828 = arith.constant 0 : i32
        %eq3A_829 = arith.cmpi eq, %rem3A_827, %eq3A_828 : i32
        %convert_element_type3A_830 = arith.extui %eq3A_829 : i1 to i32
        %cond3A_831 = arith.constant 0 : i32
        %cond3A_832 = arith.cmpi ne, %convert_element_type3A_830, %cond3A_831 : i32
        scf.if %cond3A_832 {
          %add3A_862 = arith.addi %select_n3A_8, %scan3A_807 : i32
          %dma_wait3A = arith.constant 0 : i32
          %dma_wait3A_863 = arith.constant 0 : i32
          %dma_wait3A_864 = arith.constant 0 : i32
          %dma_wait3A_865 = arith.constant 0 : i32
          %dma_wait3A_866 = tpu.memref_slice %arg5[%dma_wait3A_863, %dma_wait3A_864, %dma_wait3A_865] : memref<4x2x128xi32, #tpu.memory_space<vmem>> -> memref<1x1x128xi32, #tpu.memory_space<vmem>>
          %dma_wait3A_867 = tpu.memref_squeeze %dma_wait3A_866 : memref<1x1x128xi32, #tpu.memory_space<vmem>> -> memref<128xi32, #tpu.memory_space<vmem>>
          %dma_wait3A_868 = arith.constant 0 : i32
          %dma_wait3A_869 = tpu.memref_slice %arg3[%dma_wait3A, %add3A_862, %dma_wait3A_868] : memref<2x2560x128xi32, #tpu.memory_space<hbm>> -> memref<1x1x128xi32, #tpu.memory_space<hbm>>
          %dma_wait3A_870 = tpu.memref_squeeze %dma_wait3A_869 : memref<1x1x128xi32, #tpu.memory_space<hbm>> -> memref<128xi32, #tpu.memory_space<hbm>>
          %dma_wait3A_871 = arith.constant 0 : i32
          %dma_wait3A_872 = tpu.memref_slice %arg5[%dma_wait3A_863, %dma_wait3A_864, %dma_wait3A_871] : memref<4x2x128xi32, #tpu.memory_space<vmem>> -> memref<1x1x128xi32, #tpu.memory_space<vmem>>
          %dma_wait3A_873 = tpu.memref_squeeze %dma_wait3A_872 : memref<1x1x128xi32, #tpu.memory_space<vmem>> -> memref<128xi32, #tpu.memory_space<vmem>>
          %dma_wait3A_874 = arith.constant 0 : i32
          %dma_wait3A_875 = tpu.memref_slice %arg3[%dma_wait3A, %add3A_862, %dma_wait3A_874] : memref<2x2560x128xi32, #tpu.memory_space<hbm>> -> memref<1x1x128xi32, #tpu.memory_space<hbm>>
          %dma_wait3A_876 = tpu.memref_squeeze %dma_wait3A_875 : memref<1x1x128xi32, #tpu.memory_space<hbm>> -> memref<128xi32, #tpu.memory_space<hbm>>
          tpu.wait_dma2 semaphore(%arg8 : memref<!tpu.dma_semaphore, #tpu.memory_space<semaphore_mem>>) src(%dma_wait3A_876 : memref<128xi32, #tpu.memory_space<hbm>>) dst(%dma_wait3A_873 : memref<128xi32, #tpu.memory_space<vmem>>)
          %add3A_877 = arith.addi %select_n3A_8, %scan3A_807 : i32
          %dma_wait3A_878 = arith.constant 1 : i32
          %dma_wait3A_879 = arith.constant 0 : i32
          %dma_wait3A_880 = arith.constant 1 : i32
          %dma_wait3A_881 = arith.constant 0 : i32
          %dma_wait3A_882 = tpu.memref_slice %arg5[%dma_wait3A_879, %dma_wait3A_880, %dma_wait3A_881] : memref<4x2x128xi32, #tpu.memory_space<vmem>> -> memref<1x1x128xi32, #tpu.memory_space<vmem>>
          %dma_wait3A_883 = tpu.memref_squeeze %dma_wait3A_882 : memref<1x1x128xi32, #tpu.memory_space<vmem>> -> memref<128xi32, #tpu.memory_space<vmem>>
          %dma_wait3A_884 = arith.constant 0 : i32
          %dma_wait3A_885 = tpu.memref_slice %arg3[%dma_wait3A_878, %add3A_877, %dma_wait3A_884] : memref<2x2560x128xi32, #tpu.memory_space<hbm>> -> memref<1x1x128xi32, #tpu.memory_space<hbm>>
          %dma_wait3A_886 = tpu.memref_squeeze %dma_wait3A_885 : memref<1x1x128xi32, #tpu.memory_space<hbm>> -> memref<128xi32, #tpu.memory_space<hbm>>
          %dma_wait3A_887 = arith.constant 0 : i32
          %dma_wait3A_888 = tpu.memref_slice %arg5[%dma_wait3A_879, %dma_wait3A_880, %dma_wait3A_887] : memref<4x2x128xi32, #tpu.memory_space<vmem>> -> memref<1x1x128xi32, #tpu.memory_space<vmem>>
          %dma_wait3A_889 = tpu.memref_squeeze %dma_wait3A_888 : memref<1x1x128xi32, #tpu.memory_space<vmem>> -> memref<128xi32, #tpu.memory_space<vmem>>
          %dma_wait3A_890 = arith.constant 0 : i32
          %dma_wait3A_891 = tpu.memref_slice %arg3[%dma_wait3A_878, %add3A_877, %dma_wait3A_890] : memref<2x2560x128xi32, #tpu.memory_space<hbm>> -> memref<1x1x128xi32, #tpu.memory_space<hbm>>
          %dma_wait3A_892 = tpu.memref_squeeze %dma_wait3A_891 : memref<1x1x128xi32, #tpu.memory_space<hbm>> -> memref<128xi32, #tpu.memory_space<hbm>>
          tpu.wait_dma2 semaphore(%arg8 : memref<!tpu.dma_semaphore, #tpu.memory_space<semaphore_mem>>) src(%dma_wait3A_892 : memref<128xi32, #tpu.memory_space<hbm>>) dst(%dma_wait3A_889 : memref<128xi32, #tpu.memory_space<vmem>>)
        } else {
        }
        %eq3A_833 = arith.constant 1 : i32
        %eq3A_834 = arith.cmpi eq, %rem3A_827, %eq3A_833 : i32
        %convert_element_type3A_835 = arith.extui %eq3A_834 : i1 to i32
        %cond3A_836 = arith.constant 0 : i32
        %cond3A_837 = arith.cmpi ne, %convert_element_type3A_835, %cond3A_836 : i32
        scf.if %cond3A_837 {
          %add3A_862 = arith.addi %select_n3A_8, %scan3A_807 : i32
          %dma_wait3A = arith.constant 0 : i32
          %dma_wait3A_863 = arith.constant 1 : i32
          %dma_wait3A_864 = arith.constant 0 : i32
          %dma_wait3A_865 = arith.constant 0 : i32
          %dma_wait3A_866 = tpu.memref_slice %arg5[%dma_wait3A_863, %dma_wait3A_864, %dma_wait3A_865] : memref<4x2x128xi32, #tpu.memory_space<vmem>> -> memref<1x1x128xi32, #tpu.memory_space<vmem>>
          %dma_wait3A_867 = tpu.memref_squeeze %dma_wait3A_866 : memref<1x1x128xi32, #tpu.memory_space<vmem>> -> memref<128xi32, #tpu.memory_space<vmem>>
          %dma_wait3A_868 = arith.constant 0 : i32
          %dma_wait3A_869 = tpu.memref_slice %arg3[%dma_wait3A, %add3A_862, %dma_wait3A_868] : memref<2x2560x128xi32, #tpu.memory_space<hbm>> -> memref<1x1x128xi32, #tpu.memory_space<hbm>>
          %dma_wait3A_870 = tpu.memref_squeeze %dma_wait3A_869 : memref<1x1x128xi32, #tpu.memory_space<hbm>> -> memref<128xi32, #tpu.memory_space<hbm>>
          %dma_wait3A_871 = arith.constant 0 : i32
          %dma_wait3A_872 = tpu.memref_slice %arg5[%dma_wait3A_863, %dma_wait3A_864, %dma_wait3A_871] : memref<4x2x128xi32, #tpu.memory_space<vmem>> -> memref<1x1x128xi32, #tpu.memory_space<vmem>>
          %dma_wait3A_873 = tpu.memref_squeeze %dma_wait3A_872 : memref<1x1x128xi32, #tpu.memory_space<vmem>> -> memref<128xi32, #tpu.memory_space<vmem>>
          %dma_wait3A_874 = arith.constant 0 : i32
          %dma_wait3A_875 = tpu.memref_slice %arg3[%dma_wait3A, %add3A_862, %dma_wait3A_874] : memref<2x2560x128xi32, #tpu.memory_space<hbm>> -> memref<1x1x128xi32, #tpu.memory_space<hbm>>
          %dma_wait3A_876 = tpu.memref_squeeze %dma_wait3A_875 : memref<1x1x128xi32, #tpu.memory_space<hbm>> -> memref<128xi32, #tpu.memory_space<hbm>>
          tpu.wait_dma2 semaphore(%arg9 : memref<!tpu.dma_semaphore, #tpu.memory_space<semaphore_mem>>) src(%dma_wait3A_876 : memref<128xi32, #tpu.memory_space<hbm>>) dst(%dma_wait3A_873 : memref<128xi32, #tpu.memory_space<vmem>>)
          %add3A_877 = arith.addi %select_n3A_8, %scan3A_807 : i32
          %dma_wait3A_878 = arith.constant 1 : i32
          %dma_wait3A_879 = arith.constant 1 : i32
          %dma_wait3A_880 = arith.constant 1 : i32
          %dma_wait3A_881 = arith.constant 0 : i32
          %dma_wait3A_882 = tpu.memref_slice %arg5[%dma_wait3A_879, %dma_wait3A_880, %dma_wait3A_881] : memref<4x2x128xi32, #tpu.memory_space<vmem>> -> memref<1x1x128xi32, #tpu.memory_space<vmem>>
          %dma_wait3A_883 = tpu.memref_squeeze %dma_wait3A_882 : memref<1x1x128xi32, #tpu.memory_space<vmem>> -> memref<128xi32, #tpu.memory_space<vmem>>
          %dma_wait3A_884 = arith.constant 0 : i32
          %dma_wait3A_885 = tpu.memref_slice %arg3[%dma_wait3A_878, %add3A_877, %dma_wait3A_884] : memref<2x2560x128xi32, #tpu.memory_space<hbm>> -> memref<1x1x128xi32, #tpu.memory_space<hbm>>
          %dma_wait3A_886 = tpu.memref_squeeze %dma_wait3A_885 : memref<1x1x128xi32, #tpu.memory_space<hbm>> -> memref<128xi32, #tpu.memory_space<hbm>>
          %dma_wait3A_887 = arith.constant 0 : i32
          %dma_wait3A_888 = tpu.memref_slice %arg5[%dma_wait3A_879, %dma_wait3A_880, %dma_wait3A_887] : memref<4x2x128xi32, #tpu.memory_space<vmem>> -> memref<1x1x128xi32, #tpu.memory_space<vmem>>
          %dma_wait3A_889 = tpu.memref_squeeze %dma_wait3A_888 : memref<1x1x128xi32, #tpu.memory_space<vmem>> -> memref<128xi32, #tpu.memory_space<vmem>>
          %dma_wait3A_890 = arith.constant 0 : i32
          %dma_wait3A_891 = tpu.memref_slice %arg3[%dma_wait3A_878, %add3A_877, %dma_wait3A_890] : memref<2x2560x128xi32, #tpu.memory_space<hbm>> -> memref<1x1x128xi32, #tpu.memory_space<hbm>>
          %dma_wait3A_892 = tpu.memref_squeeze %dma_wait3A_891 : memref<1x1x128xi32, #tpu.memory_space<hbm>> -> memref<128xi32, #tpu.memory_space<hbm>>
          tpu.wait_dma2 semaphore(%arg9 : memref<!tpu.dma_semaphore, #tpu.memory_space<semaphore_mem>>) src(%dma_wait3A_892 : memref<128xi32, #tpu.memory_space<hbm>>) dst(%dma_wait3A_889 : memref<128xi32, #tpu.memory_space<vmem>>)
        } else {
        }
        %eq3A_838 = arith.constant 2 : i32
        %eq3A_839 = arith.cmpi eq, %rem3A_827, %eq3A_838 : i32
        %convert_element_type3A_840 = arith.extui %eq3A_839 : i1 to i32
        %cond3A_841 = arith.constant 0 : i32
        %cond3A_842 = arith.cmpi ne, %convert_element_type3A_840, %cond3A_841 : i32
        scf.if %cond3A_842 {
          %add3A_862 = arith.addi %select_n3A_8, %scan3A_807 : i32
          %dma_wait3A = arith.constant 0 : i32
          %dma_wait3A_863 = arith.constant 2 : i32
          %dma_wait3A_864 = arith.constant 0 : i32
          %dma_wait3A_865 = arith.constant 0 : i32
          %dma_wait3A_866 = tpu.memref_slice %arg5[%dma_wait3A_863, %dma_wait3A_864, %dma_wait3A_865] : memref<4x2x128xi32, #tpu.memory_space<vmem>> -> memref<1x1x128xi32, #tpu.memory_space<vmem>>
          %dma_wait3A_867 = tpu.memref_squeeze %dma_wait3A_866 : memref<1x1x128xi32, #tpu.memory_space<vmem>> -> memref<128xi32, #tpu.memory_space<vmem>>
          %dma_wait3A_868 = arith.constant 0 : i32
          %dma_wait3A_869 = tpu.memref_slice %arg3[%dma_wait3A, %add3A_862, %dma_wait3A_868] : memref<2x2560x128xi32, #tpu.memory_space<hbm>> -> memref<1x1x128xi32, #tpu.memory_space<hbm>>
          %dma_wait3A_870 = tpu.memref_squeeze %dma_wait3A_869 : memref<1x1x128xi32, #tpu.memory_space<hbm>> -> memref<128xi32, #tpu.memory_space<hbm>>
          %dma_wait3A_871 = arith.constant 0 : i32
          %dma_wait3A_872 = tpu.memref_slice %arg5[%dma_wait3A_863, %dma_wait3A_864, %dma_wait3A_871] : memref<4x2x128xi32, #tpu.memory_space<vmem>> -> memref<1x1x128xi32, #tpu.memory_space<vmem>>
          %dma_wait3A_873 = tpu.memref_squeeze %dma_wait3A_872 : memref<1x1x128xi32, #tpu.memory_space<vmem>> -> memref<128xi32, #tpu.memory_space<vmem>>
          %dma_wait3A_874 = arith.constant 0 : i32
          %dma_wait3A_875 = tpu.memref_slice %arg3[%dma_wait3A, %add3A_862, %dma_wait3A_874] : memref<2x2560x128xi32, #tpu.memory_space<hbm>> -> memref<1x1x128xi32, #tpu.memory_space<hbm>>
          %dma_wait3A_876 = tpu.memref_squeeze %dma_wait3A_875 : memref<1x1x128xi32, #tpu.memory_space<hbm>> -> memref<128xi32, #tpu.memory_space<hbm>>
          tpu.wait_dma2 semaphore(%arg10 : memref<!tpu.dma_semaphore, #tpu.memory_space<semaphore_mem>>) src(%dma_wait3A_876 : memref<128xi32, #tpu.memory_space<hbm>>) dst(%dma_wait3A_873 : memref<128xi32, #tpu.memory_space<vmem>>)
          %add3A_877 = arith.addi %select_n3A_8, %scan3A_807 : i32
          %dma_wait3A_878 = arith.constant 1 : i32
          %dma_wait3A_879 = arith.constant 2 : i32
          %dma_wait3A_880 = arith.constant 1 : i32
          %dma_wait3A_881 = arith.constant 0 : i32
          %dma_wait3A_882 = tpu.memref_slice %arg5[%dma_wait3A_879, %dma_wait3A_880, %dma_wait3A_881] : memref<4x2x128xi32, #tpu.memory_space<vmem>> -> memref<1x1x128xi32, #tpu.memory_space<vmem>>
          %dma_wait3A_883 = tpu.memref_squeeze %dma_wait3A_882 : memref<1x1x128xi32, #tpu.memory_space<vmem>> -> memref<128xi32, #tpu.memory_space<vmem>>
          %dma_wait3A_884 = arith.constant 0 : i32
          %dma_wait3A_885 = tpu.memref_slice %arg3[%dma_wait3A_878, %add3A_877, %dma_wait3A_884] : memref<2x2560x128xi32, #tpu.memory_space<hbm>> -> memref<1x1x128xi32, #tpu.memory_space<hbm>>
          %dma_wait3A_886 = tpu.memref_squeeze %dma_wait3A_885 : memref<1x1x128xi32, #tpu.memory_space<hbm>> -> memref<128xi32, #tpu.memory_space<hbm>>
          %dma_wait3A_887 = arith.constant 0 : i32
          %dma_wait3A_888 = tpu.memref_slice %arg5[%dma_wait3A_879, %dma_wait3A_880, %dma_wait3A_887] : memref<4x2x128xi32, #tpu.memory_space<vmem>> -> memref<1x1x128xi32, #tpu.memory_space<vmem>>
          %dma_wait3A_889 = tpu.memref_squeeze %dma_wait3A_888 : memref<1x1x128xi32, #tpu.memory_space<vmem>> -> memref<128xi32, #tpu.memory_space<vmem>>
          %dma_wait3A_890 = arith.constant 0 : i32
          %dma_wait3A_891 = tpu.memref_slice %arg3[%dma_wait3A_878, %add3A_877, %dma_wait3A_890] : memref<2x2560x128xi32, #tpu.memory_space<hbm>> -> memref<1x1x128xi32, #tpu.memory_space<hbm>>
          %dma_wait3A_892 = tpu.memref_squeeze %dma_wait3A_891 : memref<1x1x128xi32, #tpu.memory_space<hbm>> -> memref<128xi32, #tpu.memory_space<hbm>>
          tpu.wait_dma2 semaphore(%arg10 : memref<!tpu.dma_semaphore, #tpu.memory_space<semaphore_mem>>) src(%dma_wait3A_892 : memref<128xi32, #tpu.memory_space<hbm>>) dst(%dma_wait3A_889 : memref<128xi32, #tpu.memory_space<vmem>>)
        } else {
        }
        %eq3A_843 = arith.constant 3 : i32
        %eq3A_844 = arith.cmpi eq, %rem3A_827, %eq3A_843 : i32
        %convert_element_type3A_845 = arith.extui %eq3A_844 : i1 to i32
        %cond3A_846 = arith.constant 0 : i32
        %cond3A_847 = arith.cmpi ne, %convert_element_type3A_845, %cond3A_846 : i32
        scf.if %cond3A_847 {
          %add3A_862 = arith.addi %select_n3A_8, %scan3A_807 : i32
          %dma_wait3A = arith.constant 0 : i32
          %dma_wait3A_863 = arith.constant 3 : i32
          %dma_wait3A_864 = arith.constant 0 : i32
          %dma_wait3A_865 = arith.constant 0 : i32
          %dma_wait3A_866 = tpu.memref_slice %arg5[%dma_wait3A_863, %dma_wait3A_864, %dma_wait3A_865] : memref<4x2x128xi32, #tpu.memory_space<vmem>> -> memref<1x1x128xi32, #tpu.memory_space<vmem>>
          %dma_wait3A_867 = tpu.memref_squeeze %dma_wait3A_866 : memref<1x1x128xi32, #tpu.memory_space<vmem>> -> memref<128xi32, #tpu.memory_space<vmem>>
          %dma_wait3A_868 = arith.constant 0 : i32
          %dma_wait3A_869 = tpu.memref_slice %arg3[%dma_wait3A, %add3A_862, %dma_wait3A_868] : memref<2x2560x128xi32, #tpu.memory_space<hbm>> -> memref<1x1x128xi32, #tpu.memory_space<hbm>>
          %dma_wait3A_870 = tpu.memref_squeeze %dma_wait3A_869 : memref<1x1x128xi32, #tpu.memory_space<hbm>> -> memref<128xi32, #tpu.memory_space<hbm>>
          %dma_wait3A_871 = arith.constant 0 : i32
          %dma_wait3A_872 = tpu.memref_slice %arg5[%dma_wait3A_863, %dma_wait3A_864, %dma_wait3A_871] : memref<4x2x128xi32, #tpu.memory_space<vmem>> -> memref<1x1x128xi32, #tpu.memory_space<vmem>>
          %dma_wait3A_873 = tpu.memref_squeeze %dma_wait3A_872 : memref<1x1x128xi32, #tpu.memory_space<vmem>> -> memref<128xi32, #tpu.memory_space<vmem>>
          %dma_wait3A_874 = arith.constant 0 : i32
          %dma_wait3A_875 = tpu.memref_slice %arg3[%dma_wait3A, %add3A_862, %dma_wait3A_874] : memref<2x2560x128xi32, #tpu.memory_space<hbm>> -> memref<1x1x128xi32, #tpu.memory_space<hbm>>
          %dma_wait3A_876 = tpu.memref_squeeze %dma_wait3A_875 : memref<1x1x128xi32, #tpu.memory_space<hbm>> -> memref<128xi32, #tpu.memory_space<hbm>>
          tpu.wait_dma2 semaphore(%arg11 : memref<!tpu.dma_semaphore, #tpu.memory_space<semaphore_mem>>) src(%dma_wait3A_876 : memref<128xi32, #tpu.memory_space<hbm>>) dst(%dma_wait3A_873 : memref<128xi32, #tpu.memory_space<vmem>>)
          %add3A_877 = arith.addi %select_n3A_8, %scan3A_807 : i32
          %dma_wait3A_878 = arith.constant 1 : i32
          %dma_wait3A_879 = arith.constant 3 : i32
          %dma_wait3A_880 = arith.constant 1 : i32
          %dma_wait3A_881 = arith.constant 0 : i32
          %dma_wait3A_882 = tpu.memref_slice %arg5[%dma_wait3A_879, %dma_wait3A_880, %dma_wait3A_881] : memref<4x2x128xi32, #tpu.memory_space<vmem>> -> memref<1x1x128xi32, #tpu.memory_space<vmem>>
          %dma_wait3A_883 = tpu.memref_squeeze %dma_wait3A_882 : memref<1x1x128xi32, #tpu.memory_space<vmem>> -> memref<128xi32, #tpu.memory_space<vmem>>
          %dma_wait3A_884 = arith.constant 0 : i32
          %dma_wait3A_885 = tpu.memref_slice %arg3[%dma_wait3A_878, %add3A_877, %dma_wait3A_884] : memref<2x2560x128xi32, #tpu.memory_space<hbm>> -> memref<1x1x128xi32, #tpu.memory_space<hbm>>
          %dma_wait3A_886 = tpu.memref_squeeze %dma_wait3A_885 : memref<1x1x128xi32, #tpu.memory_space<hbm>> -> memref<128xi32, #tpu.memory_space<hbm>>
          %dma_wait3A_887 = arith.constant 0 : i32
          %dma_wait3A_888 = tpu.memref_slice %arg5[%dma_wait3A_879, %dma_wait3A_880, %dma_wait3A_887] : memref<4x2x128xi32, #tpu.memory_space<vmem>> -> memref<1x1x128xi32, #tpu.memory_space<vmem>>
          %dma_wait3A_889 = tpu.memref_squeeze %dma_wait3A_888 : memref<1x1x128xi32, #tpu.memory_space<vmem>> -> memref<128xi32, #tpu.memory_space<vmem>>
          %dma_wait3A_890 = arith.constant 0 : i32
          %dma_wait3A_891 = tpu.memref_slice %arg3[%dma_wait3A_878, %add3A_877, %dma_wait3A_890] : memref<2x2560x128xi32, #tpu.memory_space<hbm>> -> memref<1x1x128xi32, #tpu.memory_space<hbm>>
          %dma_wait3A_892 = tpu.memref_squeeze %dma_wait3A_891 : memref<1x1x128xi32, #tpu.memory_space<hbm>> -> memref<128xi32, #tpu.memory_space<hbm>>
          tpu.wait_dma2 semaphore(%arg11 : memref<!tpu.dma_semaphore, #tpu.memory_space<semaphore_mem>>) src(%dma_wait3A_892 : memref<128xi32, #tpu.memory_space<hbm>>) dst(%dma_wait3A_889 : memref<128xi32, #tpu.memory_space<vmem>>)
        } else {
        }
        %rem3A_848 = arith.constant 2 : i32
        %rem3A_849 = arith.remsi %scan3A_807, %rem3A_848 : i32
        %eq3A_850 = arith.constant 0 : i32
        %eq3A_851 = arith.cmpi eq, %rem3A_849, %eq3A_850 : i32
        %convert_element_type3A_852 = arith.extui %eq3A_851 : i1 to i32
        %cond3A_853 = arith.constant 0 : i32
        %cond3A_854 = arith.cmpi ne, %convert_element_type3A_852, %cond3A_853 : i32
        scf.if %cond3A_854 {
          %dma_start3A = arith.constant 0 : i32
          %dma_start3A_862 = arith.constant 0 : i32
          %dma_start3A_863 = arith.constant 0 : i32
          %dma_start3A_864 = tpu.memref_slice %arg5[%rem3A_827, %dma_start3A_862, %dma_start3A_863] : memref<4x2x128xi32, #tpu.memory_space<vmem>> -> memref<1x2x128xi32, #tpu.memory_space<vmem>>
          %dma_start3A_865 = tpu.memref_squeeze %dma_start3A_864 : memref<1x2x128xi32, #tpu.memory_space<vmem>> -> memref<2x128xi32, #tpu.memory_space<vmem>>
          %dma_start3A_866 = arith.constant 0 : i32
          %dma_start3A_867 = tpu.memref_slice %dma_start3A_865[%dma_start3A, %dma_start3A_866] : memref<2x128xi32, #tpu.memory_space<vmem>> -> memref<1x128xi32, #tpu.memory_space<vmem>>
          %dma_start3A_868 = tpu.memref_squeeze %dma_start3A_867 : memref<1x128xi32, #tpu.memory_space<vmem>> -> memref<128xi32, #tpu.memory_space<vmem>>
          %dma_start3A_869 = arith.constant 0 : i32
          %dma_start3A_870 = arith.constant 0 : i32
          %dma_start3A_871 = tpu.memref_slice %arg2[%dma_start3A_869, %dma_start3A_870] : memref<10240x128xf32, #tpu.memory_space<hbm>> -> memref<10240x128xf32, #tpu.memory_space<hbm>>
          tpu.enqueue_indirect_dma source(%dma_start3A_871 : memref<10240x128xf32, #tpu.memory_space<hbm>>) target(%arg6 : memref<128x128xf32, #tpu.memory_space<vmem>>) offsets(%dma_start3A_868 : memref<128xi32, #tpu.memory_space<vmem>>) semaphore(%arg12 : memref<!tpu.dma_semaphore, #tpu.memory_space<semaphore_mem>>)
        } else {
        }
        %rem3A_855 = arith.constant 2 : i32
        %rem3A_856 = arith.remsi %scan3A_807, %rem3A_855 : i32
        %eq3A_857 = arith.constant 1 : i32
        %eq3A_858 = arith.cmpi eq, %rem3A_856, %eq3A_857 : i32
        %convert_element_type3A_859 = arith.extui %eq3A_858 : i1 to i32
        %cond3A_860 = arith.constant 0 : i32
        %cond3A_861 = arith.cmpi ne, %convert_element_type3A_859, %cond3A_860 : i32
        scf.if %cond3A_861 {
          %dma_start3A = arith.constant 0 : i32
          %dma_start3A_862 = arith.constant 0 : i32
          %dma_start3A_863 = arith.constant 0 : i32
          %dma_start3A_864 = tpu.memref_slice %arg5[%rem3A_827, %dma_start3A_862, %dma_start3A_863] : memref<4x2x128xi32, #tpu.memory_space<vmem>> -> memref<1x2x128xi32, #tpu.memory_space<vmem>>
          %dma_start3A_865 = tpu.memref_squeeze %dma_start3A_864 : memref<1x2x128xi32, #tpu.memory_space<vmem>> -> memref<2x128xi32, #tpu.memory_space<vmem>>
          %dma_start3A_866 = arith.constant 0 : i32
          %dma_start3A_867 = tpu.memref_slice %dma_start3A_865[%dma_start3A, %dma_start3A_866] : memref<2x128xi32, #tpu.memory_space<vmem>> -> memref<1x128xi32, #tpu.memory_space<vmem>>
          %dma_start3A_868 = tpu.memref_squeeze %dma_start3A_867 : memref<1x128xi32, #tpu.memory_space<vmem>> -> memref<128xi32, #tpu.memory_space<vmem>>
          %dma_start3A_869 = arith.constant 0 : i32
          %dma_start3A_870 = arith.constant 0 : i32
          %dma_start3A_871 = tpu.memref_slice %arg2[%dma_start3A_869, %dma_start3A_870] : memref<10240x128xf32, #tpu.memory_space<hbm>> -> memref<10240x128xf32, #tpu.memory_space<hbm>>
          tpu.enqueue_indirect_dma source(%dma_start3A_871 : memref<10240x128xf32, #tpu.memory_space<hbm>>) target(%arg7 : memref<128x128xf32, #tpu.memory_space<vmem>>) offsets(%dma_start3A_868 : memref<128xi32, #tpu.memory_space<vmem>>) semaphore(%arg13 : memref<!tpu.dma_semaphore, #tpu.memory_space<semaphore_mem>>)
        } else {
        }
      } else {
      }
      %ge3A = arith.constant 1 : i32
      %ge3A_812 = arith.cmpi sge, %scan3A_807, %ge3A : i32
      %sub3A = arith.constant 1 : i32
      %sub3A_813 = arith.subi %scan3A_807, %sub3A : i32
      %lt3A_814 = arith.cmpi slt, %sub3A_813, %select_n3A : i32
      %and3A = arith.andi %ge3A_812, %lt3A_814 : i1
      %convert_element_type3A_815 = arith.extui %and3A : i1 to i32
      %cond3A_816 = arith.constant 0 : i32
      %cond3A_817 = arith.cmpi ne, %convert_element_type3A_815, %cond3A_816 : i32
      scf.if %cond3A_817 {
        %sub3A_827 = arith.constant 1 : i32
        %sub3A_828 = arith.subi %scan3A_807, %sub3A_827 : i32
        %rem3A = arith.constant 4 : i32
        %rem3A_829 = arith.remsi %sub3A_828, %rem3A : i32
        %sub3A_830 = arith.constant 1 : i32
        %sub3A_831 = arith.subi %scan3A_807, %sub3A_830 : i32
        %rem3A_832 = arith.constant 2 : i32
        %rem3A_833 = arith.remsi %sub3A_831, %rem3A_832 : i32
        %eq3A_834 = arith.constant 0 : i32
        %eq3A_835 = arith.cmpi eq, %rem3A_833, %eq3A_834 : i32
        %convert_element_type3A_836 = arith.extui %eq3A_835 : i1 to i32
        %cond3A_837 = arith.constant 0 : i32
        %cond3A_838 = arith.cmpi ne, %convert_element_type3A_836, %cond3A_837 : i32
        scf.if %cond3A_838 {
          %dma_wait3A = arith.constant 0 : i32
          %dma_wait3A_848 = arith.constant 0 : i32
          %dma_wait3A_849 = arith.constant 0 : i32
          %dma_wait3A_850 = tpu.memref_slice %arg5[%rem3A_829, %dma_wait3A_848, %dma_wait3A_849] : memref<4x2x128xi32, #tpu.memory_space<vmem>> -> memref<1x2x128xi32, #tpu.memory_space<vmem>>
          %dma_wait3A_851 = tpu.memref_squeeze %dma_wait3A_850 : memref<1x2x128xi32, #tpu.memory_space<vmem>> -> memref<2x128xi32, #tpu.memory_space<vmem>>
          %dma_wait3A_852 = arith.constant 0 : i32
          %dma_wait3A_853 = tpu.memref_slice %dma_wait3A_851[%dma_wait3A, %dma_wait3A_852] : memref<2x128xi32, #tpu.memory_space<vmem>> -> memref<1x128xi32, #tpu.memory_space<vmem>>
          %dma_wait3A_854 = tpu.memref_squeeze %dma_wait3A_853 : memref<1x128xi32, #tpu.memory_space<vmem>> -> memref<128xi32, #tpu.memory_space<vmem>>
          %dma_wait3A_855 = arith.constant 0 : i32
          %dma_wait3A_856 = arith.constant 0 : i32
          %dma_wait3A_857 = tpu.memref_slice %arg2[%dma_wait3A_855, %dma_wait3A_856] : memref<10240x128xf32, #tpu.memory_space<hbm>> -> memref<10240x128xf32, #tpu.memory_space<hbm>>
          tpu.wait_indirect_dma semaphore(%arg12 : memref<!tpu.dma_semaphore, #tpu.memory_space<semaphore_mem>>) src(%dma_wait3A_857 : memref<10240x128xf32, #tpu.memory_space<hbm>>) dst(%arg6 : memref<128x128xf32, #tpu.memory_space<vmem>>)
          %run_scoped3A = arith.constant 1 : i32
          "tpu.region"() ({
            %run_scoped3A_858 = tpu.sem_alloc : memref<!tpu.dma_semaphore, #tpu.memory_space<semaphore_mem>>
            %dma_start3A = arith.constant 0 : i32
            %dma_start3A_859 = arith.constant 0 : i32
            %dma_start3A_860 = tpu.memref_slice %arg5[%rem3A_829, %dma_start3A, %dma_start3A_859] : memref<4x2x128xi32, #tpu.memory_space<vmem>> -> memref<1x2x128xi32, #tpu.memory_space<vmem>>
            %dma_start3A_861 = tpu.memref_squeeze %dma_start3A_860 : memref<1x2x128xi32, #tpu.memory_space<vmem>> -> memref<2x128xi32, #tpu.memory_space<vmem>>
            %dma_start3A_862 = arith.constant 0 : i32
            %dma_start3A_863 = tpu.memref_slice %dma_start3A_861[%run_scoped3A, %dma_start3A_862] : memref<2x128xi32, #tpu.memory_space<vmem>> -> memref<1x128xi32, #tpu.memory_space<vmem>>
            %dma_start3A_864 = tpu.memref_squeeze %dma_start3A_863 : memref<1x128xi32, #tpu.memory_space<vmem>> -> memref<128xi32, #tpu.memory_space<vmem>>
            %dma_start3A_865 = arith.constant 0 : i32
            %dma_start3A_866 = arith.constant 0 : i32
            %dma_start3A_867 = tpu.memref_slice %arg14[%dma_start3A_865, %dma_start3A_866] : memref<10240x128xf32, #tpu.memory_space<vmem_shared>> -> memref<10240x128xf32, #tpu.memory_space<vmem_shared>>
            tpu.enqueue_indirect_dma source(%arg6 : memref<128x128xf32, #tpu.memory_space<vmem>>) target(%dma_start3A_867 : memref<10240x128xf32, #tpu.memory_space<vmem_shared>>) offsets(%dma_start3A_864 : memref<128xi32, #tpu.memory_space<vmem>>) semaphore(%run_scoped3A_858 : memref<!tpu.dma_semaphore, #tpu.memory_space<semaphore_mem>>) {add = true}
            %dma_wait3A_868 = arith.constant 0 : i32
            %dma_wait3A_869 = arith.constant 0 : i32
            %dma_wait3A_870 = tpu.memref_slice %arg5[%rem3A_829, %dma_wait3A_868, %dma_wait3A_869] : memref<4x2x128xi32, #tpu.memory_space<vmem>> -> memref<1x2x128xi32, #tpu.memory_space<vmem>>
            %dma_wait3A_871 = tpu.memref_squeeze %dma_wait3A_870 : memref<1x2x128xi32, #tpu.memory_space<vmem>> -> memref<2x128xi32, #tpu.memory_space<vmem>>
            %dma_wait3A_872 = arith.constant 0 : i32
            %dma_wait3A_873 = tpu.memref_slice %dma_wait3A_871[%run_scoped3A, %dma_wait3A_872] : memref<2x128xi32, #tpu.memory_space<vmem>> -> memref<1x128xi32, #tpu.memory_space<vmem>>
            %dma_wait3A_874 = tpu.memref_squeeze %dma_wait3A_873 : memref<1x128xi32, #tpu.memory_space<vmem>> -> memref<128xi32, #tpu.memory_space<vmem>>
            %dma_wait3A_875 = arith.constant 0 : i32
            %dma_wait3A_876 = arith.constant 0 : i32
            %dma_wait3A_877 = tpu.memref_slice %arg14[%dma_wait3A_875, %dma_wait3A_876] : memref<10240x128xf32, #tpu.memory_space<vmem_shared>> -> memref<10240x128xf32, #tpu.memory_space<vmem_shared>>
            tpu.wait_indirect_dma semaphore(%run_scoped3A_858 : memref<!tpu.dma_semaphore, #tpu.memory_space<semaphore_mem>>) src(%arg6 : memref<128x128xf32, #tpu.memory_space<vmem>>) dst(%dma_wait3A_877 : memref<10240x128xf32, #tpu.memory_space<vmem_shared>>)
            tpu.yield
          }) : () -> ()
        } else {
        }
        %sub3A_839 = arith.constant 1 : i32
        %sub3A_840 = arith.subi %scan3A_807, %sub3A_839 : i32
        %rem3A_841 = arith.constant 2 : i32
        %rem3A_842 = arith.remsi %sub3A_840, %rem3A_841 : i32
        %eq3A_843 = arith.constant 1 : i32
        %eq3A_844 = arith.cmpi eq, %rem3A_842, %eq3A_843 : i32
        %convert_element_type3A_845 = arith.extui %eq3A_844 : i1 to i32
        %cond3A_846 = arith.constant 0 : i32
        %cond3A_847 = arith.cmpi ne, %convert_element_type3A_845, %cond3A_846 : i32
        scf.if %cond3A_847 {
          %dma_wait3A = arith.constant 0 : i32
          %dma_wait3A_848 = arith.constant 0 : i32
          %dma_wait3A_849 = arith.constant 0 : i32
          %dma_wait3A_850 = tpu.memref_slice %arg5[%rem3A_829, %dma_wait3A_848, %dma_wait3A_849] : memref<4x2x128xi32, #tpu.memory_space<vmem>> -> memref<1x2x128xi32, #tpu.memory_space<vmem>>
          %dma_wait3A_851 = tpu.memref_squeeze %dma_wait3A_850 : memref<1x2x128xi32, #tpu.memory_space<vmem>> -> memref<2x128xi32, #tpu.memory_space<vmem>>
          %dma_wait3A_852 = arith.constant 0 : i32
          %dma_wait3A_853 = tpu.memref_slice %dma_wait3A_851[%dma_wait3A, %dma_wait3A_852] : memref<2x128xi32, #tpu.memory_space<vmem>> -> memref<1x128xi32, #tpu.memory_space<vmem>>
          %dma_wait3A_854 = tpu.memref_squeeze %dma_wait3A_853 : memref<1x128xi32, #tpu.memory_space<vmem>> -> memref<128xi32, #tpu.memory_space<vmem>>
          %dma_wait3A_855 = arith.constant 0 : i32
          %dma_wait3A_856 = arith.constant 0 : i32
          %dma_wait3A_857 = tpu.memref_slice %arg2[%dma_wait3A_855, %dma_wait3A_856] : memref<10240x128xf32, #tpu.memory_space<hbm>> -> memref<10240x128xf32, #tpu.memory_space<hbm>>
          tpu.wait_indirect_dma semaphore(%arg13 : memref<!tpu.dma_semaphore, #tpu.memory_space<semaphore_mem>>) src(%dma_wait3A_857 : memref<10240x128xf32, #tpu.memory_space<hbm>>) dst(%arg7 : memref<128x128xf32, #tpu.memory_space<vmem>>)
          %run_scoped3A = arith.constant 1 : i32
          "tpu.region"() ({
            %run_scoped3A_858 = tpu.sem_alloc : memref<!tpu.dma_semaphore, #tpu.memory_space<semaphore_mem>>
            %dma_start3A = arith.constant 0 : i32
            %dma_start3A_859 = arith.constant 0 : i32
            %dma_start3A_860 = tpu.memref_slice %arg5[%rem3A_829, %dma_start3A, %dma_start3A_859] : memref<4x2x128xi32, #tpu.memory_space<vmem>> -> memref<1x2x128xi32, #tpu.memory_space<vmem>>
            %dma_start3A_861 = tpu.memref_squeeze %dma_start3A_860 : memref<1x2x128xi32, #tpu.memory_space<vmem>> -> memref<2x128xi32, #tpu.memory_space<vmem>>
            %dma_start3A_862 = arith.constant 0 : i32
            %dma_start3A_863 = tpu.memref_slice %dma_start3A_861[%run_scoped3A, %dma_start3A_862] : memref<2x128xi32, #tpu.memory_space<vmem>> -> memref<1x128xi32, #tpu.memory_space<vmem>>
            %dma_start3A_864 = tpu.memref_squeeze %dma_start3A_863 : memref<1x128xi32, #tpu.memory_space<vmem>> -> memref<128xi32, #tpu.memory_space<vmem>>
            %dma_start3A_865 = arith.constant 0 : i32
            %dma_start3A_866 = arith.constant 0 : i32
            %dma_start3A_867 = tpu.memref_slice %arg14[%dma_start3A_865, %dma_start3A_866] : memref<10240x128xf32, #tpu.memory_space<vmem_shared>> -> memref<10240x128xf32, #tpu.memory_space<vmem_shared>>
            tpu.enqueue_indirect_dma source(%arg7 : memref<128x128xf32, #tpu.memory_space<vmem>>) target(%dma_start3A_867 : memref<10240x128xf32, #tpu.memory_space<vmem_shared>>) offsets(%dma_start3A_864 : memref<128xi32, #tpu.memory_space<vmem>>) semaphore(%run_scoped3A_858 : memref<!tpu.dma_semaphore, #tpu.memory_space<semaphore_mem>>) {add = true}
            %dma_wait3A_868 = arith.constant 0 : i32
            %dma_wait3A_869 = arith.constant 0 : i32
            %dma_wait3A_870 = tpu.memref_slice %arg5[%rem3A_829, %dma_wait3A_868, %dma_wait3A_869] : memref<4x2x128xi32, #tpu.memory_space<vmem>> -> memref<1x2x128xi32, #tpu.memory_space<vmem>>
            %dma_wait3A_871 = tpu.memref_squeeze %dma_wait3A_870 : memref<1x2x128xi32, #tpu.memory_space<vmem>> -> memref<2x128xi32, #tpu.memory_space<vmem>>
            %dma_wait3A_872 = arith.constant 0 : i32
            %dma_wait3A_873 = tpu.memref_slice %dma_wait3A_871[%run_scoped3A, %dma_wait3A_872] : memref<2x128xi32, #tpu.memory_space<vmem>> -> memref<1x128xi32, #tpu.memory_space<vmem>>
            %dma_wait3A_874 = tpu.memref_squeeze %dma_wait3A_873 : memref<1x128xi32, #tpu.memory_space<vmem>> -> memref<128xi32, #tpu.memory_space<vmem>>
            %dma_wait3A_875 = arith.constant 0 : i32
            %dma_wait3A_876 = arith.constant 0 : i32
            %dma_wait3A_877 = tpu.memref_slice %arg14[%dma_wait3A_875, %dma_wait3A_876] : memref<10240x128xf32, #tpu.memory_space<vmem_shared>> -> memref<10240x128xf32, #tpu.memory_space<vmem_shared>>
            tpu.wait_indirect_dma semaphore(%run_scoped3A_858 : memref<!tpu.dma_semaphore, #tpu.memory_space<semaphore_mem>>) src(%arg7 : memref<128x128xf32, #tpu.memory_space<vmem>>) dst(%dma_wait3A_877 : memref<10240x128xf32, #tpu.memory_space<vmem_shared>>)
            tpu.yield
          }) : () -> ()
        } else {
        }
      } else {
      }
      %add3A_818 = arith.constant 4 : i32
      %add3A_819 = arith.addi %scan3A_807, %add3A_818 : i32
      %sub3A_820 = arith.constant 1 : i32
      %sub3A_821 = arith.subi %add3A_819, %sub3A_820 : i32
      %lt3A_822 = arith.cmpi slt, %sub3A_821, %select_n3A : i32
      %convert_element_type3A_823 = arith.extui %lt3A_822 : i1 to i32
      %cond3A_824 = arith.constant 0 : i32
      %cond3A_825 = arith.cmpi ne, %convert_element_type3A_823, %cond3A_824 : i32
      scf.if %cond3A_825 {
        %add3A_827 = arith.constant 4 : i32
        %add3A_828 = arith.addi %scan3A_807, %add3A_827 : i32
        %sub3A_829 = arith.constant 1 : i32
        %sub3A_830 = arith.subi %add3A_828, %sub3A_829 : i32
        %rem3A = arith.constant 4 : i32
        %rem3A_831 = arith.remsi %sub3A_830, %rem3A : i32
        %eq3A_832 = arith.constant 0 : i32
        %eq3A_833 = arith.cmpi eq, %rem3A_831, %eq3A_832 : i32
        %convert_element_type3A_834 = arith.extui %eq3A_833 : i1 to i32
        %cond3A_835 = arith.constant 0 : i32
        %cond3A_836 = arith.cmpi ne, %convert_element_type3A_834, %cond3A_835 : i32
        scf.if %cond3A_836 {
          %add3A_852 = arith.addi %select_n3A_8, %scan3A_807 : i32
          %add3A_853 = arith.constant 4 : i32
          %add3A_854 = arith.addi %add3A_852, %add3A_853 : i32
          %sub3A_855 = arith.constant 1 : i32
          %sub3A_856 = arith.subi %add3A_854, %sub3A_855 : i32
          %dma_start3A = arith.constant 0 : i32
          %dma_start3A_857 = arith.constant 0 : i32
          %dma_start3A_858 = arith.constant 0 : i32
          %dma_start3A_859 = arith.constant 0 : i32
          %dma_start3A_860 = tpu.memref_slice %arg5[%dma_start3A_857, %dma_start3A_858, %dma_start3A_859] : memref<4x2x128xi32, #tpu.memory_space<vmem>> -> memref<1x1x128xi32, #tpu.memory_space<vmem>>
          %dma_start3A_861 = tpu.memref_squeeze %dma_start3A_860 : memref<1x1x128xi32, #tpu.memory_space<vmem>> -> memref<128xi32, #tpu.memory_space<vmem>>
          %dma_start3A_862 = arith.constant 0 : i32
          %dma_start3A_863 = tpu.memref_slice %arg3[%dma_start3A, %sub3A_856, %dma_start3A_862] : memref<2x2560x128xi32, #tpu.memory_space<hbm>> -> memref<1x1x128xi32, #tpu.memory_space<hbm>>
          %dma_start3A_864 = tpu.memref_squeeze %dma_start3A_863 : memref<1x1x128xi32, #tpu.memory_space<hbm>> -> memref<128xi32, #tpu.memory_space<hbm>>
          %dma_start3A_865 = arith.constant 0 : i32
          %dma_start3A_866 = tpu.memref_slice %arg5[%dma_start3A_857, %dma_start3A_858, %dma_start3A_865] : memref<4x2x128xi32, #tpu.memory_space<vmem>> -> memref<1x1x128xi32, #tpu.memory_space<vmem>>
          %dma_start3A_867 = tpu.memref_squeeze %dma_start3A_866 : memref<1x1x128xi32, #tpu.memory_space<vmem>> -> memref<128xi32, #tpu.memory_space<vmem>>
          %dma_start3A_868 = arith.constant 0 : i32
          %dma_start3A_869 = tpu.memref_slice %arg3[%dma_start3A, %sub3A_856, %dma_start3A_868] : memref<2x2560x128xi32, #tpu.memory_space<hbm>> -> memref<1x1x128xi32, #tpu.memory_space<hbm>>
          %dma_start3A_870 = tpu.memref_squeeze %dma_start3A_869 : memref<1x1x128xi32, #tpu.memory_space<hbm>> -> memref<128xi32, #tpu.memory_space<hbm>>
          tpu.enqueue_dma source(%dma_start3A_870 : memref<128xi32, #tpu.memory_space<hbm>>) target(%dma_start3A_867 : memref<128xi32, #tpu.memory_space<vmem>>) target_semaphore(%arg8 : memref<!tpu.dma_semaphore, #tpu.memory_space<semaphore_mem>>)
          %add3A_871 = arith.addi %select_n3A_8, %scan3A_807 : i32
          %add3A_872 = arith.constant 4 : i32
          %add3A_873 = arith.addi %add3A_871, %add3A_872 : i32
          %sub3A_874 = arith.constant 1 : i32
          %sub3A_875 = arith.subi %add3A_873, %sub3A_874 : i32
          %dma_start3A_876 = arith.constant 1 : i32
          %dma_start3A_877 = arith.constant 0 : i32
          %dma_start3A_878 = arith.constant 1 : i32
          %dma_start3A_879 = arith.constant 0 : i32
          %dma_start3A_880 = tpu.memref_slice %arg5[%dma_start3A_877, %dma_start3A_878, %dma_start3A_879] : memref<4x2x128xi32, #tpu.memory_space<vmem>> -> memref<1x1x128xi32, #tpu.memory_space<vmem>>
          %dma_start3A_881 = tpu.memref_squeeze %dma_start3A_880 : memref<1x1x128xi32, #tpu.memory_space<vmem>> -> memref<128xi32, #tpu.memory_space<vmem>>
          %dma_start3A_882 = arith.constant 0 : i32
          %dma_start3A_883 = tpu.memref_slice %arg3[%dma_start3A_876, %sub3A_875, %dma_start3A_882] : memref<2x2560x128xi32, #tpu.memory_space<hbm>> -> memref<1x1x128xi32, #tpu.memory_space<hbm>>
          %dma_start3A_884 = tpu.memref_squeeze %dma_start3A_883 : memref<1x1x128xi32, #tpu.memory_space<hbm>> -> memref<128xi32, #tpu.memory_space<hbm>>
          %dma_start3A_885 = arith.constant 0 : i32
          %dma_start3A_886 = tpu.memref_slice %arg5[%dma_start3A_877, %dma_start3A_878, %dma_start3A_885] : memref<4x2x128xi32, #tpu.memory_space<vmem>> -> memref<1x1x128xi32, #tpu.memory_space<vmem>>
          %dma_start3A_887 = tpu.memref_squeeze %dma_start3A_886 : memref<1x1x128xi32, #tpu.memory_space<vmem>> -> memref<128xi32, #tpu.memory_space<vmem>>
          %dma_start3A_888 = arith.constant 0 : i32
          %dma_start3A_889 = tpu.memref_slice %arg3[%dma_start3A_876, %sub3A_875, %dma_start3A_888] : memref<2x2560x128xi32, #tpu.memory_space<hbm>> -> memref<1x1x128xi32, #tpu.memory_space<hbm>>
          %dma_start3A_890 = tpu.memref_squeeze %dma_start3A_889 : memref<1x1x128xi32, #tpu.memory_space<hbm>> -> memref<128xi32, #tpu.memory_space<hbm>>
          tpu.enqueue_dma source(%dma_start3A_890 : memref<128xi32, #tpu.memory_space<hbm>>) target(%dma_start3A_887 : memref<128xi32, #tpu.memory_space<vmem>>) target_semaphore(%arg8 : memref<!tpu.dma_semaphore, #tpu.memory_space<semaphore_mem>>)
        } else {
        }
        %eq3A_837 = arith.constant 1 : i32
        %eq3A_838 = arith.cmpi eq, %rem3A_831, %eq3A_837 : i32
        %convert_element_type3A_839 = arith.extui %eq3A_838 : i1 to i32
        %cond3A_840 = arith.constant 0 : i32
        %cond3A_841 = arith.cmpi ne, %convert_element_type3A_839, %cond3A_840 : i32
        scf.if %cond3A_841 {
          %add3A_852 = arith.addi %select_n3A_8, %scan3A_807 : i32
          %add3A_853 = arith.constant 4 : i32
          %add3A_854 = arith.addi %add3A_852, %add3A_853 : i32
          %sub3A_855 = arith.constant 1 : i32
          %sub3A_856 = arith.subi %add3A_854, %sub3A_855 : i32
          %dma_start3A = arith.constant 0 : i32
          %dma_start3A_857 = arith.constant 1 : i32
          %dma_start3A_858 = arith.constant 0 : i32
          %dma_start3A_859 = arith.constant 0 : i32
          %dma_start3A_860 = tpu.memref_slice %arg5[%dma_start3A_857, %dma_start3A_858, %dma_start3A_859] : memref<4x2x128xi32, #tpu.memory_space<vmem>> -> memref<1x1x128xi32, #tpu.memory_space<vmem>>
          %dma_start3A_861 = tpu.memref_squeeze %dma_start3A_860 : memref<1x1x128xi32, #tpu.memory_space<vmem>> -> memref<128xi32, #tpu.memory_space<vmem>>
          %dma_start3A_862 = arith.constant 0 : i32
          %dma_start3A_863 = tpu.memref_slice %arg3[%dma_start3A, %sub3A_856, %dma_start3A_862] : memref<2x2560x128xi32, #tpu.memory_space<hbm>> -> memref<1x1x128xi32, #tpu.memory_space<hbm>>
          %dma_start3A_864 = tpu.memref_squeeze %dma_start3A_863 : memref<1x1x128xi32, #tpu.memory_space<hbm>> -> memref<128xi32, #tpu.memory_space<hbm>>
          %dma_start3A_865 = arith.constant 0 : i32
          %dma_start3A_866 = tpu.memref_slice %arg5[%dma_start3A_857, %dma_start3A_858, %dma_start3A_865] : memref<4x2x128xi32, #tpu.memory_space<vmem>> -> memref<1x1x128xi32, #tpu.memory_space<vmem>>
          %dma_start3A_867 = tpu.memref_squeeze %dma_start3A_866 : memref<1x1x128xi32, #tpu.memory_space<vmem>> -> memref<128xi32, #tpu.memory_space<vmem>>
          %dma_start3A_868 = arith.constant 0 : i32
          %dma_start3A_869 = tpu.memref_slice %arg3[%dma_start3A, %sub3A_856, %dma_start3A_868] : memref<2x2560x128xi32, #tpu.memory_space<hbm>> -> memref<1x1x128xi32, #tpu.memory_space<hbm>>
          %dma_start3A_870 = tpu.memref_squeeze %dma_start3A_869 : memref<1x1x128xi32, #tpu.memory_space<hbm>> -> memref<128xi32, #tpu.memory_space<hbm>>
          tpu.enqueue_dma source(%dma_start3A_870 : memref<128xi32, #tpu.memory_space<hbm>>) target(%dma_start3A_867 : memref<128xi32, #tpu.memory_space<vmem>>) target_semaphore(%arg9 : memref<!tpu.dma_semaphore, #tpu.memory_space<semaphore_mem>>)
          %add3A_871 = arith.addi %select_n3A_8, %scan3A_807 : i32
          %add3A_872 = arith.constant 4 : i32
          %add3A_873 = arith.addi %add3A_871, %add3A_872 : i32
          %sub3A_874 = arith.constant 1 : i32
          %sub3A_875 = arith.subi %add3A_873, %sub3A_874 : i32
          %dma_start3A_876 = arith.constant 1 : i32
          %dma_start3A_877 = arith.constant 1 : i32
          %dma_start3A_878 = arith.constant 1 : i32
          %dma_start3A_879 = arith.constant 0 : i32
          %dma_start3A_880 = tpu.memref_slice %arg5[%dma_start3A_877, %dma_start3A_878, %dma_start3A_879] : memref<4x2x128xi32, #tpu.memory_space<vmem>> -> memref<1x1x128xi32, #tpu.memory_space<vmem>>
          %dma_start3A_881 = tpu.memref_squeeze %dma_start3A_880 : memref<1x1x128xi32, #tpu.memory_space<vmem>> -> memref<128xi32, #tpu.memory_space<vmem>>
          %dma_start3A_882 = arith.constant 0 : i32
          %dma_start3A_883 = tpu.memref_slice %arg3[%dma_start3A_876, %sub3A_875, %dma_start3A_882] : memref<2x2560x128xi32, #tpu.memory_space<hbm>> -> memref<1x1x128xi32, #tpu.memory_space<hbm>>
          %dma_start3A_884 = tpu.memref_squeeze %dma_start3A_883 : memref<1x1x128xi32, #tpu.memory_space<hbm>> -> memref<128xi32, #tpu.memory_space<hbm>>
          %dma_start3A_885 = arith.constant 0 : i32
          %dma_start3A_886 = tpu.memref_slice %arg5[%dma_start3A_877, %dma_start3A_878, %dma_start3A_885] : memref<4x2x128xi32, #tpu.memory_space<vmem>> -> memref<1x1x128xi32, #tpu.memory_space<vmem>>
          %dma_start3A_887 = tpu.memref_squeeze %dma_start3A_886 : memref<1x1x128xi32, #tpu.memory_space<vmem>> -> memref<128xi32, #tpu.memory_space<vmem>>
          %dma_start3A_888 = arith.constant 0 : i32
          %dma_start3A_889 = tpu.memref_slice %arg3[%dma_start3A_876, %sub3A_875, %dma_start3A_888] : memref<2x2560x128xi32, #tpu.memory_space<hbm>> -> memref<1x1x128xi32, #tpu.memory_space<hbm>>
          %dma_start3A_890 = tpu.memref_squeeze %dma_start3A_889 : memref<1x1x128xi32, #tpu.memory_space<hbm>> -> memref<128xi32, #tpu.memory_space<hbm>>
          tpu.enqueue_dma source(%dma_start3A_890 : memref<128xi32, #tpu.memory_space<hbm>>) target(%dma_start3A_887 : memref<128xi32, #tpu.memory_space<vmem>>) target_semaphore(%arg9 : memref<!tpu.dma_semaphore, #tpu.memory_space<semaphore_mem>>)
        } else {
        }
        %eq3A_842 = arith.constant 2 : i32
        %eq3A_843 = arith.cmpi eq, %rem3A_831, %eq3A_842 : i32
        %convert_element_type3A_844 = arith.extui %eq3A_843 : i1 to i32
        %cond3A_845 = arith.constant 0 : i32
        %cond3A_846 = arith.cmpi ne, %convert_element_type3A_844, %cond3A_845 : i32
        scf.if %cond3A_846 {
          %add3A_852 = arith.addi %select_n3A_8, %scan3A_807 : i32
          %add3A_853 = arith.constant 4 : i32
          %add3A_854 = arith.addi %add3A_852, %add3A_853 : i32
          %sub3A_855 = arith.constant 1 : i32
          %sub3A_856 = arith.subi %add3A_854, %sub3A_855 : i32
          %dma_start3A = arith.constant 0 : i32
          %dma_start3A_857 = arith.constant 2 : i32
          %dma_start3A_858 = arith.constant 0 : i32
          %dma_start3A_859 = arith.constant 0 : i32
          %dma_start3A_860 = tpu.memref_slice %arg5[%dma_start3A_857, %dma_start3A_858, %dma_start3A_859] : memref<4x2x128xi32, #tpu.memory_space<vmem>> -> memref<1x1x128xi32, #tpu.memory_space<vmem>>
          %dma_start3A_861 = tpu.memref_squeeze %dma_start3A_860 : memref<1x1x128xi32, #tpu.memory_space<vmem>> -> memref<128xi32, #tpu.memory_space<vmem>>
          %dma_start3A_862 = arith.constant 0 : i32
          %dma_start3A_863 = tpu.memref_slice %arg3[%dma_start3A, %sub3A_856, %dma_start3A_862] : memref<2x2560x128xi32, #tpu.memory_space<hbm>> -> memref<1x1x128xi32, #tpu.memory_space<hbm>>
          %dma_start3A_864 = tpu.memref_squeeze %dma_start3A_863 : memref<1x1x128xi32, #tpu.memory_space<hbm>> -> memref<128xi32, #tpu.memory_space<hbm>>
          %dma_start3A_865 = arith.constant 0 : i32
          %dma_start3A_866 = tpu.memref_slice %arg5[%dma_start3A_857, %dma_start3A_858, %dma_start3A_865] : memref<4x2x128xi32, #tpu.memory_space<vmem>> -> memref<1x1x128xi32, #tpu.memory_space<vmem>>
          %dma_start3A_867 = tpu.memref_squeeze %dma_start3A_866 : memref<1x1x128xi32, #tpu.memory_space<vmem>> -> memref<128xi32, #tpu.memory_space<vmem>>
          %dma_start3A_868 = arith.constant 0 : i32
          %dma_start3A_869 = tpu.memref_slice %arg3[%dma_start3A, %sub3A_856, %dma_start3A_868] : memref<2x2560x128xi32, #tpu.memory_space<hbm>> -> memref<1x1x128xi32, #tpu.memory_space<hbm>>
          %dma_start3A_870 = tpu.memref_squeeze %dma_start3A_869 : memref<1x1x128xi32, #tpu.memory_space<hbm>> -> memref<128xi32, #tpu.memory_space<hbm>>
          tpu.enqueue_dma source(%dma_start3A_870 : memref<128xi32, #tpu.memory_space<hbm>>) target(%dma_start3A_867 : memref<128xi32, #tpu.memory_space<vmem>>) target_semaphore(%arg10 : memref<!tpu.dma_semaphore, #tpu.memory_space<semaphore_mem>>)
          %add3A_871 = arith.addi %select_n3A_8, %scan3A_807 : i32
          %add3A_872 = arith.constant 4 : i32
          %add3A_873 = arith.addi %add3A_871, %add3A_872 : i32
          %sub3A_874 = arith.constant 1 : i32
          %sub3A_875 = arith.subi %add3A_873, %sub3A_874 : i32
          %dma_start3A_876 = arith.constant 1 : i32
          %dma_start3A_877 = arith.constant 2 : i32
          %dma_start3A_878 = arith.constant 1 : i32
          %dma_start3A_879 = arith.constant 0 : i32
          %dma_start3A_880 = tpu.memref_slice %arg5[%dma_start3A_877, %dma_start3A_878, %dma_start3A_879] : memref<4x2x128xi32, #tpu.memory_space<vmem>> -> memref<1x1x128xi32, #tpu.memory_space<vmem>>
          %dma_start3A_881 = tpu.memref_squeeze %dma_start3A_880 : memref<1x1x128xi32, #tpu.memory_space<vmem>> -> memref<128xi32, #tpu.memory_space<vmem>>
          %dma_start3A_882 = arith.constant 0 : i32
          %dma_start3A_883 = tpu.memref_slice %arg3[%dma_start3A_876, %sub3A_875, %dma_start3A_882] : memref<2x2560x128xi32, #tpu.memory_space<hbm>> -> memref<1x1x128xi32, #tpu.memory_space<hbm>>
          %dma_start3A_884 = tpu.memref_squeeze %dma_start3A_883 : memref<1x1x128xi32, #tpu.memory_space<hbm>> -> memref<128xi32, #tpu.memory_space<hbm>>
          %dma_start3A_885 = arith.constant 0 : i32
          %dma_start3A_886 = tpu.memref_slice %arg5[%dma_start3A_877, %dma_start3A_878, %dma_start3A_885] : memref<4x2x128xi32, #tpu.memory_space<vmem>> -> memref<1x1x128xi32, #tpu.memory_space<vmem>>
          %dma_start3A_887 = tpu.memref_squeeze %dma_start3A_886 : memref<1x1x128xi32, #tpu.memory_space<vmem>> -> memref<128xi32, #tpu.memory_space<vmem>>
          %dma_start3A_888 = arith.constant 0 : i32
          %dma_start3A_889 = tpu.memref_slice %arg3[%dma_start3A_876, %sub3A_875, %dma_start3A_888] : memref<2x2560x128xi32, #tpu.memory_space<hbm>> -> memref<1x1x128xi32, #tpu.memory_space<hbm>>
          %dma_start3A_890 = tpu.memref_squeeze %dma_start3A_889 : memref<1x1x128xi32, #tpu.memory_space<hbm>> -> memref<128xi32, #tpu.memory_space<hbm>>
          tpu.enqueue_dma source(%dma_start3A_890 : memref<128xi32, #tpu.memory_space<hbm>>) target(%dma_start3A_887 : memref<128xi32, #tpu.memory_space<vmem>>) target_semaphore(%arg10 : memref<!tpu.dma_semaphore, #tpu.memory_space<semaphore_mem>>)
        } else {
        }
        %eq3A_847 = arith.constant 3 : i32
        %eq3A_848 = arith.cmpi eq, %rem3A_831, %eq3A_847 : i32
        %convert_element_type3A_849 = arith.extui %eq3A_848 : i1 to i32
        %cond3A_850 = arith.constant 0 : i32
        %cond3A_851 = arith.cmpi ne, %convert_element_type3A_849, %cond3A_850 : i32
        scf.if %cond3A_851 {
          %add3A_852 = arith.addi %select_n3A_8, %scan3A_807 : i32
          %add3A_853 = arith.constant 4 : i32
          %add3A_854 = arith.addi %add3A_852, %add3A_853 : i32
          %sub3A_855 = arith.constant 1 : i32
          %sub3A_856 = arith.subi %add3A_854, %sub3A_855 : i32
          %dma_start3A = arith.constant 0 : i32
          %dma_start3A_857 = arith.constant 3 : i32
          %dma_start3A_858 = arith.constant 0 : i32
          %dma_start3A_859 = arith.constant 0 : i32
          %dma_start3A_860 = tpu.memref_slice %arg5[%dma_start3A_857, %dma_start3A_858, %dma_start3A_859] : memref<4x2x128xi32, #tpu.memory_space<vmem>> -> memref<1x1x128xi32, #tpu.memory_space<vmem>>
          %dma_start3A_861 = tpu.memref_squeeze %dma_start3A_860 : memref<1x1x128xi32, #tpu.memory_space<vmem>> -> memref<128xi32, #tpu.memory_space<vmem>>
          %dma_start3A_862 = arith.constant 0 : i32
          %dma_start3A_863 = tpu.memref_slice %arg3[%dma_start3A, %sub3A_856, %dma_start3A_862] : memref<2x2560x128xi32, #tpu.memory_space<hbm>> -> memref<1x1x128xi32, #tpu.memory_space<hbm>>
          %dma_start3A_864 = tpu.memref_squeeze %dma_start3A_863 : memref<1x1x128xi32, #tpu.memory_space<hbm>> -> memref<128xi32, #tpu.memory_space<hbm>>
          %dma_start3A_865 = arith.constant 0 : i32
          %dma_start3A_866 = tpu.memref_slice %arg5[%dma_start3A_857, %dma_start3A_858, %dma_start3A_865] : memref<4x2x128xi32, #tpu.memory_space<vmem>> -> memref<1x1x128xi32, #tpu.memory_space<vmem>>
          %dma_start3A_867 = tpu.memref_squeeze %dma_start3A_866 : memref<1x1x128xi32, #tpu.memory_space<vmem>> -> memref<128xi32, #tpu.memory_space<vmem>>
          %dma_start3A_868 = arith.constant 0 : i32
          %dma_start3A_869 = tpu.memref_slice %arg3[%dma_start3A, %sub3A_856, %dma_start3A_868] : memref<2x2560x128xi32, #tpu.memory_space<hbm>> -> memref<1x1x128xi32, #tpu.memory_space<hbm>>
          %dma_start3A_870 = tpu.memref_squeeze %dma_start3A_869 : memref<1x1x128xi32, #tpu.memory_space<hbm>> -> memref<128xi32, #tpu.memory_space<hbm>>
          tpu.enqueue_dma source(%dma_start3A_870 : memref<128xi32, #tpu.memory_space<hbm>>) target(%dma_start3A_867 : memref<128xi32, #tpu.memory_space<vmem>>) target_semaphore(%arg11 : memref<!tpu.dma_semaphore, #tpu.memory_space<semaphore_mem>>)
          %add3A_871 = arith.addi %select_n3A_8, %scan3A_807 : i32
          %add3A_872 = arith.constant 4 : i32
          %add3A_873 = arith.addi %add3A_871, %add3A_872 : i32
          %sub3A_874 = arith.constant 1 : i32
          %sub3A_875 = arith.subi %add3A_873, %sub3A_874 : i32
          %dma_start3A_876 = arith.constant 1 : i32
          %dma_start3A_877 = arith.constant 3 : i32
          %dma_start3A_878 = arith.constant 1 : i32
          %dma_start3A_879 = arith.constant 0 : i32
          %dma_start3A_880 = tpu.memref_slice %arg5[%dma_start3A_877, %dma_start3A_878, %dma_start3A_879] : memref<4x2x128xi32, #tpu.memory_space<vmem>> -> memref<1x1x128xi32, #tpu.memory_space<vmem>>
          %dma_start3A_881 = tpu.memref_squeeze %dma_start3A_880 : memref<1x1x128xi32, #tpu.memory_space<vmem>> -> memref<128xi32, #tpu.memory_space<vmem>>
          %dma_start3A_882 = arith.constant 0 : i32
          %dma_start3A_883 = tpu.memref_slice %arg3[%dma_start3A_876, %sub3A_875, %dma_start3A_882] : memref<2x2560x128xi32, #tpu.memory_space<hbm>> -> memref<1x1x128xi32, #tpu.memory_space<hbm>>
          %dma_start3A_884 = tpu.memref_squeeze %dma_start3A_883 : memref<1x1x128xi32, #tpu.memory_space<hbm>> -> memref<128xi32, #tpu.memory_space<hbm>>
          %dma_start3A_885 = arith.constant 0 : i32
          %dma_start3A_886 = tpu.memref_slice %arg5[%dma_start3A_877, %dma_start3A_878, %dma_start3A_885] : memref<4x2x128xi32, #tpu.memory_space<vmem>> -> memref<1x1x128xi32, #tpu.memory_space<vmem>>
          %dma_start3A_887 = tpu.memref_squeeze %dma_start3A_886 : memref<1x1x128xi32, #tpu.memory_space<vmem>> -> memref<128xi32, #tpu.memory_space<vmem>>
          %dma_start3A_888 = arith.constant 0 : i32
          %dma_start3A_889 = tpu.memref_slice %arg3[%dma_start3A_876, %sub3A_875, %dma_start3A_888] : memref<2x2560x128xi32, #tpu.memory_space<hbm>> -> memref<1x1x128xi32, #tpu.memory_space<hbm>>
          %dma_start3A_890 = tpu.memref_squeeze %dma_start3A_889 : memref<1x1x128xi32, #tpu.memory_space<hbm>> -> memref<128xi32, #tpu.memory_space<hbm>>
          tpu.enqueue_dma source(%dma_start3A_890 : memref<128xi32, #tpu.memory_space<hbm>>) target(%dma_start3A_887 : memref<128xi32, #tpu.memory_space<vmem>>) target_semaphore(%arg11 : memref<!tpu.dma_semaphore, #tpu.memory_space<semaphore_mem>>)
        } else {
        }
      } else {
      }
      %scan3A_826 = arith.constant 0 : i32
      scf.yield %scan3A_826 : i32
    }
    %scan3A_801 = arith.constant 157 : i32
    %barrier3A_802 = arith.constant 0 : index
    tpu.barrier barrier_id(%barrier3A_802)
    %mul3A_803 = arith.constant 640 : i32
    %mul3A_804 = arith.muli %arg1, %mul3A_803 : i32
    %mul3A_805 = arith.constant 640 : i32
    %mul3A_806 = arith.muli %arg1, %mul3A_805 : i32
    "tpu.region"() ({
      %run_scoped3A = tpu.sem_alloc : memref<!tpu.dma_semaphore, #tpu.memory_space<semaphore_mem>>
      %dma_start3A = arith.constant 0 : i32
      %dma_start3A_807 = tpu.memref_slice %arg4[%arg0, %mul3A_806, %dma_start3A] : memref<2x10240x128xf32, #tpu.memory_space<hbm>> -> memref<1x640x128xf32, #tpu.memory_space<hbm>>
      %dma_start3A_808 = tpu.memref_squeeze %dma_start3A_807 : memref<1x640x128xf32, #tpu.memory_space<hbm>> -> memref<640x128xf32, #tpu.memory_space<hbm>>
      %dma_start3A_809 = arith.constant 0 : i32
      %dma_start3A_810 = tpu.memref_slice %arg14[%mul3A_804, %dma_start3A_809] : memref<10240x128xf32, #tpu.memory_space<vmem_shared>> -> memref<640x128xf32, #tpu.memory_space<vmem_shared>>
      tpu.enqueue_dma source(%dma_start3A_810 : memref<640x128xf32, #tpu.memory_space<vmem_shared>>) target(%dma_start3A_808 : memref<640x128xf32, #tpu.memory_space<hbm>>) target_semaphore(%run_scoped3A : memref<!tpu.dma_semaphore, #tpu.memory_space<semaphore_mem>>)
      %dma_wait3A = arith.constant 0 : i32
      %dma_wait3A_811 = tpu.memref_slice %arg4[%arg0, %mul3A_806, %dma_wait3A] : memref<2x10240x128xf32, #tpu.memory_space<hbm>> -> memref<1x640x128xf32, #tpu.memory_space<hbm>>
      %dma_wait3A_812 = tpu.memref_squeeze %dma_wait3A_811 : memref<1x640x128xf32, #tpu.memory_space<hbm>> -> memref<640x128xf32, #tpu.memory_space<hbm>>
      %dma_wait3A_813 = arith.constant 0 : i32
      %dma_wait3A_814 = tpu.memref_slice %arg14[%mul3A_804, %dma_wait3A_813] : memref<10240x128xf32, #tpu.memory_space<vmem_shared>> -> memref<640x128xf32, #tpu.memory_space<vmem_shared>>
      tpu.wait_dma2 semaphore(%run_scoped3A : memref<!tpu.dma_semaphore, #tpu.memory_space<semaphore_mem>>) src(%dma_wait3A_814 : memref<640x128xf32, #tpu.memory_space<vmem_shared>>) dst(%dma_wait3A_812 : memref<640x128xf32, #tpu.memory_space<hbm>>)
      tpu.yield
    }) : () -> ()
    return
  }
}

#map = affine_map<(d0, d1) -> (0, 0)>
#map1 = affine_map<(d0, d1) -> (0, 0, 0)>
module attributes {stable_mosaic.version = 14 : i64} {
  func.func @k(%arg0: i32, %arg1: i32, %arg2: memref<10240x128xf32, #tpu.memory_space<hbm>>, %arg3: memref<2x2560x128xi32, #tpu.memory_space<hbm>>, %arg4: memref<2x10240x128xf32, #tpu.memory_space<hbm>>, %arg5: memref<4x2x128xi32, #tpu.memory_space<vmem>>, %arg6: memref<128x128xf32, #tpu.memory_space<vmem>>, %arg7: memref<128x128xf32, #tpu.memory_space<vmem>>, %arg8: memref<!tpu.dma_semaphore, #tpu.memory_space<semaphore_mem>>, %arg9: memref<!tpu.dma_semaphore, #tpu.memory_space<semaphore_mem>>, %arg10: memref<!tpu.dma_semaphore, #tpu.memory_space<semaphore_mem>>, %arg11: memref<!tpu.dma_semaphore, #tpu.memory_space<semaphore_mem>>, %arg12: memref<!tpu.dma_semaphore, #tpu.memory_space<semaphore_mem>>, %arg13: memref<!tpu.dma_semaphore, #tpu.memory_space<semaphore_mem>>, %arg14: memref<10240x128xf32, #tpu.memory_space<vmem_shared>>) attributes {dimension_semantics = [#tpu.dimension_semantics<core_parallel>, #tpu.dimension_semantics<subcore_parallel>], iteration_bounds = array<i64: 2, 16>, scalar_prefetch = 0 : i64, scratch_operands = 10 : i64, tpu.core_type = #tpu.core_type<sc_vector_subcore>, window_params = [{transform_indices = #map}, {transform_indices = #map1}, {transform_indices = #map1}]} {
    %eq3A = arith.constant 0 : i32
    %eq3A_0 = arith.cmpi eq, %arg0, %eq3A : i32
    %jit3A = arith.constant 156 : i32
    %jit3A_1 = arith.constant 4 : i32
    %select_n3A = arith.select %eq3A_0, %jit3A, %jit3A_1 : i32
    %eq3A_2 = arith.constant 0 : i32
    %eq3A_3 = arith.cmpi eq, %arg0, %eq3A_2 : i32
    %mul3A = arith.constant 156 : i32
    %mul3A_4 = arith.muli %arg1, %mul3A : i32
    %mul3A_5 = arith.constant 4 : i32
    %mul3A_6 = arith.muli %arg1, %mul3A_5 : i32
    %add3A = arith.constant 2496 : i32
    %add3A_7 = arith.addi %add3A, %mul3A_6 : i32
    %select_n3A_8 = arith.select %eq3A_3, %mul3A_4, %add3A_7 : i32
    %broadcast_in_dim3A = arith.constant 0.000000e+00 : f32
    %broadcast_in_dim3A_9 = vector.broadcast %broadcast_in_dim3A : f32 to vector<16xf32>
    %swap3A = arith.constant 0 : i32
    %swap3A_10 = arith.index_cast %swap3A : i32 to index
    %swap3A_11 = arith.constant 0 : index
    %swap3A_12 = tpu.vector_load %arg6[%swap3A_10, %swap3A_11] {strides = array<i32>} : memref<128x128xf32, #tpu.memory_space<vmem>>, vector<1x16xf32>,
    %swap3A_13 = vector.shape_cast %swap3A_12 : vector<1x16xf32> to vector<16xf32>
    %swap3A_14 = vector.shape_cast %broadcast_in_dim3A_9 : vector<16xf32> to vector<1x16xf32>
    tpu.vector_store %arg6[%swap3A_10, %swap3A_11], %swap3A_14 {strides = array<i32>} : memref<128x128xf32, #tpu.memory_space<vmem>>, vector<1x16xf32>,
    %swap3A_15 = arith.constant 0 : i32
    %swap3A_16 = arith.index_cast %swap3A_15 : i32 to index
    %swap3A_17 = arith.constant 16 : index
    %swap3A_18 = tpu.vector_load %arg6[%swap3A_16, %swap3A_17] {strides = array<i32>} : memref<128x128xf32, #tpu.memory_space<vmem>>, vector<1x16xf32>,
    %swap3A_19 = vector.shape_cast %swap3A_18 : vector<1x16xf32> to vector<16xf32>
    %swap3A_20 = vector.shape_cast %broadcast_in_dim3A_9 : vector<16xf32> to vector<1x16xf32>
    tpu.vector_store %arg6[%swap3A_16, %swap3A_17], %swap3A_20 {strides = array<i32>} : memref<128x128xf32, #tpu.memory_space<vmem>>, vector<1x16xf32>,
    %swap3A_21 = arith.constant 0 : i32
    %swap3A_22 = arith.index_cast %swap3A_21 : i32 to index
    %swap3A_23 = arith.constant 32 : index
    %swap3A_24 = tpu.vector_load %arg6[%swap3A_22, %swap3A_23] {strides = array<i32>} : memref<128x128xf32, #tpu.memory_space<vmem>>, vector<1x16xf32>,
    %swap3A_25 = vector.shape_cast %swap3A_24 : vector<1x16xf32> to vector<16xf32>
    %swap3A_26 = vector.shape_cast %broadcast_in_dim3A_9 : vector<16xf32> to vector<1x16xf32>
    tpu.vector_store %arg6[%swap3A_22, %swap3A_23], %swap3A_26 {strides = array<i32>} : memref<128x128xf32, #tpu.memory_space<vmem>>, vector<1x16xf32>,
    %swap3A_27 = arith.constant 0 : i32
    %swap3A_28 = arith.index_cast %swap3A_27 : i32 to index
    %swap3A_29 = arith.constant 48 : index
    %swap3A_30 = tpu.vector_load %arg6[%swap3A_28, %swap3A_29] {strides = array<i32>} : memref<128x128xf32, #tpu.memory_space<vmem>>, vector<1x16xf32>,
    %swap3A_31 = vector.shape_cast %swap3A_30 : vector<1x16xf32> to vector<16xf32>
    %swap3A_32 = vector.shape_cast %broadcast_in_dim3A_9 : vector<16xf32> to vector<1x16xf32>
    tpu.vector_store %arg6[%swap3A_28, %swap3A_29], %swap3A_32 {strides = array<i32>} : memref<128x128xf32, #tpu.memory_space<vmem>>, vector<1x16xf32>,
    %swap3A_33 = arith.constant 0 : i32
    %swap3A_34 = arith.index_cast %swap3A_33 : i32 to index
    %swap3A_35 = arith.constant 64 : index
    %swap3A_36 = tpu.vector_load %arg6[%swap3A_34, %swap3A_35] {strides = array<i32>} : memref<128x128xf32, #tpu.memory_space<vmem>>, vector<1x16xf32>,
    %swap3A_37 = vector.shape_cast %swap3A_36 : vector<1x16xf32> to vector<16xf32>
    %swap3A_38 = vector.shape_cast %broadcast_in_dim3A_9 : vector<16xf32> to vector<1x16xf32>
    tpu.vector_store %arg6[%swap3A_34, %swap3A_35], %swap3A_38 {strides = array<i32>} : memref<128x128xf32, #tpu.memory_space<vmem>>, vector<1x16xf32>,
    %swap3A_39 = arith.constant 0 : i32
    %swap3A_40 = arith.index_cast %swap3A_39 : i32 to index
    %swap3A_41 = arith.constant 80 : index
    %swap3A_42 = tpu.vector_load %arg6[%swap3A_40, %swap3A_41] {strides = array<i32>} : memref<128x128xf32, #tpu.memory_space<vmem>>, vector<1x16xf32>,
    %swap3A_43 = vector.shape_cast %swap3A_42 : vector<1x16xf32> to vector<16xf32>
    %swap3A_44 = vector.shape_cast %broadcast_in_dim3A_9 : vector<16xf32> to vector<1x16xf32>
    tpu.vector_store %arg6[%swap3A_40, %swap3A_41], %swap3A_44 {strides = array<i32>} : memref<128x128xf32, #tpu.memory_space<vmem>>, vector<1x16xf32>,
    %swap3A_45 = arith.constant 0 : i32
    %swap3A_46 = arith.index_cast %swap3A_45 : i32 to index
    %swap3A_47 = arith.constant 96 : index
    %swap3A_48 = tpu.vector_load %arg6[%swap3A_46, %swap3A_47] {strides = array<i32>} : memref<128x128xf32, #tpu.memory_space<vmem>>, vector<1x16xf32>,
    %swap3A_49 = vector.shape_cast %swap3A_48 : vector<1x16xf32> to vector<16xf32>
    %swap3A_50 = vector.shape_cast %broadcast_in_dim3A_9 : vector<16xf32> to vector<1x16xf32>
    tpu.vector_store %arg6[%swap3A_46, %swap3A_47], %swap3A_50 {strides = array<i32>} : memref<128x128xf32, #tpu.memory_space<vmem>>, vector<1x16xf32>,
    %swap3A_51 = arith.constant 0 : i32
    %swap3A_52 = arith.index_cast %swap3A_51 : i32 to index
    %swap3A_53 = arith.constant 112 : index
    %swap3A_54 = tpu.vector_load %arg6[%swap3A_52, %swap3A_53] {strides = array<i32>} : memref<128x128xf32, #tpu.memory_space<vmem>>, vector<1x16xf32>,
    %swap3A_55 = vector.shape_cast %swap3A_54 : vector<1x16xf32> to vector<16xf32>
    %swap3A_56 = vector.shape_cast %broadcast_in_dim3A_9 : vector<16xf32> to vector<1x16xf32>
    tpu.vector_store %arg6[%swap3A_52, %swap3A_53], %swap3A_56 {strides = array<i32>} : memref<128x128xf32, #tpu.memory_space<vmem>>, vector<1x16xf32>,
    %swap3A_57 = arith.constant 1 : i32
    %swap3A_58 = arith.index_cast %swap3A_57 : i32 to index
    %swap3A_59 = arith.constant 0 : index
    %swap3A_60 = tpu.vector_load %arg6[%swap3A_58, %swap3A_59] {strides = array<i32>} : memref<128x128xf32, #tpu.memory_space<vmem>>, vector<1x16xf32>,
    %swap3A_61 = vector.shape_cast %swap3A_60 : vector<1x16xf32> to vector<16xf32>
    %swap3A_62 = vector.shape_cast %broadcast_in_dim3A_9 : vector<16xf32> to vector<1x16xf32>
    tpu.vector_store %arg6[%swap3A_58, %swap3A_59], %swap3A_62 {strides = array<i32>} : memref<128x128xf32, #tpu.memory_space<vmem>>, vector<1x16xf32>,
    %swap3A_63 = arith.constant 1 : i32
    %swap3A_64 = arith.index_cast %swap3A_63 : i32 to index
    %swap3A_65 = arith.constant 16 : index
    %swap3A_66 = tpu.vector_load %arg6[%swap3A_64, %swap3A_65] {strides = array<i32>} : memref<128x128xf32, #tpu.memory_space<vmem>>, vector<1x16xf32>,
    %swap3A_67 = vector.shape_cast %swap3A_66 : vector<1x16xf32> to vector<16xf32>
    %swap3A_68 = vector.shape_cast %broadcast_in_dim3A_9 : vector<16xf32> to vector<1x16xf32>
    tpu.vector_store %arg6[%swap3A_64, %swap3A_65], %swap3A_68 {strides = array<i32>} : memref<128x128xf32, #tpu.memory_space<vmem>>, vector<1x16xf32>,
    %swap3A_69 = arith.constant 1 : i32
    %swap3A_70 = arith.index_cast %swap3A_69 : i32 to index
    %swap3A_71 = arith.constant 32 : index
    %swap3A_72 = tpu.vector_load %arg6[%swap3A_70, %swap3A_71] {strides = array<i32>} : memref<128x128xf32, #tpu.memory_space<vmem>>, vector<1x16xf32>,
    %swap3A_73 = vector.shape_cast %swap3A_72 : vector<1x16xf32> to vector<16xf32>
    %swap3A_74 = vector.shape_cast %broadcast_in_dim3A_9 : vector<16xf32> to vector<1x16xf32>
    tpu.vector_store %arg6[%swap3A_70, %swap3A_71], %swap3A_74 {strides = array<i32>} : memref<128x128xf32, #tpu.memory_space<vmem>>, vector<1x16xf32>,
    %swap3A_75 = arith.constant 1 : i32
    %swap3A_76 = arith.index_cast %swap3A_75 : i32 to index
    %swap3A_77 = arith.constant 48 : index
    %swap3A_78 = tpu.vector_load %arg6[%swap3A_76, %swap3A_77] {strides = array<i32>} : memref<128x128xf32, #tpu.memory_space<vmem>>, vector<1x16xf32>,
    %swap3A_79 = vector.shape_cast %swap3A_78 : vector<1x16xf32> to vector<16xf32>
    %swap3A_80 = vector.shape_cast %broadcast_in_dim3A_9 : vector<16xf32> to vector<1x16xf32>
    tpu.vector_store %arg6[%swap3A_76, %swap3A_77], %swap3A_80 {strides = array<i32>} : memref<128x128xf32, #tpu.memory_space<vmem>>, vector<1x16xf32>,
    %swap3A_81 = arith.constant 1 : i32
    %swap3A_82 = arith.index_cast %swap3A_81 : i32 to index
    %swap3A_83 = arith.constant 64 : index
    %swap3A_84 = tpu.vector_load %arg6[%swap3A_82, %swap3A_83] {strides = array<i32>} : memref<128x128xf32, #tpu.memory_space<vmem>>, vector<1x16xf32>,
    %swap3A_85 = vector.shape_cast %swap3A_84 : vector<1x16xf32> to vector<16xf32>
    %swap3A_86 = vector.shape_cast %broadcast_in_dim3A_9 : vector<16xf32> to vector<1x16xf32>
    tpu.vector_store %arg6[%swap3A_82, %swap3A_83], %swap3A_86 {strides = array<i32>} : memref<128x128xf32, #tpu.memory_space<vmem>>, vector<1x16xf32>,
    %swap3A_87 = arith.constant 1 : i32
    %swap3A_88 = arith.index_cast %swap3A_87 : i32 to index
    %swap3A_89 = arith.constant 80 : index
    %swap3A_90 = tpu.vector_load %arg6[%swap3A_88, %swap3A_89] {strides = array<i32>} : memref<128x128xf32, #tpu.memory_space<vmem>>, vector<1x16xf32>,
    %swap3A_91 = vector.shape_cast %swap3A_90 : vector<1x16xf32> to vector<16xf32>
    %swap3A_92 = vector.shape_cast %broadcast_in_dim3A_9 : vector<16xf32> to vector<1x16xf32>
    tpu.vector_store %arg6[%swap3A_88, %swap3A_89], %swap3A_92 {strides = array<i32>} : memref<128x128xf32, #tpu.memory_space<vmem>>, vector<1x16xf32>,
    %swap3A_93 = arith.constant 1 : i32
    %swap3A_94 = arith.index_cast %swap3A_93 : i32 to index
    %swap3A_95 = arith.constant 96 : index
    %swap3A_96 = tpu.vector_load %arg6[%swap3A_94, %swap3A_95] {strides = array<i32>} : memref<128x128xf32, #tpu.memory_space<vmem>>, vector<1x16xf32>,
    %swap3A_97 = vector.shape_cast %swap3A_96 : vector<1x16xf32> to vector<16xf32>
    %swap3A_98 = vector.shape_cast %broadcast_in_dim3A_9 : vector<16xf32> to vector<1x16xf32>
    tpu.vector_store %arg6[%swap3A_94, %swap3A_95], %swap3A_98 {strides = array<i32>} : memref<128x128xf32, #tpu.memory_space<vmem>>, vector<1x16xf32>,
    %swap3A_99 = arith.constant 1 : i32
    %swap3A_100 = arith.index_cast %swap3A_99 : i32 to index
    %swap3A_101 = arith.constant 112 : index
    %swap3A_102 = tpu.vector_load %arg6[%swap3A_100, %swap3A_101] {strides = array<i32>} : memref<128x128xf32, #tpu.memory_space<vmem>>, vector<1x16xf32>,
    %swap3A_103 = vector.shape_cast %swap3A_102 : vector<1x16xf32> to vector<16xf32>
    %swap3A_104 = vector.shape_cast %broadcast_in_dim3A_9 : vector<16xf32> to vector<1x16xf32>
    tpu.vector_store %arg6[%swap3A_100, %swap3A_101], %swap3A_104 {strides = array<i32>} : memref<128x128xf32, #tpu.memory_space<vmem>>, vector<1x16xf32>,
    %swap3A_105 = arith.constant 2 : i32
    %swap3A_106 = arith.index_cast %swap3A_105 : i32 to index
    %swap3A_107 = arith.constant 0 : index
    %swap3A_108 = tpu.vector_load %arg6[%swap3A_106, %swap3A_107] {strides = array<i32>} : memref<128x128xf32, #tpu.memory_space<vmem>>, vector<1x16xf32>,
    %swap3A_109 = vector.shape_cast %swap3A_108 : vector<1x16xf32> to vector<16xf32>
    %swap3A_110 = vector.shape_cast %broadcast_in_dim3A_9 : vector<16xf32> to vector<1x16xf32>
    tpu.vector_store %arg6[%swap3A_106, %swap3A_107], %swap3A_110 {strides = array<i32>} : memref<128x128xf32, #tpu.memory_space<vmem>>, vector<1x16xf32>,
    %swap3A_111 = arith.constant 2 : i32
    %swap3A_112 = arith.index_cast %swap3A_111 : i32 to index
    %swap3A_113 = arith.constant 16 : index
    %swap3A_114 = tpu.vector_load %arg6[%swap3A_112, %swap3A_113] {strides = array<i32>} : memref<128x128xf32, #tpu.memory_space<vmem>>, vector<1x16xf32>,
    %swap3A_115 = vector.shape_cast %swap3A_114 : vector<1x16xf32> to vector<16xf32>
    %swap3A_116 = vector.shape_cast %broadcast_in_dim3A_9 : vector<16xf32> to vector<1x16xf32>
    tpu.vector_store %arg6[%swap3A_112, %swap3A_113], %swap3A_116 {strides = array<i32>} : memref<128x128xf32, #tpu.memory_space<vmem>>, vector<1x16xf32>,
    %swap3A_117 = arith.constant 2 : i32
    %swap3A_118 = arith.index_cast %swap3A_117 : i32 to index
    %swap3A_119 = arith.constant 32 : index
    %swap3A_120 = tpu.vector_load %arg6[%swap3A_118, %swap3A_119] {strides = array<i32>} : memref<128x128xf32, #tpu.memory_space<vmem>>, vector<1x16xf32>,
    %swap3A_121 = vector.shape_cast %swap3A_120 : vector<1x16xf32> to vector<16xf32>
    %swap3A_122 = vector.shape_cast %broadcast_in_dim3A_9 : vector<16xf32> to vector<1x16xf32>
    tpu.vector_store %arg6[%swap3A_118, %swap3A_119], %swap3A_122 {strides = array<i32>} : memref<128x128xf32, #tpu.memory_space<vmem>>, vector<1x16xf32>,
    %swap3A_123 = arith.constant 2 : i32
    %swap3A_124 = arith.index_cast %swap3A_123 : i32 to index
    %swap3A_125 = arith.constant 48 : index
    %swap3A_126 = tpu.vector_load %arg6[%swap3A_124, %swap3A_125] {strides = array<i32>} : memref<128x128xf32, #tpu.memory_space<vmem>>, vector<1x16xf32>,
    %swap3A_127 = vector.shape_cast %swap3A_126 : vector<1x16xf32> to vector<16xf32>
    %swap3A_128 = vector.shape_cast %broadcast_in_dim3A_9 : vector<16xf32> to vector<1x16xf32>
    tpu.vector_store %arg6[%swap3A_124, %swap3A_125], %swap3A_128 {strides = array<i32>} : memref<128x128xf32, #tpu.memory_space<vmem>>, vector<1x16xf32>,
    %swap3A_129 = arith.constant 2 : i32
    %swap3A_130 = arith.index_cast %swap3A_129 : i32 to index
    %swap3A_131 = arith.constant 64 : index
    %swap3A_132 = tpu.vector_load %arg6[%swap3A_130, %swap3A_131] {strides = array<i32>} : memref<128x128xf32, #tpu.memory_space<vmem>>, vector<1x16xf32>,
    %swap3A_133 = vector.shape_cast %swap3A_132 : vector<1x16xf32> to vector<16xf32>
    %swap3A_134 = vector.shape_cast %broadcast_in_dim3A_9 : vector<16xf32> to vector<1x16xf32>
    tpu.vector_store %arg6[%swap3A_130, %swap3A_131], %swap3A_134 {strides = array<i32>} : memref<128x128xf32, #tpu.memory_space<vmem>>, vector<1x16xf32>,
    %swap3A_135 = arith.constant 2 : i32
    %swap3A_136 = arith.index_cast %swap3A_135 : i32 to index
    %swap3A_137 = arith.constant 80 : index
    %swap3A_138 = tpu.vector_load %arg6[%swap3A_136, %swap3A_137] {strides = array<i32>} : memref<128x128xf32, #tpu.memory_space<vmem>>, vector<1x16xf32>,
    %swap3A_139 = vector.shape_cast %swap3A_138 : vector<1x16xf32> to vector<16xf32>
    %swap3A_140 = vector.shape_cast %broadcast_in_dim3A_9 : vector<16xf32> to vector<1x16xf32>
    tpu.vector_store %arg6[%swap3A_136, %swap3A_137], %swap3A_140 {strides = array<i32>} : memref<128x128xf32, #tpu.memory_space<vmem>>, vector<1x16xf32>,
    %swap3A_141 = arith.constant 2 : i32
    %swap3A_142 = arith.index_cast %swap3A_141 : i32 to index
    %swap3A_143 = arith.constant 96 : index
    %swap3A_144 = tpu.vector_load %arg6[%swap3A_142, %swap3A_143] {strides = array<i32>} : memref<128x128xf32, #tpu.memory_space<vmem>>, vector<1x16xf32>,
    %swap3A_145 = vector.shape_cast %swap3A_144 : vector<1x16xf32> to vector<16xf32>
    %swap3A_146 = vector.shape_cast %broadcast_in_dim3A_9 : vector<16xf32> to vector<1x16xf32>
    tpu.vector_store %arg6[%swap3A_142, %swap3A_143], %swap3A_146 {strides = array<i32>} : memref<128x128xf32, #tpu.memory_space<vmem>>, vector<1x16xf32>,
    %swap3A_147 = arith.constant 2 : i32
    %swap3A_148 = arith.index_cast %swap3A_147 : i32 to index
    %swap3A_149 = arith.constant 112 : index
    %swap3A_150 = tpu.vector_load %arg6[%swap3A_148, %swap3A_149] {strides = array<i32>} : memref<128x128xf32, #tpu.memory_space<vmem>>, vector<1x16xf32>,
    %swap3A_151 = vector.shape_cast %swap3A_150 : vector<1x16xf32> to vector<16xf32>
    %swap3A_152 = vector.shape_cast %broadcast_in_dim3A_9 : vector<16xf32> to vector<1x16xf32>
    tpu.vector_store %arg6[%swap3A_148, %swap3A_149], %swap3A_152 {strides = array<i32>} : memref<128x128xf32, #tpu.memory_space<vmem>>, vector<1x16xf32>,
    %swap3A_153 = arith.constant 3 : i32
    %swap3A_154 = arith.index_cast %swap3A_153 : i32 to index
    %swap3A_155 = arith.constant 0 : index
    %swap3A_156 = tpu.vector_load %arg6[%swap3A_154, %swap3A_155] {strides = array<i32>} : memref<128x128xf32, #tpu.memory_space<vmem>>, vector<1x16xf32>,
    %swap3A_157 = vector.shape_cast %swap3A_156 : vector<1x16xf32> to vector<16xf32>
    %swap3A_158 = vector.shape_cast %broadcast_in_dim3A_9 : vector<16xf32> to vector<1x16xf32>
    tpu.vector_store %arg6[%swap3A_154, %swap3A_155], %swap3A_158 {strides = array<i32>} : memref<128x128xf32, #tpu.memory_space<vmem>>, vector<1x16xf32>,
    %swap3A_159 = arith.constant 3 : i32
    %swap3A_160 = arith.index_cast %swap3A_159 : i32 to index
    %swap3A_161 = arith.constant 16 : index
    %swap3A_162 = tpu.vector_load %arg6[%swap3A_160, %swap3A_161] {strides = array<i32>} : memref<128x128xf32, #tpu.memory_space<vmem>>, vector<1x16xf32>,
    %swap3A_163 = vector.shape_cast %swap3A_162 : vector<1x16xf32> to vector<16xf32>
    %swap3A_164 = vector.shape_cast %broadcast_in_dim3A_9 : vector<16xf32> to vector<1x16xf32>
    tpu.vector_store %arg6[%swap3A_160, %swap3A_161], %swap3A_164 {strides = array<i32>} : memref<128x128xf32, #tpu.memory_space<vmem>>, vector<1x16xf32>,
    %swap3A_165 = arith.constant 3 : i32
    %swap3A_166 = arith.index_cast %swap3A_165 : i32 to index
    %swap3A_167 = arith.constant 32 : index
    %swap3A_168 = tpu.vector_load %arg6[%swap3A_166, %swap3A_167] {strides = array<i32>} : memref<128x128xf32, #tpu.memory_space<vmem>>, vector<1x16xf32>,
    %swap3A_169 = vector.shape_cast %swap3A_168 : vector<1x16xf32> to vector<16xf32>
    %swap3A_170 = vector.shape_cast %broadcast_in_dim3A_9 : vector<16xf32> to vector<1x16xf32>
    tpu.vector_store %arg6[%swap3A_166, %swap3A_167], %swap3A_170 {strides = array<i32>} : memref<128x128xf32, #tpu.memory_space<vmem>>, vector<1x16xf32>,
    %swap3A_171 = arith.constant 3 : i32
    %swap3A_172 = arith.index_cast %swap3A_171 : i32 to index
    %swap3A_173 = arith.constant 48 : index
    %swap3A_174 = tpu.vector_load %arg6[%swap3A_172, %swap3A_173] {strides = array<i32>} : memref<128x128xf32, #tpu.memory_space<vmem>>, vector<1x16xf32>,
    %swap3A_175 = vector.shape_cast %swap3A_174 : vector<1x16xf32> to vector<16xf32>
    %swap3A_176 = vector.shape_cast %broadcast_in_dim3A_9 : vector<16xf32> to vector<1x16xf32>
    tpu.vector_store %arg6[%swap3A_172, %swap3A_173], %swap3A_176 {strides = array<i32>} : memref<128x128xf32, #tpu.memory_space<vmem>>, vector<1x16xf32>,
    %swap3A_177 = arith.constant 3 : i32
    %swap3A_178 = arith.index_cast %swap3A_177 : i32 to index
    %swap3A_179 = arith.constant 64 : index
    %swap3A_180 = tpu.vector_load %arg6[%swap3A_178, %swap3A_179] {strides = array<i32>} : memref<128x128xf32, #tpu.memory_space<vmem>>, vector<1x16xf32>,
    %swap3A_181 = vector.shape_cast %swap3A_180 : vector<1x16xf32> to vector<16xf32>
    %swap3A_182 = vector.shape_cast %broadcast_in_dim3A_9 : vector<16xf32> to vector<1x16xf32>
    tpu.vector_store %arg6[%swap3A_178, %swap3A_179], %swap3A_182 {strides = array<i32>} : memref<128x128xf32, #tpu.memory_space<vmem>>, vector<1x16xf32>,
    %swap3A_183 = arith.constant 3 : i32
    %swap3A_184 = arith.index_cast %swap3A_183 : i32 to index
    %swap3A_185 = arith.constant 80 : index
    %swap3A_186 = tpu.vector_load %arg6[%swap3A_184, %swap3A_185] {strides = array<i32>} : memref<128x128xf32, #tpu.memory_space<vmem>>, vector<1x16xf32>,
    %swap3A_187 = vector.shape_cast %swap3A_186 : vector<1x16xf32> to vector<16xf32>
    %swap3A_188 = vector.shape_cast %broadcast_in_dim3A_9 : vector<16xf32> to vector<1x16xf32>
    tpu.vector_store %arg6[%swap3A_184, %swap3A_185], %swap3A_188 {strides = array<i32>} : memref<128x128xf32, #tpu.memory_space<vmem>>, vector<1x16xf32>,
    %swap3A_189 = arith.constant 3 : i32
    %swap3A_190 = arith.index_cast %swap3A_189 : i32 to index
    %swap3A_191 = arith.constant 96 : index
    %swap3A_192 = tpu.vector_load %arg6[%swap3A_190, %swap3A_191] {strides = array<i32>} : memref<128x128xf32, #tpu.memory_space<vmem>>, vector<1x16xf32>,
    %swap3A_193 = vector.shape_cast %swap3A_192 : vector<1x16xf32> to vector<16xf32>
    %swap3A_194 = vector.shape_cast %broadcast_in_dim3A_9 : vector<16xf32> to vector<1x16xf32>
    tpu.vector_store %arg6[%swap3A_190, %swap3A_191], %swap3A_194 {strides = array<i32>} : memref<128x128xf32, #tpu.memory_space<vmem>>, vector<1x16xf32>,
    %swap3A_195 = arith.constant 3 : i32
    %swap3A_196 = arith.index_cast %swap3A_195 : i32 to index
    %swap3A_197 = arith.constant 112 : index
    %swap3A_198 = tpu.vector_load %arg6[%swap3A_196, %swap3A_197] {strides = array<i32>} : memref<128x128xf32, #tpu.memory_space<vmem>>, vector<1x16xf32>,
    %swap3A_199 = vector.shape_cast %swap3A_198 : vector<1x16xf32> to vector<16xf32>
    %swap3A_200 = vector.shape_cast %broadcast_in_dim3A_9 : vector<16xf32> to vector<1x16xf32>
    tpu.vector_store %arg6[%swap3A_196, %swap3A_197], %swap3A_200 {strides = array<i32>} : memref<128x128xf32, #tpu.memory_space<vmem>>, vector<1x16xf32>,
    %swap3A_201 = arith.constant 4 : i32
    %swap3A_202 = arith.index_cast %swap3A_201 : i32 to index
    %swap3A_203 = arith.constant 0 : index
    %swap3A_204 = tpu.vector_load %arg6[%swap3A_202, %swap3A_203] {strides = array<i32>} : memref<128x128xf32, #tpu.memory_space<vmem>>, vector<1x16xf32>,
    %swap3A_205 = vector.shape_cast %swap3A_204 : vector<1x16xf32> to vector<16xf32>
    %swap3A_206 = vector.shape_cast %broadcast_in_dim3A_9 : vector<16xf32> to vector<1x16xf32>
    tpu.vector_store %arg6[%swap3A_202, %swap3A_203], %swap3A_206 {strides = array<i32>} : memref<128x128xf32, #tpu.memory_space<vmem>>, vector<1x16xf32>,
    %swap3A_207 = arith.constant 4 : i32
    %swap3A_208 = arith.index_cast %swap3A_207 : i32 to index
    %swap3A_209 = arith.constant 16 : index
    %swap3A_210 = tpu.vector_load %arg6[%swap3A_208, %swap3A_209] {strides = array<i32>} : memref<128x128xf32, #tpu.memory_space<vmem>>, vector<1x16xf32>,
    %swap3A_211 = vector.shape_cast %swap3A_210 : vector<1x16xf32> to vector<16xf32>
    %swap3A_212 = vector.shape_cast %broadcast_in_dim3A_9 : vector<16xf32> to vector<1x16xf32>
    tpu.vector_store %arg6[%swap3A_208, %swap3A_209], %swap3A_212 {strides = array<i32>} : memref<128x128xf32, #tpu.memory_space<vmem>>, vector<1x16xf32>,
    %swap3A_213 = arith.constant 4 : i32
    %swap3A_214 = arith.index_cast %swap3A_213 : i32 to index
    %swap3A_215 = arith.constant 32 : index
    %swap3A_216 = tpu.vector_load %arg6[%swap3A_214, %swap3A_215] {strides = array<i32>} : memref<128x128xf32, #tpu.memory_space<vmem>>, vector<1x16xf32>,
    %swap3A_217 = vector.shape_cast %swap3A_216 : vector<1x16xf32> to vector<16xf32>
    %swap3A_218 = vector.shape_cast %broadcast_in_dim3A_9 : vector<16xf32> to vector<1x16xf32>
    tpu.vector_store %arg6[%swap3A_214, %swap3A_215], %swap3A_218 {strides = array<i32>} : memref<128x128xf32, #tpu.memory_space<vmem>>, vector<1x16xf32>,
    %swap3A_219 = arith.constant 4 : i32
    %swap3A_220 = arith.index_cast %swap3A_219 : i32 to index
    %swap3A_221 = arith.constant 48 : index
    %swap3A_222 = tpu.vector_load %arg6[%swap3A_220, %swap3A_221] {strides = array<i32>} : memref<128x128xf32, #tpu.memory_space<vmem>>, vector<1x16xf32>,
    %swap3A_223 = vector.shape_cast %swap3A_222 : vector<1x16xf32> to vector<16xf32>
    %swap3A_224 = vector.shape_cast %broadcast_in_dim3A_9 : vector<16xf32> to vector<1x16xf32>
    tpu.vector_store %arg6[%swap3A_220, %swap3A_221], %swap3A_224 {strides = array<i32>} : memref<128x128xf32, #tpu.memory_space<vmem>>, vector<1x16xf32>,
    %swap3A_225 = arith.constant 4 : i32
    %swap3A_226 = arith.index_cast %swap3A_225 : i32 to index
    %swap3A_227 = arith.constant 64 : index
    %swap3A_228 = tpu.vector_load %arg6[%swap3A_226, %swap3A_227] {strides = array<i32>} : memref<128x128xf32, #tpu.memory_space<vmem>>, vector<1x16xf32>,
    %swap3A_229 = vector.shape_cast %swap3A_228 : vector<1x16xf32> to vector<16xf32>
    %swap3A_230 = vector.shape_cast %broadcast_in_dim3A_9 : vector<16xf32> to vector<1x16xf32>
    tpu.vector_store %arg6[%swap3A_226, %swap3A_227], %swap3A_230 {strides = array<i32>} : memref<128x128xf32, #tpu.memory_space<vmem>>, vector<1x16xf32>,
    %swap3A_231 = arith.constant 4 : i32
    %swap3A_232 = arith.index_cast %swap3A_231 : i32 to index
    %swap3A_233 = arith.constant 80 : index
    %swap3A_234 = tpu.vector_load %arg6[%swap3A_232, %swap3A_233] {strides = array<i32>} : memref<128x128xf32, #tpu.memory_space<vmem>>, vector<1x16xf32>,
    %swap3A_235 = vector.shape_cast %swap3A_234 : vector<1x16xf32> to vector<16xf32>
    %swap3A_236 = vector.shape_cast %broadcast_in_dim3A_9 : vector<16xf32> to vector<1x16xf32>
    tpu.vector_store %arg6[%swap3A_232, %swap3A_233], %swap3A_236 {strides = array<i32>} : memref<128x128xf32, #tpu.memory_space<vmem>>, vector<1x16xf32>,
    %swap3A_237 = arith.constant 4 : i32
    %swap3A_238 = arith.index_cast %swap3A_237 : i32 to index
    %swap3A_239 = arith.constant 96 : index
    %swap3A_240 = tpu.vector_load %arg6[%swap3A_238, %swap3A_239] {strides = array<i32>} : memref<128x128xf32, #tpu.memory_space<vmem>>, vector<1x16xf32>,
    %swap3A_241 = vector.shape_cast %swap3A_240 : vector<1x16xf32> to vector<16xf32>
    %swap3A_242 = vector.shape_cast %broadcast_in_dim3A_9 : vector<16xf32> to vector<1x16xf32>
    tpu.vector_store %arg6[%swap3A_238, %swap3A_239], %swap3A_242 {strides = array<i32>} : memref<128x128xf32, #tpu.memory_space<vmem>>, vector<1x16xf32>,
    %swap3A_243 = arith.constant 4 : i32
    %swap3A_244 = arith.index_cast %swap3A_243 : i32 to index
    %swap3A_245 = arith.constant 112 : index
    %swap3A_246 = tpu.vector_load %arg6[%swap3A_244, %swap3A_245] {strides = array<i32>} : memref<128x128xf32, #tpu.memory_space<vmem>>, vector<1x16xf32>,
    %swap3A_247 = vector.shape_cast %swap3A_246 : vector<1x16xf32> to vector<16xf32>
    %swap3A_248 = vector.shape_cast %broadcast_in_dim3A_9 : vector<16xf32> to vector<1x16xf32>
    tpu.vector_store %arg6[%swap3A_244, %swap3A_245], %swap3A_248 {strides = array<i32>} : memref<128x128xf32, #tpu.memory_space<vmem>>, vector<1x16xf32>,
    %swap3A_249 = arith.constant 5 : i32
    %swap3A_250 = arith.index_cast %swap3A_249 : i32 to index
    %swap3A_251 = arith.constant 0 : index
    %swap3A_252 = tpu.vector_load %arg6[%swap3A_250, %swap3A_251] {strides = array<i32>} : memref<128x128xf32, #tpu.memory_space<vmem>>, vector<1x16xf32>,
    %swap3A_253 = vector.shape_cast %swap3A_252 : vector<1x16xf32> to vector<16xf32>
    %swap3A_254 = vector.shape_cast %broadcast_in_dim3A_9 : vector<16xf32> to vector<1x16xf32>
    tpu.vector_store %arg6[%swap3A_250, %swap3A_251], %swap3A_254 {strides = array<i32>} : memref<128x128xf32, #tpu.memory_space<vmem>>, vector<1x16xf32>,
    %swap3A_255 = arith.constant 5 : i32
    %swap3A_256 = arith.index_cast %swap3A_255 : i32 to index
    %swap3A_257 = arith.constant 16 : index
    %swap3A_258 = tpu.vector_load %arg6[%swap3A_256, %swap3A_257] {strides = array<i32>} : memref<128x128xf32, #tpu.memory_space<vmem>>, vector<1x16xf32>,
    %swap3A_259 = vector.shape_cast %swap3A_258 : vector<1x16xf32> to vector<16xf32>
    %swap3A_260 = vector.shape_cast %broadcast_in_dim3A_9 : vector<16xf32> to vector<1x16xf32>
    tpu.vector_store %arg6[%swap3A_256, %swap3A_257], %swap3A_260 {strides = array<i32>} : memref<128x128xf32, #tpu.memory_space<vmem>>, vector<1x16xf32>,
    %swap3A_261 = arith.constant 5 : i32
    %swap3A_262 = arith.index_cast %swap3A_261 : i32 to index
    %swap3A_263 = arith.constant 32 : index
    %swap3A_264 = tpu.vector_load %arg6[%swap3A_262, %swap3A_263] {strides = array<i32>} : memref<128x128xf32, #tpu.memory_space<vmem>>, vector<1x16xf32>,
    %swap3A_265 = vector.shape_cast %swap3A_264 : vector<1x16xf32> to vector<16xf32>
    %swap3A_266 = vector.shape_cast %broadcast_in_dim3A_9 : vector<16xf32> to vector<1x16xf32>
    tpu.vector_store %arg6[%swap3A_262, %swap3A_263], %swap3A_266 {strides = array<i32>} : memref<128x128xf32, #tpu.memory_space<vmem>>, vector<1x16xf32>,
    %swap3A_267 = arith.constant 5 : i32
    %swap3A_268 = arith.index_cast %swap3A_267 : i32 to index
    %swap3A_269 = arith.constant 48 : index
    %swap3A_270 = tpu.vector_load %arg6[%swap3A_268, %swap3A_269] {strides = array<i32>} : memref<128x128xf32, #tpu.memory_space<vmem>>, vector<1x16xf32>,
    %swap3A_271 = vector.shape_cast %swap3A_270 : vector<1x16xf32> to vector<16xf32>
    %swap3A_272 = vector.shape_cast %broadcast_in_dim3A_9 : vector<16xf32> to vector<1x16xf32>
    tpu.vector_store %arg6[%swap3A_268, %swap3A_269], %swap3A_272 {strides = array<i32>} : memref<128x128xf32, #tpu.memory_space<vmem>>, vector<1x16xf32>,
    %swap3A_273 = arith.constant 5 : i32
    %swap3A_274 = arith.index_cast %swap3A_273 : i32 to index
    %swap3A_275 = arith.constant 64 : index
    %swap3A_276 = tpu.vector_load %arg6[%swap3A_274, %swap3A_275] {strides = array<i32>} : memref<128x128xf32, #tpu.memory_space<vmem>>, vector<1x16xf32>,
    %swap3A_277 = vector.shape_cast %swap3A_276 : vector<1x16xf32> to vector<16xf32>
    %swap3A_278 = vector.shape_cast %broadcast_in_dim3A_9 : vector<16xf32> to vector<1x16xf32>
    tpu.vector_store %arg6[%swap3A_274, %swap3A_275], %swap3A_278 {strides = array<i32>} : memref<128x128xf32, #tpu.memory_space<vmem>>, vector<1x16xf32>,
    %swap3A_279 = arith.constant 5 : i32
    %swap3A_280 = arith.index_cast %swap3A_279 : i32 to index
    %swap3A_281 = arith.constant 80 : index
    %swap3A_282 = tpu.vector_load %arg6[%swap3A_280, %swap3A_281] {strides = array<i32>} : memref<128x128xf32, #tpu.memory_space<vmem>>, vector<1x16xf32>,
    %swap3A_283 = vector.shape_cast %swap3A_282 : vector<1x16xf32> to vector<16xf32>
    %swap3A_284 = vector.shape_cast %broadcast_in_dim3A_9 : vector<16xf32> to vector<1x16xf32>
    tpu.vector_store %arg6[%swap3A_280, %swap3A_281], %swap3A_284 {strides = array<i32>} : memref<128x128xf32, #tpu.memory_space<vmem>>, vector<1x16xf32>,
    %swap3A_285 = arith.constant 5 : i32
    %swap3A_286 = arith.index_cast %swap3A_285 : i32 to index
    %swap3A_287 = arith.constant 96 : index
    %swap3A_288 = tpu.vector_load %arg6[%swap3A_286, %swap3A_287] {strides = array<i32>} : memref<128x128xf32, #tpu.memory_space<vmem>>, vector<1x16xf32>,
    %swap3A_289 = vector.shape_cast %swap3A_288 : vector<1x16xf32> to vector<16xf32>
    %swap3A_290 = vector.shape_cast %broadcast_in_dim3A_9 : vector<16xf32> to vector<1x16xf32>
    tpu.vector_store %arg6[%swap3A_286, %swap3A_287], %swap3A_290 {strides = array<i32>} : memref<128x128xf32, #tpu.memory_space<vmem>>, vector<1x16xf32>,
    %swap3A_291 = arith.constant 5 : i32
    %swap3A_292 = arith.index_cast %swap3A_291 : i32 to index
    %swap3A_293 = arith.constant 112 : index
    %swap3A_294 = tpu.vector_load %arg6[%swap3A_292, %swap3A_293] {strides = array<i32>} : memref<128x128xf32, #tpu.memory_space<vmem>>, vector<1x16xf32>,
    %swap3A_295 = vector.shape_cast %swap3A_294 : vector<1x16xf32> to vector<16xf32>
    %swap3A_296 = vector.shape_cast %broadcast_in_dim3A_9 : vector<16xf32> to vector<1x16xf32>
    tpu.vector_store %arg6[%swap3A_292, %swap3A_293], %swap3A_296 {strides = array<i32>} : memref<128x128xf32, #tpu.memory_space<vmem>>, vector<1x16xf32>,
    %swap3A_297 = arith.constant 6 : i32
    %swap3A_298 = arith.index_cast %swap3A_297 : i32 to index
    %swap3A_299 = arith.constant 0 : index
    %swap3A_300 = tpu.vector_load %arg6[%swap3A_298, %swap3A_299] {strides = array<i32>} : memref<128x128xf32, #tpu.memory_space<vmem>>, vector<1x16xf32>,
    %swap3A_301 = vector.shape_cast %swap3A_300 : vector<1x16xf32> to vector<16xf32>
    %swap3A_302 = vector.shape_cast %broadcast_in_dim3A_9 : vector<16xf32> to vector<1x16xf32>
    tpu.vector_store %arg6[%swap3A_298, %swap3A_299], %swap3A_302 {strides = array<i32>} : memref<128x128xf32, #tpu.memory_space<vmem>>, vector<1x16xf32>,
    %swap3A_303 = arith.constant 6 : i32
    %swap3A_304 = arith.index_cast %swap3A_303 : i32 to index
    %swap3A_305 = arith.constant 16 : index
    %swap3A_306 = tpu.vector_load %arg6[%swap3A_304, %swap3A_305] {strides = array<i32>} : memref<128x128xf32, #tpu.memory_space<vmem>>, vector<1x16xf32>,
    %swap3A_307 = vector.shape_cast %swap3A_306 : vector<1x16xf32> to vector<16xf32>
    %swap3A_308 = vector.shape_cast %broadcast_in_dim3A_9 : vector<16xf32> to vector<1x16xf32>
    tpu.vector_store %arg6[%swap3A_304, %swap3A_305], %swap3A_308 {strides = array<i32>} : memref<128x128xf32, #tpu.memory_space<vmem>>, vector<1x16xf32>,
    %swap3A_309 = arith.constant 6 : i32
    %swap3A_310 = arith.index_cast %swap3A_309 : i32 to index
    %swap3A_311 = arith.constant 32 : index
    %swap3A_312 = tpu.vector_load %arg6[%swap3A_310, %swap3A_311] {strides = array<i32>} : memref<128x128xf32, #tpu.memory_space<vmem>>, vector<1x16xf32>,
    %swap3A_313 = vector.shape_cast %swap3A_312 : vector<1x16xf32> to vector<16xf32>
    %swap3A_314 = vector.shape_cast %broadcast_in_dim3A_9 : vector<16xf32> to vector<1x16xf32>
    tpu.vector_store %arg6[%swap3A_310, %swap3A_311], %swap3A_314 {strides = array<i32>} : memref<128x128xf32, #tpu.memory_space<vmem>>, vector<1x16xf32>,
    %swap3A_315 = arith.constant 6 : i32
    %swap3A_316 = arith.index_cast %swap3A_315 : i32 to index
    %swap3A_317 = arith.constant 48 : index
    %swap3A_318 = tpu.vector_load %arg6[%swap3A_316, %swap3A_317] {strides = array<i32>} : memref<128x128xf32, #tpu.memory_space<vmem>>, vector<1x16xf32>,
    %swap3A_319 = vector.shape_cast %swap3A_318 : vector<1x16xf32> to vector<16xf32>
    %swap3A_320 = vector.shape_cast %broadcast_in_dim3A_9 : vector<16xf32> to vector<1x16xf32>
    tpu.vector_store %arg6[%swap3A_316, %swap3A_317], %swap3A_320 {strides = array<i32>} : memref<128x128xf32, #tpu.memory_space<vmem>>, vector<1x16xf32>,
    %swap3A_321 = arith.constant 6 : i32
    %swap3A_322 = arith.index_cast %swap3A_321 : i32 to index
    %swap3A_323 = arith.constant 64 : index
    %swap3A_324 = tpu.vector_load %arg6[%swap3A_322, %swap3A_323] {strides = array<i32>} : memref<128x128xf32, #tpu.memory_space<vmem>>, vector<1x16xf32>,
    %swap3A_325 = vector.shape_cast %swap3A_324 : vector<1x16xf32> to vector<16xf32>
    %swap3A_326 = vector.shape_cast %broadcast_in_dim3A_9 : vector<16xf32> to vector<1x16xf32>
    tpu.vector_store %arg6[%swap3A_322, %swap3A_323], %swap3A_326 {strides = array<i32>} : memref<128x128xf32, #tpu.memory_space<vmem>>, vector<1x16xf32>,
    %swap3A_327 = arith.constant 6 : i32
    %swap3A_328 = arith.index_cast %swap3A_327 : i32 to index
    %swap3A_329 = arith.constant 80 : index
    %swap3A_330 = tpu.vector_load %arg6[%swap3A_328, %swap3A_329] {strides = array<i32>} : memref<128x128xf32, #tpu.memory_space<vmem>>, vector<1x16xf32>,
    %swap3A_331 = vector.shape_cast %swap3A_330 : vector<1x16xf32> to vector<16xf32>
    %swap3A_332 = vector.shape_cast %broadcast_in_dim3A_9 : vector<16xf32> to vector<1x16xf32>
    tpu.vector_store %arg6[%swap3A_328, %swap3A_329], %swap3A_332 {strides = array<i32>} : memref<128x128xf32, #tpu.memory_space<vmem>>, vector<1x16xf32>,
    %swap3A_333 = arith.constant 6 : i32
    %swap3A_334 = arith.index_cast %swap3A_333 : i32 to index
    %swap3A_335 = arith.constant 96 : index
    %swap3A_336 = tpu.vector_load %arg6[%swap3A_334, %swap3A_335] {strides = array<i32>} : memref<128x128xf32, #tpu.memory_space<vmem>>, vector<1x16xf32>,
    %swap3A_337 = vector.shape_cast %swap3A_336 : vector<1x16xf32> to vector<16xf32>
    %swap3A_338 = vector.shape_cast %broadcast_in_dim3A_9 : vector<16xf32> to vector<1x16xf32>
    tpu.vector_store %arg6[%swap3A_334, %swap3A_335], %swap3A_338 {strides = array<i32>} : memref<128x128xf32, #tpu.memory_space<vmem>>, vector<1x16xf32>,
    %swap3A_339 = arith.constant 6 : i32
    %swap3A_340 = arith.index_cast %swap3A_339 : i32 to index
    %swap3A_341 = arith.constant 112 : index
    %swap3A_342 = tpu.vector_load %arg6[%swap3A_340, %swap3A_341] {strides = array<i32>} : memref<128x128xf32, #tpu.memory_space<vmem>>, vector<1x16xf32>,
    %swap3A_343 = vector.shape_cast %swap3A_342 : vector<1x16xf32> to vector<16xf32>
    %swap3A_344 = vector.shape_cast %broadcast_in_dim3A_9 : vector<16xf32> to vector<1x16xf32>
    tpu.vector_store %arg6[%swap3A_340, %swap3A_341], %swap3A_344 {strides = array<i32>} : memref<128x128xf32, #tpu.memory_space<vmem>>, vector<1x16xf32>,
    %swap3A_345 = arith.constant 7 : i32
    %swap3A_346 = arith.index_cast %swap3A_345 : i32 to index
    %swap3A_347 = arith.constant 0 : index
    %swap3A_348 = tpu.vector_load %arg6[%swap3A_346, %swap3A_347] {strides = array<i32>} : memref<128x128xf32, #tpu.memory_space<vmem>>, vector<1x16xf32>,
    %swap3A_349 = vector.shape_cast %swap3A_348 : vector<1x16xf32> to vector<16xf32>
    %swap3A_350 = vector.shape_cast %broadcast_in_dim3A_9 : vector<16xf32> to vector<1x16xf32>
    tpu.vector_store %arg6[%swap3A_346, %swap3A_347], %swap3A_350 {strides = array<i32>} : memref<128x128xf32, #tpu.memory_space<vmem>>, vector<1x16xf32>,
    %swap3A_351 = arith.constant 7 : i32
    %swap3A_352 = arith.index_cast %swap3A_351 : i32 to index
    %swap3A_353 = arith.constant 16 : index
    %swap3A_354 = tpu.vector_load %arg6[%swap3A_352, %swap3A_353] {strides = array<i32>} : memref<128x128xf32, #tpu.memory_space<vmem>>, vector<1x16xf32>,
    %swap3A_355 = vector.shape_cast %swap3A_354 : vector<1x16xf32> to vector<16xf32>
    %swap3A_356 = vector.shape_cast %broadcast_in_dim3A_9 : vector<16xf32> to vector<1x16xf32>
    tpu.vector_store %arg6[%swap3A_352, %swap3A_353], %swap3A_356 {strides = array<i32>} : memref<128x128xf32, #tpu.memory_space<vmem>>, vector<1x16xf32>,
    %swap3A_357 = arith.constant 7 : i32
    %swap3A_358 = arith.index_cast %swap3A_357 : i32 to index
    %swap3A_359 = arith.constant 32 : index
    %swap3A_360 = tpu.vector_load %arg6[%swap3A_358, %swap3A_359] {strides = array<i32>} : memref<128x128xf32, #tpu.memory_space<vmem>>, vector<1x16xf32>,
    %swap3A_361 = vector.shape_cast %swap3A_360 : vector<1x16xf32> to vector<16xf32>
    %swap3A_362 = vector.shape_cast %broadcast_in_dim3A_9 : vector<16xf32> to vector<1x16xf32>
    tpu.vector_store %arg6[%swap3A_358, %swap3A_359], %swap3A_362 {strides = array<i32>} : memref<128x128xf32, #tpu.memory_space<vmem>>, vector<1x16xf32>,
    %swap3A_363 = arith.constant 7 : i32
    %swap3A_364 = arith.index_cast %swap3A_363 : i32 to index
    %swap3A_365 = arith.constant 48 : index
    %swap3A_366 = tpu.vector_load %arg6[%swap3A_364, %swap3A_365] {strides = array<i32>} : memref<128x128xf32, #tpu.memory_space<vmem>>, vector<1x16xf32>,
    %swap3A_367 = vector.shape_cast %swap3A_366 : vector<1x16xf32> to vector<16xf32>
    %swap3A_368 = vector.shape_cast %broadcast_in_dim3A_9 : vector<16xf32> to vector<1x16xf32>
    tpu.vector_store %arg6[%swap3A_364, %swap3A_365], %swap3A_368 {strides = array<i32>} : memref<128x128xf32, #tpu.memory_space<vmem>>, vector<1x16xf32>,
    %swap3A_369 = arith.constant 7 : i32
    %swap3A_370 = arith.index_cast %swap3A_369 : i32 to index
    %swap3A_371 = arith.constant 64 : index
    %swap3A_372 = tpu.vector_load %arg6[%swap3A_370, %swap3A_371] {strides = array<i32>} : memref<128x128xf32, #tpu.memory_space<vmem>>, vector<1x16xf32>,
    %swap3A_373 = vector.shape_cast %swap3A_372 : vector<1x16xf32> to vector<16xf32>
    %swap3A_374 = vector.shape_cast %broadcast_in_dim3A_9 : vector<16xf32> to vector<1x16xf32>
    tpu.vector_store %arg6[%swap3A_370, %swap3A_371], %swap3A_374 {strides = array<i32>} : memref<128x128xf32, #tpu.memory_space<vmem>>, vector<1x16xf32>,
    %swap3A_375 = arith.constant 7 : i32
    %swap3A_376 = arith.index_cast %swap3A_375 : i32 to index
    %swap3A_377 = arith.constant 80 : index
    %swap3A_378 = tpu.vector_load %arg6[%swap3A_376, %swap3A_377] {strides = array<i32>} : memref<128x128xf32, #tpu.memory_space<vmem>>, vector<1x16xf32>,
    %swap3A_379 = vector.shape_cast %swap3A_378 : vector<1x16xf32> to vector<16xf32>
    %swap3A_380 = vector.shape_cast %broadcast_in_dim3A_9 : vector<16xf32> to vector<1x16xf32>
    tpu.vector_store %arg6[%swap3A_376, %swap3A_377], %swap3A_380 {strides = array<i32>} : memref<128x128xf32, #tpu.memory_space<vmem>>, vector<1x16xf32>,
    %swap3A_381 = arith.constant 7 : i32
    %swap3A_382 = arith.index_cast %swap3A_381 : i32 to index
    %swap3A_383 = arith.constant 96 : index
    %swap3A_384 = tpu.vector_load %arg6[%swap3A_382, %swap3A_383] {strides = array<i32>} : memref<128x128xf32, #tpu.memory_space<vmem>>, vector<1x16xf32>,
    %swap3A_385 = vector.shape_cast %swap3A_384 : vector<1x16xf32> to vector<16xf32>
    %swap3A_386 = vector.shape_cast %broadcast_in_dim3A_9 : vector<16xf32> to vector<1x16xf32>
    tpu.vector_store %arg6[%swap3A_382, %swap3A_383], %swap3A_386 {strides = array<i32>} : memref<128x128xf32, #tpu.memory_space<vmem>>, vector<1x16xf32>,
    %swap3A_387 = arith.constant 7 : i32
    %swap3A_388 = arith.index_cast %swap3A_387 : i32 to index
    %swap3A_389 = arith.constant 112 : index
    %swap3A_390 = tpu.vector_load %arg6[%swap3A_388, %swap3A_389] {strides = array<i32>} : memref<128x128xf32, #tpu.memory_space<vmem>>, vector<1x16xf32>,
    %swap3A_391 = vector.shape_cast %swap3A_390 : vector<1x16xf32> to vector<16xf32>
    %swap3A_392 = vector.shape_cast %broadcast_in_dim3A_9 : vector<16xf32> to vector<1x16xf32>
    tpu.vector_store %arg6[%swap3A_388, %swap3A_389], %swap3A_392 {strides = array<i32>} : memref<128x128xf32, #tpu.memory_space<vmem>>, vector<1x16xf32>,
    %swap3A_393 = arith.constant 8 : i32
    %swap3A_394 = arith.index_cast %swap3A_393 : i32 to index
    %swap3A_395 = arith.constant 0 : index
    %swap3A_396 = tpu.vector_load %arg6[%swap3A_394, %swap3A_395] {strides = array<i32>} : memref<128x128xf32, #tpu.memory_space<vmem>>, vector<1x16xf32>,
    %swap3A_397 = vector.shape_cast %swap3A_396 : vector<1x16xf32> to vector<16xf32>
    %swap3A_398 = vector.shape_cast %broadcast_in_dim3A_9 : vector<16xf32> to vector<1x16xf32>
    tpu.vector_store %arg6[%swap3A_394, %swap3A_395], %swap3A_398 {strides = array<i32>} : memref<128x128xf32, #tpu.memory_space<vmem>>, vector<1x16xf32>,
    %swap3A_399 = arith.constant 8 : i32
    %swap3A_400 = arith.index_cast %swap3A_399 : i32 to index
    %swap3A_401 = arith.constant 16 : index
    %swap3A_402 = tpu.vector_load %arg6[%swap3A_400, %swap3A_401] {strides = array<i32>} : memref<128x128xf32, #tpu.memory_space<vmem>>, vector<1x16xf32>,
    %swap3A_403 = vector.shape_cast %swap3A_402 : vector<1x16xf32> to vector<16xf32>
    %swap3A_404 = vector.shape_cast %broadcast_in_dim3A_9 : vector<16xf32> to vector<1x16xf32>
    tpu.vector_store %arg6[%swap3A_400, %swap3A_401], %swap3A_404 {strides = array<i32>} : memref<128x128xf32, #tpu.memory_space<vmem>>, vector<1x16xf32>,
    %swap3A_405 = arith.constant 8 : i32
    %swap3A_406 = arith.index_cast %swap3A_405 : i32 to index
    %swap3A_407 = arith.constant 32 : index
    %swap3A_408 = tpu.vector_load %arg6[%swap3A_406, %swap3A_407] {strides = array<i32>} : memref<128x128xf32, #tpu.memory_space<vmem>>, vector<1x16xf32>,
    %swap3A_409 = vector.shape_cast %swap3A_408 : vector<1x16xf32> to vector<16xf32>
    %swap3A_410 = vector.shape_cast %broadcast_in_dim3A_9 : vector<16xf32> to vector<1x16xf32>
    tpu.vector_store %arg6[%swap3A_406, %swap3A_407], %swap3A_410 {strides = array<i32>} : memref<128x128xf32, #tpu.memory_space<vmem>>, vector<1x16xf32>,
    %swap3A_411 = arith.constant 8 : i32
    %swap3A_412 = arith.index_cast %swap3A_411 : i32 to index
    %swap3A_413 = arith.constant 48 : index
    %swap3A_414 = tpu.vector_load %arg6[%swap3A_412, %swap3A_413] {strides = array<i32>} : memref<128x128xf32, #tpu.memory_space<vmem>>, vector<1x16xf32>,
    %swap3A_415 = vector.shape_cast %swap3A_414 : vector<1x16xf32> to vector<16xf32>
    %swap3A_416 = vector.shape_cast %broadcast_in_dim3A_9 : vector<16xf32> to vector<1x16xf32>
    tpu.vector_store %arg6[%swap3A_412, %swap3A_413], %swap3A_416 {strides = array<i32>} : memref<128x128xf32, #tpu.memory_space<vmem>>, vector<1x16xf32>,
    %swap3A_417 = arith.constant 8 : i32
    %swap3A_418 = arith.index_cast %swap3A_417 : i32 to index
    %swap3A_419 = arith.constant 64 : index
    %swap3A_420 = tpu.vector_load %arg6[%swap3A_418, %swap3A_419] {strides = array<i32>} : memref<128x128xf32, #tpu.memory_space<vmem>>, vector<1x16xf32>,
    %swap3A_421 = vector.shape_cast %swap3A_420 : vector<1x16xf32> to vector<16xf32>
    %swap3A_422 = vector.shape_cast %broadcast_in_dim3A_9 : vector<16xf32> to vector<1x16xf32>
    tpu.vector_store %arg6[%swap3A_418, %swap3A_419], %swap3A_422 {strides = array<i32>} : memref<128x128xf32, #tpu.memory_space<vmem>>, vector<1x16xf32>,
    %swap3A_423 = arith.constant 8 : i32
    %swap3A_424 = arith.index_cast %swap3A_423 : i32 to index
    %swap3A_425 = arith.constant 80 : index
    %swap3A_426 = tpu.vector_load %arg6[%swap3A_424, %swap3A_425] {strides = array<i32>} : memref<128x128xf32, #tpu.memory_space<vmem>>, vector<1x16xf32>,
    %swap3A_427 = vector.shape_cast %swap3A_426 : vector<1x16xf32> to vector<16xf32>
    %swap3A_428 = vector.shape_cast %broadcast_in_dim3A_9 : vector<16xf32> to vector<1x16xf32>
    tpu.vector_store %arg6[%swap3A_424, %swap3A_425], %swap3A_428 {strides = array<i32>} : memref<128x128xf32, #tpu.memory_space<vmem>>, vector<1x16xf32>,
    %swap3A_429 = arith.constant 8 : i32
    %swap3A_430 = arith.index_cast %swap3A_429 : i32 to index
    %swap3A_431 = arith.constant 96 : index
    %swap3A_432 = tpu.vector_load %arg6[%swap3A_430, %swap3A_431] {strides = array<i32>} : memref<128x128xf32, #tpu.memory_space<vmem>>, vector<1x16xf32>,
    %swap3A_433 = vector.shape_cast %swap3A_432 : vector<1x16xf32> to vector<16xf32>
    %swap3A_434 = vector.shape_cast %broadcast_in_dim3A_9 : vector<16xf32> to vector<1x16xf32>
    tpu.vector_store %arg6[%swap3A_430, %swap3A_431], %swap3A_434 {strides = array<i32>} : memref<128x128xf32, #tpu.memory_space<vmem>>, vector<1x16xf32>,
    %swap3A_435 = arith.constant 8 : i32
    %swap3A_436 = arith.index_cast %swap3A_435 : i32 to index
    %swap3A_437 = arith.constant 112 : index
    %swap3A_438 = tpu.vector_load %arg6[%swap3A_436, %swap3A_437] {strides = array<i32>} : memref<128x128xf32, #tpu.memory_space<vmem>>, vector<1x16xf32>,
    %swap3A_439 = vector.shape_cast %swap3A_438 : vector<1x16xf32> to vector<16xf32>
    %swap3A_440 = vector.shape_cast %broadcast_in_dim3A_9 : vector<16xf32> to vector<1x16xf32>
    tpu.vector_store %arg6[%swap3A_436, %swap3A_437], %swap3A_440 {strides = array<i32>} : memref<128x128xf32, #tpu.memory_space<vmem>>, vector<1x16xf32>,
    %swap3A_441 = arith.constant 9 : i32
    %swap3A_442 = arith.index_cast %swap3A_441 : i32 to index
    %swap3A_443 = arith.constant 0 : index
    %swap3A_444 = tpu.vector_load %arg6[%swap3A_442, %swap3A_443] {strides = array<i32>} : memref<128x128xf32, #tpu.memory_space<vmem>>, vector<1x16xf32>,
    %swap3A_445 = vector.shape_cast %swap3A_444 : vector<1x16xf32> to vector<16xf32>
    %swap3A_446 = vector.shape_cast %broadcast_in_dim3A_9 : vector<16xf32> to vector<1x16xf32>
    tpu.vector_store %arg6[%swap3A_442, %swap3A_443], %swap3A_446 {strides = array<i32>} : memref<128x128xf32, #tpu.memory_space<vmem>>, vector<1x16xf32>,
    %swap3A_447 = arith.constant 9 : i32
    %swap3A_448 = arith.index_cast %swap3A_447 : i32 to index
    %swap3A_449 = arith.constant 16 : index
    %swap3A_450 = tpu.vector_load %arg6[%swap3A_448, %swap3A_449] {strides = array<i32>} : memref<128x128xf32, #tpu.memory_space<vmem>>, vector<1x16xf32>,
    %swap3A_451 = vector.shape_cast %swap3A_450 : vector<1x16xf32> to vector<16xf32>
    %swap3A_452 = vector.shape_cast %broadcast_in_dim3A_9 : vector<16xf32> to vector<1x16xf32>
    tpu.vector_store %arg6[%swap3A_448, %swap3A_449], %swap3A_452 {strides = array<i32>} : memref<128x128xf32, #tpu.memory_space<vmem>>, vector<1x16xf32>,
    %swap3A_453 = arith.constant 9 : i32
    %swap3A_454 = arith.index_cast %swap3A_453 : i32 to index
    %swap3A_455 = arith.constant 32 : index
    %swap3A_456 = tpu.vector_load %arg6[%swap3A_454, %swap3A_455] {strides = array<i32>} : memref<128x128xf32, #tpu.memory_space<vmem>>, vector<1x16xf32>,
    %swap3A_457 = vector.shape_cast %swap3A_456 : vector<1x16xf32> to vector<16xf32>
    %swap3A_458 = vector.shape_cast %broadcast_in_dim3A_9 : vector<16xf32> to vector<1x16xf32>
    tpu.vector_store %arg6[%swap3A_454, %swap3A_455], %swap3A_458 {strides = array<i32>} : memref<128x128xf32, #tpu.memory_space<vmem>>, vector<1x16xf32>,
    %swap3A_459 = arith.constant 9 : i32
    %swap3A_460 = arith.index_cast %swap3A_459 : i32 to index
    %swap3A_461 = arith.constant 48 : index
    %swap3A_462 = tpu.vector_load %arg6[%swap3A_460, %swap3A_461] {strides = array<i32>} : memref<128x128xf32, #tpu.memory_space<vmem>>, vector<1x16xf32>,
    %swap3A_463 = vector.shape_cast %swap3A_462 : vector<1x16xf32> to vector<16xf32>
    %swap3A_464 = vector.shape_cast %broadcast_in_dim3A_9 : vector<16xf32> to vector<1x16xf32>
    tpu.vector_store %arg6[%swap3A_460, %swap3A_461], %swap3A_464 {strides = array<i32>} : memref<128x128xf32, #tpu.memory_space<vmem>>, vector<1x16xf32>,
    %swap3A_465 = arith.constant 9 : i32
    %swap3A_466 = arith.index_cast %swap3A_465 : i32 to index
    %swap3A_467 = arith.constant 64 : index
    %swap3A_468 = tpu.vector_load %arg6[%swap3A_466, %swap3A_467] {strides = array<i32>} : memref<128x128xf32, #tpu.memory_space<vmem>>, vector<1x16xf32>,
    %swap3A_469 = vector.shape_cast %swap3A_468 : vector<1x16xf32> to vector<16xf32>
    %swap3A_470 = vector.shape_cast %broadcast_in_dim3A_9 : vector<16xf32> to vector<1x16xf32>
    tpu.vector_store %arg6[%swap3A_466, %swap3A_467], %swap3A_470 {strides = array<i32>} : memref<128x128xf32, #tpu.memory_space<vmem>>, vector<1x16xf32>,
    %swap3A_471 = arith.constant 9 : i32
    %swap3A_472 = arith.index_cast %swap3A_471 : i32 to index
    %swap3A_473 = arith.constant 80 : index
    %swap3A_474 = tpu.vector_load %arg6[%swap3A_472, %swap3A_473] {strides = array<i32>} : memref<128x128xf32, #tpu.memory_space<vmem>>, vector<1x16xf32>,
    %swap3A_475 = vector.shape_cast %swap3A_474 : vector<1x16xf32> to vector<16xf32>
    %swap3A_476 = vector.shape_cast %broadcast_in_dim3A_9 : vector<16xf32> to vector<1x16xf32>
    tpu.vector_store %arg6[%swap3A_472, %swap3A_473], %swap3A_476 {strides = array<i32>} : memref<128x128xf32, #tpu.memory_space<vmem>>, vector<1x16xf32>,
    %swap3A_477 = arith.constant 9 : i32
    %swap3A_478 = arith.index_cast %swap3A_477 : i32 to index
    %swap3A_479 = arith.constant 96 : index
    %swap3A_480 = tpu.vector_load %arg6[%swap3A_478, %swap3A_479] {strides = array<i32>} : memref<128x128xf32, #tpu.memory_space<vmem>>, vector<1x16xf32>,
    %swap3A_481 = vector.shape_cast %swap3A_480 : vector<1x16xf32> to vector<16xf32>
    %swap3A_482 = vector.shape_cast %broadcast_in_dim3A_9 : vector<16xf32> to vector<1x16xf32>
    tpu.vector_store %arg6[%swap3A_478, %swap3A_479], %swap3A_482 {strides = array<i32>} : memref<128x128xf32, #tpu.memory_space<vmem>>, vector<1x16xf32>,
    %swap3A_483 = arith.constant 9 : i32
    %swap3A_484 = arith.index_cast %swap3A_483 : i32 to index
    %swap3A_485 = arith.constant 112 : index
    %swap3A_486 = tpu.vector_load %arg6[%swap3A_484, %swap3A_485] {strides = array<i32>} : memref<128x128xf32, #tpu.memory_space<vmem>>, vector<1x16xf32>,
    %swap3A_487 = vector.shape_cast %swap3A_486 : vector<1x16xf32> to vector<16xf32>
    %swap3A_488 = vector.shape_cast %broadcast_in_dim3A_9 : vector<16xf32> to vector<1x16xf32>
    tpu.vector_store %arg6[%swap3A_484, %swap3A_485], %swap3A_488 {strides = array<i32>} : memref<128x128xf32, #tpu.memory_space<vmem>>, vector<1x16xf32>,
    %swap3A_489 = arith.constant 10 : i32
    %swap3A_490 = arith.index_cast %swap3A_489 : i32 to index
    %swap3A_491 = arith.constant 0 : index
    %swap3A_492 = tpu.vector_load %arg6[%swap3A_490, %swap3A_491] {strides = array<i32>} : memref<128x128xf32, #tpu.memory_space<vmem>>, vector<1x16xf32>,
    %swap3A_493 = vector.shape_cast %swap3A_492 : vector<1x16xf32> to vector<16xf32>
    %swap3A_494 = vector.shape_cast %broadcast_in_dim3A_9 : vector<16xf32> to vector<1x16xf32>
    tpu.vector_store %arg6[%swap3A_490, %swap3A_491], %swap3A_494 {strides = array<i32>} : memref<128x128xf32, #tpu.memory_space<vmem>>, vector<1x16xf32>,
    %swap3A_495 = arith.constant 10 : i32
    %swap3A_496 = arith.index_cast %swap3A_495 : i32 to index
    %swap3A_497 = arith.constant 16 : index
    %swap3A_498 = tpu.vector_load %arg6[%swap3A_496, %swap3A_497] {strides = array<i32>} : memref<128x128xf32, #tpu.memory_space<vmem>>, vector<1x16xf32>,
    %swap3A_499 = vector.shape_cast %swap3A_498 : vector<1x16xf32> to vector<16xf32>
    %swap3A_500 = vector.shape_cast %broadcast_in_dim3A_9 : vector<16xf32> to vector<1x16xf32>
    tpu.vector_store %arg6[%swap3A_496, %swap3A_497], %swap3A_500 {strides = array<i32>} : memref<128x128xf32, #tpu.memory_space<vmem>>, vector<1x16xf32>,
    %swap3A_501 = arith.constant 10 : i32
    %swap3A_502 = arith.index_cast %swap3A_501 : i32 to index
    %swap3A_503 = arith.constant 32 : index
    %swap3A_504 = tpu.vector_load %arg6[%swap3A_502, %swap3A_503] {strides = array<i32>} : memref<128x128xf32, #tpu.memory_space<vmem>>, vector<1x16xf32>,
    %swap3A_505 = vector.shape_cast %swap3A_504 : vector<1x16xf32> to vector<16xf32>
    %swap3A_506 = vector.shape_cast %broadcast_in_dim3A_9 : vector<16xf32> to vector<1x16xf32>
    tpu.vector_store %arg6[%swap3A_502, %swap3A_503], %swap3A_506 {strides = array<i32>} : memref<128x128xf32, #tpu.memory_space<vmem>>, vector<1x16xf32>,
    %swap3A_507 = arith.constant 10 : i32
    %swap3A_508 = arith.index_cast %swap3A_507 : i32 to index
    %swap3A_509 = arith.constant 48 : index
    %swap3A_510 = tpu.vector_load %arg6[%swap3A_508, %swap3A_509] {strides = array<i32>} : memref<128x128xf32, #tpu.memory_space<vmem>>, vector<1x16xf32>,
    %swap3A_511 = vector.shape_cast %swap3A_510 : vector<1x16xf32> to vector<16xf32>
    %swap3A_512 = vector.shape_cast %broadcast_in_dim3A_9 : vector<16xf32> to vector<1x16xf32>
    tpu.vector_store %arg6[%swap3A_508, %swap3A_509], %swap3A_512 {strides = array<i32>} : memref<128x128xf32, #tpu.memory_space<vmem>>, vector<1x16xf32>,
    %swap3A_513 = arith.constant 10 : i32
    %swap3A_514 = arith.index_cast %swap3A_513 : i32 to index
    %swap3A_515 = arith.constant 64 : index
    %swap3A_516 = tpu.vector_load %arg6[%swap3A_514, %swap3A_515] {strides = array<i32>} : memref<128x128xf32, #tpu.memory_space<vmem>>, vector<1x16xf32>,
    %swap3A_517 = vector.shape_cast %swap3A_516 : vector<1x16xf32> to vector<16xf32>
    %swap3A_518 = vector.shape_cast %broadcast_in_dim3A_9 : vector<16xf32> to vector<1x16xf32>
    tpu.vector_store %arg6[%swap3A_514, %swap3A_515], %swap3A_518 {strides = array<i32>} : memref<128x128xf32, #tpu.memory_space<vmem>>, vector<1x16xf32>,
    %swap3A_519 = arith.constant 10 : i32
    %swap3A_520 = arith.index_cast %swap3A_519 : i32 to index
    %swap3A_521 = arith.constant 80 : index
    %swap3A_522 = tpu.vector_load %arg6[%swap3A_520, %swap3A_521] {strides = array<i32>} : memref<128x128xf32, #tpu.memory_space<vmem>>, vector<1x16xf32>,
    %swap3A_523 = vector.shape_cast %swap3A_522 : vector<1x16xf32> to vector<16xf32>
    %swap3A_524 = vector.shape_cast %broadcast_in_dim3A_9 : vector<16xf32> to vector<1x16xf32>
    tpu.vector_store %arg6[%swap3A_520, %swap3A_521], %swap3A_524 {strides = array<i32>} : memref<128x128xf32, #tpu.memory_space<vmem>>, vector<1x16xf32>,
    %swap3A_525 = arith.constant 10 : i32
    %swap3A_526 = arith.index_cast %swap3A_525 : i32 to index
    %swap3A_527 = arith.constant 96 : index
    %swap3A_528 = tpu.vector_load %arg6[%swap3A_526, %swap3A_527] {strides = array<i32>} : memref<128x128xf32, #tpu.memory_space<vmem>>, vector<1x16xf32>,
    %swap3A_529 = vector.shape_cast %swap3A_528 : vector<1x16xf32> to vector<16xf32>
    %swap3A_530 = vector.shape_cast %broadcast_in_dim3A_9 : vector<16xf32> to vector<1x16xf32>
    tpu.vector_store %arg6[%swap3A_526, %swap3A_527], %swap3A_530 {strides = array<i32>} : memref<128x128xf32, #tpu.memory_space<vmem>>, vector<1x16xf32>,
    %swap3A_531 = arith.constant 10 : i32
    %swap3A_532 = arith.index_cast %swap3A_531 : i32 to index
    %swap3A_533 = arith.constant 112 : index
    %swap3A_534 = tpu.vector_load %arg6[%swap3A_532, %swap3A_533] {strides = array<i32>} : memref<128x128xf32, #tpu.memory_space<vmem>>, vector<1x16xf32>,
    %swap3A_535 = vector.shape_cast %swap3A_534 : vector<1x16xf32> to vector<16xf32>
    %swap3A_536 = vector.shape_cast %broadcast_in_dim3A_9 : vector<16xf32> to vector<1x16xf32>
    tpu.vector_store %arg6[%swap3A_532, %swap3A_533], %swap3A_536 {strides = array<i32>} : memref<128x128xf32, #tpu.memory_space<vmem>>, vector<1x16xf32>,
    %swap3A_537 = arith.constant 11 : i32
    %swap3A_538 = arith.index_cast %swap3A_537 : i32 to index
    %swap3A_539 = arith.constant 0 : index
    %swap3A_540 = tpu.vector_load %arg6[%swap3A_538, %swap3A_539] {strides = array<i32>} : memref<128x128xf32, #tpu.memory_space<vmem>>, vector<1x16xf32>,
    %swap3A_541 = vector.shape_cast %swap3A_540 : vector<1x16xf32> to vector<16xf32>
    %swap3A_542 = vector.shape_cast %broadcast_in_dim3A_9 : vector<16xf32> to vector<1x16xf32>
    tpu.vector_store %arg6[%swap3A_538, %swap3A_539], %swap3A_542 {strides = array<i32>} : memref<128x128xf32, #tpu.memory_space<vmem>>, vector<1x16xf32>,
    %swap3A_543 = arith.constant 11 : i32
    %swap3A_544 = arith.index_cast %swap3A_543 : i32 to index
    %swap3A_545 = arith.constant 16 : index
    %swap3A_546 = tpu.vector_load %arg6[%swap3A_544, %swap3A_545] {strides = array<i32>} : memref<128x128xf32, #tpu.memory_space<vmem>>, vector<1x16xf32>,
    %swap3A_547 = vector.shape_cast %swap3A_546 : vector<1x16xf32> to vector<16xf32>
    %swap3A_548 = vector.shape_cast %broadcast_in_dim3A_9 : vector<16xf32> to vector<1x16xf32>
    tpu.vector_store %arg6[%swap3A_544, %swap3A_545], %swap3A_548 {strides = array<i32>} : memref<128x128xf32, #tpu.memory_space<vmem>>, vector<1x16xf32>,
    %swap3A_549 = arith.constant 11 : i32
    %swap3A_550 = arith.index_cast %swap3A_549 : i32 to index
    %swap3A_551 = arith.constant 32 : index
    %swap3A_552 = tpu.vector_load %arg6[%swap3A_550, %swap3A_551] {strides = array<i32>} : memref<128x128xf32, #tpu.memory_space<vmem>>, vector<1x16xf32>,
    %swap3A_553 = vector.shape_cast %swap3A_552 : vector<1x16xf32> to vector<16xf32>
    %swap3A_554 = vector.shape_cast %broadcast_in_dim3A_9 : vector<16xf32> to vector<1x16xf32>
    tpu.vector_store %arg6[%swap3A_550, %swap3A_551], %swap3A_554 {strides = array<i32>} : memref<128x128xf32, #tpu.memory_space<vmem>>, vector<1x16xf32>,
    %swap3A_555 = arith.constant 11 : i32
    %swap3A_556 = arith.index_cast %swap3A_555 : i32 to index
    %swap3A_557 = arith.constant 48 : index
    %swap3A_558 = tpu.vector_load %arg6[%swap3A_556, %swap3A_557] {strides = array<i32>} : memref<128x128xf32, #tpu.memory_space<vmem>>, vector<1x16xf32>,
    %swap3A_559 = vector.shape_cast %swap3A_558 : vector<1x16xf32> to vector<16xf32>
    %swap3A_560 = vector.shape_cast %broadcast_in_dim3A_9 : vector<16xf32> to vector<1x16xf32>
    tpu.vector_store %arg6[%swap3A_556, %swap3A_557], %swap3A_560 {strides = array<i32>} : memref<128x128xf32, #tpu.memory_space<vmem>>, vector<1x16xf32>,
    %swap3A_561 = arith.constant 11 : i32
    %swap3A_562 = arith.index_cast %swap3A_561 : i32 to index
    %swap3A_563 = arith.constant 64 : index
    %swap3A_564 = tpu.vector_load %arg6[%swap3A_562, %swap3A_563] {strides = array<i32>} : memref<128x128xf32, #tpu.memory_space<vmem>>, vector<1x16xf32>,
    %swap3A_565 = vector.shape_cast %swap3A_564 : vector<1x16xf32> to vector<16xf32>
    %swap3A_566 = vector.shape_cast %broadcast_in_dim3A_9 : vector<16xf32> to vector<1x16xf32>
    tpu.vector_store %arg6[%swap3A_562, %swap3A_563], %swap3A_566 {strides = array<i32>} : memref<128x128xf32, #tpu.memory_space<vmem>>, vector<1x16xf32>,
    %swap3A_567 = arith.constant 11 : i32
    %swap3A_568 = arith.index_cast %swap3A_567 : i32 to index
    %swap3A_569 = arith.constant 80 : index
    %swap3A_570 = tpu.vector_load %arg6[%swap3A_568, %swap3A_569] {strides = array<i32>} : memref<128x128xf32, #tpu.memory_space<vmem>>, vector<1x16xf32>,
    %swap3A_571 = vector.shape_cast %swap3A_570 : vector<1x16xf32> to vector<16xf32>
    %swap3A_572 = vector.shape_cast %broadcast_in_dim3A_9 : vector<16xf32> to vector<1x16xf32>
    tpu.vector_store %arg6[%swap3A_568, %swap3A_569], %swap3A_572 {strides = array<i32>} : memref<128x128xf32, #tpu.memory_space<vmem>>, vector<1x16xf32>,
    %swap3A_573 = arith.constant 11 : i32
    %swap3A_574 = arith.index_cast %swap3A_573 : i32 to index
    %swap3A_575 = arith.constant 96 : index
    %swap3A_576 = tpu.vector_load %arg6[%swap3A_574, %swap3A_575] {strides = array<i32>} : memref<128x128xf32, #tpu.memory_space<vmem>>, vector<1x16xf32>,
    %swap3A_577 = vector.shape_cast %swap3A_576 : vector<1x16xf32> to vector<16xf32>
    %swap3A_578 = vector.shape_cast %broadcast_in_dim3A_9 : vector<16xf32> to vector<1x16xf32>
    tpu.vector_store %arg6[%swap3A_574, %swap3A_575], %swap3A_578 {strides = array<i32>} : memref<128x128xf32, #tpu.memory_space<vmem>>, vector<1x16xf32>,
    %swap3A_579 = arith.constant 11 : i32
    %swap3A_580 = arith.index_cast %swap3A_579 : i32 to index
    %swap3A_581 = arith.constant 112 : index
    %swap3A_582 = tpu.vector_load %arg6[%swap3A_580, %swap3A_581] {strides = array<i32>} : memref<128x128xf32, #tpu.memory_space<vmem>>, vector<1x16xf32>,
    %swap3A_583 = vector.shape_cast %swap3A_582 : vector<1x16xf32> to vector<16xf32>
    %swap3A_584 = vector.shape_cast %broadcast_in_dim3A_9 : vector<16xf32> to vector<1x16xf32>
    tpu.vector_store %arg6[%swap3A_580, %swap3A_581], %swap3A_584 {strides = array<i32>} : memref<128x128xf32, #tpu.memory_space<vmem>>, vector<1x16xf32>,
    %swap3A_585 = arith.constant 12 : i32
    %swap3A_586 = arith.index_cast %swap3A_585 : i32 to index
    %swap3A_587 = arith.constant 0 : index
    %swap3A_588 = tpu.vector_load %arg6[%swap3A_586, %swap3A_587] {strides = array<i32>} : memref<128x128xf32, #tpu.memory_space<vmem>>, vector<1x16xf32>,
    %swap3A_589 = vector.shape_cast %swap3A_588 : vector<1x16xf32> to vector<16xf32>
    %swap3A_590 = vector.shape_cast %broadcast_in_dim3A_9 : vector<16xf32> to vector<1x16xf32>
    tpu.vector_store %arg6[%swap3A_586, %swap3A_587], %swap3A_590 {strides = array<i32>} : memref<128x128xf32, #tpu.memory_space<vmem>>, vector<1x16xf32>,
    %swap3A_591 = arith.constant 12 : i32
    %swap3A_592 = arith.index_cast %swap3A_591 : i32 to index
    %swap3A_593 = arith.constant 16 : index
    %swap3A_594 = tpu.vector_load %arg6[%swap3A_592, %swap3A_593] {strides = array<i32>} : memref<128x128xf32, #tpu.memory_space<vmem>>, vector<1x16xf32>,
    %swap3A_595 = vector.shape_cast %swap3A_594 : vector<1x16xf32> to vector<16xf32>
    %swap3A_596 = vector.shape_cast %broadcast_in_dim3A_9 : vector<16xf32> to vector<1x16xf32>
    tpu.vector_store %arg6[%swap3A_592, %swap3A_593], %swap3A_596 {strides = array<i32>} : memref<128x128xf32, #tpu.memory_space<vmem>>, vector<1x16xf32>,
    %swap3A_597 = arith.constant 12 : i32
    %swap3A_598 = arith.index_cast %swap3A_597 : i32 to index
    %swap3A_599 = arith.constant 32 : index
    %swap3A_600 = tpu.vector_load %arg6[%swap3A_598, %swap3A_599] {strides = array<i32>} : memref<128x128xf32, #tpu.memory_space<vmem>>, vector<1x16xf32>,
    %swap3A_601 = vector.shape_cast %swap3A_600 : vector<1x16xf32> to vector<16xf32>
    %swap3A_602 = vector.shape_cast %broadcast_in_dim3A_9 : vector<16xf32> to vector<1x16xf32>
    tpu.vector_store %arg6[%swap3A_598, %swap3A_599], %swap3A_602 {strides = array<i32>} : memref<128x128xf32, #tpu.memory_space<vmem>>, vector<1x16xf32>,
    %swap3A_603 = arith.constant 12 : i32
    %swap3A_604 = arith.index_cast %swap3A_603 : i32 to index
    %swap3A_605 = arith.constant 48 : index
    %swap3A_606 = tpu.vector_load %arg6[%swap3A_604, %swap3A_605] {strides = array<i32>} : memref<128x128xf32, #tpu.memory_space<vmem>>, vector<1x16xf32>,
    %swap3A_607 = vector.shape_cast %swap3A_606 : vector<1x16xf32> to vector<16xf32>
    %swap3A_608 = vector.shape_cast %broadcast_in_dim3A_9 : vector<16xf32> to vector<1x16xf32>
    tpu.vector_store %arg6[%swap3A_604, %swap3A_605], %swap3A_608 {strides = array<i32>} : memref<128x128xf32, #tpu.memory_space<vmem>>, vector<1x16xf32>,
    %swap3A_609 = arith.constant 12 : i32
    %swap3A_610 = arith.index_cast %swap3A_609 : i32 to index
    %swap3A_611 = arith.constant 64 : index
    %swap3A_612 = tpu.vector_load %arg6[%swap3A_610, %swap3A_611] {strides = array<i32>} : memref<128x128xf32, #tpu.memory_space<vmem>>, vector<1x16xf32>,
    %swap3A_613 = vector.shape_cast %swap3A_612 : vector<1x16xf32> to vector<16xf32>
    %swap3A_614 = vector.shape_cast %broadcast_in_dim3A_9 : vector<16xf32> to vector<1x16xf32>
    tpu.vector_store %arg6[%swap3A_610, %swap3A_611], %swap3A_614 {strides = array<i32>} : memref<128x128xf32, #tpu.memory_space<vmem>>, vector<1x16xf32>,
    %swap3A_615 = arith.constant 12 : i32
    %swap3A_616 = arith.index_cast %swap3A_615 : i32 to index
    %swap3A_617 = arith.constant 80 : index
    %swap3A_618 = tpu.vector_load %arg6[%swap3A_616, %swap3A_617] {strides = array<i32>} : memref<128x128xf32, #tpu.memory_space<vmem>>, vector<1x16xf32>,
    %swap3A_619 = vector.shape_cast %swap3A_618 : vector<1x16xf32> to vector<16xf32>
    %swap3A_620 = vector.shape_cast %broadcast_in_dim3A_9 : vector<16xf32> to vector<1x16xf32>
    tpu.vector_store %arg6[%swap3A_616, %swap3A_617], %swap3A_620 {strides = array<i32>} : memref<128x128xf32, #tpu.memory_space<vmem>>, vector<1x16xf32>,
    %swap3A_621 = arith.constant 12 : i32
    %swap3A_622 = arith.index_cast %swap3A_621 : i32 to index
    %swap3A_623 = arith.constant 96 : index
    %swap3A_624 = tpu.vector_load %arg6[%swap3A_622, %swap3A_623] {strides = array<i32>} : memref<128x128xf32, #tpu.memory_space<vmem>>, vector<1x16xf32>,
    %swap3A_625 = vector.shape_cast %swap3A_624 : vector<1x16xf32> to vector<16xf32>
    %swap3A_626 = vector.shape_cast %broadcast_in_dim3A_9 : vector<16xf32> to vector<1x16xf32>
    tpu.vector_store %arg6[%swap3A_622, %swap3A_623], %swap3A_626 {strides = array<i32>} : memref<128x128xf32, #tpu.memory_space<vmem>>, vector<1x16xf32>,
    %swap3A_627 = arith.constant 12 : i32
    %swap3A_628 = arith.index_cast %swap3A_627 : i32 to index
    %swap3A_629 = arith.constant 112 : index
    %swap3A_630 = tpu.vector_load %arg6[%swap3A_628, %swap3A_629] {strides = array<i32>} : memref<128x128xf32, #tpu.memory_space<vmem>>, vector<1x16xf32>,
    %swap3A_631 = vector.shape_cast %swap3A_630 : vector<1x16xf32> to vector<16xf32>
    %swap3A_632 = vector.shape_cast %broadcast_in_dim3A_9 : vector<16xf32> to vector<1x16xf32>
    tpu.vector_store %arg6[%swap3A_628, %swap3A_629], %swap3A_632 {strides = array<i32>} : memref<128x128xf32, #tpu.memory_space<vmem>>, vector<1x16xf32>,
    %swap3A_633 = arith.constant 13 : i32
    %swap3A_634 = arith.index_cast %swap3A_633 : i32 to index
    %swap3A_635 = arith.constant 0 : index
    %swap3A_636 = tpu.vector_load %arg6[%swap3A_634, %swap3A_635] {strides = array<i32>} : memref<128x128xf32, #tpu.memory_space<vmem>>, vector<1x16xf32>,
    %swap3A_637 = vector.shape_cast %swap3A_636 : vector<1x16xf32> to vector<16xf32>
    %swap3A_638 = vector.shape_cast %broadcast_in_dim3A_9 : vector<16xf32> to vector<1x16xf32>
    tpu.vector_store %arg6[%swap3A_634, %swap3A_635], %swap3A_638 {strides = array<i32>} : memref<128x128xf32, #tpu.memory_space<vmem>>, vector<1x16xf32>,
    %swap3A_639 = arith.constant 13 : i32
    %swap3A_640 = arith.index_cast %swap3A_639 : i32 to index
    %swap3A_641 = arith.constant 16 : index
    %swap3A_642 = tpu.vector_load %arg6[%swap3A_640, %swap3A_641] {strides = array<i32>} : memref<128x128xf32, #tpu.memory_space<vmem>>, vector<1x16xf32>,
    %swap3A_643 = vector.shape_cast %swap3A_642 : vector<1x16xf32> to vector<16xf32>
    %swap3A_644 = vector.shape_cast %broadcast_in_dim3A_9 : vector<16xf32> to vector<1x16xf32>
    tpu.vector_store %arg6[%swap3A_640, %swap3A_641], %swap3A_644 {strides = array<i32>} : memref<128x128xf32, #tpu.memory_space<vmem>>, vector<1x16xf32>,
    %swap3A_645 = arith.constant 13 : i32
    %swap3A_646 = arith.index_cast %swap3A_645 : i32 to index
    %swap3A_647 = arith.constant 32 : index
    %swap3A_648 = tpu.vector_load %arg6[%swap3A_646, %swap3A_647] {strides = array<i32>} : memref<128x128xf32, #tpu.memory_space<vmem>>, vector<1x16xf32>,
    %swap3A_649 = vector.shape_cast %swap3A_648 : vector<1x16xf32> to vector<16xf32>
    %swap3A_650 = vector.shape_cast %broadcast_in_dim3A_9 : vector<16xf32> to vector<1x16xf32>
    tpu.vector_store %arg6[%swap3A_646, %swap3A_647], %swap3A_650 {strides = array<i32>} : memref<128x128xf32, #tpu.memory_space<vmem>>, vector<1x16xf32>,
    %swap3A_651 = arith.constant 13 : i32
    %swap3A_652 = arith.index_cast %swap3A_651 : i32 to index
    %swap3A_653 = arith.constant 48 : index
    %swap3A_654 = tpu.vector_load %arg6[%swap3A_652, %swap3A_653] {strides = array<i32>} : memref<128x128xf32, #tpu.memory_space<vmem>>, vector<1x16xf32>,
    %swap3A_655 = vector.shape_cast %swap3A_654 : vector<1x16xf32> to vector<16xf32>
    %swap3A_656 = vector.shape_cast %broadcast_in_dim3A_9 : vector<16xf32> to vector<1x16xf32>
    tpu.vector_store %arg6[%swap3A_652, %swap3A_653], %swap3A_656 {strides = array<i32>} : memref<128x128xf32, #tpu.memory_space<vmem>>, vector<1x16xf32>,
    %swap3A_657 = arith.constant 13 : i32
    %swap3A_658 = arith.index_cast %swap3A_657 : i32 to index
    %swap3A_659 = arith.constant 64 : index
    %swap3A_660 = tpu.vector_load %arg6[%swap3A_658, %swap3A_659] {strides = array<i32>} : memref<128x128xf32, #tpu.memory_space<vmem>>, vector<1x16xf32>,
    %swap3A_661 = vector.shape_cast %swap3A_660 : vector<1x16xf32> to vector<16xf32>
    %swap3A_662 = vector.shape_cast %broadcast_in_dim3A_9 : vector<16xf32> to vector<1x16xf32>
    tpu.vector_store %arg6[%swap3A_658, %swap3A_659], %swap3A_662 {strides = array<i32>} : memref<128x128xf32, #tpu.memory_space<vmem>>, vector<1x16xf32>,
    %swap3A_663 = arith.constant 13 : i32
    %swap3A_664 = arith.index_cast %swap3A_663 : i32 to index
    %swap3A_665 = arith.constant 80 : index
    %swap3A_666 = tpu.vector_load %arg6[%swap3A_664, %swap3A_665] {strides = array<i32>} : memref<128x128xf32, #tpu.memory_space<vmem>>, vector<1x16xf32>,
    %swap3A_667 = vector.shape_cast %swap3A_666 : vector<1x16xf32> to vector<16xf32>
    %swap3A_668 = vector.shape_cast %broadcast_in_dim3A_9 : vector<16xf32> to vector<1x16xf32>
    tpu.vector_store %arg6[%swap3A_664, %swap3A_665], %swap3A_668 {strides = array<i32>} : memref<128x128xf32, #tpu.memory_space<vmem>>, vector<1x16xf32>,
    %swap3A_669 = arith.constant 13 : i32
    %swap3A_670 = arith.index_cast %swap3A_669 : i32 to index
    %swap3A_671 = arith.constant 96 : index
    %swap3A_672 = tpu.vector_load %arg6[%swap3A_670, %swap3A_671] {strides = array<i32>} : memref<128x128xf32, #tpu.memory_space<vmem>>, vector<1x16xf32>,
    %swap3A_673 = vector.shape_cast %swap3A_672 : vector<1x16xf32> to vector<16xf32>
    %swap3A_674 = vector.shape_cast %broadcast_in_dim3A_9 : vector<16xf32> to vector<1x16xf32>
    tpu.vector_store %arg6[%swap3A_670, %swap3A_671], %swap3A_674 {strides = array<i32>} : memref<128x128xf32, #tpu.memory_space<vmem>>, vector<1x16xf32>,
    %swap3A_675 = arith.constant 13 : i32
    %swap3A_676 = arith.index_cast %swap3A_675 : i32 to index
    %swap3A_677 = arith.constant 112 : index
    %swap3A_678 = tpu.vector_load %arg6[%swap3A_676, %swap3A_677] {strides = array<i32>} : memref<128x128xf32, #tpu.memory_space<vmem>>, vector<1x16xf32>,
    %swap3A_679 = vector.shape_cast %swap3A_678 : vector<1x16xf32> to vector<16xf32>
    %swap3A_680 = vector.shape_cast %broadcast_in_dim3A_9 : vector<16xf32> to vector<1x16xf32>
    tpu.vector_store %arg6[%swap3A_676, %swap3A_677], %swap3A_680 {strides = array<i32>} : memref<128x128xf32, #tpu.memory_space<vmem>>, vector<1x16xf32>,
    %swap3A_681 = arith.constant 14 : i32
    %swap3A_682 = arith.index_cast %swap3A_681 : i32 to index
    %swap3A_683 = arith.constant 0 : index
    %swap3A_684 = tpu.vector_load %arg6[%swap3A_682, %swap3A_683] {strides = array<i32>} : memref<128x128xf32, #tpu.memory_space<vmem>>, vector<1x16xf32>,
    %swap3A_685 = vector.shape_cast %swap3A_684 : vector<1x16xf32> to vector<16xf32>
    %swap3A_686 = vector.shape_cast %broadcast_in_dim3A_9 : vector<16xf32> to vector<1x16xf32>
    tpu.vector_store %arg6[%swap3A_682, %swap3A_683], %swap3A_686 {strides = array<i32>} : memref<128x128xf32, #tpu.memory_space<vmem>>, vector<1x16xf32>,
    %swap3A_687 = arith.constant 14 : i32
    %swap3A_688 = arith.index_cast %swap3A_687 : i32 to index
    %swap3A_689 = arith.constant 16 : index
    %swap3A_690 = tpu.vector_load %arg6[%swap3A_688, %swap3A_689] {strides = array<i32>} : memref<128x128xf32, #tpu.memory_space<vmem>>, vector<1x16xf32>,
    %swap3A_691 = vector.shape_cast %swap3A_690 : vector<1x16xf32> to vector<16xf32>
    %swap3A_692 = vector.shape_cast %broadcast_in_dim3A_9 : vector<16xf32> to vector<1x16xf32>
    tpu.vector_store %arg6[%swap3A_688, %swap3A_689], %swap3A_692 {strides = array<i32>} : memref<128x128xf32, #tpu.memory_space<vmem>>, vector<1x16xf32>,
    %swap3A_693 = arith.constant 14 : i32
    %swap3A_694 = arith.index_cast %swap3A_693 : i32 to index
    %swap3A_695 = arith.constant 32 : index
    %swap3A_696 = tpu.vector_load %arg6[%swap3A_694, %swap3A_695] {strides = array<i32>} : memref<128x128xf32, #tpu.memory_space<vmem>>, vector<1x16xf32>,
    %swap3A_697 = vector.shape_cast %swap3A_696 : vector<1x16xf32> to vector<16xf32>
    %swap3A_698 = vector.shape_cast %broadcast_in_dim3A_9 : vector<16xf32> to vector<1x16xf32>
    tpu.vector_store %arg6[%swap3A_694, %swap3A_695], %swap3A_698 {strides = array<i32>} : memref<128x128xf32, #tpu.memory_space<vmem>>, vector<1x16xf32>,
    %swap3A_699 = arith.constant 14 : i32
    %swap3A_700 = arith.index_cast %swap3A_699 : i32 to index
    %swap3A_701 = arith.constant 48 : index
    %swap3A_702 = tpu.vector_load %arg6[%swap3A_700, %swap3A_701] {strides = array<i32>} : memref<128x128xf32, #tpu.memory_space<vmem>>, vector<1x16xf32>,
    %swap3A_703 = vector.shape_cast %swap3A_702 : vector<1x16xf32> to vector<16xf32>
    %swap3A_704 = vector.shape_cast %broadcast_in_dim3A_9 : vector<16xf32> to vector<1x16xf32>
    tpu.vector_store %arg6[%swap3A_700, %swap3A_701], %swap3A_704 {strides = array<i32>} : memref<128x128xf32, #tpu.memory_space<vmem>>, vector<1x16xf32>,
    %swap3A_705 = arith.constant 14 : i32
    %swap3A_706 = arith.index_cast %swap3A_705 : i32 to index
    %swap3A_707 = arith.constant 64 : index
    %swap3A_708 = tpu.vector_load %arg6[%swap3A_706, %swap3A_707] {strides = array<i32>} : memref<128x128xf32, #tpu.memory_space<vmem>>, vector<1x16xf32>,
    %swap3A_709 = vector.shape_cast %swap3A_708 : vector<1x16xf32> to vector<16xf32>
    %swap3A_710 = vector.shape_cast %broadcast_in_dim3A_9 : vector<16xf32> to vector<1x16xf32>
    tpu.vector_store %arg6[%swap3A_706, %swap3A_707], %swap3A_710 {strides = array<i32>} : memref<128x128xf32, #tpu.memory_space<vmem>>, vector<1x16xf32>,
    %swap3A_711 = arith.constant 14 : i32
    %swap3A_712 = arith.index_cast %swap3A_711 : i32 to index
    %swap3A_713 = arith.constant 80 : index
    %swap3A_714 = tpu.vector_load %arg6[%swap3A_712, %swap3A_713] {strides = array<i32>} : memref<128x128xf32, #tpu.memory_space<vmem>>, vector<1x16xf32>,
    %swap3A_715 = vector.shape_cast %swap3A_714 : vector<1x16xf32> to vector<16xf32>
    %swap3A_716 = vector.shape_cast %broadcast_in_dim3A_9 : vector<16xf32> to vector<1x16xf32>
    tpu.vector_store %arg6[%swap3A_712, %swap3A_713], %swap3A_716 {strides = array<i32>} : memref<128x128xf32, #tpu.memory_space<vmem>>, vector<1x16xf32>,
    %swap3A_717 = arith.constant 14 : i32
    %swap3A_718 = arith.index_cast %swap3A_717 : i32 to index
    %swap3A_719 = arith.constant 96 : index
    %swap3A_720 = tpu.vector_load %arg6[%swap3A_718, %swap3A_719] {strides = array<i32>} : memref<128x128xf32, #tpu.memory_space<vmem>>, vector<1x16xf32>,
    %swap3A_721 = vector.shape_cast %swap3A_720 : vector<1x16xf32> to vector<16xf32>
    %swap3A_722 = vector.shape_cast %broadcast_in_dim3A_9 : vector<16xf32> to vector<1x16xf32>
    tpu.vector_store %arg6[%swap3A_718, %swap3A_719], %swap3A_722 {strides = array<i32>} : memref<128x128xf32, #tpu.memory_space<vmem>>, vector<1x16xf32>,
    %swap3A_723 = arith.constant 14 : i32
    %swap3A_724 = arith.index_cast %swap3A_723 : i32 to index
    %swap3A_725 = arith.constant 112 : index
    %swap3A_726 = tpu.vector_load %arg6[%swap3A_724, %swap3A_725] {strides = array<i32>} : memref<128x128xf32, #tpu.memory_space<vmem>>, vector<1x16xf32>,
    %swap3A_727 = vector.shape_cast %swap3A_726 : vector<1x16xf32> to vector<16xf32>
    %swap3A_728 = vector.shape_cast %broadcast_in_dim3A_9 : vector<16xf32> to vector<1x16xf32>
    tpu.vector_store %arg6[%swap3A_724, %swap3A_725], %swap3A_728 {strides = array<i32>} : memref<128x128xf32, #tpu.memory_space<vmem>>, vector<1x16xf32>,
    %swap3A_729 = arith.constant 15 : i32
    %swap3A_730 = arith.index_cast %swap3A_729 : i32 to index
    %swap3A_731 = arith.constant 0 : index
    %swap3A_732 = tpu.vector_load %arg6[%swap3A_730, %swap3A_731] {strides = array<i32>} : memref<128x128xf32, #tpu.memory_space<vmem>>, vector<1x16xf32>,
    %swap3A_733 = vector.shape_cast %swap3A_732 : vector<1x16xf32> to vector<16xf32>
    %swap3A_734 = vector.shape_cast %broadcast_in_dim3A_9 : vector<16xf32> to vector<1x16xf32>
    tpu.vector_store %arg6[%swap3A_730, %swap3A_731], %swap3A_734 {strides = array<i32>} : memref<128x128xf32, #tpu.memory_space<vmem>>, vector<1x16xf32>,
    %swap3A_735 = arith.constant 15 : i32
    %swap3A_736 = arith.index_cast %swap3A_735 : i32 to index
    %swap3A_737 = arith.constant 16 : index
    %swap3A_738 = tpu.vector_load %arg6[%swap3A_736, %swap3A_737] {strides = array<i32>} : memref<128x128xf32, #tpu.memory_space<vmem>>, vector<1x16xf32>,
    %swap3A_739 = vector.shape_cast %swap3A_738 : vector<1x16xf32> to vector<16xf32>
    %swap3A_740 = vector.shape_cast %broadcast_in_dim3A_9 : vector<16xf32> to vector<1x16xf32>
    tpu.vector_store %arg6[%swap3A_736, %swap3A_737], %swap3A_740 {strides = array<i32>} : memref<128x128xf32, #tpu.memory_space<vmem>>, vector<1x16xf32>,
    %swap3A_741 = arith.constant 15 : i32
    %swap3A_742 = arith.index_cast %swap3A_741 : i32 to index
    %swap3A_743 = arith.constant 32 : index
    %swap3A_744 = tpu.vector_load %arg6[%swap3A_742, %swap3A_743] {strides = array<i32>} : memref<128x128xf32, #tpu.memory_space<vmem>>, vector<1x16xf32>,
    %swap3A_745 = vector.shape_cast %swap3A_744 : vector<1x16xf32> to vector<16xf32>
    %swap3A_746 = vector.shape_cast %broadcast_in_dim3A_9 : vector<16xf32> to vector<1x16xf32>
    tpu.vector_store %arg6[%swap3A_742, %swap3A_743], %swap3A_746 {strides = array<i32>} : memref<128x128xf32, #tpu.memory_space<vmem>>, vector<1x16xf32>,
    %swap3A_747 = arith.constant 15 : i32
    %swap3A_748 = arith.index_cast %swap3A_747 : i32 to index
    %swap3A_749 = arith.constant 48 : index
    %swap3A_750 = tpu.vector_load %arg6[%swap3A_748, %swap3A_749] {strides = array<i32>} : memref<128x128xf32, #tpu.memory_space<vmem>>, vector<1x16xf32>,
    %swap3A_751 = vector.shape_cast %swap3A_750 : vector<1x16xf32> to vector<16xf32>
    %swap3A_752 = vector.shape_cast %broadcast_in_dim3A_9 : vector<16xf32> to vector<1x16xf32>
    tpu.vector_store %arg6[%swap3A_748, %swap3A_749], %swap3A_752 {strides = array<i32>} : memref<128x128xf32, #tpu.memory_space<vmem>>, vector<1x16xf32>,
    %swap3A_753 = arith.constant 15 : i32
    %swap3A_754 = arith.index_cast %swap3A_753 : i32 to index
    %swap3A_755 = arith.constant 64 : index
    %swap3A_756 = tpu.vector_load %arg6[%swap3A_754, %swap3A_755] {strides = array<i32>} : memref<128x128xf32, #tpu.memory_space<vmem>>, vector<1x16xf32>,
    %swap3A_757 = vector.shape_cast %swap3A_756 : vector<1x16xf32> to vector<16xf32>
    %swap3A_758 = vector.shape_cast %broadcast_in_dim3A_9 : vector<16xf32> to vector<1x16xf32>
    tpu.vector_store %arg6[%swap3A_754, %swap3A_755], %swap3A_758 {strides = array<i32>} : memref<128x128xf32, #tpu.memory_space<vmem>>, vector<1x16xf32>,
    %swap3A_759 = arith.constant 15 : i32
    %swap3A_760 = arith.index_cast %swap3A_759 : i32 to index
    %swap3A_761 = arith.constant 80 : index
    %swap3A_762 = tpu.vector_load %arg6[%swap3A_760, %swap3A_761] {strides = array<i32>} : memref<128x128xf32, #tpu.memory_space<vmem>>, vector<1x16xf32>,
    %swap3A_763 = vector.shape_cast %swap3A_762 : vector<1x16xf32> to vector<16xf32>
    %swap3A_764 = vector.shape_cast %broadcast_in_dim3A_9 : vector<16xf32> to vector<1x16xf32>
    tpu.vector_store %arg6[%swap3A_760, %swap3A_761], %swap3A_764 {strides = array<i32>} : memref<128x128xf32, #tpu.memory_space<vmem>>, vector<1x16xf32>,
    %swap3A_765 = arith.constant 15 : i32
    %swap3A_766 = arith.index_cast %swap3A_765 : i32 to index
    %swap3A_767 = arith.constant 96 : index
    %swap3A_768 = tpu.vector_load %arg6[%swap3A_766, %swap3A_767] {strides = array<i32>} : memref<128x128xf32, #tpu.memory_space<vmem>>, vector<1x16xf32>,
    %swap3A_769 = vector.shape_cast %swap3A_768 : vector<1x16xf32> to vector<16xf32>
    %swap3A_770 = vector.shape_cast %broadcast_in_dim3A_9 : vector<16xf32> to vector<1x16xf32>
    tpu.vector_store %arg6[%swap3A_766, %swap3A_767], %swap3A_770 {strides = array<i32>} : memref<128x128xf32, #tpu.memory_space<vmem>>, vector<1x16xf32>,
    %swap3A_771 = arith.constant 15 : i32
    %swap3A_772 = arith.index_cast %swap3A_771 : i32 to index
    %swap3A_773 = arith.constant 112 : index
    %swap3A_774 = tpu.vector_load %arg6[%swap3A_772, %swap3A_773] {strides = array<i32>} : memref<128x128xf32, #tpu.memory_space<vmem>>, vector<1x16xf32>,
    %swap3A_775 = vector.shape_cast %swap3A_774 : vector<1x16xf32> to vector<16xf32>
    %swap3A_776 = vector.shape_cast %broadcast_in_dim3A_9 : vector<16xf32> to vector<1x16xf32>
    tpu.vector_store %arg6[%swap3A_772, %swap3A_773], %swap3A_776 {strides = array<i32>} : memref<128x128xf32, #tpu.memory_space<vmem>>, vector<1x16xf32>,
    %scan3A = arith.constant 0 : i32
    %scan3A_777 = arith.constant 0 : i32
    %scan3A_778 = arith.constant 40 : i32
    %scan3A_779 = arith.addi %scan3A_777, %scan3A_778 : i32
    %scan3A_780 = arith.constant 1 : i32
    %scan3A_781 = scf.for %scan3A_807 = %scan3A_777 to %scan3A_779 step %scan3A_780 iter_args(%scan3A_808 = %scan3A) -> (i32)  : i32 {
      %mul3A_809 = arith.constant 640 : i32
      %mul3A_810 = arith.muli %arg1, %mul3A_809 : i32
      %mul3A_811 = arith.constant 16 : i32
      %mul3A_812 = arith.muli %scan3A_807, %mul3A_811 : i32
      %add3A_813 = arith.addi %mul3A_810, %mul3A_812 : i32
      "tpu.region"() ({
        %run_scoped3A = tpu.sem_alloc : memref<!tpu.dma_semaphore, #tpu.memory_space<semaphore_mem>>
        %dma_start3A = arith.constant 0 : i32
        %dma_start3A_815 = arith.constant 0 : i32
        %dma_start3A_816 = tpu.memref_slice %arg6[%dma_start3A, %dma_start3A_815] : memref<128x128xf32, #tpu.memory_space<vmem>> -> memref<16x128xf32, #tpu.memory_space<vmem>>
        %dma_start3A_817 = arith.constant 0 : i32
        %dma_start3A_818 = tpu.memref_slice %arg14[%add3A_813, %dma_start3A_817] : memref<10240x128xf32, #tpu.memory_space<vmem_shared>> -> memref<16x128xf32, #tpu.memory_space<vmem_shared>>
        %dma_start3A_819 = arith.constant 0 : i32
        %dma_start3A_820 = tpu.memref_slice %arg14[%add3A_813, %dma_start3A_819] : memref<10240x128xf32, #tpu.memory_space<vmem_shared>> -> memref<16x128xf32, #tpu.memory_space<vmem_shared>>
        %dma_start3A_821 = arith.constant 0 : i32
        %dma_start3A_822 = arith.constant 0 : i32
        %dma_start3A_823 = tpu.memref_slice %arg6[%dma_start3A_821, %dma_start3A_822] : memref<128x128xf32, #tpu.memory_space<vmem>> -> memref<16x128xf32, #tpu.memory_space<vmem>>
        tpu.enqueue_dma source(%dma_start3A_823 : memref<16x128xf32, #tpu.memory_space<vmem>>) target(%dma_start3A_820 : memref<16x128xf32, #tpu.memory_space<vmem_shared>>) target_semaphore(%run_scoped3A : memref<!tpu.dma_semaphore, #tpu.memory_space<semaphore_mem>>)
        %dma_wait3A = arith.constant 0 : i32
        %dma_wait3A_824 = arith.constant 0 : i32
        %dma_wait3A_825 = tpu.memref_slice %arg6[%dma_wait3A, %dma_wait3A_824] : memref<128x128xf32, #tpu.memory_space<vmem>> -> memref<16x128xf32, #tpu.memory_space<vmem>>
        %dma_wait3A_826 = arith.constant 0 : i32
        %dma_wait3A_827 = tpu.memref_slice %arg14[%add3A_813, %dma_wait3A_826] : memref<10240x128xf32, #tpu.memory_space<vmem_shared>> -> memref<16x128xf32, #tpu.memory_space<vmem_shared>>
        %dma_wait3A_828 = arith.constant 0 : i32
        %dma_wait3A_829 = tpu.memref_slice %arg14[%add3A_813, %dma_wait3A_828] : memref<10240x128xf32, #tpu.memory_space<vmem_shared>> -> memref<16x128xf32, #tpu.memory_space<vmem_shared>>
        %dma_wait3A_830 = arith.constant 0 : i32
        %dma_wait3A_831 = arith.constant 0 : i32
        %dma_wait3A_832 = tpu.memref_slice %arg6[%dma_wait3A_830, %dma_wait3A_831] : memref<128x128xf32, #tpu.memory_space<vmem>> -> memref<16x128xf32, #tpu.memory_space<vmem>>
        tpu.wait_dma2 semaphore(%run_scoped3A : memref<!tpu.dma_semaphore, #tpu.memory_space<semaphore_mem>>) src(%dma_wait3A_832 : memref<16x128xf32, #tpu.memory_space<vmem>>) dst(%dma_wait3A_829 : memref<16x128xf32, #tpu.memory_space<vmem_shared>>)
        tpu.yield
      }) : () -> ()
      %scan3A_814 = arith.constant 0 : i32
      scf.yield %scan3A_814 : i32
    }
    %scan3A_782 = arith.constant 40 : i32
    %gt3A = arith.constant 0 : i32
    %gt3A_783 = arith.cmpi sgt, %select_n3A, %gt3A : i32
    %convert_element_type3A = arith.extui %gt3A_783 : i1 to i32
    %cond3A = arith.constant 0 : i32
    %cond3A_784 = arith.cmpi ne, %convert_element_type3A, %cond3A : i32
    scf.if %cond3A_784 {
      %add3A_807 = arith.constant 0 : i32
      %add3A_808 = arith.addi %select_n3A_8, %add3A_807 : i32
      %dma_start3A = arith.constant 0 : i32
      %dma_start3A_809 = arith.constant 0 : i32
      %dma_start3A_810 = arith.constant 0 : i32
      %dma_start3A_811 = arith.constant 0 : i32
      %dma_start3A_812 = tpu.memref_slice %arg5[%dma_start3A_809, %dma_start3A_810, %dma_start3A_811] : memref<4x2x128xi32, #tpu.memory_space<vmem>> -> memref<1x1x128xi32, #tpu.memory_space<vmem>>
      %dma_start3A_813 = tpu.memref_squeeze %dma_start3A_812 : memref<1x1x128xi32, #tpu.memory_space<vmem>> -> memref<128xi32, #tpu.memory_space<vmem>>
      %dma_start3A_814 = arith.constant 0 : i32
      %dma_start3A_815 = tpu.memref_slice %arg3[%dma_start3A, %add3A_808, %dma_start3A_814] : memref<2x2560x128xi32, #tpu.memory_space<hbm>> -> memref<1x1x128xi32, #tpu.memory_space<hbm>>
      %dma_start3A_816 = tpu.memref_squeeze %dma_start3A_815 : memref<1x1x128xi32, #tpu.memory_space<hbm>> -> memref<128xi32, #tpu.memory_space<hbm>>
      %dma_start3A_817 = arith.constant 0 : i32
      %dma_start3A_818 = tpu.memref_slice %arg5[%dma_start3A_809, %dma_start3A_810, %dma_start3A_817] : memref<4x2x128xi32, #tpu.memory_space<vmem>> -> memref<1x1x128xi32, #tpu.memory_space<vmem>>
      %dma_start3A_819 = tpu.memref_squeeze %dma_start3A_818 : memref<1x1x128xi32, #tpu.memory_space<vmem>> -> memref<128xi32, #tpu.memory_space<vmem>>
      %dma_start3A_820 = arith.constant 0 : i32
      %dma_start3A_821 = tpu.memref_slice %arg3[%dma_start3A, %add3A_808, %dma_start3A_820] : memref<2x2560x128xi32, #tpu.memory_space<hbm>> -> memref<1x1x128xi32, #tpu.memory_space<hbm>>
      %dma_start3A_822 = tpu.memref_squeeze %dma_start3A_821 : memref<1x1x128xi32, #tpu.memory_space<hbm>> -> memref<128xi32, #tpu.memory_space<hbm>>
      tpu.enqueue_dma source(%dma_start3A_822 : memref<128xi32, #tpu.memory_space<hbm>>) target(%dma_start3A_819 : memref<128xi32, #tpu.memory_space<vmem>>) target_semaphore(%arg8 : memref<!tpu.dma_semaphore, #tpu.memory_space<semaphore_mem>>)
      %add3A_823 = arith.constant 0 : i32
      %add3A_824 = arith.addi %select_n3A_8, %add3A_823 : i32
      %dma_start3A_825 = arith.constant 1 : i32
      %dma_start3A_826 = arith.constant 0 : i32
      %dma_start3A_827 = arith.constant 1 : i32
      %dma_start3A_828 = arith.constant 0 : i32
      %dma_start3A_829 = tpu.memref_slice %arg5[%dma_start3A_826, %dma_start3A_827, %dma_start3A_828] : memref<4x2x128xi32, #tpu.memory_space<vmem>> -> memref<1x1x128xi32, #tpu.memory_space<vmem>>
      %dma_start3A_830 = tpu.memref_squeeze %dma_start3A_829 : memref<1x1x128xi32, #tpu.memory_space<vmem>> -> memref<128xi32, #tpu.memory_space<vmem>>
      %dma_start3A_831 = arith.constant 0 : i32
      %dma_start3A_832 = tpu.memref_slice %arg3[%dma_start3A_825, %add3A_824, %dma_start3A_831] : memref<2x2560x128xi32, #tpu.memory_space<hbm>> -> memref<1x1x128xi32, #tpu.memory_space<hbm>>
      %dma_start3A_833 = tpu.memref_squeeze %dma_start3A_832 : memref<1x1x128xi32, #tpu.memory_space<hbm>> -> memref<128xi32, #tpu.memory_space<hbm>>
      %dma_start3A_834 = arith.constant 0 : i32
      %dma_start3A_835 = tpu.memref_slice %arg5[%dma_start3A_826, %dma_start3A_827, %dma_start3A_834] : memref<4x2x128xi32, #tpu.memory_space<vmem>> -> memref<1x1x128xi32, #tpu.memory_space<vmem>>
      %dma_start3A_836 = tpu.memref_squeeze %dma_start3A_835 : memref<1x1x128xi32, #tpu.memory_space<vmem>> -> memref<128xi32, #tpu.memory_space<vmem>>
      %dma_start3A_837 = arith.constant 0 : i32
      %dma_start3A_838 = tpu.memref_slice %arg3[%dma_start3A_825, %add3A_824, %dma_start3A_837] : memref<2x2560x128xi32, #tpu.memory_space<hbm>> -> memref<1x1x128xi32, #tpu.memory_space<hbm>>
      %dma_start3A_839 = tpu.memref_squeeze %dma_start3A_838 : memref<1x1x128xi32, #tpu.memory_space<hbm>> -> memref<128xi32, #tpu.memory_space<hbm>>
      tpu.enqueue_dma source(%dma_start3A_839 : memref<128xi32, #tpu.memory_space<hbm>>) target(%dma_start3A_836 : memref<128xi32, #tpu.memory_space<vmem>>) target_semaphore(%arg8 : memref<!tpu.dma_semaphore, #tpu.memory_space<semaphore_mem>>)
    } else {
    }
    %gt3A_785 = arith.constant 1 : i32
    %gt3A_786 = arith.cmpi sgt, %select_n3A, %gt3A_785 : i32
    %convert_element_type3A_787 = arith.extui %gt3A_786 : i1 to i32
    %cond3A_788 = arith.constant 0 : i32
    %cond3A_789 = arith.cmpi ne, %convert_element_type3A_787, %cond3A_788 : i32
    scf.if %cond3A_789 {
      %add3A_807 = arith.constant 1 : i32
      %add3A_808 = arith.addi %select_n3A_8, %add3A_807 : i32
      %dma_start3A = arith.constant 0 : i32
      %dma_start3A_809 = arith.constant 1 : i32
      %dma_start3A_810 = arith.constant 0 : i32
      %dma_start3A_811 = arith.constant 0 : i32
      %dma_start3A_812 = tpu.memref_slice %arg5[%dma_start3A_809, %dma_start3A_810, %dma_start3A_811] : memref<4x2x128xi32, #tpu.memory_space<vmem>> -> memref<1x1x128xi32, #tpu.memory_space<vmem>>
      %dma_start3A_813 = tpu.memref_squeeze %dma_start3A_812 : memref<1x1x128xi32, #tpu.memory_space<vmem>> -> memref<128xi32, #tpu.memory_space<vmem>>
      %dma_start3A_814 = arith.constant 0 : i32
      %dma_start3A_815 = tpu.memref_slice %arg3[%dma_start3A, %add3A_808, %dma_start3A_814] : memref<2x2560x128xi32, #tpu.memory_space<hbm>> -> memref<1x1x128xi32, #tpu.memory_space<hbm>>
      %dma_start3A_816 = tpu.memref_squeeze %dma_start3A_815 : memref<1x1x128xi32, #tpu.memory_space<hbm>> -> memref<128xi32, #tpu.memory_space<hbm>>
      %dma_start3A_817 = arith.constant 0 : i32
      %dma_start3A_818 = tpu.memref_slice %arg5[%dma_start3A_809, %dma_start3A_810, %dma_start3A_817] : memref<4x2x128xi32, #tpu.memory_space<vmem>> -> memref<1x1x128xi32, #tpu.memory_space<vmem>>
      %dma_start3A_819 = tpu.memref_squeeze %dma_start3A_818 : memref<1x1x128xi32, #tpu.memory_space<vmem>> -> memref<128xi32, #tpu.memory_space<vmem>>
      %dma_start3A_820 = arith.constant 0 : i32
      %dma_start3A_821 = tpu.memref_slice %arg3[%dma_start3A, %add3A_808, %dma_start3A_820] : memref<2x2560x128xi32, #tpu.memory_space<hbm>> -> memref<1x1x128xi32, #tpu.memory_space<hbm>>
      %dma_start3A_822 = tpu.memref_squeeze %dma_start3A_821 : memref<1x1x128xi32, #tpu.memory_space<hbm>> -> memref<128xi32, #tpu.memory_space<hbm>>
      tpu.enqueue_dma source(%dma_start3A_822 : memref<128xi32, #tpu.memory_space<hbm>>) target(%dma_start3A_819 : memref<128xi32, #tpu.memory_space<vmem>>) target_semaphore(%arg9 : memref<!tpu.dma_semaphore, #tpu.memory_space<semaphore_mem>>)
      %add3A_823 = arith.constant 1 : i32
      %add3A_824 = arith.addi %select_n3A_8, %add3A_823 : i32
      %dma_start3A_825 = arith.constant 1 : i32
      %dma_start3A_826 = arith.constant 1 : i32
      %dma_start3A_827 = arith.constant 1 : i32
      %dma_start3A_828 = arith.constant 0 : i32
      %dma_start3A_829 = tpu.memref_slice %arg5[%dma_start3A_826, %dma_start3A_827, %dma_start3A_828] : memref<4x2x128xi32, #tpu.memory_space<vmem>> -> memref<1x1x128xi32, #tpu.memory_space<vmem>>
      %dma_start3A_830 = tpu.memref_squeeze %dma_start3A_829 : memref<1x1x128xi32, #tpu.memory_space<vmem>> -> memref<128xi32, #tpu.memory_space<vmem>>
      %dma_start3A_831 = arith.constant 0 : i32
      %dma_start3A_832 = tpu.memref_slice %arg3[%dma_start3A_825, %add3A_824, %dma_start3A_831] : memref<2x2560x128xi32, #tpu.memory_space<hbm>> -> memref<1x1x128xi32, #tpu.memory_space<hbm>>
      %dma_start3A_833 = tpu.memref_squeeze %dma_start3A_832 : memref<1x1x128xi32, #tpu.memory_space<hbm>> -> memref<128xi32, #tpu.memory_space<hbm>>
      %dma_start3A_834 = arith.constant 0 : i32
      %dma_start3A_835 = tpu.memref_slice %arg5[%dma_start3A_826, %dma_start3A_827, %dma_start3A_834] : memref<4x2x128xi32, #tpu.memory_space<vmem>> -> memref<1x1x128xi32, #tpu.memory_space<vmem>>
      %dma_start3A_836 = tpu.memref_squeeze %dma_start3A_835 : memref<1x1x128xi32, #tpu.memory_space<vmem>> -> memref<128xi32, #tpu.memory_space<vmem>>
      %dma_start3A_837 = arith.constant 0 : i32
      %dma_start3A_838 = tpu.memref_slice %arg3[%dma_start3A_825, %add3A_824, %dma_start3A_837] : memref<2x2560x128xi32, #tpu.memory_space<hbm>> -> memref<1x1x128xi32, #tpu.memory_space<hbm>>
      %dma_start3A_839 = tpu.memref_squeeze %dma_start3A_838 : memref<1x1x128xi32, #tpu.memory_space<hbm>> -> memref<128xi32, #tpu.memory_space<hbm>>
      tpu.enqueue_dma source(%dma_start3A_839 : memref<128xi32, #tpu.memory_space<hbm>>) target(%dma_start3A_836 : memref<128xi32, #tpu.memory_space<vmem>>) target_semaphore(%arg9 : memref<!tpu.dma_semaphore, #tpu.memory_space<semaphore_mem>>)
    } else {
    }
    %gt3A_790 = arith.constant 2 : i32
    %gt3A_791 = arith.cmpi sgt, %select_n3A, %gt3A_790 : i32
    %convert_element_type3A_792 = arith.extui %gt3A_791 : i1 to i32
    %cond3A_793 = arith.constant 0 : i32
    %cond3A_794 = arith.cmpi ne, %convert_element_type3A_792, %cond3A_793 : i32
    scf.if %cond3A_794 {
      %add3A_807 = arith.constant 2 : i32
      %add3A_808 = arith.addi %select_n3A_8, %add3A_807 : i32
      %dma_start3A = arith.constant 0 : i32
      %dma_start3A_809 = arith.constant 2 : i32
      %dma_start3A_810 = arith.constant 0 : i32
      %dma_start3A_811 = arith.constant 0 : i32
      %dma_start3A_812 = tpu.memref_slice %arg5[%dma_start3A_809, %dma_start3A_810, %dma_start3A_811] : memref<4x2x128xi32, #tpu.memory_space<vmem>> -> memref<1x1x128xi32, #tpu.memory_space<vmem>>
      %dma_start3A_813 = tpu.memref_squeeze %dma_start3A_812 : memref<1x1x128xi32, #tpu.memory_space<vmem>> -> memref<128xi32, #tpu.memory_space<vmem>>
      %dma_start3A_814 = arith.constant 0 : i32
      %dma_start3A_815 = tpu.memref_slice %arg3[%dma_start3A, %add3A_808, %dma_start3A_814] : memref<2x2560x128xi32, #tpu.memory_space<hbm>> -> memref<1x1x128xi32, #tpu.memory_space<hbm>>
      %dma_start3A_816 = tpu.memref_squeeze %dma_start3A_815 : memref<1x1x128xi32, #tpu.memory_space<hbm>> -> memref<128xi32, #tpu.memory_space<hbm>>
      %dma_start3A_817 = arith.constant 0 : i32
      %dma_start3A_818 = tpu.memref_slice %arg5[%dma_start3A_809, %dma_start3A_810, %dma_start3A_817] : memref<4x2x128xi32, #tpu.memory_space<vmem>> -> memref<1x1x128xi32, #tpu.memory_space<vmem>>
      %dma_start3A_819 = tpu.memref_squeeze %dma_start3A_818 : memref<1x1x128xi32, #tpu.memory_space<vmem>> -> memref<128xi32, #tpu.memory_space<vmem>>
      %dma_start3A_820 = arith.constant 0 : i32
      %dma_start3A_821 = tpu.memref_slice %arg3[%dma_start3A, %add3A_808, %dma_start3A_820] : memref<2x2560x128xi32, #tpu.memory_space<hbm>> -> memref<1x1x128xi32, #tpu.memory_space<hbm>>
      %dma_start3A_822 = tpu.memref_squeeze %dma_start3A_821 : memref<1x1x128xi32, #tpu.memory_space<hbm>> -> memref<128xi32, #tpu.memory_space<hbm>>
      tpu.enqueue_dma source(%dma_start3A_822 : memref<128xi32, #tpu.memory_space<hbm>>) target(%dma_start3A_819 : memref<128xi32, #tpu.memory_space<vmem>>) target_semaphore(%arg10 : memref<!tpu.dma_semaphore, #tpu.memory_space<semaphore_mem>>)
      %add3A_823 = arith.constant 2 : i32
      %add3A_824 = arith.addi %select_n3A_8, %add3A_823 : i32
      %dma_start3A_825 = arith.constant 1 : i32
      %dma_start3A_826 = arith.constant 2 : i32
      %dma_start3A_827 = arith.constant 1 : i32
      %dma_start3A_828 = arith.constant 0 : i32
      %dma_start3A_829 = tpu.memref_slice %arg5[%dma_start3A_826, %dma_start3A_827, %dma_start3A_828] : memref<4x2x128xi32, #tpu.memory_space<vmem>> -> memref<1x1x128xi32, #tpu.memory_space<vmem>>
      %dma_start3A_830 = tpu.memref_squeeze %dma_start3A_829 : memref<1x1x128xi32, #tpu.memory_space<vmem>> -> memref<128xi32, #tpu.memory_space<vmem>>
      %dma_start3A_831 = arith.constant 0 : i32
      %dma_start3A_832 = tpu.memref_slice %arg3[%dma_start3A_825, %add3A_824, %dma_start3A_831] : memref<2x2560x128xi32, #tpu.memory_space<hbm>> -> memref<1x1x128xi32, #tpu.memory_space<hbm>>
      %dma_start3A_833 = tpu.memref_squeeze %dma_start3A_832 : memref<1x1x128xi32, #tpu.memory_space<hbm>> -> memref<128xi32, #tpu.memory_space<hbm>>
      %dma_start3A_834 = arith.constant 0 : i32
      %dma_start3A_835 = tpu.memref_slice %arg5[%dma_start3A_826, %dma_start3A_827, %dma_start3A_834] : memref<4x2x128xi32, #tpu.memory_space<vmem>> -> memref<1x1x128xi32, #tpu.memory_space<vmem>>
      %dma_start3A_836 = tpu.memref_squeeze %dma_start3A_835 : memref<1x1x128xi32, #tpu.memory_space<vmem>> -> memref<128xi32, #tpu.memory_space<vmem>>
      %dma_start3A_837 = arith.constant 0 : i32
      %dma_start3A_838 = tpu.memref_slice %arg3[%dma_start3A_825, %add3A_824, %dma_start3A_837] : memref<2x2560x128xi32, #tpu.memory_space<hbm>> -> memref<1x1x128xi32, #tpu.memory_space<hbm>>
      %dma_start3A_839 = tpu.memref_squeeze %dma_start3A_838 : memref<1x1x128xi32, #tpu.memory_space<hbm>> -> memref<128xi32, #tpu.memory_space<hbm>>
      tpu.enqueue_dma source(%dma_start3A_839 : memref<128xi32, #tpu.memory_space<hbm>>) target(%dma_start3A_836 : memref<128xi32, #tpu.memory_space<vmem>>) target_semaphore(%arg10 : memref<!tpu.dma_semaphore, #tpu.memory_space<semaphore_mem>>)
    } else {
    }
    %barrier3A = arith.constant 0 : index
    tpu.barrier barrier_id(%barrier3A)
    %scan3A_795 = arith.constant 0 : i32
    %scan3A_796 = arith.constant 0 : i32
    %scan3A_797 = arith.constant 157 : i32
    %scan3A_798 = arith.addi %scan3A_796, %scan3A_797 : i32
    %scan3A_799 = arith.constant 1 : i32
    %scan3A_800 = scf.for %scan3A_807 = %scan3A_796 to %scan3A_798 step %scan3A_799 iter_args(%scan3A_808 = %scan3A_795) -> (i32)  : i32 {
      %lt3A = arith.cmpi slt, %scan3A_807, %select_n3A : i32
      %convert_element_type3A_809 = arith.extui %lt3A : i1 to i32
      %cond3A_810 = arith.constant 0 : i32
      %cond3A_811 = arith.cmpi ne, %convert_element_type3A_809, %cond3A_810 : i32
      scf.if %cond3A_811 {
        %rem3A = arith.constant 4 : i32
        %rem3A_827 = arith.remsi %scan3A_807, %rem3A : i32
        %eq3A_828 = arith.constant 0 : i32
        %eq3A_829 = arith.cmpi eq, %rem3A_827, %eq3A_828 : i32
        %convert_element_type3A_830 = arith.extui %eq3A_829 : i1 to i32
        %cond3A_831 = arith.constant 0 : i32
        %cond3A_832 = arith.cmpi ne, %convert_element_type3A_830, %cond3A_831 : i32
        scf.if %cond3A_832 {
          %add3A_862 = arith.addi %select_n3A_8, %scan3A_807 : i32
          %dma_wait3A = arith.constant 0 : i32
          %dma_wait3A_863 = arith.constant 0 : i32
          %dma_wait3A_864 = arith.constant 0 : i32
          %dma_wait3A_865 = arith.constant 0 : i32
          %dma_wait3A_866 = tpu.memref_slice %arg5[%dma_wait3A_863, %dma_wait3A_864, %dma_wait3A_865] : memref<4x2x128xi32, #tpu.memory_space<vmem>> -> memref<1x1x128xi32, #tpu.memory_space<vmem>>
          %dma_wait3A_867 = tpu.memref_squeeze %dma_wait3A_866 : memref<1x1x128xi32, #tpu.memory_space<vmem>> -> memref<128xi32, #tpu.memory_space<vmem>>
          %dma_wait3A_868 = arith.constant 0 : i32
          %dma_wait3A_869 = tpu.memref_slice %arg3[%dma_wait3A, %add3A_862, %dma_wait3A_868] : memref<2x2560x128xi32, #tpu.memory_space<hbm>> -> memref<1x1x128xi32, #tpu.memory_space<hbm>>
          %dma_wait3A_870 = tpu.memref_squeeze %dma_wait3A_869 : memref<1x1x128xi32, #tpu.memory_space<hbm>> -> memref<128xi32, #tpu.memory_space<hbm>>
          %dma_wait3A_871 = arith.constant 0 : i32
          %dma_wait3A_872 = tpu.memref_slice %arg5[%dma_wait3A_863, %dma_wait3A_864, %dma_wait3A_871] : memref<4x2x128xi32, #tpu.memory_space<vmem>> -> memref<1x1x128xi32, #tpu.memory_space<vmem>>
          %dma_wait3A_873 = tpu.memref_squeeze %dma_wait3A_872 : memref<1x1x128xi32, #tpu.memory_space<vmem>> -> memref<128xi32, #tpu.memory_space<vmem>>
          %dma_wait3A_874 = arith.constant 0 : i32
          %dma_wait3A_875 = tpu.memref_slice %arg3[%dma_wait3A, %add3A_862, %dma_wait3A_874] : memref<2x2560x128xi32, #tpu.memory_space<hbm>> -> memref<1x1x128xi32, #tpu.memory_space<hbm>>
          %dma_wait3A_876 = tpu.memref_squeeze %dma_wait3A_875 : memref<1x1x128xi32, #tpu.memory_space<hbm>> -> memref<128xi32, #tpu.memory_space<hbm>>
          tpu.wait_dma2 semaphore(%arg8 : memref<!tpu.dma_semaphore, #tpu.memory_space<semaphore_mem>>) src(%dma_wait3A_876 : memref<128xi32, #tpu.memory_space<hbm>>) dst(%dma_wait3A_873 : memref<128xi32, #tpu.memory_space<vmem>>)
          %add3A_877 = arith.addi %select_n3A_8, %scan3A_807 : i32
          %dma_wait3A_878 = arith.constant 1 : i32
          %dma_wait3A_879 = arith.constant 0 : i32
          %dma_wait3A_880 = arith.constant 1 : i32
          %dma_wait3A_881 = arith.constant 0 : i32
          %dma_wait3A_882 = tpu.memref_slice %arg5[%dma_wait3A_879, %dma_wait3A_880, %dma_wait3A_881] : memref<4x2x128xi32, #tpu.memory_space<vmem>> -> memref<1x1x128xi32, #tpu.memory_space<vmem>>
          %dma_wait3A_883 = tpu.memref_squeeze %dma_wait3A_882 : memref<1x1x128xi32, #tpu.memory_space<vmem>> -> memref<128xi32, #tpu.memory_space<vmem>>
          %dma_wait3A_884 = arith.constant 0 : i32
          %dma_wait3A_885 = tpu.memref_slice %arg3[%dma_wait3A_878, %add3A_877, %dma_wait3A_884] : memref<2x2560x128xi32, #tpu.memory_space<hbm>> -> memref<1x1x128xi32, #tpu.memory_space<hbm>>
          %dma_wait3A_886 = tpu.memref_squeeze %dma_wait3A_885 : memref<1x1x128xi32, #tpu.memory_space<hbm>> -> memref<128xi32, #tpu.memory_space<hbm>>
          %dma_wait3A_887 = arith.constant 0 : i32
          %dma_wait3A_888 = tpu.memref_slice %arg5[%dma_wait3A_879, %dma_wait3A_880, %dma_wait3A_887] : memref<4x2x128xi32, #tpu.memory_space<vmem>> -> memref<1x1x128xi32, #tpu.memory_space<vmem>>
          %dma_wait3A_889 = tpu.memref_squeeze %dma_wait3A_888 : memref<1x1x128xi32, #tpu.memory_space<vmem>> -> memref<128xi32, #tpu.memory_space<vmem>>
          %dma_wait3A_890 = arith.constant 0 : i32
          %dma_wait3A_891 = tpu.memref_slice %arg3[%dma_wait3A_878, %add3A_877, %dma_wait3A_890] : memref<2x2560x128xi32, #tpu.memory_space<hbm>> -> memref<1x1x128xi32, #tpu.memory_space<hbm>>
          %dma_wait3A_892 = tpu.memref_squeeze %dma_wait3A_891 : memref<1x1x128xi32, #tpu.memory_space<hbm>> -> memref<128xi32, #tpu.memory_space<hbm>>
          tpu.wait_dma2 semaphore(%arg8 : memref<!tpu.dma_semaphore, #tpu.memory_space<semaphore_mem>>) src(%dma_wait3A_892 : memref<128xi32, #tpu.memory_space<hbm>>) dst(%dma_wait3A_889 : memref<128xi32, #tpu.memory_space<vmem>>)
        } else {
        }
        %eq3A_833 = arith.constant 1 : i32
        %eq3A_834 = arith.cmpi eq, %rem3A_827, %eq3A_833 : i32
        %convert_element_type3A_835 = arith.extui %eq3A_834 : i1 to i32
        %cond3A_836 = arith.constant 0 : i32
        %cond3A_837 = arith.cmpi ne, %convert_element_type3A_835, %cond3A_836 : i32
        scf.if %cond3A_837 {
          %add3A_862 = arith.addi %select_n3A_8, %scan3A_807 : i32
          %dma_wait3A = arith.constant 0 : i32
          %dma_wait3A_863 = arith.constant 1 : i32
          %dma_wait3A_864 = arith.constant 0 : i32
          %dma_wait3A_865 = arith.constant 0 : i32
          %dma_wait3A_866 = tpu.memref_slice %arg5[%dma_wait3A_863, %dma_wait3A_864, %dma_wait3A_865] : memref<4x2x128xi32, #tpu.memory_space<vmem>> -> memref<1x1x128xi32, #tpu.memory_space<vmem>>
          %dma_wait3A_867 = tpu.memref_squeeze %dma_wait3A_866 : memref<1x1x128xi32, #tpu.memory_space<vmem>> -> memref<128xi32, #tpu.memory_space<vmem>>
          %dma_wait3A_868 = arith.constant 0 : i32
          %dma_wait3A_869 = tpu.memref_slice %arg3[%dma_wait3A, %add3A_862, %dma_wait3A_868] : memref<2x2560x128xi32, #tpu.memory_space<hbm>> -> memref<1x1x128xi32, #tpu.memory_space<hbm>>
          %dma_wait3A_870 = tpu.memref_squeeze %dma_wait3A_869 : memref<1x1x128xi32, #tpu.memory_space<hbm>> -> memref<128xi32, #tpu.memory_space<hbm>>
          %dma_wait3A_871 = arith.constant 0 : i32
          %dma_wait3A_872 = tpu.memref_slice %arg5[%dma_wait3A_863, %dma_wait3A_864, %dma_wait3A_871] : memref<4x2x128xi32, #tpu.memory_space<vmem>> -> memref<1x1x128xi32, #tpu.memory_space<vmem>>
          %dma_wait3A_873 = tpu.memref_squeeze %dma_wait3A_872 : memref<1x1x128xi32, #tpu.memory_space<vmem>> -> memref<128xi32, #tpu.memory_space<vmem>>
          %dma_wait3A_874 = arith.constant 0 : i32
          %dma_wait3A_875 = tpu.memref_slice %arg3[%dma_wait3A, %add3A_862, %dma_wait3A_874] : memref<2x2560x128xi32, #tpu.memory_space<hbm>> -> memref<1x1x128xi32, #tpu.memory_space<hbm>>
          %dma_wait3A_876 = tpu.memref_squeeze %dma_wait3A_875 : memref<1x1x128xi32, #tpu.memory_space<hbm>> -> memref<128xi32, #tpu.memory_space<hbm>>
          tpu.wait_dma2 semaphore(%arg9 : memref<!tpu.dma_semaphore, #tpu.memory_space<semaphore_mem>>) src(%dma_wait3A_876 : memref<128xi32, #tpu.memory_space<hbm>>) dst(%dma_wait3A_873 : memref<128xi32, #tpu.memory_space<vmem>>)
          %add3A_877 = arith.addi %select_n3A_8, %scan3A_807 : i32
          %dma_wait3A_878 = arith.constant 1 : i32
          %dma_wait3A_879 = arith.constant 1 : i32
          %dma_wait3A_880 = arith.constant 1 : i32
          %dma_wait3A_881 = arith.constant 0 : i32
          %dma_wait3A_882 = tpu.memref_slice %arg5[%dma_wait3A_879, %dma_wait3A_880, %dma_wait3A_881] : memref<4x2x128xi32, #tpu.memory_space<vmem>> -> memref<1x1x128xi32, #tpu.memory_space<vmem>>
          %dma_wait3A_883 = tpu.memref_squeeze %dma_wait3A_882 : memref<1x1x128xi32, #tpu.memory_space<vmem>> -> memref<128xi32, #tpu.memory_space<vmem>>
          %dma_wait3A_884 = arith.constant 0 : i32
          %dma_wait3A_885 = tpu.memref_slice %arg3[%dma_wait3A_878, %add3A_877, %dma_wait3A_884] : memref<2x2560x128xi32, #tpu.memory_space<hbm>> -> memref<1x1x128xi32, #tpu.memory_space<hbm>>
          %dma_wait3A_886 = tpu.memref_squeeze %dma_wait3A_885 : memref<1x1x128xi32, #tpu.memory_space<hbm>> -> memref<128xi32, #tpu.memory_space<hbm>>
          %dma_wait3A_887 = arith.constant 0 : i32
          %dma_wait3A_888 = tpu.memref_slice %arg5[%dma_wait3A_879, %dma_wait3A_880, %dma_wait3A_887] : memref<4x2x128xi32, #tpu.memory_space<vmem>> -> memref<1x1x128xi32, #tpu.memory_space<vmem>>
          %dma_wait3A_889 = tpu.memref_squeeze %dma_wait3A_888 : memref<1x1x128xi32, #tpu.memory_space<vmem>> -> memref<128xi32, #tpu.memory_space<vmem>>
          %dma_wait3A_890 = arith.constant 0 : i32
          %dma_wait3A_891 = tpu.memref_slice %arg3[%dma_wait3A_878, %add3A_877, %dma_wait3A_890] : memref<2x2560x128xi32, #tpu.memory_space<hbm>> -> memref<1x1x128xi32, #tpu.memory_space<hbm>>
          %dma_wait3A_892 = tpu.memref_squeeze %dma_wait3A_891 : memref<1x1x128xi32, #tpu.memory_space<hbm>> -> memref<128xi32, #tpu.memory_space<hbm>>
          tpu.wait_dma2 semaphore(%arg9 : memref<!tpu.dma_semaphore, #tpu.memory_space<semaphore_mem>>) src(%dma_wait3A_892 : memref<128xi32, #tpu.memory_space<hbm>>) dst(%dma_wait3A_889 : memref<128xi32, #tpu.memory_space<vmem>>)
        } else {
        }
        %eq3A_838 = arith.constant 2 : i32
        %eq3A_839 = arith.cmpi eq, %rem3A_827, %eq3A_838 : i32
        %convert_element_type3A_840 = arith.extui %eq3A_839 : i1 to i32
        %cond3A_841 = arith.constant 0 : i32
        %cond3A_842 = arith.cmpi ne, %convert_element_type3A_840, %cond3A_841 : i32
        scf.if %cond3A_842 {
          %add3A_862 = arith.addi %select_n3A_8, %scan3A_807 : i32
          %dma_wait3A = arith.constant 0 : i32
          %dma_wait3A_863 = arith.constant 2 : i32
          %dma_wait3A_864 = arith.constant 0 : i32
          %dma_wait3A_865 = arith.constant 0 : i32
          %dma_wait3A_866 = tpu.memref_slice %arg5[%dma_wait3A_863, %dma_wait3A_864, %dma_wait3A_865] : memref<4x2x128xi32, #tpu.memory_space<vmem>> -> memref<1x1x128xi32, #tpu.memory_space<vmem>>
          %dma_wait3A_867 = tpu.memref_squeeze %dma_wait3A_866 : memref<1x1x128xi32, #tpu.memory_space<vmem>> -> memref<128xi32, #tpu.memory_space<vmem>>
          %dma_wait3A_868 = arith.constant 0 : i32
          %dma_wait3A_869 = tpu.memref_slice %arg3[%dma_wait3A, %add3A_862, %dma_wait3A_868] : memref<2x2560x128xi32, #tpu.memory_space<hbm>> -> memref<1x1x128xi32, #tpu.memory_space<hbm>>
          %dma_wait3A_870 = tpu.memref_squeeze %dma_wait3A_869 : memref<1x1x128xi32, #tpu.memory_space<hbm>> -> memref<128xi32, #tpu.memory_space<hbm>>
          %dma_wait3A_871 = arith.constant 0 : i32
          %dma_wait3A_872 = tpu.memref_slice %arg5[%dma_wait3A_863, %dma_wait3A_864, %dma_wait3A_871] : memref<4x2x128xi32, #tpu.memory_space<vmem>> -> memref<1x1x128xi32, #tpu.memory_space<vmem>>
          %dma_wait3A_873 = tpu.memref_squeeze %dma_wait3A_872 : memref<1x1x128xi32, #tpu.memory_space<vmem>> -> memref<128xi32, #tpu.memory_space<vmem>>
          %dma_wait3A_874 = arith.constant 0 : i32
          %dma_wait3A_875 = tpu.memref_slice %arg3[%dma_wait3A, %add3A_862, %dma_wait3A_874] : memref<2x2560x128xi32, #tpu.memory_space<hbm>> -> memref<1x1x128xi32, #tpu.memory_space<hbm>>
          %dma_wait3A_876 = tpu.memref_squeeze %dma_wait3A_875 : memref<1x1x128xi32, #tpu.memory_space<hbm>> -> memref<128xi32, #tpu.memory_space<hbm>>
          tpu.wait_dma2 semaphore(%arg10 : memref<!tpu.dma_semaphore, #tpu.memory_space<semaphore_mem>>) src(%dma_wait3A_876 : memref<128xi32, #tpu.memory_space<hbm>>) dst(%dma_wait3A_873 : memref<128xi32, #tpu.memory_space<vmem>>)
          %add3A_877 = arith.addi %select_n3A_8, %scan3A_807 : i32
          %dma_wait3A_878 = arith.constant 1 : i32
          %dma_wait3A_879 = arith.constant 2 : i32
          %dma_wait3A_880 = arith.constant 1 : i32
          %dma_wait3A_881 = arith.constant 0 : i32
          %dma_wait3A_882 = tpu.memref_slice %arg5[%dma_wait3A_879, %dma_wait3A_880, %dma_wait3A_881] : memref<4x2x128xi32, #tpu.memory_space<vmem>> -> memref<1x1x128xi32, #tpu.memory_space<vmem>>
          %dma_wait3A_883 = tpu.memref_squeeze %dma_wait3A_882 : memref<1x1x128xi32, #tpu.memory_space<vmem>> -> memref<128xi32, #tpu.memory_space<vmem>>
          %dma_wait3A_884 = arith.constant 0 : i32
          %dma_wait3A_885 = tpu.memref_slice %arg3[%dma_wait3A_878, %add3A_877, %dma_wait3A_884] : memref<2x2560x128xi32, #tpu.memory_space<hbm>> -> memref<1x1x128xi32, #tpu.memory_space<hbm>>
          %dma_wait3A_886 = tpu.memref_squeeze %dma_wait3A_885 : memref<1x1x128xi32, #tpu.memory_space<hbm>> -> memref<128xi32, #tpu.memory_space<hbm>>
          %dma_wait3A_887 = arith.constant 0 : i32
          %dma_wait3A_888 = tpu.memref_slice %arg5[%dma_wait3A_879, %dma_wait3A_880, %dma_wait3A_887] : memref<4x2x128xi32, #tpu.memory_space<vmem>> -> memref<1x1x128xi32, #tpu.memory_space<vmem>>
          %dma_wait3A_889 = tpu.memref_squeeze %dma_wait3A_888 : memref<1x1x128xi32, #tpu.memory_space<vmem>> -> memref<128xi32, #tpu.memory_space<vmem>>
          %dma_wait3A_890 = arith.constant 0 : i32
          %dma_wait3A_891 = tpu.memref_slice %arg3[%dma_wait3A_878, %add3A_877, %dma_wait3A_890] : memref<2x2560x128xi32, #tpu.memory_space<hbm>> -> memref<1x1x128xi32, #tpu.memory_space<hbm>>
          %dma_wait3A_892 = tpu.memref_squeeze %dma_wait3A_891 : memref<1x1x128xi32, #tpu.memory_space<hbm>> -> memref<128xi32, #tpu.memory_space<hbm>>
          tpu.wait_dma2 semaphore(%arg10 : memref<!tpu.dma_semaphore, #tpu.memory_space<semaphore_mem>>) src(%dma_wait3A_892 : memref<128xi32, #tpu.memory_space<hbm>>) dst(%dma_wait3A_889 : memref<128xi32, #tpu.memory_space<vmem>>)
        } else {
        }
        %eq3A_843 = arith.constant 3 : i32
        %eq3A_844 = arith.cmpi eq, %rem3A_827, %eq3A_843 : i32
        %convert_element_type3A_845 = arith.extui %eq3A_844 : i1 to i32
        %cond3A_846 = arith.constant 0 : i32
        %cond3A_847 = arith.cmpi ne, %convert_element_type3A_845, %cond3A_846 : i32
        scf.if %cond3A_847 {
          %add3A_862 = arith.addi %select_n3A_8, %scan3A_807 : i32
          %dma_wait3A = arith.constant 0 : i32
          %dma_wait3A_863 = arith.constant 3 : i32
          %dma_wait3A_864 = arith.constant 0 : i32
          %dma_wait3A_865 = arith.constant 0 : i32
          %dma_wait3A_866 = tpu.memref_slice %arg5[%dma_wait3A_863, %dma_wait3A_864, %dma_wait3A_865] : memref<4x2x128xi32, #tpu.memory_space<vmem>> -> memref<1x1x128xi32, #tpu.memory_space<vmem>>
          %dma_wait3A_867 = tpu.memref_squeeze %dma_wait3A_866 : memref<1x1x128xi32, #tpu.memory_space<vmem>> -> memref<128xi32, #tpu.memory_space<vmem>>
          %dma_wait3A_868 = arith.constant 0 : i32
          %dma_wait3A_869 = tpu.memref_slice %arg3[%dma_wait3A, %add3A_862, %dma_wait3A_868] : memref<2x2560x128xi32, #tpu.memory_space<hbm>> -> memref<1x1x128xi32, #tpu.memory_space<hbm>>
          %dma_wait3A_870 = tpu.memref_squeeze %dma_wait3A_869 : memref<1x1x128xi32, #tpu.memory_space<hbm>> -> memref<128xi32, #tpu.memory_space<hbm>>
          %dma_wait3A_871 = arith.constant 0 : i32
          %dma_wait3A_872 = tpu.memref_slice %arg5[%dma_wait3A_863, %dma_wait3A_864, %dma_wait3A_871] : memref<4x2x128xi32, #tpu.memory_space<vmem>> -> memref<1x1x128xi32, #tpu.memory_space<vmem>>
          %dma_wait3A_873 = tpu.memref_squeeze %dma_wait3A_872 : memref<1x1x128xi32, #tpu.memory_space<vmem>> -> memref<128xi32, #tpu.memory_space<vmem>>
          %dma_wait3A_874 = arith.constant 0 : i32
          %dma_wait3A_875 = tpu.memref_slice %arg3[%dma_wait3A, %add3A_862, %dma_wait3A_874] : memref<2x2560x128xi32, #tpu.memory_space<hbm>> -> memref<1x1x128xi32, #tpu.memory_space<hbm>>
          %dma_wait3A_876 = tpu.memref_squeeze %dma_wait3A_875 : memref<1x1x128xi32, #tpu.memory_space<hbm>> -> memref<128xi32, #tpu.memory_space<hbm>>
          tpu.wait_dma2 semaphore(%arg11 : memref<!tpu.dma_semaphore, #tpu.memory_space<semaphore_mem>>) src(%dma_wait3A_876 : memref<128xi32, #tpu.memory_space<hbm>>) dst(%dma_wait3A_873 : memref<128xi32, #tpu.memory_space<vmem>>)
          %add3A_877 = arith.addi %select_n3A_8, %scan3A_807 : i32
          %dma_wait3A_878 = arith.constant 1 : i32
          %dma_wait3A_879 = arith.constant 3 : i32
          %dma_wait3A_880 = arith.constant 1 : i32
          %dma_wait3A_881 = arith.constant 0 : i32
          %dma_wait3A_882 = tpu.memref_slice %arg5[%dma_wait3A_879, %dma_wait3A_880, %dma_wait3A_881] : memref<4x2x128xi32, #tpu.memory_space<vmem>> -> memref<1x1x128xi32, #tpu.memory_space<vmem>>
          %dma_wait3A_883 = tpu.memref_squeeze %dma_wait3A_882 : memref<1x1x128xi32, #tpu.memory_space<vmem>> -> memref<128xi32, #tpu.memory_space<vmem>>
          %dma_wait3A_884 = arith.constant 0 : i32
          %dma_wait3A_885 = tpu.memref_slice %arg3[%dma_wait3A_878, %add3A_877, %dma_wait3A_884] : memref<2x2560x128xi32, #tpu.memory_space<hbm>> -> memref<1x1x128xi32, #tpu.memory_space<hbm>>
          %dma_wait3A_886 = tpu.memref_squeeze %dma_wait3A_885 : memref<1x1x128xi32, #tpu.memory_space<hbm>> -> memref<128xi32, #tpu.memory_space<hbm>>
          %dma_wait3A_887 = arith.constant 0 : i32
          %dma_wait3A_888 = tpu.memref_slice %arg5[%dma_wait3A_879, %dma_wait3A_880, %dma_wait3A_887] : memref<4x2x128xi32, #tpu.memory_space<vmem>> -> memref<1x1x128xi32, #tpu.memory_space<vmem>>
          %dma_wait3A_889 = tpu.memref_squeeze %dma_wait3A_888 : memref<1x1x128xi32, #tpu.memory_space<vmem>> -> memref<128xi32, #tpu.memory_space<vmem>>
          %dma_wait3A_890 = arith.constant 0 : i32
          %dma_wait3A_891 = tpu.memref_slice %arg3[%dma_wait3A_878, %add3A_877, %dma_wait3A_890] : memref<2x2560x128xi32, #tpu.memory_space<hbm>> -> memref<1x1x128xi32, #tpu.memory_space<hbm>>
          %dma_wait3A_892 = tpu.memref_squeeze %dma_wait3A_891 : memref<1x1x128xi32, #tpu.memory_space<hbm>> -> memref<128xi32, #tpu.memory_space<hbm>>
          tpu.wait_dma2 semaphore(%arg11 : memref<!tpu.dma_semaphore, #tpu.memory_space<semaphore_mem>>) src(%dma_wait3A_892 : memref<128xi32, #tpu.memory_space<hbm>>) dst(%dma_wait3A_889 : memref<128xi32, #tpu.memory_space<vmem>>)
        } else {
        }
        %rem3A_848 = arith.constant 2 : i32
        %rem3A_849 = arith.remsi %scan3A_807, %rem3A_848 : i32
        %eq3A_850 = arith.constant 0 : i32
        %eq3A_851 = arith.cmpi eq, %rem3A_849, %eq3A_850 : i32
        %convert_element_type3A_852 = arith.extui %eq3A_851 : i1 to i32
        %cond3A_853 = arith.constant 0 : i32
        %cond3A_854 = arith.cmpi ne, %convert_element_type3A_852, %cond3A_853 : i32
        scf.if %cond3A_854 {
          %dma_start3A = arith.constant 0 : i32
          %dma_start3A_862 = arith.constant 0 : i32
          %dma_start3A_863 = arith.constant 0 : i32
          %dma_start3A_864 = tpu.memref_slice %arg5[%rem3A_827, %dma_start3A_862, %dma_start3A_863] : memref<4x2x128xi32, #tpu.memory_space<vmem>> -> memref<1x2x128xi32, #tpu.memory_space<vmem>>
          %dma_start3A_865 = tpu.memref_squeeze %dma_start3A_864 : memref<1x2x128xi32, #tpu.memory_space<vmem>> -> memref<2x128xi32, #tpu.memory_space<vmem>>
          %dma_start3A_866 = arith.constant 0 : i32
          %dma_start3A_867 = tpu.memref_slice %dma_start3A_865[%dma_start3A, %dma_start3A_866] : memref<2x128xi32, #tpu.memory_space<vmem>> -> memref<1x128xi32, #tpu.memory_space<vmem>>
          %dma_start3A_868 = tpu.memref_squeeze %dma_start3A_867 : memref<1x128xi32, #tpu.memory_space<vmem>> -> memref<128xi32, #tpu.memory_space<vmem>>
          %dma_start3A_869 = arith.constant 0 : i32
          %dma_start3A_870 = arith.constant 0 : i32
          %dma_start3A_871 = tpu.memref_slice %arg2[%dma_start3A_869, %dma_start3A_870] : memref<10240x128xf32, #tpu.memory_space<hbm>> -> memref<10240x128xf32, #tpu.memory_space<hbm>>
          tpu.enqueue_indirect_dma source(%dma_start3A_871 : memref<10240x128xf32, #tpu.memory_space<hbm>>) target(%arg6 : memref<128x128xf32, #tpu.memory_space<vmem>>) offsets(%dma_start3A_868 : memref<128xi32, #tpu.memory_space<vmem>>) semaphore(%arg12 : memref<!tpu.dma_semaphore, #tpu.memory_space<semaphore_mem>>)
        } else {
        }
        %rem3A_855 = arith.constant 2 : i32
        %rem3A_856 = arith.remsi %scan3A_807, %rem3A_855 : i32
        %eq3A_857 = arith.constant 1 : i32
        %eq3A_858 = arith.cmpi eq, %rem3A_856, %eq3A_857 : i32
        %convert_element_type3A_859 = arith.extui %eq3A_858 : i1 to i32
        %cond3A_860 = arith.constant 0 : i32
        %cond3A_861 = arith.cmpi ne, %convert_element_type3A_859, %cond3A_860 : i32
        scf.if %cond3A_861 {
          %dma_start3A = arith.constant 0 : i32
          %dma_start3A_862 = arith.constant 0 : i32
          %dma_start3A_863 = arith.constant 0 : i32
          %dma_start3A_864 = tpu.memref_slice %arg5[%rem3A_827, %dma_start3A_862, %dma_start3A_863] : memref<4x2x128xi32, #tpu.memory_space<vmem>> -> memref<1x2x128xi32, #tpu.memory_space<vmem>>
          %dma_start3A_865 = tpu.memref_squeeze %dma_start3A_864 : memref<1x2x128xi32, #tpu.memory_space<vmem>> -> memref<2x128xi32, #tpu.memory_space<vmem>>
          %dma_start3A_866 = arith.constant 0 : i32
          %dma_start3A_867 = tpu.memref_slice %dma_start3A_865[%dma_start3A, %dma_start3A_866] : memref<2x128xi32, #tpu.memory_space<vmem>> -> memref<1x128xi32, #tpu.memory_space<vmem>>
          %dma_start3A_868 = tpu.memref_squeeze %dma_start3A_867 : memref<1x128xi32, #tpu.memory_space<vmem>> -> memref<128xi32, #tpu.memory_space<vmem>>
          %dma_start3A_869 = arith.constant 0 : i32
          %dma_start3A_870 = arith.constant 0 : i32
          %dma_start3A_871 = tpu.memref_slice %arg2[%dma_start3A_869, %dma_start3A_870] : memref<10240x128xf32, #tpu.memory_space<hbm>> -> memref<10240x128xf32, #tpu.memory_space<hbm>>
          tpu.enqueue_indirect_dma source(%dma_start3A_871 : memref<10240x128xf32, #tpu.memory_space<hbm>>) target(%arg7 : memref<128x128xf32, #tpu.memory_space<vmem>>) offsets(%dma_start3A_868 : memref<128xi32, #tpu.memory_space<vmem>>) semaphore(%arg13 : memref<!tpu.dma_semaphore, #tpu.memory_space<semaphore_mem>>)
        } else {
        }
      } else {
      }
      %ge3A = arith.constant 1 : i32
      %ge3A_812 = arith.cmpi sge, %scan3A_807, %ge3A : i32
      %sub3A = arith.constant 1 : i32
      %sub3A_813 = arith.subi %scan3A_807, %sub3A : i32
      %lt3A_814 = arith.cmpi slt, %sub3A_813, %select_n3A : i32
      %and3A = arith.andi %ge3A_812, %lt3A_814 : i1
      %convert_element_type3A_815 = arith.extui %and3A : i1 to i32
      %cond3A_816 = arith.constant 0 : i32
      %cond3A_817 = arith.cmpi ne, %convert_element_type3A_815, %cond3A_816 : i32
      scf.if %cond3A_817 {
        %sub3A_827 = arith.constant 1 : i32
        %sub3A_828 = arith.subi %scan3A_807, %sub3A_827 : i32
        %rem3A = arith.constant 4 : i32
        %rem3A_829 = arith.remsi %sub3A_828, %rem3A : i32
        %sub3A_830 = arith.constant 1 : i32
        %sub3A_831 = arith.subi %scan3A_807, %sub3A_830 : i32
        %rem3A_832 = arith.constant 2 : i32
        %rem3A_833 = arith.remsi %sub3A_831, %rem3A_832 : i32
        %eq3A_834 = arith.constant 0 : i32
        %eq3A_835 = arith.cmpi eq, %rem3A_833, %eq3A_834 : i32
        %convert_element_type3A_836 = arith.extui %eq3A_835 : i1 to i32
        %cond3A_837 = arith.constant 0 : i32
        %cond3A_838 = arith.cmpi ne, %convert_element_type3A_836, %cond3A_837 : i32
        scf.if %cond3A_838 {
          %dma_wait3A = arith.constant 0 : i32
          %dma_wait3A_848 = arith.constant 0 : i32
          %dma_wait3A_849 = arith.constant 0 : i32
          %dma_wait3A_850 = tpu.memref_slice %arg5[%rem3A_829, %dma_wait3A_848, %dma_wait3A_849] : memref<4x2x128xi32, #tpu.memory_space<vmem>> -> memref<1x2x128xi32, #tpu.memory_space<vmem>>
          %dma_wait3A_851 = tpu.memref_squeeze %dma_wait3A_850 : memref<1x2x128xi32, #tpu.memory_space<vmem>> -> memref<2x128xi32, #tpu.memory_space<vmem>>
          %dma_wait3A_852 = arith.constant 0 : i32
          %dma_wait3A_853 = tpu.memref_slice %dma_wait3A_851[%dma_wait3A, %dma_wait3A_852] : memref<2x128xi32, #tpu.memory_space<vmem>> -> memref<1x128xi32, #tpu.memory_space<vmem>>
          %dma_wait3A_854 = tpu.memref_squeeze %dma_wait3A_853 : memref<1x128xi32, #tpu.memory_space<vmem>> -> memref<128xi32, #tpu.memory_space<vmem>>
          %dma_wait3A_855 = arith.constant 0 : i32
          %dma_wait3A_856 = arith.constant 0 : i32
          %dma_wait3A_857 = tpu.memref_slice %arg2[%dma_wait3A_855, %dma_wait3A_856] : memref<10240x128xf32, #tpu.memory_space<hbm>> -> memref<10240x128xf32, #tpu.memory_space<hbm>>
          tpu.wait_indirect_dma semaphore(%arg12 : memref<!tpu.dma_semaphore, #tpu.memory_space<semaphore_mem>>) src(%dma_wait3A_857 : memref<10240x128xf32, #tpu.memory_space<hbm>>) dst(%arg6 : memref<128x128xf32, #tpu.memory_space<vmem>>)
          %run_scoped3A = arith.constant 1 : i32
          "tpu.region"() ({
            %run_scoped3A_858 = tpu.sem_alloc : memref<!tpu.dma_semaphore, #tpu.memory_space<semaphore_mem>>
            %dma_start3A = arith.constant 0 : i32
            %dma_start3A_859 = arith.constant 0 : i32
            %dma_start3A_860 = tpu.memref_slice %arg5[%rem3A_829, %dma_start3A, %dma_start3A_859] : memref<4x2x128xi32, #tpu.memory_space<vmem>> -> memref<1x2x128xi32, #tpu.memory_space<vmem>>
            %dma_start3A_861 = tpu.memref_squeeze %dma_start3A_860 : memref<1x2x128xi32, #tpu.memory_space<vmem>> -> memref<2x128xi32, #tpu.memory_space<vmem>>
            %dma_start3A_862 = arith.constant 0 : i32
            %dma_start3A_863 = tpu.memref_slice %dma_start3A_861[%run_scoped3A, %dma_start3A_862] : memref<2x128xi32, #tpu.memory_space<vmem>> -> memref<1x128xi32, #tpu.memory_space<vmem>>
            %dma_start3A_864 = tpu.memref_squeeze %dma_start3A_863 : memref<1x128xi32, #tpu.memory_space<vmem>> -> memref<128xi32, #tpu.memory_space<vmem>>
            %dma_start3A_865 = arith.constant 0 : i32
            %dma_start3A_866 = arith.constant 0 : i32
            %dma_start3A_867 = tpu.memref_slice %arg14[%dma_start3A_865, %dma_start3A_866] : memref<10240x128xf32, #tpu.memory_space<vmem_shared>> -> memref<10240x128xf32, #tpu.memory_space<vmem_shared>>
            tpu.enqueue_indirect_dma source(%arg6 : memref<128x128xf32, #tpu.memory_space<vmem>>) target(%dma_start3A_867 : memref<10240x128xf32, #tpu.memory_space<vmem_shared>>) offsets(%dma_start3A_864 : memref<128xi32, #tpu.memory_space<vmem>>) semaphore(%run_scoped3A_858 : memref<!tpu.dma_semaphore, #tpu.memory_space<semaphore_mem>>) {add = true}
            %dma_wait3A_868 = arith.constant 0 : i32
            %dma_wait3A_869 = arith.constant 0 : i32
            %dma_wait3A_870 = tpu.memref_slice %arg5[%rem3A_829, %dma_wait3A_868, %dma_wait3A_869] : memref<4x2x128xi32, #tpu.memory_space<vmem>> -> memref<1x2x128xi32, #tpu.memory_space<vmem>>
            %dma_wait3A_871 = tpu.memref_squeeze %dma_wait3A_870 : memref<1x2x128xi32, #tpu.memory_space<vmem>> -> memref<2x128xi32, #tpu.memory_space<vmem>>
            %dma_wait3A_872 = arith.constant 0 : i32
            %dma_wait3A_873 = tpu.memref_slice %dma_wait3A_871[%run_scoped3A, %dma_wait3A_872] : memref<2x128xi32, #tpu.memory_space<vmem>> -> memref<1x128xi32, #tpu.memory_space<vmem>>
            %dma_wait3A_874 = tpu.memref_squeeze %dma_wait3A_873 : memref<1x128xi32, #tpu.memory_space<vmem>> -> memref<128xi32, #tpu.memory_space<vmem>>
            %dma_wait3A_875 = arith.constant 0 : i32
            %dma_wait3A_876 = arith.constant 0 : i32
            %dma_wait3A_877 = tpu.memref_slice %arg14[%dma_wait3A_875, %dma_wait3A_876] : memref<10240x128xf32, #tpu.memory_space<vmem_shared>> -> memref<10240x128xf32, #tpu.memory_space<vmem_shared>>
            tpu.wait_indirect_dma semaphore(%run_scoped3A_858 : memref<!tpu.dma_semaphore, #tpu.memory_space<semaphore_mem>>) src(%arg6 : memref<128x128xf32, #tpu.memory_space<vmem>>) dst(%dma_wait3A_877 : memref<10240x128xf32, #tpu.memory_space<vmem_shared>>)
            tpu.yield
          }) : () -> ()
        } else {
        }
        %sub3A_839 = arith.constant 1 : i32
        %sub3A_840 = arith.subi %scan3A_807, %sub3A_839 : i32
        %rem3A_841 = arith.constant 2 : i32
        %rem3A_842 = arith.remsi %sub3A_840, %rem3A_841 : i32
        %eq3A_843 = arith.constant 1 : i32
        %eq3A_844 = arith.cmpi eq, %rem3A_842, %eq3A_843 : i32
        %convert_element_type3A_845 = arith.extui %eq3A_844 : i1 to i32
        %cond3A_846 = arith.constant 0 : i32
        %cond3A_847 = arith.cmpi ne, %convert_element_type3A_845, %cond3A_846 : i32
        scf.if %cond3A_847 {
          %dma_wait3A = arith.constant 0 : i32
          %dma_wait3A_848 = arith.constant 0 : i32
          %dma_wait3A_849 = arith.constant 0 : i32
          %dma_wait3A_850 = tpu.memref_slice %arg5[%rem3A_829, %dma_wait3A_848, %dma_wait3A_849] : memref<4x2x128xi32, #tpu.memory_space<vmem>> -> memref<1x2x128xi32, #tpu.memory_space<vmem>>
          %dma_wait3A_851 = tpu.memref_squeeze %dma_wait3A_850 : memref<1x2x128xi32, #tpu.memory_space<vmem>> -> memref<2x128xi32, #tpu.memory_space<vmem>>
          %dma_wait3A_852 = arith.constant 0 : i32
          %dma_wait3A_853 = tpu.memref_slice %dma_wait3A_851[%dma_wait3A, %dma_wait3A_852] : memref<2x128xi32, #tpu.memory_space<vmem>> -> memref<1x128xi32, #tpu.memory_space<vmem>>
          %dma_wait3A_854 = tpu.memref_squeeze %dma_wait3A_853 : memref<1x128xi32, #tpu.memory_space<vmem>> -> memref<128xi32, #tpu.memory_space<vmem>>
          %dma_wait3A_855 = arith.constant 0 : i32
          %dma_wait3A_856 = arith.constant 0 : i32
          %dma_wait3A_857 = tpu.memref_slice %arg2[%dma_wait3A_855, %dma_wait3A_856] : memref<10240x128xf32, #tpu.memory_space<hbm>> -> memref<10240x128xf32, #tpu.memory_space<hbm>>
          tpu.wait_indirect_dma semaphore(%arg13 : memref<!tpu.dma_semaphore, #tpu.memory_space<semaphore_mem>>) src(%dma_wait3A_857 : memref<10240x128xf32, #tpu.memory_space<hbm>>) dst(%arg7 : memref<128x128xf32, #tpu.memory_space<vmem>>)
          %run_scoped3A = arith.constant 1 : i32
          "tpu.region"() ({
            %run_scoped3A_858 = tpu.sem_alloc : memref<!tpu.dma_semaphore, #tpu.memory_space<semaphore_mem>>
            %dma_start3A = arith.constant 0 : i32
            %dma_start3A_859 = arith.constant 0 : i32
            %dma_start3A_860 = tpu.memref_slice %arg5[%rem3A_829, %dma_start3A, %dma_start3A_859] : memref<4x2x128xi32, #tpu.memory_space<vmem>> -> memref<1x2x128xi32, #tpu.memory_space<vmem>>
            %dma_start3A_861 = tpu.memref_squeeze %dma_start3A_860 : memref<1x2x128xi32, #tpu.memory_space<vmem>> -> memref<2x128xi32, #tpu.memory_space<vmem>>
            %dma_start3A_862 = arith.constant 0 : i32
            %dma_start3A_863 = tpu.memref_slice %dma_start3A_861[%run_scoped3A, %dma_start3A_862] : memref<2x128xi32, #tpu.memory_space<vmem>> -> memref<1x128xi32, #tpu.memory_space<vmem>>
            %dma_start3A_864 = tpu.memref_squeeze %dma_start3A_863 : memref<1x128xi32, #tpu.memory_space<vmem>> -> memref<128xi32, #tpu.memory_space<vmem>>
            %dma_start3A_865 = arith.constant 0 : i32
            %dma_start3A_866 = arith.constant 0 : i32
            %dma_start3A_867 = tpu.memref_slice %arg14[%dma_start3A_865, %dma_start3A_866] : memref<10240x128xf32, #tpu.memory_space<vmem_shared>> -> memref<10240x128xf32, #tpu.memory_space<vmem_shared>>
            tpu.enqueue_indirect_dma source(%arg7 : memref<128x128xf32, #tpu.memory_space<vmem>>) target(%dma_start3A_867 : memref<10240x128xf32, #tpu.memory_space<vmem_shared>>) offsets(%dma_start3A_864 : memref<128xi32, #tpu.memory_space<vmem>>) semaphore(%run_scoped3A_858 : memref<!tpu.dma_semaphore, #tpu.memory_space<semaphore_mem>>) {add = true}
            %dma_wait3A_868 = arith.constant 0 : i32
            %dma_wait3A_869 = arith.constant 0 : i32
            %dma_wait3A_870 = tpu.memref_slice %arg5[%rem3A_829, %dma_wait3A_868, %dma_wait3A_869] : memref<4x2x128xi32, #tpu.memory_space<vmem>> -> memref<1x2x128xi32, #tpu.memory_space<vmem>>
            %dma_wait3A_871 = tpu.memref_squeeze %dma_wait3A_870 : memref<1x2x128xi32, #tpu.memory_space<vmem>> -> memref<2x128xi32, #tpu.memory_space<vmem>>
            %dma_wait3A_872 = arith.constant 0 : i32
            %dma_wait3A_873 = tpu.memref_slice %dma_wait3A_871[%run_scoped3A, %dma_wait3A_872] : memref<2x128xi32, #tpu.memory_space<vmem>> -> memref<1x128xi32, #tpu.memory_space<vmem>>
            %dma_wait3A_874 = tpu.memref_squeeze %dma_wait3A_873 : memref<1x128xi32, #tpu.memory_space<vmem>> -> memref<128xi32, #tpu.memory_space<vmem>>
            %dma_wait3A_875 = arith.constant 0 : i32
            %dma_wait3A_876 = arith.constant 0 : i32
            %dma_wait3A_877 = tpu.memref_slice %arg14[%dma_wait3A_875, %dma_wait3A_876] : memref<10240x128xf32, #tpu.memory_space<vmem_shared>> -> memref<10240x128xf32, #tpu.memory_space<vmem_shared>>
            tpu.wait_indirect_dma semaphore(%run_scoped3A_858 : memref<!tpu.dma_semaphore, #tpu.memory_space<semaphore_mem>>) src(%arg7 : memref<128x128xf32, #tpu.memory_space<vmem>>) dst(%dma_wait3A_877 : memref<10240x128xf32, #tpu.memory_space<vmem_shared>>)
            tpu.yield
          }) : () -> ()
        } else {
        }
      } else {
      }
      %add3A_818 = arith.constant 4 : i32
      %add3A_819 = arith.addi %scan3A_807, %add3A_818 : i32
      %sub3A_820 = arith.constant 1 : i32
      %sub3A_821 = arith.subi %add3A_819, %sub3A_820 : i32
      %lt3A_822 = arith.cmpi slt, %sub3A_821, %select_n3A : i32
      %convert_element_type3A_823 = arith.extui %lt3A_822 : i1 to i32
      %cond3A_824 = arith.constant 0 : i32
      %cond3A_825 = arith.cmpi ne, %convert_element_type3A_823, %cond3A_824 : i32
      scf.if %cond3A_825 {
        %add3A_827 = arith.constant 4 : i32
        %add3A_828 = arith.addi %scan3A_807, %add3A_827 : i32
        %sub3A_829 = arith.constant 1 : i32
        %sub3A_830 = arith.subi %add3A_828, %sub3A_829 : i32
        %rem3A = arith.constant 4 : i32
        %rem3A_831 = arith.remsi %sub3A_830, %rem3A : i32
        %eq3A_832 = arith.constant 0 : i32
        %eq3A_833 = arith.cmpi eq, %rem3A_831, %eq3A_832 : i32
        %convert_element_type3A_834 = arith.extui %eq3A_833 : i1 to i32
        %cond3A_835 = arith.constant 0 : i32
        %cond3A_836 = arith.cmpi ne, %convert_element_type3A_834, %cond3A_835 : i32
        scf.if %cond3A_836 {
          %add3A_852 = arith.addi %select_n3A_8, %scan3A_807 : i32
          %add3A_853 = arith.constant 4 : i32
          %add3A_854 = arith.addi %add3A_852, %add3A_853 : i32
          %sub3A_855 = arith.constant 1 : i32
          %sub3A_856 = arith.subi %add3A_854, %sub3A_855 : i32
          %dma_start3A = arith.constant 0 : i32
          %dma_start3A_857 = arith.constant 0 : i32
          %dma_start3A_858 = arith.constant 0 : i32
          %dma_start3A_859 = arith.constant 0 : i32
          %dma_start3A_860 = tpu.memref_slice %arg5[%dma_start3A_857, %dma_start3A_858, %dma_start3A_859] : memref<4x2x128xi32, #tpu.memory_space<vmem>> -> memref<1x1x128xi32, #tpu.memory_space<vmem>>
          %dma_start3A_861 = tpu.memref_squeeze %dma_start3A_860 : memref<1x1x128xi32, #tpu.memory_space<vmem>> -> memref<128xi32, #tpu.memory_space<vmem>>
          %dma_start3A_862 = arith.constant 0 : i32
          %dma_start3A_863 = tpu.memref_slice %arg3[%dma_start3A, %sub3A_856, %dma_start3A_862] : memref<2x2560x128xi32, #tpu.memory_space<hbm>> -> memref<1x1x128xi32, #tpu.memory_space<hbm>>
          %dma_start3A_864 = tpu.memref_squeeze %dma_start3A_863 : memref<1x1x128xi32, #tpu.memory_space<hbm>> -> memref<128xi32, #tpu.memory_space<hbm>>
          %dma_start3A_865 = arith.constant 0 : i32
          %dma_start3A_866 = tpu.memref_slice %arg5[%dma_start3A_857, %dma_start3A_858, %dma_start3A_865] : memref<4x2x128xi32, #tpu.memory_space<vmem>> -> memref<1x1x128xi32, #tpu.memory_space<vmem>>
          %dma_start3A_867 = tpu.memref_squeeze %dma_start3A_866 : memref<1x1x128xi32, #tpu.memory_space<vmem>> -> memref<128xi32, #tpu.memory_space<vmem>>
          %dma_start3A_868 = arith.constant 0 : i32
          %dma_start3A_869 = tpu.memref_slice %arg3[%dma_start3A, %sub3A_856, %dma_start3A_868] : memref<2x2560x128xi32, #tpu.memory_space<hbm>> -> memref<1x1x128xi32, #tpu.memory_space<hbm>>
          %dma_start3A_870 = tpu.memref_squeeze %dma_start3A_869 : memref<1x1x128xi32, #tpu.memory_space<hbm>> -> memref<128xi32, #tpu.memory_space<hbm>>
          tpu.enqueue_dma source(%dma_start3A_870 : memref<128xi32, #tpu.memory_space<hbm>>) target(%dma_start3A_867 : memref<128xi32, #tpu.memory_space<vmem>>) target_semaphore(%arg8 : memref<!tpu.dma_semaphore, #tpu.memory_space<semaphore_mem>>)
          %add3A_871 = arith.addi %select_n3A_8, %scan3A_807 : i32
          %add3A_872 = arith.constant 4 : i32
          %add3A_873 = arith.addi %add3A_871, %add3A_872 : i32
          %sub3A_874 = arith.constant 1 : i32
          %sub3A_875 = arith.subi %add3A_873, %sub3A_874 : i32
          %dma_start3A_876 = arith.constant 1 : i32
          %dma_start3A_877 = arith.constant 0 : i32
          %dma_start3A_878 = arith.constant 1 : i32
          %dma_start3A_879 = arith.constant 0 : i32
          %dma_start3A_880 = tpu.memref_slice %arg5[%dma_start3A_877, %dma_start3A_878, %dma_start3A_879] : memref<4x2x128xi32, #tpu.memory_space<vmem>> -> memref<1x1x128xi32, #tpu.memory_space<vmem>>
          %dma_start3A_881 = tpu.memref_squeeze %dma_start3A_880 : memref<1x1x128xi32, #tpu.memory_space<vmem>> -> memref<128xi32, #tpu.memory_space<vmem>>
          %dma_start3A_882 = arith.constant 0 : i32
          %dma_start3A_883 = tpu.memref_slice %arg3[%dma_start3A_876, %sub3A_875, %dma_start3A_882] : memref<2x2560x128xi32, #tpu.memory_space<hbm>> -> memref<1x1x128xi32, #tpu.memory_space<hbm>>
          %dma_start3A_884 = tpu.memref_squeeze %dma_start3A_883 : memref<1x1x128xi32, #tpu.memory_space<hbm>> -> memref<128xi32, #tpu.memory_space<hbm>>
          %dma_start3A_885 = arith.constant 0 : i32
          %dma_start3A_886 = tpu.memref_slice %arg5[%dma_start3A_877, %dma_start3A_878, %dma_start3A_885] : memref<4x2x128xi32, #tpu.memory_space<vmem>> -> memref<1x1x128xi32, #tpu.memory_space<vmem>>
          %dma_start3A_887 = tpu.memref_squeeze %dma_start3A_886 : memref<1x1x128xi32, #tpu.memory_space<vmem>> -> memref<128xi32, #tpu.memory_space<vmem>>
          %dma_start3A_888 = arith.constant 0 : i32
          %dma_start3A_889 = tpu.memref_slice %arg3[%dma_start3A_876, %sub3A_875, %dma_start3A_888] : memref<2x2560x128xi32, #tpu.memory_space<hbm>> -> memref<1x1x128xi32, #tpu.memory_space<hbm>>
          %dma_start3A_890 = tpu.memref_squeeze %dma_start3A_889 : memref<1x1x128xi32, #tpu.memory_space<hbm>> -> memref<128xi32, #tpu.memory_space<hbm>>
          tpu.enqueue_dma source(%dma_start3A_890 : memref<128xi32, #tpu.memory_space<hbm>>) target(%dma_start3A_887 : memref<128xi32, #tpu.memory_space<vmem>>) target_semaphore(%arg8 : memref<!tpu.dma_semaphore, #tpu.memory_space<semaphore_mem>>)
        } else {
        }
        %eq3A_837 = arith.constant 1 : i32
        %eq3A_838 = arith.cmpi eq, %rem3A_831, %eq3A_837 : i32
        %convert_element_type3A_839 = arith.extui %eq3A_838 : i1 to i32
        %cond3A_840 = arith.constant 0 : i32
        %cond3A_841 = arith.cmpi ne, %convert_element_type3A_839, %cond3A_840 : i32
        scf.if %cond3A_841 {
          %add3A_852 = arith.addi %select_n3A_8, %scan3A_807 : i32
          %add3A_853 = arith.constant 4 : i32
          %add3A_854 = arith.addi %add3A_852, %add3A_853 : i32
          %sub3A_855 = arith.constant 1 : i32
          %sub3A_856 = arith.subi %add3A_854, %sub3A_855 : i32
          %dma_start3A = arith.constant 0 : i32
          %dma_start3A_857 = arith.constant 1 : i32
          %dma_start3A_858 = arith.constant 0 : i32
          %dma_start3A_859 = arith.constant 0 : i32
          %dma_start3A_860 = tpu.memref_slice %arg5[%dma_start3A_857, %dma_start3A_858, %dma_start3A_859] : memref<4x2x128xi32, #tpu.memory_space<vmem>> -> memref<1x1x128xi32, #tpu.memory_space<vmem>>
          %dma_start3A_861 = tpu.memref_squeeze %dma_start3A_860 : memref<1x1x128xi32, #tpu.memory_space<vmem>> -> memref<128xi32, #tpu.memory_space<vmem>>
          %dma_start3A_862 = arith.constant 0 : i32
          %dma_start3A_863 = tpu.memref_slice %arg3[%dma_start3A, %sub3A_856, %dma_start3A_862] : memref<2x2560x128xi32, #tpu.memory_space<hbm>> -> memref<1x1x128xi32, #tpu.memory_space<hbm>>
          %dma_start3A_864 = tpu.memref_squeeze %dma_start3A_863 : memref<1x1x128xi32, #tpu.memory_space<hbm>> -> memref<128xi32, #tpu.memory_space<hbm>>
          %dma_start3A_865 = arith.constant 0 : i32
          %dma_start3A_866 = tpu.memref_slice %arg5[%dma_start3A_857, %dma_start3A_858, %dma_start3A_865] : memref<4x2x128xi32, #tpu.memory_space<vmem>> -> memref<1x1x128xi32, #tpu.memory_space<vmem>>
          %dma_start3A_867 = tpu.memref_squeeze %dma_start3A_866 : memref<1x1x128xi32, #tpu.memory_space<vmem>> -> memref<128xi32, #tpu.memory_space<vmem>>
          %dma_start3A_868 = arith.constant 0 : i32
          %dma_start3A_869 = tpu.memref_slice %arg3[%dma_start3A, %sub3A_856, %dma_start3A_868] : memref<2x2560x128xi32, #tpu.memory_space<hbm>> -> memref<1x1x128xi32, #tpu.memory_space<hbm>>
          %dma_start3A_870 = tpu.memref_squeeze %dma_start3A_869 : memref<1x1x128xi32, #tpu.memory_space<hbm>> -> memref<128xi32, #tpu.memory_space<hbm>>
          tpu.enqueue_dma source(%dma_start3A_870 : memref<128xi32, #tpu.memory_space<hbm>>) target(%dma_start3A_867 : memref<128xi32, #tpu.memory_space<vmem>>) target_semaphore(%arg9 : memref<!tpu.dma_semaphore, #tpu.memory_space<semaphore_mem>>)
          %add3A_871 = arith.addi %select_n3A_8, %scan3A_807 : i32
          %add3A_872 = arith.constant 4 : i32
          %add3A_873 = arith.addi %add3A_871, %add3A_872 : i32
          %sub3A_874 = arith.constant 1 : i32
          %sub3A_875 = arith.subi %add3A_873, %sub3A_874 : i32
          %dma_start3A_876 = arith.constant 1 : i32
          %dma_start3A_877 = arith.constant 1 : i32
          %dma_start3A_878 = arith.constant 1 : i32
          %dma_start3A_879 = arith.constant 0 : i32
          %dma_start3A_880 = tpu.memref_slice %arg5[%dma_start3A_877, %dma_start3A_878, %dma_start3A_879] : memref<4x2x128xi32, #tpu.memory_space<vmem>> -> memref<1x1x128xi32, #tpu.memory_space<vmem>>
          %dma_start3A_881 = tpu.memref_squeeze %dma_start3A_880 : memref<1x1x128xi32, #tpu.memory_space<vmem>> -> memref<128xi32, #tpu.memory_space<vmem>>
          %dma_start3A_882 = arith.constant 0 : i32
          %dma_start3A_883 = tpu.memref_slice %arg3[%dma_start3A_876, %sub3A_875, %dma_start3A_882] : memref<2x2560x128xi32, #tpu.memory_space<hbm>> -> memref<1x1x128xi32, #tpu.memory_space<hbm>>
          %dma_start3A_884 = tpu.memref_squeeze %dma_start3A_883 : memref<1x1x128xi32, #tpu.memory_space<hbm>> -> memref<128xi32, #tpu.memory_space<hbm>>
          %dma_start3A_885 = arith.constant 0 : i32
          %dma_start3A_886 = tpu.memref_slice %arg5[%dma_start3A_877, %dma_start3A_878, %dma_start3A_885] : memref<4x2x128xi32, #tpu.memory_space<vmem>> -> memref<1x1x128xi32, #tpu.memory_space<vmem>>
          %dma_start3A_887 = tpu.memref_squeeze %dma_start3A_886 : memref<1x1x128xi32, #tpu.memory_space<vmem>> -> memref<128xi32, #tpu.memory_space<vmem>>
          %dma_start3A_888 = arith.constant 0 : i32
          %dma_start3A_889 = tpu.memref_slice %arg3[%dma_start3A_876, %sub3A_875, %dma_start3A_888] : memref<2x2560x128xi32, #tpu.memory_space<hbm>> -> memref<1x1x128xi32, #tpu.memory_space<hbm>>
          %dma_start3A_890 = tpu.memref_squeeze %dma_start3A_889 : memref<1x1x128xi32, #tpu.memory_space<hbm>> -> memref<128xi32, #tpu.memory_space<hbm>>
          tpu.enqueue_dma source(%dma_start3A_890 : memref<128xi32, #tpu.memory_space<hbm>>) target(%dma_start3A_887 : memref<128xi32, #tpu.memory_space<vmem>>) target_semaphore(%arg9 : memref<!tpu.dma_semaphore, #tpu.memory_space<semaphore_mem>>)
        } else {
        }
        %eq3A_842 = arith.constant 2 : i32
        %eq3A_843 = arith.cmpi eq, %rem3A_831, %eq3A_842 : i32
        %convert_element_type3A_844 = arith.extui %eq3A_843 : i1 to i32
        %cond3A_845 = arith.constant 0 : i32
        %cond3A_846 = arith.cmpi ne, %convert_element_type3A_844, %cond3A_845 : i32
        scf.if %cond3A_846 {
          %add3A_852 = arith.addi %select_n3A_8, %scan3A_807 : i32
          %add3A_853 = arith.constant 4 : i32
          %add3A_854 = arith.addi %add3A_852, %add3A_853 : i32
          %sub3A_855 = arith.constant 1 : i32
          %sub3A_856 = arith.subi %add3A_854, %sub3A_855 : i32
          %dma_start3A = arith.constant 0 : i32
          %dma_start3A_857 = arith.constant 2 : i32
          %dma_start3A_858 = arith.constant 0 : i32
          %dma_start3A_859 = arith.constant 0 : i32
          %dma_start3A_860 = tpu.memref_slice %arg5[%dma_start3A_857, %dma_start3A_858, %dma_start3A_859] : memref<4x2x128xi32, #tpu.memory_space<vmem>> -> memref<1x1x128xi32, #tpu.memory_space<vmem>>
          %dma_start3A_861 = tpu.memref_squeeze %dma_start3A_860 : memref<1x1x128xi32, #tpu.memory_space<vmem>> -> memref<128xi32, #tpu.memory_space<vmem>>
          %dma_start3A_862 = arith.constant 0 : i32
          %dma_start3A_863 = tpu.memref_slice %arg3[%dma_start3A, %sub3A_856, %dma_start3A_862] : memref<2x2560x128xi32, #tpu.memory_space<hbm>> -> memref<1x1x128xi32, #tpu.memory_space<hbm>>
          %dma_start3A_864 = tpu.memref_squeeze %dma_start3A_863 : memref<1x1x128xi32, #tpu.memory_space<hbm>> -> memref<128xi32, #tpu.memory_space<hbm>>
          %dma_start3A_865 = arith.constant 0 : i32
          %dma_start3A_866 = tpu.memref_slice %arg5[%dma_start3A_857, %dma_start3A_858, %dma_start3A_865] : memref<4x2x128xi32, #tpu.memory_space<vmem>> -> memref<1x1x128xi32, #tpu.memory_space<vmem>>
          %dma_start3A_867 = tpu.memref_squeeze %dma_start3A_866 : memref<1x1x128xi32, #tpu.memory_space<vmem>> -> memref<128xi32, #tpu.memory_space<vmem>>
          %dma_start3A_868 = arith.constant 0 : i32
          %dma_start3A_869 = tpu.memref_slice %arg3[%dma_start3A, %sub3A_856, %dma_start3A_868] : memref<2x2560x128xi32, #tpu.memory_space<hbm>> -> memref<1x1x128xi32, #tpu.memory_space<hbm>>
          %dma_start3A_870 = tpu.memref_squeeze %dma_start3A_869 : memref<1x1x128xi32, #tpu.memory_space<hbm>> -> memref<128xi32, #tpu.memory_space<hbm>>
          tpu.enqueue_dma source(%dma_start3A_870 : memref<128xi32, #tpu.memory_space<hbm>>) target(%dma_start3A_867 : memref<128xi32, #tpu.memory_space<vmem>>) target_semaphore(%arg10 : memref<!tpu.dma_semaphore, #tpu.memory_space<semaphore_mem>>)
          %add3A_871 = arith.addi %select_n3A_8, %scan3A_807 : i32
          %add3A_872 = arith.constant 4 : i32
          %add3A_873 = arith.addi %add3A_871, %add3A_872 : i32
          %sub3A_874 = arith.constant 1 : i32
          %sub3A_875 = arith.subi %add3A_873, %sub3A_874 : i32
          %dma_start3A_876 = arith.constant 1 : i32
          %dma_start3A_877 = arith.constant 2 : i32
          %dma_start3A_878 = arith.constant 1 : i32
          %dma_start3A_879 = arith.constant 0 : i32
          %dma_start3A_880 = tpu.memref_slice %arg5[%dma_start3A_877, %dma_start3A_878, %dma_start3A_879] : memref<4x2x128xi32, #tpu.memory_space<vmem>> -> memref<1x1x128xi32, #tpu.memory_space<vmem>>
          %dma_start3A_881 = tpu.memref_squeeze %dma_start3A_880 : memref<1x1x128xi32, #tpu.memory_space<vmem>> -> memref<128xi32, #tpu.memory_space<vmem>>
          %dma_start3A_882 = arith.constant 0 : i32
          %dma_start3A_883 = tpu.memref_slice %arg3[%dma_start3A_876, %sub3A_875, %dma_start3A_882] : memref<2x2560x128xi32, #tpu.memory_space<hbm>> -> memref<1x1x128xi32, #tpu.memory_space<hbm>>
          %dma_start3A_884 = tpu.memref_squeeze %dma_start3A_883 : memref<1x1x128xi32, #tpu.memory_space<hbm>> -> memref<128xi32, #tpu.memory_space<hbm>>
          %dma_start3A_885 = arith.constant 0 : i32
          %dma_start3A_886 = tpu.memref_slice %arg5[%dma_start3A_877, %dma_start3A_878, %dma_start3A_885] : memref<4x2x128xi32, #tpu.memory_space<vmem>> -> memref<1x1x128xi32, #tpu.memory_space<vmem>>
          %dma_start3A_887 = tpu.memref_squeeze %dma_start3A_886 : memref<1x1x128xi32, #tpu.memory_space<vmem>> -> memref<128xi32, #tpu.memory_space<vmem>>
          %dma_start3A_888 = arith.constant 0 : i32
          %dma_start3A_889 = tpu.memref_slice %arg3[%dma_start3A_876, %sub3A_875, %dma_start3A_888] : memref<2x2560x128xi32, #tpu.memory_space<hbm>> -> memref<1x1x128xi32, #tpu.memory_space<hbm>>
          %dma_start3A_890 = tpu.memref_squeeze %dma_start3A_889 : memref<1x1x128xi32, #tpu.memory_space<hbm>> -> memref<128xi32, #tpu.memory_space<hbm>>
          tpu.enqueue_dma source(%dma_start3A_890 : memref<128xi32, #tpu.memory_space<hbm>>) target(%dma_start3A_887 : memref<128xi32, #tpu.memory_space<vmem>>) target_semaphore(%arg10 : memref<!tpu.dma_semaphore, #tpu.memory_space<semaphore_mem>>)
        } else {
        }
        %eq3A_847 = arith.constant 3 : i32
        %eq3A_848 = arith.cmpi eq, %rem3A_831, %eq3A_847 : i32
        %convert_element_type3A_849 = arith.extui %eq3A_848 : i1 to i32
        %cond3A_850 = arith.constant 0 : i32
        %cond3A_851 = arith.cmpi ne, %convert_element_type3A_849, %cond3A_850 : i32
        scf.if %cond3A_851 {
          %add3A_852 = arith.addi %select_n3A_8, %scan3A_807 : i32
          %add3A_853 = arith.constant 4 : i32
          %add3A_854 = arith.addi %add3A_852, %add3A_853 : i32
          %sub3A_855 = arith.constant 1 : i32
          %sub3A_856 = arith.subi %add3A_854, %sub3A_855 : i32
          %dma_start3A = arith.constant 0 : i32
          %dma_start3A_857 = arith.constant 3 : i32
          %dma_start3A_858 = arith.constant 0 : i32
          %dma_start3A_859 = arith.constant 0 : i32
          %dma_start3A_860 = tpu.memref_slice %arg5[%dma_start3A_857, %dma_start3A_858, %dma_start3A_859] : memref<4x2x128xi32, #tpu.memory_space<vmem>> -> memref<1x1x128xi32, #tpu.memory_space<vmem>>
          %dma_start3A_861 = tpu.memref_squeeze %dma_start3A_860 : memref<1x1x128xi32, #tpu.memory_space<vmem>> -> memref<128xi32, #tpu.memory_space<vmem>>
          %dma_start3A_862 = arith.constant 0 : i32
          %dma_start3A_863 = tpu.memref_slice %arg3[%dma_start3A, %sub3A_856, %dma_start3A_862] : memref<2x2560x128xi32, #tpu.memory_space<hbm>> -> memref<1x1x128xi32, #tpu.memory_space<hbm>>
          %dma_start3A_864 = tpu.memref_squeeze %dma_start3A_863 : memref<1x1x128xi32, #tpu.memory_space<hbm>> -> memref<128xi32, #tpu.memory_space<hbm>>
          %dma_start3A_865 = arith.constant 0 : i32
          %dma_start3A_866 = tpu.memref_slice %arg5[%dma_start3A_857, %dma_start3A_858, %dma_start3A_865] : memref<4x2x128xi32, #tpu.memory_space<vmem>> -> memref<1x1x128xi32, #tpu.memory_space<vmem>>
          %dma_start3A_867 = tpu.memref_squeeze %dma_start3A_866 : memref<1x1x128xi32, #tpu.memory_space<vmem>> -> memref<128xi32, #tpu.memory_space<vmem>>
          %dma_start3A_868 = arith.constant 0 : i32
          %dma_start3A_869 = tpu.memref_slice %arg3[%dma_start3A, %sub3A_856, %dma_start3A_868] : memref<2x2560x128xi32, #tpu.memory_space<hbm>> -> memref<1x1x128xi32, #tpu.memory_space<hbm>>
          %dma_start3A_870 = tpu.memref_squeeze %dma_start3A_869 : memref<1x1x128xi32, #tpu.memory_space<hbm>> -> memref<128xi32, #tpu.memory_space<hbm>>
          tpu.enqueue_dma source(%dma_start3A_870 : memref<128xi32, #tpu.memory_space<hbm>>) target(%dma_start3A_867 : memref<128xi32, #tpu.memory_space<vmem>>) target_semaphore(%arg11 : memref<!tpu.dma_semaphore, #tpu.memory_space<semaphore_mem>>)
          %add3A_871 = arith.addi %select_n3A_8, %scan3A_807 : i32
          %add3A_872 = arith.constant 4 : i32
          %add3A_873 = arith.addi %add3A_871, %add3A_872 : i32
          %sub3A_874 = arith.constant 1 : i32
          %sub3A_875 = arith.subi %add3A_873, %sub3A_874 : i32
          %dma_start3A_876 = arith.constant 1 : i32
          %dma_start3A_877 = arith.constant 3 : i32
          %dma_start3A_878 = arith.constant 1 : i32
          %dma_start3A_879 = arith.constant 0 : i32
          %dma_start3A_880 = tpu.memref_slice %arg5[%dma_start3A_877, %dma_start3A_878, %dma_start3A_879] : memref<4x2x128xi32, #tpu.memory_space<vmem>> -> memref<1x1x128xi32, #tpu.memory_space<vmem>>
          %dma_start3A_881 = tpu.memref_squeeze %dma_start3A_880 : memref<1x1x128xi32, #tpu.memory_space<vmem>> -> memref<128xi32, #tpu.memory_space<vmem>>
          %dma_start3A_882 = arith.constant 0 : i32
          %dma_start3A_883 = tpu.memref_slice %arg3[%dma_start3A_876, %sub3A_875, %dma_start3A_882] : memref<2x2560x128xi32, #tpu.memory_space<hbm>> -> memref<1x1x128xi32, #tpu.memory_space<hbm>>
          %dma_start3A_884 = tpu.memref_squeeze %dma_start3A_883 : memref<1x1x128xi32, #tpu.memory_space<hbm>> -> memref<128xi32, #tpu.memory_space<hbm>>
          %dma_start3A_885 = arith.constant 0 : i32
          %dma_start3A_886 = tpu.memref_slice %arg5[%dma_start3A_877, %dma_start3A_878, %dma_start3A_885] : memref<4x2x128xi32, #tpu.memory_space<vmem>> -> memref<1x1x128xi32, #tpu.memory_space<vmem>>
          %dma_start3A_887 = tpu.memref_squeeze %dma_start3A_886 : memref<1x1x128xi32, #tpu.memory_space<vmem>> -> memref<128xi32, #tpu.memory_space<vmem>>
          %dma_start3A_888 = arith.constant 0 : i32
          %dma_start3A_889 = tpu.memref_slice %arg3[%dma_start3A_876, %sub3A_875, %dma_start3A_888] : memref<2x2560x128xi32, #tpu.memory_space<hbm>> -> memref<1x1x128xi32, #tpu.memory_space<hbm>>
          %dma_start3A_890 = tpu.memref_squeeze %dma_start3A_889 : memref<1x1x128xi32, #tpu.memory_space<hbm>> -> memref<128xi32, #tpu.memory_space<hbm>>
          tpu.enqueue_dma source(%dma_start3A_890 : memref<128xi32, #tpu.memory_space<hbm>>) target(%dma_start3A_887 : memref<128xi32, #tpu.memory_space<vmem>>) target_semaphore(%arg11 : memref<!tpu.dma_semaphore, #tpu.memory_space<semaphore_mem>>)
        } else {
        }
      } else {
      }
      %scan3A_826 = arith.constant 0 : i32
      scf.yield %scan3A_826 : i32
    }
    %scan3A_801 = arith.constant 157 : i32
    %barrier3A_802 = arith.constant 0 : index
    tpu.barrier barrier_id(%barrier3A_802)
    %mul3A_803 = arith.constant 640 : i32
    %mul3A_804 = arith.muli %arg1, %mul3A_803 : i32
    %mul3A_805 = arith.constant 640 : i32
    %mul3A_806 = arith.muli %arg1, %mul3A_805 : i32
    "tpu.region"() ({
      %run_scoped3A = tpu.sem_alloc : memref<!tpu.dma_semaphore, #tpu.memory_space<semaphore_mem>>
      %dma_start3A = arith.constant 0 : i32
      %dma_start3A_807 = tpu.memref_slice %arg4[%arg0, %mul3A_806, %dma_start3A] : memref<2x10240x128xf32, #tpu.memory_space<hbm>> -> memref<1x640x128xf32, #tpu.memory_space<hbm>>
      %dma_start3A_808 = tpu.memref_squeeze %dma_start3A_807 : memref<1x640x128xf32, #tpu.memory_space<hbm>> -> memref<640x128xf32, #tpu.memory_space<hbm>>
      %dma_start3A_809 = arith.constant 0 : i32
      %dma_start3A_810 = tpu.memref_slice %arg14[%mul3A_804, %dma_start3A_809] : memref<10240x128xf32, #tpu.memory_space<vmem_shared>> -> memref<640x128xf32, #tpu.memory_space<vmem_shared>>
      tpu.enqueue_dma source(%dma_start3A_810 : memref<640x128xf32, #tpu.memory_space<vmem_shared>>) target(%dma_start3A_808 : memref<640x128xf32, #tpu.memory_space<hbm>>) target_semaphore(%run_scoped3A : memref<!tpu.dma_semaphore, #tpu.memory_space<semaphore_mem>>)
      %dma_wait3A = arith.constant 0 : i32
      %dma_wait3A_811 = tpu.memref_slice %arg4[%arg0, %mul3A_806, %dma_wait3A] : memref<2x10240x128xf32, #tpu.memory_space<hbm>> -> memref<1x640x128xf32, #tpu.memory_space<hbm>>
      %dma_wait3A_812 = tpu.memref_squeeze %dma_wait3A_811 : memref<1x640x128xf32, #tpu.memory_space<hbm>> -> memref<640x128xf32, #tpu.memory_space<hbm>>
      %dma_wait3A_813 = arith.constant 0 : i32
      %dma_wait3A_814 = tpu.memref_slice %arg14[%mul3A_804, %dma_wait3A_813] : memref<10240x128xf32, #tpu.memory_space<vmem_shared>> -> memref<640x128xf32, #tpu.memory_space<vmem_shared>>
      tpu.wait_dma2 semaphore(%run_scoped3A : memref<!tpu.dma_semaphore, #tpu.memory_space<semaphore_mem>>) src(%dma_wait3A_814 : memref<640x128xf32, #tpu.memory_space<vmem_shared>>) dst(%dma_wait3A_812 : memref<640x128xf32, #tpu.memory_space<hbm>>)
      tpu.yield
    }) : () -> ()
    return
  }
}

module attributes {stable_mosaic.version = 14 : i64} {
  func.func @body(%arg0: i32, %arg1: memref<2x1024x128xf32, #tpu.memory_space<vmem>>, %arg2: memref<1024x128xf32, #tpu.memory_space<vmem>>, %arg3: memref<2x1024xf32, #tpu.memory_space<vmem>>, %arg4: memref<1x128xf32, #tpu.memory_space<vmem>>, %arg5: memref<128x128xf32, #tpu.memory_space<vmem>>, %arg6: memref<1024x128xf32, #tpu.memory_space<vmem>>) attributes {dimension_semantics = [#tpu.dimension_semantics<arbitrary>], iteration_bounds = array<i64: 10>, scalar_prefetch = 0 : i64, scratch_operands = 0 : i64, tpu.core_type = #tpu.core_type<tc>, window_params = [{transform_indices = @transform_0, window_bounds = array<i64: 2, 1024, 128>}, {transform_indices = @transform_1, window_bounds = array<i64: 1024, 128>}, {transform_indices = @transform_2, window_bounds = array<i64: 2, 1024>}, {pipeline_mode = #tpu.pipeline_mode<synchronous>, transform_indices = @transform_3, window_bounds = array<i64: 1, 128>}, {pipeline_mode = #tpu.pipeline_mode<synchronous>, transform_indices = @transform_4, window_bounds = array<i64: 128, 128>}, {transform_indices = @transform_5, window_bounds = array<i64: 1024, 128>}]} {
    %get3A = arith.constant 0 : index
    %get3A_0 = arith.constant 0 : index
    %get3A_1 = vector.load %arg3[%get3A, %get3A_0] : memref<2x1024xf32, #tpu.memory_space<vmem>>, vector<2x1024xf32>
    %reduce_sum3A = arith.constant dense<0.000000e+00> : vector<1024xf32>
    %reduce_sum3A_2 = vector.multi_reduction <add>, %get3A_1, %reduce_sum3A [0] : vector<2x1024xf32> to vector<1024xf32>
    %add3A = arith.constant 1.000000e+00 : f32
    %add3A_3 = vector.broadcast %add3A : f32 to vector<1024xf32>
    %add3A_4 = arith.addf %reduce_sum3A_2, %add3A_3 : vector<1024xf32>
    %rsqrt3A = math.rsqrt %add3A_4 : vector<1024xf32>
    %broadcast_in_dim3A = vector.shape_cast %rsqrt3A : vector<1024xf32> to vector<1024x1xf32>
    %get3A_5 = arith.constant 0 : index
    %get3A_6 = arith.constant 0 : index
    %get3A_7 = arith.constant 0 : index
    %get3A_8 = vector.load %arg1[%get3A_5, %get3A_6, %get3A_7] : memref<2x1024x128xf32, #tpu.memory_space<vmem>>, vector<1x1024x128xf32>
    %get3A_9 = vector.shape_cast %get3A_8 : vector<1x1024x128xf32> to vector<1024x128xf32>
    %get3A_10 = arith.constant 1 : index
    %get3A_11 = arith.constant 0 : index
    %get3A_12 = arith.constant 0 : index
    %get3A_13 = vector.load %arg1[%get3A_10, %get3A_11, %get3A_12] : memref<2x1024x128xf32, #tpu.memory_space<vmem>>, vector<1x1024x128xf32>
    %get3A_14 = vector.shape_cast %get3A_13 : vector<1x1024x128xf32> to vector<1024x128xf32>
    %add3A_15 = arith.addf %get3A_9, %get3A_14 : vector<1024x128xf32>
    %get3A_16 = arith.constant 0 : index
    %get3A_17 = arith.constant 0 : index
    %get3A_18 = vector.load %arg2[%get3A_16, %get3A_17] : memref<1024x128xf32, #tpu.memory_space<vmem>>, vector<1024x128xf32>
    %add3A_19 = arith.addf %add3A_15, %get3A_18 : vector<1024x128xf32>
    %mul3A = vector.broadcast %broadcast_in_dim3A : vector<1024x1xf32> to vector<1024x128xf32>
    %mul3A_20 = arith.mulf %mul3A, %add3A_19 : vector<1024x128xf32>
    %get3A_21 = arith.constant 0 : index
    %get3A_22 = arith.constant 0 : index
    %get3A_23 = vector.load %arg4[%get3A_21, %get3A_22] : memref<1x128xf32, #tpu.memory_space<vmem>>, vector<1x128xf32>
    %add3A_24 = vector.broadcast %get3A_23 : vector<1x128xf32> to vector<1024x128xf32>
    %add3A_25 = arith.addf %mul3A_20, %add3A_24 : vector<1024x128xf32>
    %max3A = arith.constant 0.000000e+00 : f32
    %max3A_26 = vector.broadcast %max3A : f32 to vector<1024x128xf32>
    %max3A_27 = arith.maximumf %add3A_25, %max3A_26 : vector<1024x128xf32>
    %get3A_28 = arith.constant 0 : index
    %get3A_29 = arith.constant 0 : index
    %get3A_30 = vector.load %arg5[%get3A_28, %get3A_29] : memref<128x128xf32, #tpu.memory_space<vmem>>, vector<128x128xf32>
    %dot_general3A = arith.constant dense<0.000000e+00> : vector<1024x128xf32>
    %dot_general3A_31 = tpu.matmul %max3A_27, %get3A_30, %dot_general3A {dimension_numbers = #tpu.dot_dimension_numbers<[1], [0], [0], [1], [0, 0, 1, 1], [], []>, transpose_lhs_hint = false} : vector<1024x128xf32>, vector<128x128xf32>, vector<1024x128xf32> -> vector<1024x128xf32>
    %mul3A_32 = vector.broadcast %broadcast_in_dim3A : vector<1024x1xf32> to vector<1024x128xf32>
    %mul3A_33 = arith.mulf %mul3A_32, %dot_general3A_31 : vector<1024x128xf32>
    %swap3A = arith.constant 0 : index
    %swap3A_34 = arith.constant 0 : index
    %swap3A_35 = vector.load %arg6[%swap3A, %swap3A_34] : memref<1024x128xf32, #tpu.memory_space<vmem>>, vector<1024x128xf32>
    tpu.vector_store %arg6[%swap3A, %swap3A_34], %mul3A_33 {strides = array<i32>} : memref<1024x128xf32, #tpu.memory_space<vmem>>, vector<1024x128xf32>,
    return
  }
  func.func @transform_0(%arg0: i32) -> (i32, i32, i32) {
    %c0_i32 = arith.constant 0 : i32
    %c0_i32_0 = arith.constant 0 : i32
    %c0_i32_1 = arith.constant 0 : i32
    return %c0_i32, %arg0, %c0_i32_0 : i32, i32, i32
  }
  func.func @transform_1(%arg0: i32) -> (i32, i32) {
    %c0_i32 = arith.constant 0 : i32
    %c0_i32_0 = arith.constant 0 : i32
    return %arg0, %c0_i32 : i32, i32
  }
  func.func @transform_2(%arg0: i32) -> (i32, i32) {
    %c0_i32 = arith.constant 0 : i32
    %c0_i32_0 = arith.constant 0 : i32
    return %c0_i32, %arg0 : i32, i32
  }
  func.func @transform_3(%arg0: i32) -> (i32, i32) {
    %c0_i32 = arith.constant 0 : i32
    %c0_i32_0 = arith.constant 0 : i32
    %c0_i32_1 = arith.constant 0 : i32
    return %c0_i32, %c0_i32_0 : i32, i32
  }
  func.func @transform_4(%arg0: i32) -> (i32, i32) {
    %c0_i32 = arith.constant 0 : i32
    %c0_i32_0 = arith.constant 0 : i32
    %c0_i32_1 = arith.constant 0 : i32
    return %c0_i32, %c0_i32_0 : i32, i32
  }
  func.func @transform_5(%arg0: i32) -> (i32, i32) {
    %c0_i32 = arith.constant 0 : i32
    %c0_i32_0 = arith.constant 0 : i32
    return %arg0, %c0_i32 : i32, i32
  }
}

module attributes {stable_mosaic.version = 14 : i64} {
  func.func @body(%arg0: i32, %arg1: memref<1024x128xf32, #tpu.memory_space<vmem>>, %arg2: memref<128x128xf32, #tpu.memory_space<vmem>>, %arg3: memref<2x1024xf32, #tpu.memory_space<vmem>>, %arg4: memref<1024x128xf32, #tpu.memory_space<vmem>>) attributes {dimension_semantics = [#tpu.dimension_semantics<arbitrary>], iteration_bounds = array<i64: 10>, scalar_prefetch = 0 : i64, scratch_operands = 0 : i64, tpu.core_type = #tpu.core_type<tc>, window_params = [{transform_indices = @transform_0, window_bounds = array<i64: 1024, 128>}, {pipeline_mode = #tpu.pipeline_mode<synchronous>, transform_indices = @transform_1, window_bounds = array<i64: 128, 128>}, {transform_indices = @transform_2, window_bounds = array<i64: 2, 1024>}, {transform_indices = @transform_3, window_bounds = array<i64: 1024, 128>}]} {
    %get3A = arith.constant 0 : index
    %get3A_0 = arith.constant 0 : index
    %get3A_1 = vector.load %arg3[%get3A, %get3A_0] : memref<2x1024xf32, #tpu.memory_space<vmem>>, vector<2x1024xf32>
    %reduce_sum3A = arith.constant dense<0.000000e+00> : vector<1024xf32>
    %reduce_sum3A_2 = vector.multi_reduction <add>, %get3A_1, %reduce_sum3A [0] : vector<2x1024xf32> to vector<1024xf32>
    %add3A = arith.constant 1.000000e+00 : f32
    %add3A_3 = vector.broadcast %add3A : f32 to vector<1024xf32>
    %add3A_4 = arith.addf %reduce_sum3A_2, %add3A_3 : vector<1024xf32>
    %rsqrt3A = math.rsqrt %add3A_4 : vector<1024xf32>
    %broadcast_in_dim3A = vector.shape_cast %rsqrt3A : vector<1024xf32> to vector<1024x1xf32>
    %get3A_5 = arith.constant 0 : index
    %get3A_6 = arith.constant 0 : index
    %get3A_7 = vector.load %arg1[%get3A_5, %get3A_6] : memref<1024x128xf32, #tpu.memory_space<vmem>>, vector<1024x128xf32>
    %get3A_8 = arith.constant 0 : index
    %get3A_9 = arith.constant 0 : index
    %get3A_10 = vector.load %arg2[%get3A_8, %get3A_9] : memref<128x128xf32, #tpu.memory_space<vmem>>, vector<128x128xf32>
    %dot_general3A = arith.constant dense<0.000000e+00> : vector<1024x128xf32>
    %dot_general3A_11 = tpu.matmul %get3A_7, %get3A_10, %dot_general3A {dimension_numbers = #tpu.dot_dimension_numbers<[1], [0], [0], [1], [0, 0, 1, 1], [], []>, transpose_lhs_hint = false} : vector<1024x128xf32>, vector<128x128xf32>, vector<1024x128xf32> -> vector<1024x128xf32>
    %mul3A = vector.broadcast %broadcast_in_dim3A : vector<1024x1xf32> to vector<1024x128xf32>
    %mul3A_12 = arith.mulf %mul3A, %dot_general3A_11 : vector<1024x128xf32>
    %swap3A = arith.constant 0 : index
    %swap3A_13 = arith.constant 0 : index
    %swap3A_14 = vector.load %arg4[%swap3A, %swap3A_13] : memref<1024x128xf32, #tpu.memory_space<vmem>>, vector<1024x128xf32>
    tpu.vector_store %arg4[%swap3A, %swap3A_13], %mul3A_12 {strides = array<i32>} : memref<1024x128xf32, #tpu.memory_space<vmem>>, vector<1024x128xf32>,
    return
  }
  func.func @transform_0(%arg0: i32) -> (i32, i32) {
    %c0_i32 = arith.constant 0 : i32
    %c0_i32_0 = arith.constant 0 : i32
    return %arg0, %c0_i32 : i32, i32
  }
  func.func @transform_1(%arg0: i32) -> (i32, i32) {
    %c0_i32 = arith.constant 0 : i32
    %c0_i32_0 = arith.constant 0 : i32
    %c0_i32_1 = arith.constant 0 : i32
    return %c0_i32, %c0_i32_0 : i32, i32
  }
  func.func @transform_2(%arg0: i32) -> (i32, i32) {
    %c0_i32 = arith.constant 0 : i32
    %c0_i32_0 = arith.constant 0 : i32
    return %c0_i32, %arg0 : i32, i32
  }
  func.func @transform_3(%arg0: i32) -> (i32, i32) {
    %c0_i32 = arith.constant 0 : i32
    %c0_i32_0 = arith.constant 0 : i32
    return %arg0, %c0_i32 : i32, i32
  }
}

module attributes {stable_mosaic.version = 14 : i64} {
  func.func @body(%arg0: i32, %arg1: memref<2x1024x128xf32, #tpu.memory_space<vmem>>, %arg2: memref<1024x128xf32, #tpu.memory_space<vmem>>, %arg3: memref<2x1024xf32, #tpu.memory_space<vmem>>, %arg4: memref<1x128xf32, #tpu.memory_space<vmem>>, %arg5: memref<1024x128xf32, #tpu.memory_space<vmem>>, %arg6: memref<1024x128xf32, #tpu.memory_space<vmem>>) attributes {dimension_semantics = [#tpu.dimension_semantics<arbitrary>], iteration_bounds = array<i64: 10>, scalar_prefetch = 0 : i64, scratch_operands = 0 : i64, tpu.core_type = #tpu.core_type<tc>, window_params = [{transform_indices = @transform_0, window_bounds = array<i64: 2, 1024, 128>}, {transform_indices = @transform_1, window_bounds = array<i64: 1024, 128>}, {transform_indices = @transform_2, window_bounds = array<i64: 2, 1024>}, {pipeline_mode = #tpu.pipeline_mode<synchronous>, transform_indices = @transform_3, window_bounds = array<i64: 1, 128>}, {transform_indices = @transform_4, window_bounds = array<i64: 1024, 128>}, {transform_indices = @transform_5, window_bounds = array<i64: 1024, 128>}]} {
    %get3A = arith.constant 0 : index
    %get3A_0 = arith.constant 0 : index
    %get3A_1 = vector.load %arg3[%get3A, %get3A_0] : memref<2x1024xf32, #tpu.memory_space<vmem>>, vector<2x1024xf32>
    %reduce_sum3A = arith.constant dense<0.000000e+00> : vector<1024xf32>
    %reduce_sum3A_2 = vector.multi_reduction <add>, %get3A_1, %reduce_sum3A [0] : vector<2x1024xf32> to vector<1024xf32>
    %add3A = arith.constant 1.000000e+00 : f32
    %add3A_3 = vector.broadcast %add3A : f32 to vector<1024xf32>
    %add3A_4 = arith.addf %reduce_sum3A_2, %add3A_3 : vector<1024xf32>
    %rsqrt3A = math.rsqrt %add3A_4 : vector<1024xf32>
    %broadcast_in_dim3A = vector.shape_cast %rsqrt3A : vector<1024xf32> to vector<1024x1xf32>
    %get3A_5 = arith.constant 0 : index
    %get3A_6 = arith.constant 0 : index
    %get3A_7 = arith.constant 0 : index
    %get3A_8 = vector.load %arg1[%get3A_5, %get3A_6, %get3A_7] : memref<2x1024x128xf32, #tpu.memory_space<vmem>>, vector<1x1024x128xf32>
    %get3A_9 = vector.shape_cast %get3A_8 : vector<1x1024x128xf32> to vector<1024x128xf32>
    %get3A_10 = arith.constant 1 : index
    %get3A_11 = arith.constant 0 : index
    %get3A_12 = arith.constant 0 : index
    %get3A_13 = vector.load %arg1[%get3A_10, %get3A_11, %get3A_12] : memref<2x1024x128xf32, #tpu.memory_space<vmem>>, vector<1x1024x128xf32>
    %get3A_14 = vector.shape_cast %get3A_13 : vector<1x1024x128xf32> to vector<1024x128xf32>
    %add3A_15 = arith.addf %get3A_9, %get3A_14 : vector<1024x128xf32>
    %get3A_16 = arith.constant 0 : index
    %get3A_17 = arith.constant 0 : index
    %get3A_18 = vector.load %arg2[%get3A_16, %get3A_17] : memref<1024x128xf32, #tpu.memory_space<vmem>>, vector<1024x128xf32>
    %add3A_19 = arith.addf %add3A_15, %get3A_18 : vector<1024x128xf32>
    %mul3A = vector.broadcast %broadcast_in_dim3A : vector<1024x1xf32> to vector<1024x128xf32>
    %mul3A_20 = arith.mulf %mul3A, %add3A_19 : vector<1024x128xf32>
    %get3A_21 = arith.constant 0 : index
    %get3A_22 = arith.constant 0 : index
    %get3A_23 = vector.load %arg4[%get3A_21, %get3A_22] : memref<1x128xf32, #tpu.memory_space<vmem>>, vector<1x128xf32>
    %add3A_24 = vector.broadcast %get3A_23 : vector<1x128xf32> to vector<1024x128xf32>
    %add3A_25 = arith.addf %mul3A_20, %add3A_24 : vector<1024x128xf32>
    %get3A_26 = arith.constant 0 : index
    %get3A_27 = arith.constant 0 : index
    %get3A_28 = vector.load %arg5[%get3A_26, %get3A_27] : memref<1024x128xf32, #tpu.memory_space<vmem>>, vector<1024x128xf32>
    %add3A_29 = arith.addf %add3A_25, %get3A_28 : vector<1024x128xf32>
    %max3A = arith.constant 0.000000e+00 : f32
    %max3A_30 = vector.broadcast %max3A : f32 to vector<1024x128xf32>
    %max3A_31 = arith.maximumf %add3A_29, %max3A_30 : vector<1024x128xf32>
    %swap3A = arith.constant 0 : index
    %swap3A_32 = arith.constant 0 : index
    %swap3A_33 = vector.load %arg6[%swap3A, %swap3A_32] : memref<1024x128xf32, #tpu.memory_space<vmem>>, vector<1024x128xf32>
    tpu.vector_store %arg6[%swap3A, %swap3A_32], %max3A_31 {strides = array<i32>} : memref<1024x128xf32, #tpu.memory_space<vmem>>, vector<1024x128xf32>,
    return
  }
  func.func @transform_0(%arg0: i32) -> (i32, i32, i32) {
    %c0_i32 = arith.constant 0 : i32
    %c0_i32_0 = arith.constant 0 : i32
    %c0_i32_1 = arith.constant 0 : i32
    return %c0_i32, %arg0, %c0_i32_0 : i32, i32, i32
  }
  func.func @transform_1(%arg0: i32) -> (i32, i32) {
    %c0_i32 = arith.constant 0 : i32
    %c0_i32_0 = arith.constant 0 : i32
    return %arg0, %c0_i32 : i32, i32
  }
  func.func @transform_2(%arg0: i32) -> (i32, i32) {
    %c0_i32 = arith.constant 0 : i32
    %c0_i32_0 = arith.constant 0 : i32
    return %c0_i32, %arg0 : i32, i32
  }
  func.func @transform_3(%arg0: i32) -> (i32, i32) {
    %c0_i32 = arith.constant 0 : i32
    %c0_i32_0 = arith.constant 0 : i32
    %c0_i32_1 = arith.constant 0 : i32
    return %c0_i32, %c0_i32_0 : i32, i32
  }
  func.func @transform_4(%arg0: i32) -> (i32, i32) {
    %c0_i32 = arith.constant 0 : i32
    %c0_i32_0 = arith.constant 0 : i32
    return %arg0, %c0_i32 : i32, i32
  }
  func.func @transform_5(%arg0: i32) -> (i32, i32) {
    %c0_i32 = arith.constant 0 : i32
    %c0_i32_0 = arith.constant 0 : i32
    return %arg0, %c0_i32 : i32, i32
  }
}

</mosaic_0001>

<sc_bundles>
// kernel: kernel.11.cloned.1.call-start
scs
__scs_entry_jumppad:
0x0: {  	(pc) =	sbr.rel $0x88, $3  }
0x1: {  	(tag) =	ssettag $0x0;
	lr =	simm.s32 $0x1  }
0x2: {  	[smem:$0x3F9B] =	sst lr;
	_ =	strace $0xD0000000  }
0x3: {  	_ = 	snop  }
0x4: {  	_ = 	snop  }
0x5: {  	_ = 	snop  }
0x6: {  	_ = 	snop  }
0x7: {  	_ = 	snop  }
__scs_overlays_trampoline_lowered:
0x8: {  	[smem:$0x3FAA] =	sst s0  }
0x9: {  	[smem:$0x3FAB] =	sst s1  }
0xa: {  	[smem:$0x3FAC] =	sst s2  }
0xb: {  	[smem:$0x3FAD] =	sst s3  }
0xc: {  	[smem:$0x3FAE] =	sst s4  }
0xd: {  	[smem:$0x3FAF] =	sst s5  }
0xe: {  	[smem:$0x3FB0] =	sst s6  }
0xf: {  	[smem:$0x3FB1] =	sst s7  }
0x10: {  	[smem:$0x3FB2] =	sst s8  }
0x11: {  	[smem:$0x3FB3] =	sst s9;
	s0 =	simm.s32 @!p0 $0x0  }
0x12: {  	s1 =	sld [smem:$0x3F99];
	s0 =	simm.s32 @p0 $0x1  }
0x13: {  	[smem:$0x3FB4] =	sst s0;
	s0 =	simm.s32 @!p1 $0x0  }
0x14: {  	s2 =	sld [smem:$0x3F98];
	s0 =	simm.s32 @p1 $0x1  }
0x15: {  	[smem:$0x3FB5] =	sst s0;
	s0 =	simm.s32 @!p2 $0x0  }
0x16: {  	s3 =	sld [smem:$0x3FDB];
	s0 =	simm.s32 @p2 $0x1  }
0x17: {  	s4 =	simm.s32 $0x1BF5;
	[smem:$0x3FB7] =	sst s0  }
0x18: {  	s0 =	sld [smem:$0x3F9A];
	_ =	swait.ge [sflag:s4], $0x0  }
0x19: {  	s7 =	sld [smem:$0x3F9B]  }
0x1a: {  	s8 =	sadd.s32 $0xFFFFE003, lr  }
0x1b: {  	s9 =	sadd.s32 $0xFFFFFEF7, lr;
	s5 =	simm.s32 $0xFFFFFFFF;
	p2 =	slt.u32 s8, $0xFFFFF086  }
0x1c: {  	p1 =	slt.u32 s9, $0xF7A;
	s5 =	simm.s32 @!p2 $0x0  }
0x1d: {  	s5 =	simm.s32 @p1 $0x1;
	p0 =	seq.s32 s7, s2  }
0x1e: {  	s7 =	smul.u32 @!p0 $0xF7A, s2;
	p2 =	seq.s32 @!p0 s5, $0x0  }
0x1f: {  	s9 =	smul.u32 $0xF7A, s1;
	s8 =	simm.s32 @!p0 $0x1BF5;
	p2 =	por !p2, p0  }
0x20: {  	[sflag:s8] =	ssyncset.s32 @!p0 $0xFFFFF086;
	s6 =	sadd.s32 @!p0 s3, s7;
	s7 =	simm.s32 @!p0 $0x108  }
0x21: {  	s3 =	sadd.s32 s3, s9;
	s6 =	sadd.s32 @!p0 $0x88, s6;
	s7 =	simm.s32 @p2 $0x1082  }
0x22: {  	[simem:s7], [sflag:s8] =	dma.local @!p0 [hbm:s6], $0xF7A  }
0x23: {  	s9 =	sor.u32 $0xD0000000, s2;
	s6 =	simm.s32 $0x108;
	_ =	swait.ge @!p0 [sflag:s8], $0x0  }
0x24: {  	s3 =	sadd.s32 $0x88, s3;
	s6 =	simm.s32 @!p1 $0x1082;
	[sflag:s4] =	ssyncset.s32 $0xFFFFF086  }
0x25: {  	[simem:s6], [sflag:s4] =	dma.local [hbm:s3], $0xF7A  }
0x26: {  	[smem:$0x3F9B] =	sst s1;
	(tag) =	ssettag s2;
	_ =	strace s9  }
0x27: {  	s1 =	sld [smem:$0x3FAB]  }
0x28: {  	s2 =	sld [smem:$0x3FAC]  }
0x29: {  	s4 =	sld [smem:$0x3FAE]  }
0x2a: {  	p0 =	seq.s32 s5, $0x0;
	s5 =	sld [smem:$0x3FAF]  }
0x2b: {  	s6 =	sld [smem:$0x3FB0]  }
0x2c: {  	s7 =	sld [smem:$0x3FB1]  }
0x2d: {  	s3 =	simm.s32 $0x108;
	s8 =	sld [smem:$0x3FB2]  }
0x2e: {  	s3 =	simm.s32 @!p0 $0x1082;
	s9 =	sld [smem:$0x3FB3]  }
0x2f: {  	lr =	sadd.s32 s0, s3;
	s0 =	sld [smem:$0x3FAA]  }
0x30: {  	s3 =	sld [smem:$0x3FAD]  }
0x31: {  	[smem:$0x3FB6] =	sst s10  }
0x32: {  	s10 =	sld [smem:$0x3FB4];
	_ =	sdelay $0x3  }
0x33: {  	p0 =	seq.s32 s10, $0x1;
	s10 =	sld [smem:$0x3FB6];
	_ =	sdelay $0x3  }
0x34: {  	[smem:$0x3FB6] =	sst s10  }
0x35: {  	s10 =	sld [smem:$0x3FB5];
	_ =	sdelay $0x3  }
0x36: {  	p1 =	seq.s32 s10, $0x1;
	s10 =	sld [smem:$0x3FB6];
	_ =	sdelay $0x3  }
0x37: {  	[smem:$0x3FB6] =	sst s10  }
0x38: {  	s10 =	sld [smem:$0x3FB7]  }
0x39: {  	_ = 	snop;
	(pc) =	sbr.ind lr, $3  }
0x3a: {  	_ = 	snop  }
0x3b: {  	_ = 	snop  }
0x3c: {  	p2 =	seq.s32 s10, $0x1;
	s10 =	sld [smem:$0x3FB6]  }
0x3d: {  	_ =	shalt  }
0x3e: {  	_ =	shalt  }
0x3f: {  	_ =	shalt  }
0x40: {  	_ =	shalt  }
0x41: {  	_ =	shalt  }
0x42: {  	_ =	shalt  }
0x43: {  	_ =	shalt  }
0x44: {  	_ =	shalt  }
0x45: {  	_ =	shalt  }
0x46: {  	_ =	shalt  }
0x47: {  	_ =	shalt  }
0x48: {  	_ =	shalt  }
0x49: {  	_ =	shalt  }
0x4a: {  	_ =	shalt  }
0x4b: {  	_ =	shalt  }
0x4c: {  	_ =	shalt  }
0x4d: {  	_ =	shalt  }
0x4e: {  	_ =	shalt  }
0x4f: {  	_ =	shalt  }
0x50: {  	_ =	shalt  }
0x51: {  	_ =	shalt  }
0x52: {  	_ =	shalt  }
0x53: {  	_ =	shalt  }
0x54: {  	_ =	shalt  }
0x55: {  	_ =	shalt  }
0x56: {  	_ =	shalt  }
0x57: {  	_ =	shalt  }
0x58: {  	_ =	shalt  }
0x59: {  	_ =	shalt  }
0x5a: {  	_ =	shalt  }
0x5b: {  	_ =	shalt  }
0x5c: {  	_ =	shalt  }
0x5d: {  	_ =	shalt  }
0x5e: {  	_ =	shalt  }
0x5f: {  	_ =	shalt  }
0x60: {  	_ =	shalt  }
0x61: {  	_ =	shalt  }
0x62: {  	_ =	shalt  }
0x63: {  	_ =	shalt  }
0x64: {  	_ =	shalt  }
0x65: {  	_ =	shalt  }
0x66: {  	_ =	shalt  }
0x67: {  	_ =	shalt  }
0x68: {  	_ =	shalt  }
0x69: {  	_ =	shalt  }
0x6a: {  	_ =	shalt  }
0x6b: {  	_ =	shalt  }
0x6c: {  	_ =	shalt  }
0x6d: {  	_ =	shalt  }
0x6e: {  	_ =	shalt  }
0x6f: {  	_ =	shalt  }
0x70: {  	_ =	shalt  }
0x71: {  	_ =	shalt  }
0x72: {  	_ =	shalt  }
0x73: {  	_ =	shalt  }
0x74: {  	_ =	shalt  }
0x75: {  	_ =	shalt  }
0x76: {  	_ =	shalt  }
0x77: {  	_ =	shalt  }
0x78: {  	_ =	shalt  }
0x79: {  	_ =	shalt  }
0x7a: {  	_ =	shalt  }
0x7b: {  	_ =	shalt  }
0x7c: {  	_ =	shalt  }
0x7d: {  	_ =	shalt  }
0x7e: {  	_ =	shalt  }
0x7f: {  	_ =	shalt  }
0x80: {  	_ =	shalt  }
0x81: {  	_ =	shalt  }
0x82: {  	_ =	shalt  }
0x83: {  	_ =	shalt  }
0x84: {  	_ =	shalt  }
0x85: {  	_ =	shalt  }
0x86: {  	_ =	shalt  }
0x87: {  	_ =	shalt  }
.Lfunc_end0:
.L_simem_size_0:
called_computation.1_lowered:
.L_overlay_start_0:
0x88: {  	s2 =	sld [smem:$0x3FD9]  }
0x89: {  	s3 =	sld [smem:$0x3FFE];
	_ =	sdelay $0x1  }
0x8a: {  	s1 =	srdreg.scid  }
0x8b: {  	s0 =	sand.u32 $0x1, s1  }
0x8c: {  	s17 =	sshll.u32 s0, $0xA;
	s2 =	sadd.s32 s3, s2  }
0x8d: {  	s2 =	sadd.s32 s2, s17  }
0x8e: {  	[smem:$0x3FC2] =	sst s2  }
0x8f: {  	_ = 	snop  }
0x90: {  	s2 =	sld [smem:$0x3FD0];
	(tm) =	ssettm $0x1  }
0x91: {  	s18 =	sld [smem:$0x3FFB];
	_ =	sdelay $0x3  }
0x92: {  	_ =	strace s18  }
0x93: {  	s3 =	sld [smem:$0x3FFC];
	_ =	sdelay $0x3  }
0x94: {  	_ =	strace s3  }
0x95: {  	s3 =	sld [smem:$0x3FFD];
	_ =	sdelay $0x3  }
0x96: {  	_ =	strace s3  }
0x97: {  	_ =	strace $0x8FFFFFFF  }
0x98: {  	s19 =	sld [smem:$0x3FDB];
	_ =	sdelay $0x1  }
0x99: {  	s4 =	simm.s32 $_scs_section_size  }
0x9a: {  	s5 =	simm.s32 $_size__tile_overlayer_lowered;
	s6 =	simm.s32 $_tile_overlayer_lowered  }
0x9b: {  	s22 =	simm.s32 $0x1BFF;
	s21 =	sshll.u32 s6, $0x1;
	s3 =	sadd.s32 s4, s19  }
0x9c: {  	s7 =	simm.s32 $0x0;
	s20 =	sshll.u32 s5, $0x1;
	s5 =	sadd.s32 s21, s3  }
0x9d: {  	[timem:s7], [sflag:s22] =	dma.local [hbm:s5], s20  }
0x9e: {  	_ =	swait.ge [sflag:s22], s20  }
0x9f: {  	s4 =	ssub.s32 $0x0, s20;
	[sflag:s22] =	ssyncset.done $0x0  }
0xa0: {  	[sflag:s22] =	ssyncadd.s32 s4;
	_ =	sdelay $0x1  }
0xa1: {  	s23 =	simm.s32 $0x1B8B  }
0xa2: {  	_ =	swait.ge [sflag:s23], $0x1  }
0xa3: {  	[sflag:s23] =	ssyncset.done $0x0  }
0xa4: {  	s25 =	simm.s32 $0x1B8E;
	s24 =	sld [smem:$0x3FFE];
	[sflag:s23] =	ssyncadd.s32 $0xFFFFFFFF  }
0xa5: {  	s26 =	simm.s32 $execute0_lowered;
	[smem:$0x3FD2] =	sst s25  }
0xa6: {  	s5 =	sshll.u32 s26, $0x1;
	_ =	strace $0x80000049;
	[dreg:$0x1] =	wrdreg $0xFFFFFFFF  }
0xa7: {  	s28 =	simm.s32 $_size_execute0_lowered;
	s3 =	sadd.s32 s3, s5;
	[dreg:$0x0] =	wrdreg $0x0  }
0xa8: {  	s5 =	sshll.u32 s28, $0x1;
	[dreg:$0x2] =	wrdreg s3  }
0xa9: {  	[dreg:$0x3] =	wrdreg s5  }
0xaa: {  	[dreg:$0x4] =	wrdreg $0xC0  }
0xab: {  	_ =	task [dreg:s7], $0x5FFFF  }
0xac: {  	[dreg:$0x1] =	wrdreg $0xFFFFFFFF  }
0xad: {  	[dreg:$0x0] =	wrdreg $0x60  }
0xae: {  	[dreg:$0x2] =	wrdreg s24  }
0xaf: {  	[dreg:$0x3] =	wrdreg s2  }
0xb0: {  	[dreg:$0x4] =	wrdreg $0x84000  }
0xb1: {  	[dreg:$0x5] =	wrdreg $0x9  }
0xb2: {  	_ =	task.clear_ibuf [dreg:s7], $0x6FFFF;
	_ =	strace $0x90000049  }
0xb3: {  	s29 =	simm.s32 $0x9;
	_ =	strace $0x8000004B  }
0xb4: {  	_ =	swait.ge [sflag:s29], $0x1  }
0xb5: {  	[sflag:s29] =	ssyncadd.s32 $0xFFFFFFFF  }
0xb6: {  	_ =	strace $0x9000004B  }
0xb7: {  	_ =	sfence  }
0xb8: {  	s30 =	sld [smem:$0x0];
	_ =	sdelay $0x2  }
0xb9: {  	s31 =	sshll.u32 s1, $0xD;
	s1 =	sshrl.u32 s1, $0x2  }
0xba: {  	s3 =	sand.u32 $0x4000, s31;
	s1 =	sadd.s32 s1, s30  }
0xbb: {  	s0 =	sor.u32 s3, s0;
	s1 =	sshll.u32 s1, $0x11  }
0xbc: {  	s0 =	sor.u32 s1, s0  }
0xbd: {  	s0 =	sadd.s32 $0x8F2B, s0  }
0xbe: {  	[sflag:s0] =	ssyncadd.remote.s32 $0x1  }
0xbf: {  	_ =	sfence.sel $0xFFFF  }
0xc0: {  	[dreg:$0x0] =	wrdreg $0xFFFFFFFF;
	(pc) =	sbr.abs _section_cstart, $3  }
0xc1: {  	[dreg:$0x1] =	wrdreg $0xFFFFFFFF  }
0xc2: {  	_ =	task.clear_ibuf [dreg:s7], $0x2FFFF;
	_ =	strace $0x9FFFFFFF  }
0xc3: {  	(tm) =	ssettm $0x7FFFFFFF  }
tec
execute0_lowered:
.L_overlay_start_1:
0x0: {  	(tag) =	ssettag $0x1  }
0x1: {  	s6 =	rddreg [dreg:$0x0]  }
0x2: {  	s0 =	srdreg.scid;
	s2 =	rddreg [dreg:$0x1]  }
0x3: {  	s23 =	stileid.u32;
	s3 =	rddreg [dreg:$0x2];
	s4 =	simm.s32 $0x0  }
0x4: {  	s19 =	simm.s32 $0x7;
	s20 =	simm.s32 $0x80;
	s21 =	simm.s32 $0x100  }
0x5: {  	s22 =	simm.s32 $0x180;
	s7 =	sand.u32 $0x1, s0;
	s8 =	smul.u32 $0x14000, s23  }
0x6: {  	[smem:$0x7FF] =	sst s4;
	s24 =	sshll.u32 s23, $0x2;
	s5 =	smul.u32 $0x140000, s7  }
0x7: {  	s10 =	smul.u32 $0x50000, s23;
	_ =	strace $0x8000004A;
	s9 =	ssub.s32 $0x2, s7  }
0x8: {  	p0 =	seq.s32 s7, $0x0;
	s25 =	sshrl.u32 s9, $0x1;
	s8 =	sadd.s32 s8, s5  }
0x9: {  	s26 =	sshrl.u32 s10, $0x2;
	s5 =	sadd.s32 $0x2A00, s6;
	s8 =	sshrl.u32 s8, $0x3  }
0xa: {  	s15 =	ssub.s32 s9, s25;
	s14 =	sadd.s32 s8, s6;
	s6 =	smul.u32 $0x9C, s23  }
0xb: {  	s7 =	sadd.s32 s26, s3;
	s15 =	smax.u32 s15, $0x1;
	s8 =	sor.u32 $0x9C0, s24  }
0xc: {  	s23 =	simm.s32 $0x200;
	s24 =	simm.s32 $0x280;
	s8 =	smov.u32 @p0 s6  }
0xd: {  	s14 =	sadd.s32 $0x2AA00, s14;
	s6 =	simm.s32 $0x9C;
	s17 =	sshll.u32 s8, $0x7  }
0xe: {  	s6 =	simm.s32 @!p0 $0x4;
	s8 =	sshll.u32 s8, $0x4;
	s11 =	sand.u32 $0x7FC00, s17  }
0xf: {  	s28 =	sand.u32 $0x200, s17;
	s8 =	sadd.s32 s2, s8;
	s17 =	sor.u32 $0x180, s17  }
0x10: {  	s12 =	sadd.s32 $0x50000, s11;
	s13 =	sor.u32 $0x80, s28;
	s18 =	sor.u32 $0x100, s28  }
0x11: {  	s29 =	sor.u32 s28, s12;
	s16 =	sor.u32 s11, s13;
	s13 =	sor.u32 s13, s12  }
.Ltmp0:
0x12: {  	s11 =	sor.u32 s11, s18;
	s18 =	sor.u32 s18, s12;
	(pc) =	sbr.rel .LBB2_1-.Ltmp0, $4  }
0x13: {  	s9 =	sshrl.u32 s29, $0x3;
	s16 =	sshrl.u32 s16, $0x3;
	s13 =	sshrl.u32 s13, $0x3  }
0x14: {  	s30 =	sshrl.u32 s11, $0x3;
	s31 =	sshrl.u32 s18, $0x3;
	s18 =	simm.s32 $0x400  }
0x15: {  	s9 =	sadd.s32 s2, s9;
	s10 =	sadd.s32 s2, s16;
	s11 =	sadd.s32 s2, s13  }
0x16: {  	v0 =	vimm.f32 $0.0e+00;
	s12 =	sadd.s32 s2, s30;
	s13 =	sadd.s32 s2, s31;
	s16 =	sadd.s32 $0x30, s8  }
.LBB2_7:
0x17: {  	s0 =	stileid.u32;
	s4 =	sadd.s32 $0x1, s4  }
0x18: {  	[bflag:$0x0] =	sbarrier.arrive $0xFFFF;
	s0 =	sshll.u32 s0, $0x6;
	p0 =	sne.s32 s4, s15  }
.Ltmp1:
0x19: {  	s1 =	sshrl.u32 s7, $0x3;
	s0 =	sor.u32 $0x1C07, s0;
	(pc) =	sbr.rel @!p0 .LBB2_8-.Ltmp1, $4  }
0x1a: {  	[hbm:s14], [sflag:s0] =	dma.local [spmem:s1], $0x2800  }
0x1b: {  	_ =	swait.ge [sflag:s19], $0x2800  }
0x1c: {  	[sflag:s19] =	ssyncset.done $0x0  }
0x1d: {  	[sflag:s19] =	ssyncadd.s32 $0xFFFFD800  }
.LBB2_1:
0x1e: {  	[tilespmem:$0x400] =	vst v0  }
0x1f: {  	[tilespmem:$0x410] =	vst v0  }
0x20: {  	[tilespmem:$0x420] =	vst v0  }
0x21: {  	[tilespmem:$0x430] =	vst v0  }
0x22: {  	[tilespmem:$0x440] =	vst v0  }
0x23: {  	[tilespmem:$0x450] =	vst v0  }
0x24: {  	[tilespmem:$0x460] =	vst v0  }
0x25: {  	[tilespmem:$0x470] =	vst v0  }
0x26: {  	[tilespmem:$0x480] =	vst v0  }
0x27: {  	[tilespmem:$0x490] =	vst v0  }
0x28: {  	[tilespmem:$0x4A0] =	vst v0  }
0x29: {  	[tilespmem:$0x4B0] =	vst v0  }
0x2a: {  	[tilespmem:$0x4C0] =	vst v0  }
0x2b: {  	[tilespmem:$0x4D0] =	vst v0  }
0x2c: {  	[tilespmem:$0x4E0] =	vst v0  }
0x2d: {  	[tilespmem:$0x4F0] =	vst v0  }
0x2e: {  	[tilespmem:$0x500] =	vst v0  }
0x2f: {  	[tilespmem:$0x510] =	vst v0  }
0x30: {  	[tilespmem:$0x520] =	vst v0  }
0x31: {  	[tilespmem:$0x530] =	vst v0  }
0x32: {  	[tilespmem:$0x540] =	vst v0  }
0x33: {  	[tilespmem:$0x550] =	vst v0  }
0x34: {  	[tilespmem:$0x560] =	vst v0  }
0x35: {  	[tilespmem:$0x570] =	vst v0  }
0x36: {  	[tilespmem:$0x580] =	vst v0  }
0x37: {  	[tilespmem:$0x590] =	vst v0  }
0x38: {  	[tilespmem:$0x5A0] =	vst v0  }
0x39: {  	[tilespmem:$0x5B0] =	vst v0  }
0x3a: {  	[tilespmem:$0x5C0] =	vst v0  }
0x3b: {  	[tilespmem:$0x5D0] =	vst v0  }
0x3c: {  	[tilespmem:$0x5E0] =	vst v0  }
0x3d: {  	[tilespmem:$0x5F0] =	vst v0  }
0x3e: {  	[tilespmem:$0x600] =	vst v0  }
0x3f: {  	[tilespmem:$0x610] =	vst v0  }
0x40: {  	[tilespmem:$0x620] =	vst v0  }
0x41: {  	[tilespmem:$0x630] =	vst v0  }
0x42: {  	[tilespmem:$0x640] =	vst v0  }
0x43: {  	[tilespmem:$0x650] =	vst v0  }
0x44: {  	[tilespmem:$0x660] =	vst v0  }
0x45: {  	[tilespmem:$0x670] =	vst v0  }
0x46: {  	[tilespmem:$0x680] =	vst v0  }
0x47: {  	[tilespmem:$0x690] =	vst v0  }
0x48: {  	[tilespmem:$0x6A0] =	vst v0  }
0x49: {  	[tilespmem:$0x6B0] =	vst v0  }
0x4a: {  	[tilespmem:$0x6C0] =	vst v0  }
0x4b: {  	[tilespmem:$0x6D0] =	vst v0  }
0x4c: {  	[tilespmem:$0x6E0] =	vst v0  }
0x4d: {  	[tilespmem:$0x6F0] =	vst v0  }
0x4e: {  	[tilespmem:$0x700] =	vst v0  }
0x4f: {  	[tilespmem:$0x710] =	vst v0  }
0x50: {  	[tilespmem:$0x720] =	vst v0  }
0x51: {  	[tilespmem:$0x730] =	vst v0  }
0x52: {  	[tilespmem:$0x740] =	vst v0  }
0x53: {  	[tilespmem:$0x750] =	vst v0  }
0x54: {  	[tilespmem:$0x760] =	vst v0  }
0x55: {  	[tilespmem:$0x770] =	vst v0  }
0x56: {  	[tilespmem:$0x780] =	vst v0  }
0x57: {  	[tilespmem:$0x790] =	vst v0  }
0x58: {  	[tilespmem:$0x7A0] =	vst v0  }
0x59: {  	[tilespmem:$0x7B0] =	vst v0  }
0x5a: {  	[tilespmem:$0x7C0] =	vst v0  }
0x5b: {  	[tilespmem:$0x7D0] =	vst v0  }
0x5c: {  	[tilespmem:$0x7E0] =	vst v0  }
0x5d: {  	[tilespmem:$0x7F0] =	vst v0  }
0x5e: {  	[tilespmem:$0x800] =	vst v0  }
0x5f: {  	[tilespmem:$0x810] =	vst v0  }
0x60: {  	[tilespmem:$0x820] =	vst v0  }
0x61: {  	[tilespmem:$0x830] =	vst v0  }
0x62: {  	[tilespmem:$0x840] =	vst v0  }
0x63: {  	[tilespmem:$0x850] =	vst v0  }
0x64: {  	[tilespmem:$0x860] =	vst v0  }
0x65: {  	[tilespmem:$0x870] =	vst v0  }
0x66: {  	[tilespmem:$0x880] =	vst v0  }
0x67: {  	[tilespmem:$0x890] =	vst v0  }
0x68: {  	[tilespmem:$0x8A0] =	vst v0  }
0x69: {  	[tilespmem:$0x8B0] =	vst v0  }
0x6a: {  	[tilespmem:$0x8C0] =	vst v0  }
0x6b: {  	[tilespmem:$0x8D0] =	vst v0  }
0x6c: {  	[tilespmem:$0x8E0] =	vst v0  }
0x6d: {  	[tilespmem:$0x8F0] =	vst v0  }
0x6e: {  	[tilespmem:$0x900] =	vst v0  }
0x6f: {  	[tilespmem:$0x910] =	vst v0  }
0x70: {  	[tilespmem:$0x920] =	vst v0  }
0x71: {  	[tilespmem:$0x930] =	vst v0  }
0x72: {  	[tilespmem:$0x940] =	vst v0  }
0x73: {  	[tilespmem:$0x950] =	vst v0  }
0x74: {  	[tilespmem:$0x960] =	vst v0  }
0x75: {  	[tilespmem:$0x970] =	vst v0  }
0x76: {  	[tilespmem:$0x980] =	vst v0  }
0x77: {  	[tilespmem:$0x990] =	vst v0  }
0x78: {  	[tilespmem:$0x9A0] =	vst v0  }
0x79: {  	[tilespmem:$0x9B0] =	vst v0  }
0x7a: {  	[tilespmem:$0x9C0] =	vst v0  }
0x7b: {  	[tilespmem:$0x9D0] =	vst v0  }
0x7c: {  	[tilespmem:$0x9E0] =	vst v0  }
0x7d: {  	[tilespmem:$0x9F0] =	vst v0  }
0x7e: {  	[tilespmem:$0xA00] =	vst v0  }
0x7f: {  	[tilespmem:$0xA10] =	vst v0  }
0x80: {  	[tilespmem:$0xA20] =	vst v0  }
0x81: {  	[tilespmem:$0xA30] =	vst v0  }
0x82: {  	[tilespmem:$0xA40] =	vst v0  }
0x83: {  	[tilespmem:$0xA50] =	vst v0  }
0x84: {  	[tilespmem:$0xA60] =	vst v0  }
0x85: {  	[tilespmem:$0xA70] =	vst v0  }
0x86: {  	[tilespmem:$0xA80] =	vst v0  }
0x87: {  	[tilespmem:$0xA90] =	vst v0  }
0x88: {  	[tilespmem:$0xAA0] =	vst v0  }
0x89: {  	[tilespmem:$0xAB0] =	vst v0  }
0x8a: {  	[tilespmem:$0xAC0] =	vst v0  }
0x8b: {  	[tilespmem:$0xAD0] =	vst v0  }
0x8c: {  	[tilespmem:$0xAE0] =	vst v0  }
0x8d: {  	[tilespmem:$0xAF0] =	vst v0  }
0x8e: {  	[tilespmem:$0xB00] =	vst v0  }
0x8f: {  	[tilespmem:$0xB10] =	vst v0  }
0x90: {  	[tilespmem:$0xB20] =	vst v0  }
0x91: {  	[tilespmem:$0xB30] =	vst v0  }
0x92: {  	[tilespmem:$0xB40] =	vst v0  }
0x93: {  	[tilespmem:$0xB50] =	vst v0  }
0x94: {  	[tilespmem:$0xB60] =	vst v0  }
0x95: {  	[tilespmem:$0xB70] =	vst v0  }
0x96: {  	[tilespmem:$0xB80] =	vst v0  }
0x97: {  	[tilespmem:$0xB90] =	vst v0  }
0x98: {  	[tilespmem:$0xBA0] =	vst v0  }
0x99: {  	[tilespmem:$0xBB0] =	vst v0  }
0x9a: {  	[tilespmem:$0xBC0] =	vst v0  }
0x9b: {  	[tilespmem:$0xBD0] =	vst v0  }
0x9c: {  	[tilespmem:$0xBE0] =	vst v0  }
0x9d: {  	[tilespmem:$0xBF0] =	vst v0;
	s25 =	sadd.s32 $0x0, s7  }
0x9e: {  	[spmem:s25] =	stream.linear.scatter [tilespmem:s18], [sflag:$0x7], $0x800, $0x38;
	[tilespmem:$0x1C400] =	vst v63  }
0x9f: {  	s25 =	simm.s32 $0x2000;
	_ =	swait.ge [sflag:s19], $0x800  }
.LBB2_2:
0xa0: {  	s26 =	sshra.s32 s25, $0x2;
	[sflag:s19] =	ssyncset.done $0x0;
	p0 =	sne.s32 s25, $0x4E000  }
.Ltmp2:
0xa1: {  	s26 =	sadd.s32 s26, s7;
	[sflag:s19] =	ssyncadd.s32 $0xFFFFF800;
	(pc) =	sbr.rel @p0 .LBB2_2-.Ltmp2, $3  }
0xa2: {  	[spmem:s26] =	stream.linear.scatter [tilespmem:s18], [sflag:$0x7], $0x800, $0x38;
	[tilespmem:$0x1C400] =	vst v63  }
0xa3: {  	s25 =	sadd.s32 $0x2000, s25;
	_ =	sdelay $0x1  }
0xa4: {  	_ =	swait.ge [sflag:s19], $0x800  }
0xa5: {  	[sflag:s19] =	ssyncset.done $0x0  }
0xa6: {  	s29 =	simm.s32 $0x0;
	[sflag:s19] =	ssyncadd.s32 $0xFFFFF800  }
0xa7: {  	[tilespmem:s29], [sflag:$0x1] =	stream.linear.gather [hbm4b:s8+s29], $0x80, $0x38;
	[tilespmem:$0x1C400] =	vst v63  }
0xa8: {  	_ = 	snop  }
0xa9: {  	[tilespmem:s20], [sflag:$0x1] =	stream.linear.gather [hbm4b:s9+s29], $0x80, $0x38;
	[tilespmem:$0x1C400] =	vst v63  }
0xaa: {  	_ = 	snop  }
0xab: {  	[tilespmem:s21], [sflag:$0x2] =	stream.linear.gather [hbm4b:s10+s29], $0x80, $0x38;
	[tilespmem:$0x1C400] =	vst v63  }
0xac: {  	_ = 	snop  }
0xad: {  	[tilespmem:s22], [sflag:$0x2] =	stream.linear.gather [hbm4b:s11+s29], $0x80, $0x38;
	[tilespmem:$0x1C400] =	vst v63  }
0xae: {  	_ = 	snop  }
0xaf: {  	[tilespmem:s23], [sflag:$0x3] =	stream.linear.gather [hbm4b:s12+s29], $0x80, $0x38;
	[tilespmem:$0x1C400] =	vst v63  }
.Ltmp3:
0xb0: {  	_ = 	snop;
	(pc) =	sbr.rel .LBB2_4-.Ltmp3, $4  }
0xb1: {  	_ = 	snop  }
0xb2: {  	[tilespmem:s24], [sflag:$0x3] =	stream.linear.gather [hbm4b:s13+s29], $0x80, $0x38;
	[tilespmem:$0x1C400] =	vst v63  }
0xb3: {  	[bflag:$0x0] =	sbarrier.arrive $0xFFFF  }
0xb4: {  	s25 =	simm.s32 $0xFFFFFC00;
	s26 =	smov.u32 s17;
	s28 =	smov.u32 s16  }
.LBB2_6:
0xb5: {  	s1 =	sadd.s32 $0xFFFFFFFF, s29  }
0xb6: {  	p2 =	sge.u32 s1, s6  }
0xb7: {  	s30 =	sand.u32 @!p2 $0x1, s1  }
0xb8: {  	p0 =	seq.s32 @!p2 s30, $0x1  }
0xb9: {  	s30 =	simm.s32 @!p2 $0x6;
	p0 =	por !p0, p2  }
0xba: {  	s31 =	sand.u32 @!p2 $0xC00, s25;
	s30 =	simm.s32 @p0 $0x5  }
0xbb: {  	s31 =	sshrl.u32 @!p2 s31, $0x2;
	_ =	swait.ge @!p2 [sflag:s30], $0x4000  }
0xbc: {  	s0 =	simm.s32 @!p2 $0x4400;
	s31 =	sor.u32 @!p2 $0x80, s31;
	[sflag:s30] =	ssyncset.done @!p2 $0x0  }
0xbd: {  	s0 =	simm.s32 @p0 $0x400;
	[sflag:s30] =	ssyncadd.s32 @!p2 $0xFFFFC000;
	s30 =	simm.s32 @!p2 $0x80  }
0xbe: {  	[spmem:s3] =	stream.indirect.scatter.add.f32 @!p2 [tilespmem:s0], [sflag:$0x7], $0x80, s31, s30, $0xb8;
	[tilespmem:$0x1C400] =	vst v63  }
0xbf: {  	s0 =	sadd.s32 $0x4, s1  }
0xc0: {  	s1 =	sadd.s32 $0x3, s29;
	p0 =	sge.u32 s0, s6  }
0xc1: {  	s1 =	sand.u32 @!p0 $0x3, s1  }
0xc2: {  	p1 =	sgt.s32 @!p0 s1, $0x1  }
0xc3: {  	s29 =	simm.s32 @!p2 $0x7;
	p3 =	por !p1, p0  }
0xc4: {  	_ =	swait.ge @!p2 [sflag:s29], $0x4000;
	p3 =	seq.s32 @!p3 s1, $0x2  }
0xc5: {  	[sflag:s29] =	ssyncset.done @!p2 $0x0;
	s30 =	sand.u32 @!p0 $0x7FFFFF80, s26;
	p4 =	por @!p0 !p3, !p1  }
0xc6: {  	[sflag:s29] =	ssyncadd.s32 @!p2 $0xFFFFC000;
	s29 =	sadd.s32 @!p0 $0x50000, s30;
	p2 =	por p4, p0  }
0xc7: {  	s29 =	sshrl.u32 @!p0 s29, $0x3;
	s30 =	simm.s32 @!p2 $0x0;
	s31 =	simm.s32 @!p2 $0x200  }
0xc8: {  	[tilespmem:s31], [sflag:$0x3] =	stream.linear.gather @!p2 [hbm4b:s28+s30], $0x80, $0x38;
	[tilespmem:$0x1C400] =	vst v63  }
0xc9: {  	s29 =	sadd.s32 @!p0 s2, s29;
	s31 =	simm.s32 @!p2 $0x280  }
0xca: {  	[tilespmem:s31], [sflag:$0x3] =	stream.linear.gather @!p2 [hbm4b:s29+s30], $0x80, $0x38;
	[tilespmem:$0x1C400] =	vst v63  }
0xcb: {  	p2 =	por @!p0 p3, !p1  }
0xcc: {  	p2 =	por p2, p0  }
0xcd: {  	s30 =	simm.s32 @!p2 $0x0;
	s31 =	simm.s32 @!p2 $0x300  }
0xce: {  	[tilespmem:s31], [sflag:$0x4] =	stream.linear.gather @!p2 [hbm4b:s28+s30], $0x80, $0x38;
	[tilespmem:$0x1C400] =	vst v63  }
0xcf: {  	s31 =	simm.s32 @!p2 $0x380  }
0xd0: {  	[tilespmem:s31], [sflag:$0x4] =	stream.linear.gather @!p2 [hbm4b:s29+s30], $0x80, $0x38;
	[tilespmem:$0x1C400] =	vst v63  }
0xd1: {  	p2 =	por p1, p0  }
0xd2: {  	p2 =	seq.s32 @!p2 s1, $0x0  }
0xd3: {  	p3 =	por @!p0 !p2, p1  }
0xd4: {  	p3 =	por p3, p0  }
0xd5: {  	p1 =	por @!p0 p2, p1;
	s1 =	simm.s32 @!p3 $0x0  }
0xd6: {  	[tilespmem:s1], [sflag:$0x1] =	stream.linear.gather @!p3 [hbm4b:s28+s1], $0x80, $0x38;
	[tilespmem:$0x1C400] =	vst v63  }
0xd7: {  	p0 =	por p1, p0;
	s30 =	simm.s32 @!p3 $0x80  }
0xd8: {  	[tilespmem:s30], [sflag:$0x1] =	stream.linear.gather @!p3 [hbm4b:s29+s1], $0x80, $0x38;
	[tilespmem:$0x1C400] =	vst v63  }
0xd9: {  	s1 =	simm.s32 @!p0 $0x0;
	s30 =	simm.s32 @!p0 $0x100  }
0xda: {  	[tilespmem:s30], [sflag:$0x2] =	stream.linear.gather @!p0 [hbm4b:s28+s1], $0x80, $0x38;
	[tilespmem:$0x1C400] =	vst v63  }
0xdb: {  	s30 =	simm.s32 @!p0 $0x180  }
0xdc: {  	[tilespmem:s30], [sflag:$0x2] =	stream.linear.gather @!p0 [hbm4b:s29+s1], $0x80, $0x38;
	[tilespmem:$0x1C400] =	vst v63  }
0xdd: {  	s29 =	sadd.s32 $0xFFFFFFFE, s0  }
0xde: {  	p0 =	sne.s32 s29, $0x9D  }
.Ltmp4:
0xdf: {  	_ = 	snop;
	(pc) =	sbr.rel @!p0 .LBB2_7-.Ltmp4, $2  }
0xe0: {  	_ =	sdelay $0x2  }
0xe1: {  	s25 =	sadd.s32 $0x400, s25;
	s26 =	sadd.s32 $0x80, s26;
	s28 =	sadd.s32 $0x10, s28  }
.LBB2_4:
0xe2: {  	p0 =	sge.u32 s29, s6  }
.Ltmp5:
0xe3: {  	_ = 	snop;
	(pc) =	sbr.rel @p0 .LBB2_6-.Ltmp5, $1  }
0xe4: {  	_ =	sdelay $0x3  }
0xe5: {  	s30 =	sand.u32 $0x3, s29  }
0xe6: {  	p0 =	sgt.s32 s30, $0x1  }
0xe7: {  	p1 =	seq.s32 @p0 s30, $0x2  }
0xe8: {  	p2 =	seq.s32 @!p0 s30, $0x0;
	p1 =	por !p1, !p0  }
0xe9: {  	s31 =	simm.s32 $0x1;
	p2 =	por !p2, p0;
	s1 =	simm.s32 @!p1 $0x3  }
0xea: {  	s31 =	simm.s32 @p2 $0x2;
	s1 =	simm.s32 @p1 $0x4  }
0xeb: {  	s31 =	smov.u32 @p0 s1  }
0xec: {  	_ =	swait.ge [sflag:s31], $0x80  }
0xed: {  	[sflag:s31] =	ssyncset.done $0x0  }
0xee: {  	s0 =	sand.u32 $0x1, s29;
	[sflag:s31] =	ssyncadd.s32 $0xFFFFFF80  }
0xef: {  	p0 =	seq.s32 s0, $0x1;
	_ =	swait.ge [sflag:s31], $0x80  }
.Ltmp6:
0xf0: {  	s1 =	sshll.u32 s30, $0x8;
	[sflag:s31] =	ssyncset.done $0x0;
	(pc) =	sbr.rel .LBB2_6-.Ltmp6, $4  }
0xf1: {  	s30 =	simm.s32 @p0 $0x80;
	[sflag:s31] =	ssyncadd.s32 $0xFFFFFF80;
	s31 =	simm.s32 @p0 $0x4400  }
0xf2: {  	[tilespmem:s31], [sflag:$0x6] =	stream.indirect.gather @p0 [hbm4b:s5+s30], $0x80, s1, s30, $0xb8;
	[tilespmem:$0x1C400] =	vst v63  }
0xf3: {  	s30 =	simm.s32 @!p0 $0x80;
	s31 =	simm.s32 @!p0 $0x400  }
0xf4: {  	[tilespmem:s31], [sflag:$0x5] =	stream.indirect.gather @!p0 [hbm4b:s5+s30], $0x80, s1, s30, $0xb8;
	[tilespmem:$0x1C400] =	vst v63  }
.LBB2_8:
0xf5: {  	_ =	sfence.sel $0x180000  }
0xf6: {  	[bflag:$0x0] =	sbarrier.arrive $0xFFFF  }
0xf7: {  	_ =	strace $0x9000004A  }
0xf8: {  	s0 =	stileid.u32;
	[bflag:$0x2] =	sbarrier.arrive $0xFFFF  }
0xf9: {  	p0 =	sne.s32 s0, $0x0;
	s0 =	rddreg [dreg:$0x3]  }
0xfa: {  	s0 =	sadd.s32 @!p0 $0x100000, s0  }
0xfb: {  	[sflag:s0] =	ssyncadd.tile.s32 @!p0 $0x1;
	_ =	shalt  }
.Lfunc_end2:
_tile_overlayer_lowered:
.L_overlay_start_2:
0xfc: {  	(tag) =	ssettag $0x2  }
0xfd: {  	s0 =	rddreg [dreg:$0x0];
	s2 =	stileid.u32  }
0xfe: {  	s1 =	rddreg [dreg:$0x1];
	p0 =	sne.s32 s2, $0x0  }
0xff: {  	s3 =	rddreg [dreg:$0x2];
	[bflag:$0x3] =	sbarrier.arrive $0xFFFF;
	s2 =	simm.s32 @!p0 $0x1C07  }
0x100: {  	[timem:s3], [sflag:s2] =	dma.local @!p0 [hbm:s0], s1  }
0x101: {  	s0 =	simm.s32 @!p0 $0x7  }
0x102: {  	_ =	swait.ge @!p0 [sflag:s0], s1  }
0x103: {  	s1 =	ssub.s32 @!p0 $0x0, s1;
	[sflag:s0] =	ssyncset.done @!p0 $0x0  }
0x104: {  	[sflag:s0] =	ssyncadd.s32 @!p0 s1  }
0x105: {  	[bflag:$0x3] =	sbarrier.arrive $0xFFFF  }
0x106: {  	_ =	shalt  }

// kernel: kernel.14.cloned.1.call-start
scs
__scs_entry_jumppad:
0x0: {  	(pc) =	sbr.rel $0x88, $3  }
0x1: {  	(tag) =	ssettag $0x0;
	lr =	simm.s32 $0x1  }
0x2: {  	[smem:$0x3F9B] =	sst lr;
	_ =	strace $0xD0000000  }
0x3: {  	_ = 	snop  }
0x4: {  	_ = 	snop  }
0x5: {  	_ = 	snop  }
0x6: {  	_ = 	snop  }
0x7: {  	_ = 	snop  }
__scs_overlays_trampoline_lowered:
0x8: {  	[smem:$0x3FAA] =	sst s0  }
0x9: {  	[smem:$0x3FAB] =	sst s1  }
0xa: {  	[smem:$0x3FAC] =	sst s2  }
0xb: {  	[smem:$0x3FAD] =	sst s3  }
0xc: {  	[smem:$0x3FAE] =	sst s4  }
0xd: {  	[smem:$0x3FAF] =	sst s5  }
0xe: {  	[smem:$0x3FB0] =	sst s6  }
0xf: {  	[smem:$0x3FB1] =	sst s7  }
0x10: {  	[smem:$0x3FB2] =	sst s8  }
0x11: {  	[smem:$0x3FB3] =	sst s9;
	s0 =	simm.s32 @!p0 $0x0  }
0x12: {  	s1 =	sld [smem:$0x3F99];
	s0 =	simm.s32 @p0 $0x1  }
0x13: {  	[smem:$0x3FB4] =	sst s0;
	s0 =	simm.s32 @!p1 $0x0  }
0x14: {  	s2 =	sld [smem:$0x3F98];
	s0 =	simm.s32 @p1 $0x1  }
0x15: {  	[smem:$0x3FB5] =	sst s0;
	s0 =	simm.s32 @!p2 $0x0  }
0x16: {  	s3 =	sld [smem:$0x3FDB];
	s0 =	simm.s32 @p2 $0x1  }
0x17: {  	s4 =	simm.s32 $0x1BF5;
	[smem:$0x3FB7] =	sst s0  }
0x18: {  	s0 =	sld [smem:$0x3F9A];
	_ =	swait.ge [sflag:s4], $0x0  }
0x19: {  	s7 =	sld [smem:$0x3F9B]  }
0x1a: {  	s8 =	sadd.s32 $0xFFFFE003, lr  }
0x1b: {  	s9 =	sadd.s32 $0xFFFFFEF7, lr;
	s5 =	simm.s32 $0xFFFFFFFF;
	p2 =	slt.u32 s8, $0xFFFFF086  }
0x1c: {  	p1 =	slt.u32 s9, $0xF7A;
	s5 =	simm.s32 @!p2 $0x0  }
0x1d: {  	s5 =	simm.s32 @p1 $0x1;
	p0 =	seq.s32 s7, s2  }
0x1e: {  	s7 =	smul.u32 @!p0 $0xF7A, s2;
	p2 =	seq.s32 @!p0 s5, $0x0  }
0x1f: {  	s9 =	smul.u32 $0xF7A, s1;
	s8 =	simm.s32 @!p0 $0x1BF5;
	p2 =	por !p2, p0  }
0x20: {  	[sflag:s8] =	ssyncset.s32 @!p0 $0xFFFFF086;
	s6 =	sadd.s32 @!p0 s3, s7;
	s7 =	simm.s32 @!p0 $0x108  }
0x21: {  	s3 =	sadd.s32 s3, s9;
	s6 =	sadd.s32 @!p0 $0x88, s6;
	s7 =	simm.s32 @p2 $0x1082  }
0x22: {  	[simem:s7], [sflag:s8] =	dma.local @!p0 [hbm:s6], $0xF7A  }
0x23: {  	s9 =	sor.u32 $0xD0000000, s2;
	s6 =	simm.s32 $0x108;
	_ =	swait.ge @!p0 [sflag:s8], $0x0  }
0x24: {  	s3 =	sadd.s32 $0x88, s3;
	s6 =	simm.s32 @!p1 $0x1082;
	[sflag:s4] =	ssyncset.s32 $0xFFFFF086  }
0x25: {  	[simem:s6], [sflag:s4] =	dma.local [hbm:s3], $0xF7A  }
0x26: {  	[smem:$0x3F9B] =	sst s1;
	(tag) =	ssettag s2;
	_ =	strace s9  }
0x27: {  	s1 =	sld [smem:$0x3FAB]  }
0x28: {  	s2 =	sld [smem:$0x3FAC]  }
0x29: {  	s4 =	sld [smem:$0x3FAE]  }
0x2a: {  	p0 =	seq.s32 s5, $0x0;
	s5 =	sld [smem:$0x3FAF]  }
0x2b: {  	s6 =	sld [smem:$0x3FB0]  }
0x2c: {  	s7 =	sld [smem:$0x3FB1]  }
0x2d: {  	s3 =	simm.s32 $0x108;
	s8 =	sld [smem:$0x3FB2]  }
0x2e: {  	s3 =	simm.s32 @!p0 $0x1082;
	s9 =	sld [smem:$0x3FB3]  }
0x2f: {  	lr =	sadd.s32 s0, s3;
	s0 =	sld [smem:$0x3FAA]  }
0x30: {  	s3 =	sld [smem:$0x3FAD]  }
0x31: {  	[smem:$0x3FB6] =	sst s10  }
0x32: {  	s10 =	sld [smem:$0x3FB4];
	_ =	sdelay $0x3  }
0x33: {  	p0 =	seq.s32 s10, $0x1;
	s10 =	sld [smem:$0x3FB6];
	_ =	sdelay $0x3  }
0x34: {  	[smem:$0x3FB6] =	sst s10  }
0x35: {  	s10 =	sld [smem:$0x3FB5];
	_ =	sdelay $0x3  }
0x36: {  	p1 =	seq.s32 s10, $0x1;
	s10 =	sld [smem:$0x3FB6];
	_ =	sdelay $0x3  }
0x37: {  	[smem:$0x3FB6] =	sst s10  }
0x38: {  	s10 =	sld [smem:$0x3FB7]  }
0x39: {  	_ = 	snop;
	(pc) =	sbr.ind lr, $3  }
0x3a: {  	_ = 	snop  }
0x3b: {  	_ = 	snop  }
0x3c: {  	p2 =	seq.s32 s10, $0x1;
	s10 =	sld [smem:$0x3FB6]  }
0x3d: {  	_ =	shalt  }
0x3e: {  	_ =	shalt  }
0x3f: {  	_ =	shalt  }
0x40: {  	_ =	shalt  }
0x41: {  	_ =	shalt  }
0x42: {  	_ =	shalt  }
0x43: {  	_ =	shalt  }
0x44: {  	_ =	shalt  }
0x45: {  	_ =	shalt  }
0x46: {  	_ =	shalt  }
0x47: {  	_ =	shalt  }
0x48: {  	_ =	shalt  }
0x49: {  	_ =	shalt  }
0x4a: {  	_ =	shalt  }
0x4b: {  	_ =	shalt  }
0x4c: {  	_ =	shalt  }
0x4d: {  	_ =	shalt  }
0x4e: {  	_ =	shalt  }
0x4f: {  	_ =	shalt  }
0x50: {  	_ =	shalt  }
0x51: {  	_ =	shalt  }
0x52: {  	_ =	shalt  }
0x53: {  	_ =	shalt  }
0x54: {  	_ =	shalt  }
0x55: {  	_ =	shalt  }
0x56: {  	_ =	shalt  }
0x57: {  	_ =	shalt  }
0x58: {  	_ =	shalt  }
0x59: {  	_ =	shalt  }
0x5a: {  	_ =	shalt  }
0x5b: {  	_ =	shalt  }
0x5c: {  	_ =	shalt  }
0x5d: {  	_ =	shalt  }
0x5e: {  	_ =	shalt  }
0x5f: {  	_ =	shalt  }
0x60: {  	_ =	shalt  }
0x61: {  	_ =	shalt  }
0x62: {  	_ =	shalt  }
0x63: {  	_ =	shalt  }
0x64: {  	_ =	shalt  }
0x65: {  	_ =	shalt  }
0x66: {  	_ =	shalt  }
0x67: {  	_ =	shalt  }
0x68: {  	_ =	shalt  }
0x69: {  	_ =	shalt  }
0x6a: {  	_ =	shalt  }
0x6b: {  	_ =	shalt  }
0x6c: {  	_ =	shalt  }
0x6d: {  	_ =	shalt  }
0x6e: {  	_ =	shalt  }
0x6f: {  	_ =	shalt  }
0x70: {  	_ =	shalt  }
0x71: {  	_ =	shalt  }
0x72: {  	_ =	shalt  }
0x73: {  	_ =	shalt  }
0x74: {  	_ =	shalt  }
0x75: {  	_ =	shalt  }
0x76: {  	_ =	shalt  }
0x77: {  	_ =	shalt  }
0x78: {  	_ =	shalt  }
0x79: {  	_ =	shalt  }
0x7a: {  	_ =	shalt  }
0x7b: {  	_ =	shalt  }
0x7c: {  	_ =	shalt  }
0x7d: {  	_ =	shalt  }
0x7e: {  	_ =	shalt  }
0x7f: {  	_ =	shalt  }
0x80: {  	_ =	shalt  }
0x81: {  	_ =	shalt  }
0x82: {  	_ =	shalt  }
0x83: {  	_ =	shalt  }
0x84: {  	_ =	shalt  }
0x85: {  	_ =	shalt  }
0x86: {  	_ =	shalt  }
0x87: {  	_ =	shalt  }
.Lfunc_end0:
.L_simem_size_0:
called_computation.2_lowered:
.L_overlay_start_0:
0x88: {  	s2 =	sld [smem:$0x3FD9]  }
0x89: {  	s3 =	sld [smem:$0x3FFE];
	_ =	sdelay $0x1  }
0x8a: {  	s1 =	srdreg.scid  }
0x8b: {  	s0 =	sand.u32 $0x1, s1  }
0x8c: {  	s17 =	sshll.u32 s0, $0xA;
	s2 =	sadd.s32 s3, s2  }
0x8d: {  	s2 =	sadd.s32 s2, s17  }
0x8e: {  	[smem:$0x3FC2] =	sst s2  }
0x8f: {  	_ = 	snop  }
0x90: {  	s2 =	sld [smem:$0x3FD0];
	(tm) =	ssettm $0x1  }
0x91: {  	s18 =	sld [smem:$0x3FFB];
	_ =	sdelay $0x3  }
0x92: {  	_ =	strace s18  }
0x93: {  	s3 =	sld [smem:$0x3FFC];
	_ =	sdelay $0x3  }
0x94: {  	_ =	strace s3  }
0x95: {  	s3 =	sld [smem:$0x3FFD];
	_ =	sdelay $0x3  }
0x96: {  	_ =	strace s3  }
0x97: {  	_ =	strace $0x8FFFFFFF  }
0x98: {  	s19 =	sld [smem:$0x3FDB];
	_ =	sdelay $0x1  }
0x99: {  	s4 =	simm.s32 $_scs_section_size  }
0x9a: {  	s5 =	simm.s32 $_size__tile_overlayer_lowered;
	s6 =	simm.s32 $_tile_overlayer_lowered  }
0x9b: {  	s22 =	simm.s32 $0x1BFF;
	s21 =	sshll.u32 s6, $0x1;
	s3 =	sadd.s32 s4, s19  }
0x9c: {  	s7 =	simm.s32 $0x0;
	s20 =	sshll.u32 s5, $0x1;
	s5 =	sadd.s32 s21, s3  }
0x9d: {  	[timem:s7], [sflag:s22] =	dma.local [hbm:s5], s20  }
0x9e: {  	_ =	swait.ge [sflag:s22], s20  }
0x9f: {  	s4 =	ssub.s32 $0x0, s20;
	[sflag:s22] =	ssyncset.done $0x0  }
0xa0: {  	[sflag:s22] =	ssyncadd.s32 s4;
	_ =	sdelay $0x1  }
0xa1: {  	s23 =	simm.s32 $0x1B8B  }
0xa2: {  	_ =	swait.ge [sflag:s23], $0x1  }
0xa3: {  	[sflag:s23] =	ssyncset.done $0x0  }
0xa4: {  	s25 =	simm.s32 $0x1B8E;
	s24 =	sld [smem:$0x3FFE];
	[sflag:s23] =	ssyncadd.s32 $0xFFFFFFFF  }
0xa5: {  	s26 =	simm.s32 $execute0_lowered;
	[smem:$0x3FD2] =	sst s25  }
0xa6: {  	s5 =	sshll.u32 s26, $0x1;
	_ =	strace $0x8000004C;
	[dreg:$0x1] =	wrdreg $0xFFFFFFFF  }
0xa7: {  	s28 =	simm.s32 $_size_execute0_lowered;
	s3 =	sadd.s32 s3, s5;
	[dreg:$0x0] =	wrdreg $0x0  }
0xa8: {  	s5 =	sshll.u32 s28, $0x1;
	[dreg:$0x2] =	wrdreg s3  }
0xa9: {  	[dreg:$0x3] =	wrdreg s5  }
0xaa: {  	[dreg:$0x4] =	wrdreg $0xC0  }
0xab: {  	_ =	task [dreg:s7], $0x5FFFF  }
0xac: {  	[dreg:$0x1] =	wrdreg $0xFFFFFFFF  }
0xad: {  	[dreg:$0x0] =	wrdreg $0x60  }
0xae: {  	[dreg:$0x2] =	wrdreg s24  }
0xaf: {  	[dreg:$0x3] =	wrdreg s2  }
0xb0: {  	[dreg:$0x4] =	wrdreg $0x84000  }
0xb1: {  	[dreg:$0x5] =	wrdreg $0x9  }
0xb2: {  	_ =	task.clear_ibuf [dreg:s7], $0x6FFFF;
	_ =	strace $0x9000004C  }
0xb3: {  	s29 =	simm.s32 $0x9;
	_ =	strace $0x8000004E  }
0xb4: {  	_ =	swait.ge [sflag:s29], $0x1  }
0xb5: {  	[sflag:s29] =	ssyncadd.s32 $0xFFFFFFFF  }
0xb6: {  	_ =	strace $0x9000004E  }
0xb7: {  	_ =	sfence  }
0xb8: {  	s30 =	sld [smem:$0x0];
	_ =	sdelay $0x2  }
0xb9: {  	s31 =	sshll.u32 s1, $0xD;
	s1 =	sshrl.u32 s1, $0x2  }
0xba: {  	s3 =	sand.u32 $0x4000, s31;
	s1 =	sadd.s32 s1, s30  }
0xbb: {  	s0 =	sor.u32 s3, s0;
	s1 =	sshll.u32 s1, $0x11  }
0xbc: {  	s0 =	sor.u32 s1, s0  }
0xbd: {  	s0 =	sadd.s32 $0x8F2B, s0  }
0xbe: {  	[sflag:s0] =	ssyncadd.remote.s32 $0x1  }
0xbf: {  	_ =	sfence.sel $0xFFFF  }
0xc0: {  	[dreg:$0x0] =	wrdreg $0xFFFFFFFF;
	(pc) =	sbr.abs _section_cstart, $3  }
0xc1: {  	[dreg:$0x1] =	wrdreg $0xFFFFFFFF  }
0xc2: {  	_ =	task.clear_ibuf [dreg:s7], $0x2FFFF;
	_ =	strace $0x9FFFFFFF  }
0xc3: {  	(tm) =	ssettm $0x7FFFFFFF  }
tec
execute0_lowered:
.L_overlay_start_1:
0x0: {  	(tag) =	ssettag $0x1  }
0x1: {  	s6 =	rddreg [dreg:$0x0]  }
0x2: {  	s0 =	srdreg.scid;
	s2 =	rddreg [dreg:$0x1]  }
0x3: {  	s23 =	stileid.u32;
	s3 =	rddreg [dreg:$0x2];
	s4 =	simm.s32 $0x0  }
0x4: {  	s19 =	simm.s32 $0x7;
	s20 =	simm.s32 $0x80;
	s21 =	simm.s32 $0x100  }
0x5: {  	s22 =	simm.s32 $0x180;
	s7 =	sand.u32 $0x1, s0;
	s8 =	smul.u32 $0x14000, s23  }
0x6: {  	[smem:$0x7FF] =	sst s4;
	s24 =	sshll.u32 s23, $0x2;
	s5 =	smul.u32 $0x140000, s7  }
0x7: {  	s10 =	smul.u32 $0x50000, s23;
	_ =	strace $0x8000004D;
	s9 =	ssub.s32 $0x2, s7  }
0x8: {  	p0 =	seq.s32 s7, $0x0;
	s25 =	sshrl.u32 s9, $0x1;
	s8 =	sadd.s32 s8, s5  }
0x9: {  	s26 =	sshrl.u32 s10, $0x2;
	s5 =	sadd.s32 $0x2A00, s6;
	s8 =	sshrl.u32 s8, $0x3  }
0xa: {  	s15 =	ssub.s32 s9, s25;
	s14 =	sadd.s32 s8, s6;
	s6 =	smul.u32 $0x9C, s23  }
0xb: {  	s7 =	sadd.s32 s26, s3;
	s15 =	smax.u32 s15, $0x1;
	s8 =	sor.u32 $0x9C0, s24  }
0xc: {  	s23 =	simm.s32 $0x200;
	s24 =	simm.s32 $0x280;
	s8 =	smov.u32 @p0 s6  }
0xd: {  	s14 =	sadd.s32 $0x2AA00, s14;
	s6 =	simm.s32 $0x9C;
	s17 =	sshll.u32 s8, $0x7  }
0xe: {  	s6 =	simm.s32 @!p0 $0x4;
	s8 =	sshll.u32 s8, $0x4;
	s11 =	sand.u32 $0x7FC00, s17  }
0xf: {  	s28 =	sand.u32 $0x200, s17;
	s8 =	sadd.s32 s2, s8;
	s17 =	sor.u32 $0x180, s17  }
0x10: {  	s12 =	sadd.s32 $0x50000, s11;
	s13 =	sor.u32 $0x80, s28;
	s18 =	sor.u32 $0x100, s28  }
0x11: {  	s29 =	sor.u32 s28, s12;
	s16 =	sor.u32 s11, s13;
	s13 =	sor.u32 s13, s12  }
.Ltmp0:
0x12: {  	s11 =	sor.u32 s11, s18;
	s18 =	sor.u32 s18, s12;
	(pc) =	sbr.rel .LBB2_1-.Ltmp0, $4  }
0x13: {  	s9 =	sshrl.u32 s29, $0x3;
	s16 =	sshrl.u32 s16, $0x3;
	s13 =	sshrl.u32 s13, $0x3  }
0x14: {  	s30 =	sshrl.u32 s11, $0x3;
	s31 =	sshrl.u32 s18, $0x3;
	s18 =	simm.s32 $0x400  }
0x15: {  	s9 =	sadd.s32 s2, s9;
	s10 =	sadd.s32 s2, s16;
	s11 =	sadd.s32 s2, s13  }
0x16: {  	v0 =	vimm.f32 $0.0e+00;
	s12 =	sadd.s32 s2, s30;
	s13 =	sadd.s32 s2, s31;
	s16 =	sadd.s32 $0x30, s8  }
.LBB2_7:
0x17: {  	s0 =	stileid.u32;
	s4 =	sadd.s32 $0x1, s4  }
0x18: {  	[bflag:$0x0] =	sbarrier.arrive $0xFFFF;
	s0 =	sshll.u32 s0, $0x6;
	p0 =	sne.s32 s4, s15  }
.Ltmp1:
0x19: {  	s1 =	sshrl.u32 s7, $0x3;
	s0 =	sor.u32 $0x1C07, s0;
	(pc) =	sbr.rel @!p0 .LBB2_8-.Ltmp1, $4  }
0x1a: {  	[hbm:s14], [sflag:s0] =	dma.local [spmem:s1], $0x2800  }
0x1b: {  	_ =	swait.ge [sflag:s19], $0x2800  }
0x1c: {  	[sflag:s19] =	ssyncset.done $0x0  }
0x1d: {  	[sflag:s19] =	ssyncadd.s32 $0xFFFFD800  }
.LBB2_1:
0x1e: {  	[tilespmem:$0x400] =	vst v0  }
0x1f: {  	[tilespmem:$0x410] =	vst v0  }
0x20: {  	[tilespmem:$0x420] =	vst v0  }
0x21: {  	[tilespmem:$0x430] =	vst v0  }
0x22: {  	[tilespmem:$0x440] =	vst v0  }
0x23: {  	[tilespmem:$0x450] =	vst v0  }
0x24: {  	[tilespmem:$0x460] =	vst v0  }
0x25: {  	[tilespmem:$0x470] =	vst v0  }
0x26: {  	[tilespmem:$0x480] =	vst v0  }
0x27: {  	[tilespmem:$0x490] =	vst v0  }
0x28: {  	[tilespmem:$0x4A0] =	vst v0  }
0x29: {  	[tilespmem:$0x4B0] =	vst v0  }
0x2a: {  	[tilespmem:$0x4C0] =	vst v0  }
0x2b: {  	[tilespmem:$0x4D0] =	vst v0  }
0x2c: {  	[tilespmem:$0x4E0] =	vst v0  }
0x2d: {  	[tilespmem:$0x4F0] =	vst v0  }
0x2e: {  	[tilespmem:$0x500] =	vst v0  }
0x2f: {  	[tilespmem:$0x510] =	vst v0  }
0x30: {  	[tilespmem:$0x520] =	vst v0  }
0x31: {  	[tilespmem:$0x530] =	vst v0  }
0x32: {  	[tilespmem:$0x540] =	vst v0  }
0x33: {  	[tilespmem:$0x550] =	vst v0  }
0x34: {  	[tilespmem:$0x560] =	vst v0  }
0x35: {  	[tilespmem:$0x570] =	vst v0  }
0x36: {  	[tilespmem:$0x580] =	vst v0  }
0x37: {  	[tilespmem:$0x590] =	vst v0  }
0x38: {  	[tilespmem:$0x5A0] =	vst v0  }
0x39: {  	[tilespmem:$0x5B0] =	vst v0  }
0x3a: {  	[tilespmem:$0x5C0] =	vst v0  }
0x3b: {  	[tilespmem:$0x5D0] =	vst v0  }
0x3c: {  	[tilespmem:$0x5E0] =	vst v0  }
0x3d: {  	[tilespmem:$0x5F0] =	vst v0  }
0x3e: {  	[tilespmem:$0x600] =	vst v0  }
0x3f: {  	[tilespmem:$0x610] =	vst v0  }
0x40: {  	[tilespmem:$0x620] =	vst v0  }
0x41: {  	[tilespmem:$0x630] =	vst v0  }
0x42: {  	[tilespmem:$0x640] =	vst v0  }
0x43: {  	[tilespmem:$0x650] =	vst v0  }
0x44: {  	[tilespmem:$0x660] =	vst v0  }
0x45: {  	[tilespmem:$0x670] =	vst v0  }
0x46: {  	[tilespmem:$0x680] =	vst v0  }
0x47: {  	[tilespmem:$0x690] =	vst v0  }
0x48: {  	[tilespmem:$0x6A0] =	vst v0  }
0x49: {  	[tilespmem:$0x6B0] =	vst v0  }
0x4a: {  	[tilespmem:$0x6C0] =	vst v0  }
0x4b: {  	[tilespmem:$0x6D0] =	vst v0  }
0x4c: {  	[tilespmem:$0x6E0] =	vst v0  }
0x4d: {  	[tilespmem:$0x6F0] =	vst v0  }
0x4e: {  	[tilespmem:$0x700] =	vst v0  }
0x4f: {  	[tilespmem:$0x710] =	vst v0  }
0x50: {  	[tilespmem:$0x720] =	vst v0  }
0x51: {  	[tilespmem:$0x730] =	vst v0  }
0x52: {  	[tilespmem:$0x740] =	vst v0  }
0x53: {  	[tilespmem:$0x750] =	vst v0  }
0x54: {  	[tilespmem:$0x760] =	vst v0  }
0x55: {  	[tilespmem:$0x770] =	vst v0  }
0x56: {  	[tilespmem:$0x780] =	vst v0  }
0x57: {  	[tilespmem:$0x790] =	vst v0  }
0x58: {  	[tilespmem:$0x7A0] =	vst v0  }
0x59: {  	[tilespmem:$0x7B0] =	vst v0  }
0x5a: {  	[tilespmem:$0x7C0] =	vst v0  }
0x5b: {  	[tilespmem:$0x7D0] =	vst v0  }
0x5c: {  	[tilespmem:$0x7E0] =	vst v0  }
0x5d: {  	[tilespmem:$0x7F0] =	vst v0  }
0x5e: {  	[tilespmem:$0x800] =	vst v0  }
0x5f: {  	[tilespmem:$0x810] =	vst v0  }
0x60: {  	[tilespmem:$0x820] =	vst v0  }
0x61: {  	[tilespmem:$0x830] =	vst v0  }
0x62: {  	[tilespmem:$0x840] =	vst v0  }
0x63: {  	[tilespmem:$0x850] =	vst v0  }
0x64: {  	[tilespmem:$0x860] =	vst v0  }
0x65: {  	[tilespmem:$0x870] =	vst v0  }
0x66: {  	[tilespmem:$0x880] =	vst v0  }
0x67: {  	[tilespmem:$0x890] =	vst v0  }
0x68: {  	[tilespmem:$0x8A0] =	vst v0  }
0x69: {  	[tilespmem:$0x8B0] =	vst v0  }
0x6a: {  	[tilespmem:$0x8C0] =	vst v0  }
0x6b: {  	[tilespmem:$0x8D0] =	vst v0  }
0x6c: {  	[tilespmem:$0x8E0] =	vst v0  }
0x6d: {  	[tilespmem:$0x8F0] =	vst v0  }
0x6e: {  	[tilespmem:$0x900] =	vst v0  }
0x6f: {  	[tilespmem:$0x910] =	vst v0  }
0x70: {  	[tilespmem:$0x920] =	vst v0  }
0x71: {  	[tilespmem:$0x930] =	vst v0  }
0x72: {  	[tilespmem:$0x940] =	vst v0  }
0x73: {  	[tilespmem:$0x950] =	vst v0  }
0x74: {  	[tilespmem:$0x960] =	vst v0  }
0x75: {  	[tilespmem:$0x970] =	vst v0  }
0x76: {  	[tilespmem:$0x980] =	vst v0  }
0x77: {  	[tilespmem:$0x990] =	vst v0  }
0x78: {  	[tilespmem:$0x9A0] =	vst v0  }
0x79: {  	[tilespmem:$0x9B0] =	vst v0  }
0x7a: {  	[tilespmem:$0x9C0] =	vst v0  }
0x7b: {  	[tilespmem:$0x9D0] =	vst v0  }
0x7c: {  	[tilespmem:$0x9E0] =	vst v0  }
0x7d: {  	[tilespmem:$0x9F0] =	vst v0  }
0x7e: {  	[tilespmem:$0xA00] =	vst v0  }
0x7f: {  	[tilespmem:$0xA10] =	vst v0  }
0x80: {  	[tilespmem:$0xA20] =	vst v0  }
0x81: {  	[tilespmem:$0xA30] =	vst v0  }
0x82: {  	[tilespmem:$0xA40] =	vst v0  }
0x83: {  	[tilespmem:$0xA50] =	vst v0  }
0x84: {  	[tilespmem:$0xA60] =	vst v0  }
0x85: {  	[tilespmem:$0xA70] =	vst v0  }
0x86: {  	[tilespmem:$0xA80] =	vst v0  }
0x87: {  	[tilespmem:$0xA90] =	vst v0  }
0x88: {  	[tilespmem:$0xAA0] =	vst v0  }
0x89: {  	[tilespmem:$0xAB0] =	vst v0  }
0x8a: {  	[tilespmem:$0xAC0] =	vst v0  }
0x8b: {  	[tilespmem:$0xAD0] =	vst v0  }
0x8c: {  	[tilespmem:$0xAE0] =	vst v0  }
0x8d: {  	[tilespmem:$0xAF0] =	vst v0  }
0x8e: {  	[tilespmem:$0xB00] =	vst v0  }
0x8f: {  	[tilespmem:$0xB10] =	vst v0  }
0x90: {  	[tilespmem:$0xB20] =	vst v0  }
0x91: {  	[tilespmem:$0xB30] =	vst v0  }
0x92: {  	[tilespmem:$0xB40] =	vst v0  }
0x93: {  	[tilespmem:$0xB50] =	vst v0  }
0x94: {  	[tilespmem:$0xB60] =	vst v0  }
0x95: {  	[tilespmem:$0xB70] =	vst v0  }
0x96: {  	[tilespmem:$0xB80] =	vst v0  }
0x97: {  	[tilespmem:$0xB90] =	vst v0  }
0x98: {  	[tilespmem:$0xBA0] =	vst v0  }
0x99: {  	[tilespmem:$0xBB0] =	vst v0  }
0x9a: {  	[tilespmem:$0xBC0] =	vst v0  }
0x9b: {  	[tilespmem:$0xBD0] =	vst v0  }
0x9c: {  	[tilespmem:$0xBE0] =	vst v0  }
0x9d: {  	[tilespmem:$0xBF0] =	vst v0;
	s25 =	sadd.s32 $0x0, s7  }
0x9e: {  	[spmem:s25] =	stream.linear.scatter [tilespmem:s18], [sflag:$0x7], $0x800, $0x38;
	[tilespmem:$0x1C400] =	vst v63  }
0x9f: {  	s25 =	simm.s32 $0x2000;
	_ =	swait.ge [sflag:s19], $0x800  }
.LBB2_2:
0xa0: {  	s26 =	sshra.s32 s25, $0x2;
	[sflag:s19] =	ssyncset.done $0x0;
	p0 =	sne.s32 s25, $0x4E000  }
.Ltmp2:
0xa1: {  	s26 =	sadd.s32 s26, s7;
	[sflag:s19] =	ssyncadd.s32 $0xFFFFF800;
	(pc) =	sbr.rel @p0 .LBB2_2-.Ltmp2, $3  }
0xa2: {  	[spmem:s26] =	stream.linear.scatter [tilespmem:s18], [sflag:$0x7], $0x800, $0x38;
	[tilespmem:$0x1C400] =	vst v63  }
0xa3: {  	s25 =	sadd.s32 $0x2000, s25;
	_ =	sdelay $0x1  }
0xa4: {  	_ =	swait.ge [sflag:s19], $0x800  }
0xa5: {  	[sflag:s19] =	ssyncset.done $0x0  }
0xa6: {  	s29 =	simm.s32 $0x0;
	[sflag:s19] =	ssyncadd.s32 $0xFFFFF800  }
0xa7: {  	[tilespmem:s29], [sflag:$0x1] =	stream.linear.gather [hbm4b:s8+s29], $0x80, $0x38;
	[tilespmem:$0x1C400] =	vst v63  }
0xa8: {  	_ = 	snop  }
0xa9: {  	[tilespmem:s20], [sflag:$0x1] =	stream.linear.gather [hbm4b:s9+s29], $0x80, $0x38;
	[tilespmem:$0x1C400] =	vst v63  }
0xaa: {  	_ = 	snop  }
0xab: {  	[tilespmem:s21], [sflag:$0x2] =	stream.linear.gather [hbm4b:s10+s29], $0x80, $0x38;
	[tilespmem:$0x1C400] =	vst v63  }
0xac: {  	_ = 	snop  }
0xad: {  	[tilespmem:s22], [sflag:$0x2] =	stream.linear.gather [hbm4b:s11+s29], $0x80, $0x38;
	[tilespmem:$0x1C400] =	vst v63  }
0xae: {  	_ = 	snop  }
0xaf: {  	[tilespmem:s23], [sflag:$0x3] =	stream.linear.gather [hbm4b:s12+s29], $0x80, $0x38;
	[tilespmem:$0x1C400] =	vst v63  }
.Ltmp3:
0xb0: {  	_ = 	snop;
	(pc) =	sbr.rel .LBB2_4-.Ltmp3, $4  }
0xb1: {  	_ = 	snop  }
0xb2: {  	[tilespmem:s24], [sflag:$0x3] =	stream.linear.gather [hbm4b:s13+s29], $0x80, $0x38;
	[tilespmem:$0x1C400] =	vst v63  }
0xb3: {  	[bflag:$0x0] =	sbarrier.arrive $0xFFFF  }
0xb4: {  	s25 =	simm.s32 $0xFFFFFC00;
	s26 =	smov.u32 s17;
	s28 =	smov.u32 s16  }
.LBB2_6:
0xb5: {  	s1 =	sadd.s32 $0xFFFFFFFF, s29  }
0xb6: {  	p2 =	sge.u32 s1, s6  }
0xb7: {  	s30 =	sand.u32 @!p2 $0x1, s1  }
0xb8: {  	p0 =	seq.s32 @!p2 s30, $0x1  }
0xb9: {  	s30 =	simm.s32 @!p2 $0x6;
	p0 =	por !p0, p2  }
0xba: {  	s31 =	sand.u32 @!p2 $0xC00, s25;
	s30 =	simm.s32 @p0 $0x5  }
0xbb: {  	s31 =	sshrl.u32 @!p2 s31, $0x2;
	_ =	swait.ge @!p2 [sflag:s30], $0x4000  }
0xbc: {  	s0 =	simm.s32 @!p2 $0x4400;
	s31 =	sor.u32 @!p2 $0x80, s31;
	[sflag:s30] =	ssyncset.done @!p2 $0x0  }
0xbd: {  	s0 =	simm.s32 @p0 $0x400;
	[sflag:s30] =	ssyncadd.s32 @!p2 $0xFFFFC000;
	s30 =	simm.s32 @!p2 $0x80  }
0xbe: {  	[spmem:s3] =	stream.indirect.scatter.add.f32 @!p2 [tilespmem:s0], [sflag:$0x7], $0x80, s31, s30, $0xb8;
	[tilespmem:$0x1C400] =	vst v63  }
0xbf: {  	s0 =	sadd.s32 $0x4, s1  }
0xc0: {  	s1 =	sadd.s32 $0x3, s29;
	p0 =	sge.u32 s0, s6  }
0xc1: {  	s1 =	sand.u32 @!p0 $0x3, s1  }
0xc2: {  	p1 =	sgt.s32 @!p0 s1, $0x1  }
0xc3: {  	s29 =	simm.s32 @!p2 $0x7;
	p3 =	por !p1, p0  }
0xc4: {  	_ =	swait.ge @!p2 [sflag:s29], $0x4000;
	p3 =	seq.s32 @!p3 s1, $0x2  }
0xc5: {  	[sflag:s29] =	ssyncset.done @!p2 $0x0;
	s30 =	sand.u32 @!p0 $0x7FFFFF80, s26;
	p4 =	por @!p0 !p3, !p1  }
0xc6: {  	[sflag:s29] =	ssyncadd.s32 @!p2 $0xFFFFC000;
	s29 =	sadd.s32 @!p0 $0x50000, s30;
	p2 =	por p4, p0  }
0xc7: {  	s29 =	sshrl.u32 @!p0 s29, $0x3;
	s30 =	simm.s32 @!p2 $0x0;
	s31 =	simm.s32 @!p2 $0x200  }
0xc8: {  	[tilespmem:s31], [sflag:$0x3] =	stream.linear.gather @!p2 [hbm4b:s28+s30], $0x80, $0x38;
	[tilespmem:$0x1C400] =	vst v63  }
0xc9: {  	s29 =	sadd.s32 @!p0 s2, s29;
	s31 =	simm.s32 @!p2 $0x280  }
0xca: {  	[tilespmem:s31], [sflag:$0x3] =	stream.linear.gather @!p2 [hbm4b:s29+s30], $0x80, $0x38;
	[tilespmem:$0x1C400] =	vst v63  }
0xcb: {  	p2 =	por @!p0 p3, !p1  }
0xcc: {  	p2 =	por p2, p0  }
0xcd: {  	s30 =	simm.s32 @!p2 $0x0;
	s31 =	simm.s32 @!p2 $0x300  }
0xce: {  	[tilespmem:s31], [sflag:$0x4] =	stream.linear.gather @!p2 [hbm4b:s28+s30], $0x80, $0x38;
	[tilespmem:$0x1C400] =	vst v63  }
0xcf: {  	s31 =	simm.s32 @!p2 $0x380  }
0xd0: {  	[tilespmem:s31], [sflag:$0x4] =	stream.linear.gather @!p2 [hbm4b:s29+s30], $0x80, $0x38;
	[tilespmem:$0x1C400] =	vst v63  }
0xd1: {  	p2 =	por p1, p0  }
0xd2: {  	p2 =	seq.s32 @!p2 s1, $0x0  }
0xd3: {  	p3 =	por @!p0 !p2, p1  }
0xd4: {  	p3 =	por p3, p0  }
0xd5: {  	p1 =	por @!p0 p2, p1;
	s1 =	simm.s32 @!p3 $0x0  }
0xd6: {  	[tilespmem:s1], [sflag:$0x1] =	stream.linear.gather @!p3 [hbm4b:s28+s1], $0x80, $0x38;
	[tilespmem:$0x1C400] =	vst v63  }
0xd7: {  	p0 =	por p1, p0;
	s30 =	simm.s32 @!p3 $0x80  }
0xd8: {  	[tilespmem:s30], [sflag:$0x1] =	stream.linear.gather @!p3 [hbm4b:s29+s1], $0x80, $0x38;
	[tilespmem:$0x1C400] =	vst v63  }
0xd9: {  	s1 =	simm.s32 @!p0 $0x0;
	s30 =	simm.s32 @!p0 $0x100  }
0xda: {  	[tilespmem:s30], [sflag:$0x2] =	stream.linear.gather @!p0 [hbm4b:s28+s1], $0x80, $0x38;
	[tilespmem:$0x1C400] =	vst v63  }
0xdb: {  	s30 =	simm.s32 @!p0 $0x180  }
0xdc: {  	[tilespmem:s30], [sflag:$0x2] =	stream.linear.gather @!p0 [hbm4b:s29+s1], $0x80, $0x38;
	[tilespmem:$0x1C400] =	vst v63  }
0xdd: {  	s29 =	sadd.s32 $0xFFFFFFFE, s0  }
0xde: {  	p0 =	sne.s32 s29, $0x9D  }
.Ltmp4:
0xdf: {  	_ = 	snop;
	(pc) =	sbr.rel @!p0 .LBB2_7-.Ltmp4, $2  }
0xe0: {  	_ =	sdelay $0x2  }
0xe1: {  	s25 =	sadd.s32 $0x400, s25;
	s26 =	sadd.s32 $0x80, s26;
	s28 =	sadd.s32 $0x10, s28  }
.LBB2_4:
0xe2: {  	p0 =	sge.u32 s29, s6  }
.Ltmp5:
0xe3: {  	_ = 	snop;
	(pc) =	sbr.rel @p0 .LBB2_6-.Ltmp5, $1  }
0xe4: {  	_ =	sdelay $0x3  }
0xe5: {  	s30 =	sand.u32 $0x3, s29  }
0xe6: {  	p0 =	sgt.s32 s30, $0x1  }
0xe7: {  	p1 =	seq.s32 @p0 s30, $0x2  }
0xe8: {  	p2 =	seq.s32 @!p0 s30, $0x0;
	p1 =	por !p1, !p0  }
0xe9: {  	s31 =	simm.s32 $0x1;
	p2 =	por !p2, p0;
	s1 =	simm.s32 @!p1 $0x3  }
0xea: {  	s31 =	simm.s32 @p2 $0x2;
	s1 =	simm.s32 @p1 $0x4  }
0xeb: {  	s31 =	smov.u32 @p0 s1  }
0xec: {  	_ =	swait.ge [sflag:s31], $0x80  }
0xed: {  	[sflag:s31] =	ssyncset.done $0x0  }
0xee: {  	s0 =	sand.u32 $0x1, s29;
	[sflag:s31] =	ssyncadd.s32 $0xFFFFFF80  }
0xef: {  	p0 =	seq.s32 s0, $0x1;
	_ =	swait.ge [sflag:s31], $0x80  }
.Ltmp6:
0xf0: {  	s1 =	sshll.u32 s30, $0x8;
	[sflag:s31] =	ssyncset.done $0x0;
	(pc) =	sbr.rel .LBB2_6-.Ltmp6, $4  }
0xf1: {  	s30 =	simm.s32 @p0 $0x80;
	[sflag:s31] =	ssyncadd.s32 $0xFFFFFF80;
	s31 =	simm.s32 @p0 $0x4400  }
0xf2: {  	[tilespmem:s31], [sflag:$0x6] =	stream.indirect.gather @p0 [hbm4b:s5+s30], $0x80, s1, s30, $0xb8;
	[tilespmem:$0x1C400] =	vst v63  }
0xf3: {  	s30 =	simm.s32 @!p0 $0x80;
	s31 =	simm.s32 @!p0 $0x400  }
0xf4: {  	[tilespmem:s31], [sflag:$0x5] =	stream.indirect.gather @!p0 [hbm4b:s5+s30], $0x80, s1, s30, $0xb8;
	[tilespmem:$0x1C400] =	vst v63  }
.LBB2_8:
0xf5: {  	_ =	sfence.sel $0x180000  }
0xf6: {  	[bflag:$0x0] =	sbarrier.arrive $0xFFFF  }
0xf7: {  	_ =	strace $0x9000004D  }
0xf8: {  	s0 =	stileid.u32;
	[bflag:$0x2] =	sbarrier.arrive $0xFFFF  }
0xf9: {  	p0 =	sne.s32 s0, $0x0;
	s0 =	rddreg [dreg:$0x3]  }
0xfa: {  	s0 =	sadd.s32 @!p0 $0x100000, s0  }
0xfb: {  	[sflag:s0] =	ssyncadd.tile.s32 @!p0 $0x1;
	_ =	shalt  }
.Lfunc_end2:
_tile_overlayer_lowered:
.L_overlay_start_2:
0xfc: {  	(tag) =	ssettag $0x2  }
0xfd: {  	s0 =	rddreg [dreg:$0x0];
	s2 =	stileid.u32  }
0xfe: {  	s1 =	rddreg [dreg:$0x1];
	p0 =	sne.s32 s2, $0x0  }
0xff: {  	s3 =	rddreg [dreg:$0x2];
	[bflag:$0x3] =	sbarrier.arrive $0xFFFF;
	s2 =	simm.s32 @!p0 $0x1C07  }
0x100: {  	[timem:s3], [sflag:s2] =	dma.local @!p0 [hbm:s0], s1  }
0x101: {  	s0 =	simm.s32 @!p0 $0x7  }
0x102: {  	_ =	swait.ge @!p0 [sflag:s0], s1  }
0x103: {  	s1 =	ssub.s32 @!p0 $0x0, s1;
	[sflag:s0] =	ssyncset.done @!p0 $0x0  }
0x104: {  	[sflag:s0] =	ssyncadd.s32 @!p0 s1  }
0x105: {  	[bflag:$0x3] =	sbarrier.arrive $0xFFFF  }
0x106: {  	_ =	shalt  }

// kernel: kernel.8.cloned.1.call-start
scs
__scs_entry_jumppad:
0x0: {  	(pc) =	sbr.rel $0x88, $3  }
0x1: {  	(tag) =	ssettag $0x0;
	lr =	simm.s32 $0x1  }
0x2: {  	[smem:$0x3F9B] =	sst lr;
	_ =	strace $0xD0000000  }
0x3: {  	_ = 	snop  }
0x4: {  	_ = 	snop  }
0x5: {  	_ = 	snop  }
0x6: {  	_ = 	snop  }
0x7: {  	_ = 	snop  }
__scs_overlays_trampoline_lowered:
0x8: {  	[smem:$0x3FAA] =	sst s0  }
0x9: {  	[smem:$0x3FAB] =	sst s1  }
0xa: {  	[smem:$0x3FAC] =	sst s2  }
0xb: {  	[smem:$0x3FAD] =	sst s3  }
0xc: {  	[smem:$0x3FAE] =	sst s4  }
0xd: {  	[smem:$0x3FAF] =	sst s5  }
0xe: {  	[smem:$0x3FB0] =	sst s6  }
0xf: {  	[smem:$0x3FB1] =	sst s7  }
0x10: {  	[smem:$0x3FB2] =	sst s8  }
0x11: {  	[smem:$0x3FB3] =	sst s9;
	s0 =	simm.s32 @!p0 $0x0  }
0x12: {  	s1 =	sld [smem:$0x3F99];
	s0 =	simm.s32 @p0 $0x1  }
0x13: {  	[smem:$0x3FB4] =	sst s0;
	s0 =	simm.s32 @!p1 $0x0  }
0x14: {  	s2 =	sld [smem:$0x3F98];
	s0 =	simm.s32 @p1 $0x1  }
0x15: {  	[smem:$0x3FB5] =	sst s0;
	s0 =	simm.s32 @!p2 $0x0  }
0x16: {  	s3 =	sld [smem:$0x3FDB];
	s0 =	simm.s32 @p2 $0x1  }
0x17: {  	s4 =	simm.s32 $0x1BF5;
	[smem:$0x3FB7] =	sst s0  }
0x18: {  	s0 =	sld [smem:$0x3F9A];
	_ =	swait.ge [sflag:s4], $0x0  }
0x19: {  	s7 =	sld [smem:$0x3F9B]  }
0x1a: {  	s8 =	sadd.s32 $0xFFFFE003, lr  }
0x1b: {  	s9 =	sadd.s32 $0xFFFFFEF7, lr;
	s5 =	simm.s32 $0xFFFFFFFF;
	p2 =	slt.u32 s8, $0xFFFFF086  }
0x1c: {  	p1 =	slt.u32 s9, $0xF7A;
	s5 =	simm.s32 @!p2 $0x0  }
0x1d: {  	s5 =	simm.s32 @p1 $0x1;
	p0 =	seq.s32 s7, s2  }
0x1e: {  	s7 =	smul.u32 @!p0 $0xF7A, s2;
	p2 =	seq.s32 @!p0 s5, $0x0  }
0x1f: {  	s9 =	smul.u32 $0xF7A, s1;
	s8 =	simm.s32 @!p0 $0x1BF5;
	p2 =	por !p2, p0  }
0x20: {  	[sflag:s8] =	ssyncset.s32 @!p0 $0xFFFFF086;
	s6 =	sadd.s32 @!p0 s3, s7;
	s7 =	simm.s32 @!p0 $0x108  }
0x21: {  	s3 =	sadd.s32 s3, s9;
	s6 =	sadd.s32 @!p0 $0x88, s6;
	s7 =	simm.s32 @p2 $0x1082  }
0x22: {  	[simem:s7], [sflag:s8] =	dma.local @!p0 [hbm:s6], $0xF7A  }
0x23: {  	s9 =	sor.u32 $0xD0000000, s2;
	s6 =	simm.s32 $0x108;
	_ =	swait.ge @!p0 [sflag:s8], $0x0  }
0x24: {  	s3 =	sadd.s32 $0x88, s3;
	s6 =	simm.s32 @!p1 $0x1082;
	[sflag:s4] =	ssyncset.s32 $0xFFFFF086  }
0x25: {  	[simem:s6], [sflag:s4] =	dma.local [hbm:s3], $0xF7A  }
0x26: {  	[smem:$0x3F9B] =	sst s1;
	(tag) =	ssettag s2;
	_ =	strace s9  }
0x27: {  	s1 =	sld [smem:$0x3FAB]  }
0x28: {  	s2 =	sld [smem:$0x3FAC]  }
0x29: {  	s4 =	sld [smem:$0x3FAE]  }
0x2a: {  	p0 =	seq.s32 s5, $0x0;
	s5 =	sld [smem:$0x3FAF]  }
0x2b: {  	s6 =	sld [smem:$0x3FB0]  }
0x2c: {  	s7 =	sld [smem:$0x3FB1]  }
0x2d: {  	s3 =	simm.s32 $0x108;
	s8 =	sld [smem:$0x3FB2]  }
0x2e: {  	s3 =	simm.s32 @!p0 $0x1082;
	s9 =	sld [smem:$0x3FB3]  }
0x2f: {  	lr =	sadd.s32 s0, s3;
	s0 =	sld [smem:$0x3FAA]  }
0x30: {  	s3 =	sld [smem:$0x3FAD]  }
0x31: {  	[smem:$0x3FB6] =	sst s10  }
0x32: {  	s10 =	sld [smem:$0x3FB4];
	_ =	sdelay $0x3  }
0x33: {  	p0 =	seq.s32 s10, $0x1;
	s10 =	sld [smem:$0x3FB6];
	_ =	sdelay $0x3  }
0x34: {  	[smem:$0x3FB6] =	sst s10  }
0x35: {  	s10 =	sld [smem:$0x3FB5];
	_ =	sdelay $0x3  }
0x36: {  	p1 =	seq.s32 s10, $0x1;
	s10 =	sld [smem:$0x3FB6];
	_ =	sdelay $0x3  }
0x37: {  	[smem:$0x3FB6] =	sst s10  }
0x38: {  	s10 =	sld [smem:$0x3FB7]  }
0x39: {  	_ = 	snop;
	(pc) =	sbr.ind lr, $3  }
0x3a: {  	_ = 	snop  }
0x3b: {  	_ = 	snop  }
0x3c: {  	p2 =	seq.s32 s10, $0x1;
	s10 =	sld [smem:$0x3FB6]  }
0x3d: {  	_ =	shalt  }
0x3e: {  	_ =	shalt  }
0x3f: {  	_ =	shalt  }
0x40: {  	_ =	shalt  }
0x41: {  	_ =	shalt  }
0x42: {  	_ =	shalt  }
0x43: {  	_ =	shalt  }
0x44: {  	_ =	shalt  }
0x45: {  	_ =	shalt  }
0x46: {  	_ =	shalt  }
0x47: {  	_ =	shalt  }
0x48: {  	_ =	shalt  }
0x49: {  	_ =	shalt  }
0x4a: {  	_ =	shalt  }
0x4b: {  	_ =	shalt  }
0x4c: {  	_ =	shalt  }
0x4d: {  	_ =	shalt  }
0x4e: {  	_ =	shalt  }
0x4f: {  	_ =	shalt  }
0x50: {  	_ =	shalt  }
0x51: {  	_ =	shalt  }
0x52: {  	_ =	shalt  }
0x53: {  	_ =	shalt  }
0x54: {  	_ =	shalt  }
0x55: {  	_ =	shalt  }
0x56: {  	_ =	shalt  }
0x57: {  	_ =	shalt  }
0x58: {  	_ =	shalt  }
0x59: {  	_ =	shalt  }
0x5a: {  	_ =	shalt  }
0x5b: {  	_ =	shalt  }
0x5c: {  	_ =	shalt  }
0x5d: {  	_ =	shalt  }
0x5e: {  	_ =	shalt  }
0x5f: {  	_ =	shalt  }
0x60: {  	_ =	shalt  }
0x61: {  	_ =	shalt  }
0x62: {  	_ =	shalt  }
0x63: {  	_ =	shalt  }
0x64: {  	_ =	shalt  }
0x65: {  	_ =	shalt  }
0x66: {  	_ =	shalt  }
0x67: {  	_ =	shalt  }
0x68: {  	_ =	shalt  }
0x69: {  	_ =	shalt  }
0x6a: {  	_ =	shalt  }
0x6b: {  	_ =	shalt  }
0x6c: {  	_ =	shalt  }
0x6d: {  	_ =	shalt  }
0x6e: {  	_ =	shalt  }
0x6f: {  	_ =	shalt  }
0x70: {  	_ =	shalt  }
0x71: {  	_ =	shalt  }
0x72: {  	_ =	shalt  }
0x73: {  	_ =	shalt  }
0x74: {  	_ =	shalt  }
0x75: {  	_ =	shalt  }
0x76: {  	_ =	shalt  }
0x77: {  	_ =	shalt  }
0x78: {  	_ =	shalt  }
0x79: {  	_ =	shalt  }
0x7a: {  	_ =	shalt  }
0x7b: {  	_ =	shalt  }
0x7c: {  	_ =	shalt  }
0x7d: {  	_ =	shalt  }
0x7e: {  	_ =	shalt  }
0x7f: {  	_ =	shalt  }
0x80: {  	_ =	shalt  }
0x81: {  	_ =	shalt  }
0x82: {  	_ =	shalt  }
0x83: {  	_ =	shalt  }
0x84: {  	_ =	shalt  }
0x85: {  	_ =	shalt  }
0x86: {  	_ =	shalt  }
0x87: {  	_ =	shalt  }
.Lfunc_end0:
.L_simem_size_0:
called_computation_lowered:
.L_overlay_start_0:
0x88: {  	s2 =	sld [smem:$0x3FD9]  }
0x89: {  	s3 =	sld [smem:$0x3FFE];
	_ =	sdelay $0x1  }
0x8a: {  	s1 =	srdreg.scid  }
0x8b: {  	s0 =	sand.u32 $0x1, s1  }
0x8c: {  	s17 =	sshll.u32 s0, $0xA;
	s2 =	sadd.s32 s3, s2  }
0x8d: {  	s2 =	sadd.s32 s2, s17  }
0x8e: {  	[smem:$0x3FC2] =	sst s2  }
0x8f: {  	_ = 	snop  }
0x90: {  	s2 =	sld [smem:$0x3FD0];
	(tm) =	ssettm $0x1  }
0x91: {  	s18 =	sld [smem:$0x3FFB];
	_ =	sdelay $0x3  }
0x92: {  	_ =	strace s18  }
0x93: {  	s3 =	sld [smem:$0x3FFC];
	_ =	sdelay $0x3  }
0x94: {  	_ =	strace s3  }
0x95: {  	s3 =	sld [smem:$0x3FFD];
	_ =	sdelay $0x3  }
0x96: {  	_ =	strace s3  }
0x97: {  	_ =	strace $0x8FFFFFFF  }
0x98: {  	s19 =	sld [smem:$0x3FDB];
	_ =	sdelay $0x1  }
0x99: {  	s4 =	simm.s32 $_scs_section_size  }
0x9a: {  	s5 =	simm.s32 $_size__tile_overlayer_lowered;
	s6 =	simm.s32 $_tile_overlayer_lowered  }
0x9b: {  	s22 =	simm.s32 $0x1BFF;
	s21 =	sshll.u32 s6, $0x1;
	s3 =	sadd.s32 s4, s19  }
0x9c: {  	s7 =	simm.s32 $0x0;
	s20 =	sshll.u32 s5, $0x1;
	s5 =	sadd.s32 s21, s3  }
0x9d: {  	[timem:s7], [sflag:s22] =	dma.local [hbm:s5], s20  }
0x9e: {  	_ =	swait.ge [sflag:s22], s20  }
0x9f: {  	s4 =	ssub.s32 $0x0, s20;
	[sflag:s22] =	ssyncset.done $0x0  }
0xa0: {  	[sflag:s22] =	ssyncadd.s32 s4;
	_ =	sdelay $0x1  }
0xa1: {  	s23 =	simm.s32 $0x1B8B  }
0xa2: {  	_ =	swait.ge [sflag:s23], $0x1  }
0xa3: {  	[sflag:s23] =	ssyncset.done $0x0  }
0xa4: {  	s25 =	simm.s32 $0x1B8E;
	s24 =	sld [smem:$0x3FFE];
	[sflag:s23] =	ssyncadd.s32 $0xFFFFFFFF  }
0xa5: {  	s26 =	simm.s32 $execute0_lowered;
	[smem:$0x3FD2] =	sst s25  }
0xa6: {  	s5 =	sshll.u32 s26, $0x1;
	_ =	strace $0x80000046;
	[dreg:$0x1] =	wrdreg $0xFFFFFFFF  }
0xa7: {  	s28 =	simm.s32 $_size_execute0_lowered;
	s3 =	sadd.s32 s3, s5;
	[dreg:$0x0] =	wrdreg $0x0  }
0xa8: {  	s5 =	sshll.u32 s28, $0x1;
	[dreg:$0x2] =	wrdreg s3  }
0xa9: {  	[dreg:$0x3] =	wrdreg s5  }
0xaa: {  	[dreg:$0x4] =	wrdreg $0xC0  }
0xab: {  	_ =	task [dreg:s7], $0x5FFFF  }
0xac: {  	[dreg:$0x1] =	wrdreg $0xFFFFFFFF  }
0xad: {  	[dreg:$0x0] =	wrdreg $0x60  }
0xae: {  	[dreg:$0x2] =	wrdreg s2  }
0xaf: {  	[dreg:$0x3] =	wrdreg s24  }
0xb0: {  	[dreg:$0x4] =	wrdreg $0x2A800  }
0xb1: {  	[dreg:$0x5] =	wrdreg $0x9  }
0xb2: {  	_ =	task.clear_ibuf [dreg:s7], $0x6FFFF;
	_ =	strace $0x90000046  }
0xb3: {  	s29 =	simm.s32 $0x9;
	_ =	strace $0x80000048  }
0xb4: {  	_ =	swait.ge [sflag:s29], $0x1  }
0xb5: {  	[sflag:s29] =	ssyncadd.s32 $0xFFFFFFFF  }
0xb6: {  	_ =	strace $0x90000048  }
0xb7: {  	_ =	sfence  }
0xb8: {  	s30 =	sld [smem:$0x0];
	_ =	sdelay $0x2  }
0xb9: {  	s31 =	sshll.u32 s1, $0xD;
	s1 =	sshrl.u32 s1, $0x2  }
0xba: {  	s3 =	sand.u32 $0x4000, s31;
	s1 =	sadd.s32 s1, s30  }
0xbb: {  	s0 =	sor.u32 s3, s0;
	s1 =	sshll.u32 s1, $0x11  }
0xbc: {  	s0 =	sor.u32 s1, s0  }
0xbd: {  	s0 =	sadd.s32 $0x8F2B, s0  }
0xbe: {  	[sflag:s0] =	ssyncadd.remote.s32 $0x1  }
0xbf: {  	_ =	sfence.sel $0xFFFF  }
0xc0: {  	[dreg:$0x0] =	wrdreg $0xFFFFFFFF;
	(pc) =	sbr.abs _section_cstart, $3  }
0xc1: {  	[dreg:$0x1] =	wrdreg $0xFFFFFFFF  }
0xc2: {  	_ =	task.clear_ibuf [dreg:s7], $0x2FFFF;
	_ =	strace $0x9FFFFFFF  }
0xc3: {  	(tm) =	ssettm $0x7FFFFFFF  }
tec
execute0_lowered:
.L_overlay_start_1:
0x0: {  	(tag) =	ssettag $0x1  }
0x1: {  	s4 =	rddreg [dreg:$0x0]  }
0x2: {  	s5 =	rddreg [dreg:$0x1];
	s0 =	srdreg.scid  }
0x3: {  	s2 =	rddreg [dreg:$0x2];
	s1 =	stileid.u32  }
0x4: {  	s3 =	simm.s32 $0x0;
	s10 =	simm.s32 $0x80;
	s13 =	simm.s32 $0x20  }
0x5: {  	s14 =	simm.s32 $0x10;
	s6 =	sand.u32 $0x1, s0;
	s0 =	rddreg [dreg:$0x3]  }
0x6: {  	s15 =	simm.s32 $0x0;
	s7 =	smul.u32 $0x500, s1;
	[smem:$0x7FF] =	sst s3  }
0x7: {  	s28 =	smul.u32 $0xA00, s1;
	s11 =	sshll.u32 s1, $0x6;
	s8 =	sshll.u32 s6, $0x4  }
0x8: {  	s9 =	sshll.u32 s6, $0x7;
	_ =	strace $0x80000047;
	s6 =	ssub.s32 $0x2, s6  }
0x9: {  	s11 =	sor.u32 $0x1C01, s11;
	s8 =	sor.u32 s1, s8;
	s7 =	sor.u32 s9, s7  }
0xa: {  	s29 =	sshrl.u32 s6, $0x1;
	s31 =	sshrl.u32 s28, $0x2;
	s8 =	smul.u32 $0x2800, s8  }
0xb: {  	s9 =	simm.s32 $0x2800;
	s7 =	sshrl.u32 s7, $0x3;
	s30 =	ssub.s32 s6, s29  }
0xc: {  	s7 =	sadd.s32 s7, s5;
	s5 =	sadd.s32 s31, s2;
	s8 =	sshrl.u32 s8, $0x3  }
0xd: {  	s6 =	sadd.s32 $0x2A00, s7;
	s7 =	smax.u32 s30, $0x1;
	s4 =	sadd.s32 s4, s8  }
0xe: {  	v0 =	vimm.f32 $0.0e+00;
	v1 =	vimm.f32 $1.000000000e+00;
	s12 =	sshrl.u32 s5, $0x3;
	s8 =	simm.s32 $0x1;
	s4 =	sadd.s32 $0xA000, s4  }
.LBB2_1:
0xf: {  	[tilespmem:s3], [sflag:$0x1] =	stream.linear.gather [hbm4b:s4+s3], $0x2800, $0x38;
	[tilespmem:$0x2D00] =	vst v63  }
0x10: {  	_ =	swait.ge [sflag:s8], $0x2800  }
0x11: {  	[sflag:s8] =	ssyncset.done $0x0  }
0x12: {  	[sflag:s8] =	ssyncadd.s32 $0xFFFFD800  }
0x13: {  	[tilespmem:$0x2800] =	vst v0  }
0x14: {  	[tilespmem:$0x2810] =	vst v0  }
0x15: {  	[tilespmem:$0x2820] =	vst v0  }
0x16: {  	[tilespmem:$0x2830] =	vst v0  }
0x17: {  	[tilespmem:$0x2840] =	vst v0  }
0x18: {  	[tilespmem:$0x2850] =	vst v0  }
0x19: {  	[tilespmem:$0x2860] =	vst v0  }
0x1a: {  	[tilespmem:$0x2870] =	vst v0  }
0x1b: {  	[tilespmem:$0x2880] =	vst v0  }
0x1c: {  	[tilespmem:$0x2890] =	vst v0  }
0x1d: {  	[tilespmem:$0x28A0] =	vst v0  }
0x1e: {  	[tilespmem:$0x28B0] =	vst v0  }
0x1f: {  	[tilespmem:$0x28C0] =	vst v0  }
0x20: {  	[tilespmem:$0x28D0] =	vst v0  }
0x21: {  	[tilespmem:$0x28E0] =	vst v0  }
0x22: {  	[tilespmem:$0x28F0] =	vst v0  }
0x23: {  	[tilespmem:$0x2900] =	vst v0  }
0x24: {  	[tilespmem:$0x2910] =	vst v0  }
0x25: {  	[tilespmem:$0x2920] =	vst v0  }
0x26: {  	[tilespmem:$0x2930] =	vst v0  }
0x27: {  	[tilespmem:$0x2940] =	vst v0  }
0x28: {  	[tilespmem:$0x2950] =	vst v0  }
0x29: {  	[tilespmem:$0x2960] =	vst v0  }
0x2a: {  	[tilespmem:$0x2970] =	vst v0  }
0x2b: {  	[tilespmem:$0x2980] =	vst v0  }
0x2c: {  	[tilespmem:$0x2990] =	vst v0  }
0x2d: {  	[tilespmem:$0x29A0] =	vst v0  }
0x2e: {  	[tilespmem:$0x29B0] =	vst v0  }
0x2f: {  	[tilespmem:$0x29C0] =	vst v0  }
0x30: {  	[tilespmem:$0x29D0] =	vst v0  }
0x31: {  	[tilespmem:$0x29E0] =	vst v0  }
0x32: {  	[tilespmem:$0x29F0] =	vst v0  }
0x33: {  	[tilespmem:$0x2A00] =	vst v0  }
0x34: {  	[tilespmem:$0x2A10] =	vst v0  }
0x35: {  	[tilespmem:$0x2A20] =	vst v0  }
0x36: {  	[tilespmem:$0x2A30] =	vst v0  }
0x37: {  	[tilespmem:$0x2A40] =	vst v0  }
0x38: {  	[tilespmem:$0x2A50] =	vst v0  }
0x39: {  	[tilespmem:$0x2A60] =	vst v0  }
0x3a: {  	[tilespmem:$0x2A70] =	vst v0  }
0x3b: {  	[spmem:s5] =	stream.linear.scatter [tilespmem:s9], [sflag:$0x1], $0x280, $0x38;
	[tilespmem:$0x2D00] =	vst v63  }
0x3c: {  	_ =	swait.ge [sflag:s8], $0x280  }
0x3d: {  	[sflag:s8] =	ssyncset.done $0x0  }
0x3e: {  	[sflag:s8] =	ssyncadd.s32 $0xFFFFFD80  }
0x3f: {  	[tilespmem:$0x2800] =	vst v1  }
0x40: {  	[tilespmem:$0x2810] =	vst v1  }
0x41: {  	[tilespmem:$0x2820] =	vst v1  }
0x42: {  	[tilespmem:$0x2830] =	vst v1  }
0x43: {  	[tilespmem:$0x2840] =	vst v1  }
0x44: {  	[tilespmem:$0x2850] =	vst v1  }
0x45: {  	[tilespmem:$0x2860] =	vst v1  }
0x46: {  	[tilespmem:$0x2870] =	vst v1  }
0x47: {  	s16 =	simm.s32 $0x0;
	[bflag:$0x0] =	sbarrier.arrive $0xFFFF  }
0x48: {  	[spmem:s2] =	stream.indirect.scatter.add.f32 [tilespmem:s9], [sflag:$0x1], $0x1, s16, s10, $0xb8;
	[tilespmem:$0x2D00] =	vst v63  }
0x49: {  	_ =	swait.ge [sflag:s8], $0x80  }
0x4a: {  	s16 =	simm.s32 $0x200;
	[sflag:s8] =	ssyncset.done $0x0  }
.LBB2_2:
0x4b: {  	s17 =	sshra.s32 s16, $0x2;
	[sflag:s8] =	ssyncadd.s32 $0xFFFFFF80;
	p0 =	sne.s32 s16, $0x9E00  }
0x4c: {  	[spmem:s2] =	stream.indirect.scatter.add.f32 [tilespmem:s9], [sflag:$0x1], $0x1, s17, s10, $0xb8;
	[tilespmem:$0x2D00] =	vst v63  }
.Ltmp0:
0x4d: {  	_ = 	snop;
	(pc) =	sbr.rel @p0 .LBB2_2-.Ltmp0, $4  }
0x4e: {  	_ = 	snop  }
0x4f: {  	s16 =	sadd.s32 $0x200, s16  }
0x50: {  	_ =	swait.ge [sflag:s8], $0x80  }
0x51: {  	[sflag:s8] =	ssyncset.done $0x0  }
0x52: {  	s15 =	sadd.s32 $0x1, s15  }
0x53: {  	[sflag:s8] =	ssyncadd.s32 $0xFFFFFF80;
	p0 =	sne.s32 s15, s7  }
.Ltmp1:
0x54: {  	[bflag:$0x0] =	sbarrier.arrive $0xFFFF;
	(pc) =	sbr.rel @p0 .LBB2_1-.Ltmp1, $4  }
0x55: {  	[hbm:s6@s13], [sflag:s11] =	dma.strided [spmem:s12@s14], $0x50, s8, $0x10   }
0x56: {  	_ =	swait.ge [sflag:s8], $0x50  }
0x57: {  	[sflag:s8] =	ssyncset.done $0x0  }
0x58: {  	[sflag:s8] =	ssyncadd.s32 $0xFFFFFFB0  }
0x59: {  	_ =	sfence.sel $0x180000  }
0x5a: {  	[bflag:$0x0] =	sbarrier.arrive $0xFFFF  }
0x5b: {  	p0 =	sne.s32 s1, $0x0;
	_ =	strace $0x90000047  }
0x5c: {  	s0 =	sadd.s32 @!p0 $0x100000, s0;
	[bflag:$0x2] =	sbarrier.arrive $0xFFFF  }
0x5d: {  	[sflag:s0] =	ssyncadd.tile.s32 @!p0 $0x1;
	_ =	shalt  }
.Lfunc_end2:
_tile_overlayer_lowered:
.L_overlay_start_2:
0x5e: {  	(tag) =	ssettag $0x2  }
0x5f: {  	s0 =	rddreg [dreg:$0x0];
	s2 =	stileid.u32  }
0x60: {  	s1 =	rddreg [dreg:$0x1];
	p0 =	sne.s32 s2, $0x0  }
0x61: {  	s3 =	rddreg [dreg:$0x2];
	[bflag:$0x3] =	sbarrier.arrive $0xFFFF;
	s2 =	simm.s32 @!p0 $0x1C01  }
0x62: {  	[timem:s3], [sflag:s2] =	dma.local @!p0 [hbm:s0], s1  }
0x63: {  	s0 =	simm.s32 @!p0 $0x1  }
0x64: {  	_ =	swait.ge @!p0 [sflag:s0], s1  }
0x65: {  	s1 =	ssub.s32 @!p0 $0x0, s1;
	[sflag:s0] =	ssyncset.done @!p0 $0x0  }
0x66: {  	[sflag:s0] =	ssyncadd.s32 @!p0 s1  }
0x67: {  	[bflag:$0x3] =	sbarrier.arrive $0xFFFF  }
0x68: {  	_ =	shalt  }

</sc_bundles>
